<compile_context>
chip_gen: v7x
topology: tpu7x:2x2x1
jax: 0.10.2.dev20260603
libtpu: 0.0.44.dev20260713+nightly
codegen_flags: <defaults>
</compile_context>

<pallas_src>
import functools

import jax
import jax.numpy as jnp
from jax import lax
from jax.experimental import pallas as pl
from jax.experimental.pallas import tpu as pltpu
from jax.experimental.pallas import tpu_sc as plsc

NC, NS, L = 2, 16, 16
NW = NC * NS
KLEV = 32
CPG = 128
NCG = 16
NTH = NW // NCG


def _build_sc_call(ntok, h, tn):
    tpw = ntok // NTH
    nchunk = tpw // tn
    ngrp = CPG // L

    def body(x_hbm, tab_hbm, out_hbm,
             tab_v, xb0, xb1, ob0, ob1,
             sin0, sin1, sout0, sout1):
        wid = lax.axis_index("s") * NC + lax.axis_index("c")
        cg = lax.rem(wid, NCG)
        th = wid // NCG
        h0 = cg * CPG
        n0 = th * tpw
        pltpu.sync_copy(tab_hbm.at[pl.ds(h0 * 2 * KLEV, CPG * 2 * KLEV)], tab_v)

        def in_copy(c, buf, sem):
            return pltpu.make_async_copy(
                x_hbm.at[pl.ds(n0 + c * tn, tn), pl.ds(h0, CPG)], buf, sem)

        def out_copy(c, buf, sem):
            return pltpu.make_async_copy(
                buf, out_hbm.at[pl.ds(n0 + c * tn, tn), pl.ds(h0, CPG)], sem)

        in_copy(0, xb0, sin0).start()
        in_copy(1, xb1, sin1).start()

        lane = lax.iota(jnp.int32, L)
        chbs = [(lane + L * g) * (2 * KLEV) for g in range(ngrp)]
        chb16s = [chb + 16 for chb in chbs]
        t8s = [plsc.load_gather(tab_v, [chb + 8]) for chb in chbs]
        t16s = [plsc.load_gather(tab_v, [chb + 16]) for chb in chbs]
        t24s = [plsc.load_gather(tab_v, [chb + 24]) for chb in chbs]

        def compute(xb, ob):
            @plsc.parallel_loop(0, tn, step=1, unroll=4)
            def row(r):
                for g in range(ngrp):
                    xv = xb[r, pl.ds(L * g, L)]
                    m1 = t16s[g] < xv
                    fidx = jnp.where(m1, chb16s[g], chbs[g])
                    tc = jnp.where(m1, t24s[g], t8s[g])
                    fidx = jnp.where(tc < xv, fidx + 8, fidx)
                    for b in (4, 2, 1):
                        m = fidx + b
                        t = plsc.load_gather(tab_v, [m])
                        fidx = jnp.where(t < xv, m, fidx)
                    ob[r, pl.ds(L * g, L)] = plsc.load_gather(
                        tab_v, [fidx + KLEV])

        def pair(i, carry):
            for p, (xb, ob, sin, sout) in enumerate(
                    ((xb0, ob0, sin0, sout0), (xb1, ob1, sin1, sout1))):
                c = 2 * i + p
                in_copy(c, xb, sin).wait()
                pl.when(i > 0)(lambda ob=ob, sout=sout, c=c:
                               out_copy(c, ob, sout).wait())
                compute(xb, ob)
                out_copy(c, ob, sout).start()
                pl.when(i < nchunk // 2 - 1)(
                    lambda xb=xb, sin=sin, c=c: in_copy(c + 2, xb, sin).start())
            return carry

        lax.fori_loop(0, nchunk // 2, pair, 0)
        out_copy(nchunk - 2, ob0, sout0).wait()
        out_copy(nchunk - 1, ob1, sout1).wait()

    return pl.kernel(
        body,
        compiler_params=pltpu.CompilerParams(needs_layout_passes=False),
        out_type=jax.ShapeDtypeStruct((ntok, h), jnp.float32),
        mesh=plsc.VectorSubcoreMesh(
            core_axis_name="c", subcore_axis_name="s",
            num_cores=NC, num_subcores=NS),
        scratch_types=[
            pltpu.VMEM((CPG * 2 * KLEV,), jnp.float32),
            pltpu.VMEM((tn, CPG), jnp.float32),
            pltpu.VMEM((tn, CPG), jnp.float32),
            pltpu.VMEM((tn, CPG), jnp.float32),
            pltpu.VMEM((tn, CPG), jnp.float32),
            pltpu.SemaphoreType.DMA,
            pltpu.SemaphoreType.DMA,
            pltpu.SemaphoreType.DMA,
            pltpu.SemaphoreType.DMA,
        ],
    )


@functools.lru_cache(maxsize=None)
def _get_sc_call(ntok, h, tn):
    return _build_sc_call(ntok, h, tn)


def kernel(x, thresholds, y):
    shape = x.shape
    h = shape[-1]
    x2 = x.reshape(-1, h)
    ntok = x2.shape[0]
    tab = jnp.concatenate(
        [jnp.full((h, 1), -jnp.inf, jnp.float32), thresholds, y],
        axis=1).reshape(-1)
    out = _get_sc_call(ntok, h, 128)(x2, tab)
    return out.reshape(shape)

# --- scband reference (transcript-rebuilt; emitter-appended) ---
"""Pipeline reference for scband-asncactivation-70866960384228 (READ-ONLY COPY).

The authoritative reference and input builder live on the scoring server;
editing this copy changes nothing except your own understanding.
"""

import jax, jax.numpy as jnp
import numpy as np

K = 32

def setup_inputs(seed: int = 0) -> dict:
    key = jax.random.key(seed)
    k1, k2, k3 = jax.random.split(key, 3)
    # activation tensor: [batch, seq, d_model]
    x = jax.random.normal(k1, (4, 4096, 2048), dtype=jnp.float32)
    # fitted per-channel buffers (as produced by ASNCActivation.fit):
    # thresholds must be sorted ascending along last dim, shape [H, K-1]
    thresholds = jnp.sort(jax.random.normal(k2, (2048, K - 1), dtype=jnp.float32), axis=-1)
    # per-channel reconstruction levels, shape [H, K]
    y = jax.random.normal(k3, (2048, K), dtype=jnp.float32)
    return {"x": x, "thresholds": thresholds, "y": y}

def reference(x, thresholds, y):
    # Faithful translation of ASNCActivation.forward (fitted path):
    #   idx = searchsorted(t, x2.T).clamp(0, K-1); out = y.gather(1, idx.T).T
    shape = x.shape
    x2 = x.reshape(-1, shape[-1])          # [N, H]
    xT = x2.T                              # [H, N]
    # torch.searchsorted(right=False) == jnp.searchsorted(side='left'), vmapped per channel
    idx = jax.vmap(lambda t_row, x_row: jnp.searchsorted(t_row, x_row, side='left'))(thresholds, xT)  # [H, N] int
    Klev = y.shape[-1]
    idx = jnp.clip(idx, 0, Klev - 1)
    out = jnp.take_along_axis(y, idx, axis=1)  # [H, N] gather per channel
    return out.T.reshape(shape)

if __name__ == "__main__":
    import jax
    _d = setup_inputs()
    print(jax.jit(kernel)(*tuple(_d.values())))

</pallas_src>

<mosaic_0001>
#map = affine_map<(d0, d1) -> (0, 0)>
#map1 = affine_map<(d0, d1) -> (0)>
module attributes {stable_mosaic.version = 14 : i64} {
  func.func @body(%arg0: i32, %arg1: i32, %arg2: memref<16384x2048xf32, #tpu.memory_space<hbm>>, %arg3: memref<131072xf32, #tpu.memory_space<hbm>>, %arg4: memref<16384x2048xf32, #tpu.memory_space<hbm>>, %arg5: memref<8192xf32, #tpu.memory_space<vmem>>, %arg6: memref<128x128xf32, #tpu.memory_space<vmem>>, %arg7: memref<128x128xf32, #tpu.memory_space<vmem>>, %arg8: memref<128x128xf32, #tpu.memory_space<vmem>>, %arg9: memref<128x128xf32, #tpu.memory_space<vmem>>, %arg10: memref<!tpu.dma_semaphore, #tpu.memory_space<semaphore_mem>>, %arg11: memref<!tpu.dma_semaphore, #tpu.memory_space<semaphore_mem>>, %arg12: memref<!tpu.dma_semaphore, #tpu.memory_space<semaphore_mem>>, %arg13: memref<!tpu.dma_semaphore, #tpu.memory_space<semaphore_mem>>) attributes {dimension_semantics = [#tpu.dimension_semantics<core_parallel>, #tpu.dimension_semantics<subcore_parallel>], iteration_bounds = array<i64: 2, 16>, scalar_prefetch = 0 : i64, scratch_operands = 9 : i64, tpu.core_type = #tpu.core_type<sc_vector_subcore>, window_params = [{transform_indices = #map}, {transform_indices = #map1}, {transform_indices = #map}]} {
    %mul3A = arith.constant 2 : i32
    %mul3A_0 = arith.muli %arg1, %mul3A : i32
    %add3A = arith.addi %mul3A_0, %arg0 : i32
    %rem3A = arith.constant 16 : i32
    %rem3A_1 = arith.remsi %add3A, %rem3A : i32
    %jit3A = arith.constant 16 : i32
    %div3A = arith.divsi %add3A, %jit3A : i32
    %sign3A = arith.constant 0 : i32
    %sign3A_2 = arith.cmpi sgt, %add3A, %sign3A : i32
    %sign3A_3 = arith.extui %sign3A_2 : i1 to i32
    %sign3A_4 = arith.constant 0 : i32
    %sign3A_5 = arith.cmpi slt, %add3A, %sign3A_4 : i32
    %sign3A_6 = arith.extui %sign3A_5 : i1 to i32
    %sign3A_7 = arith.subi %sign3A_3, %sign3A_6 : i32
    %sign3A_8 = arith.constant 0 : i32
    %sign3A_9 = arith.cmpi sgt, %jit3A, %sign3A_8 : i32
    %sign3A_10 = arith.extui %sign3A_9 : i1 to i32
    %sign3A_11 = arith.constant 0 : i32
    %sign3A_12 = arith.cmpi slt, %jit3A, %sign3A_11 : i32
    %sign3A_13 = arith.extui %sign3A_12 : i1 to i32
    %sign3A_14 = arith.subi %sign3A_10, %sign3A_13 : i32
    %ne3A = arith.cmpi ne, %sign3A_7, %sign3A_14 : i32
    %rem3A_15 = arith.remsi %add3A, %jit3A : i32
    %ne3A_16 = arith.constant 0 : i32
    %ne3A_17 = arith.cmpi ne, %rem3A_15, %ne3A_16 : i32
    %and3A = arith.andi %ne3A, %ne3A_17 : i1
    %sub3A = arith.constant 1 : i32
    %sub3A_18 = arith.subi %div3A, %sub3A : i32
    %select_n3A = arith.select %and3A, %sub3A_18, %div3A : i32
    %mul3A_19 = arith.constant 128 : i32
    %mul3A_20 = arith.muli %rem3A_1, %mul3A_19 : i32
    %mul3A_21 = arith.constant 8192 : i32
    %mul3A_22 = arith.muli %select_n3A, %mul3A_21 : i32
    %mul3A_23 = arith.constant 2 : i32
    %mul3A_24 = arith.muli %mul3A_20, %mul3A_23 : i32
    %mul3A_25 = arith.constant 32 : i32
    %mul3A_26 = arith.muli %mul3A_24, %mul3A_25 : i32
    "tpu.region"() ({
      %run_scoped3A = tpu.sem_alloc : memref<!tpu.dma_semaphore, #tpu.memory_space<semaphore_mem>>
      %dma_start3A_213 = tpu.memref_slice %arg3[%mul3A_26] : memref<131072xf32, #tpu.memory_space<hbm>> -> memref<8192xf32, #tpu.memory_space<hbm>>
      %dma_start3A_214 = tpu.memref_slice %arg3[%mul3A_26] : memref<131072xf32, #tpu.memory_space<hbm>> -> memref<8192xf32, #tpu.memory_space<hbm>>
      tpu.enqueue_dma source(%dma_start3A_214 : memref<8192xf32, #tpu.memory_space<hbm>>) target(%arg5 : memref<8192xf32, #tpu.memory_space<vmem>>) target_semaphore(%run_scoped3A : memref<!tpu.dma_semaphore, #tpu.memory_space<semaphore_mem>>)
      %dma_wait3A_215 = tpu.memref_slice %arg3[%mul3A_26] : memref<131072xf32, #tpu.memory_space<hbm>> -> memref<8192xf32, #tpu.memory_space<hbm>>
      %dma_wait3A_216 = tpu.memref_slice %arg3[%mul3A_26] : memref<131072xf32, #tpu.memory_space<hbm>> -> memref<8192xf32, #tpu.memory_space<hbm>>
      tpu.wait_dma2 semaphore(%run_scoped3A : memref<!tpu.dma_semaphore, #tpu.memory_space<semaphore_mem>>) src(%dma_wait3A_216 : memref<8192xf32, #tpu.memory_space<hbm>>) dst(%arg5 : memref<8192xf32, #tpu.memory_space<vmem>>)
      tpu.yield
    }) : () -> ()
    %add3A_27 = arith.constant 0 : i32
    %add3A_28 = arith.addi %mul3A_22, %add3A_27 : i32
    %dma_start3A = tpu.memref_slice %arg2[%add3A_28, %mul3A_20] : memref<16384x2048xf32, #tpu.memory_space<hbm>> -> memref<128x128xf32, #tpu.memory_space<hbm>>
    %dma_start3A_29 = tpu.memref_slice %arg2[%add3A_28, %mul3A_20] : memref<16384x2048xf32, #tpu.memory_space<hbm>> -> memref<128x128xf32, #tpu.memory_space<hbm>>
    tpu.enqueue_dma source(%dma_start3A_29 : memref<128x128xf32, #tpu.memory_space<hbm>>) target(%arg6 : memref<128x128xf32, #tpu.memory_space<vmem>>) target_semaphore(%arg10 : memref<!tpu.dma_semaphore, #tpu.memory_space<semaphore_mem>>)
    %add3A_30 = arith.constant 128 : i32
    %add3A_31 = arith.addi %mul3A_22, %add3A_30 : i32
    %dma_start3A_32 = tpu.memref_slice %arg2[%add3A_31, %mul3A_20] : memref<16384x2048xf32, #tpu.memory_space<hbm>> -> memref<128x128xf32, #tpu.memory_space<hbm>>
    %dma_start3A_33 = tpu.memref_slice %arg2[%add3A_31, %mul3A_20] : memref<16384x2048xf32, #tpu.memory_space<hbm>> -> memref<128x128xf32, #tpu.memory_space<hbm>>
    tpu.enqueue_dma source(%dma_start3A_33 : memref<128x128xf32, #tpu.memory_space<hbm>>) target(%arg7 : memref<128x128xf32, #tpu.memory_space<vmem>>) target_semaphore(%arg11 : memref<!tpu.dma_semaphore, #tpu.memory_space<semaphore_mem>>)
    %iota3A = tpu.iota {dimensions = array<i32: 0>} : vector<16xi32>
    %add3A_34 = arith.constant 0 : i32
    %add3A_35 = vector.broadcast %add3A_34 : i32 to vector<16xi32>
    %add3A_36 = arith.addi %iota3A, %add3A_35 : vector<16xi32>
    %mul3A_37 = arith.constant 64 : i32
    %mul3A_38 = vector.broadcast %mul3A_37 : i32 to vector<16xi32>
    %mul3A_39 = arith.muli %add3A_36, %mul3A_38 : vector<16xi32>
    %add3A_40 = arith.constant 16 : i32
    %add3A_41 = vector.broadcast %add3A_40 : i32 to vector<16xi32>
    %add3A_42 = arith.addi %iota3A, %add3A_41 : vector<16xi32>
    %mul3A_43 = arith.constant 64 : i32
    %mul3A_44 = vector.broadcast %mul3A_43 : i32 to vector<16xi32>
    %mul3A_45 = arith.muli %add3A_42, %mul3A_44 : vector<16xi32>
    %add3A_46 = arith.constant 32 : i32
    %add3A_47 = vector.broadcast %add3A_46 : i32 to vector<16xi32>
    %add3A_48 = arith.addi %iota3A, %add3A_47 : vector<16xi32>
    %mul3A_49 = arith.constant 64 : i32
    %mul3A_50 = vector.broadcast %mul3A_49 : i32 to vector<16xi32>
    %mul3A_51 = arith.muli %add3A_48, %mul3A_50 : vector<16xi32>
    %add3A_52 = arith.constant 48 : i32
    %add3A_53 = vector.broadcast %add3A_52 : i32 to vector<16xi32>
    %add3A_54 = arith.addi %iota3A, %add3A_53 : vector<16xi32>
    %mul3A_55 = arith.constant 64 : i32
    %mul3A_56 = vector.broadcast %mul3A_55 : i32 to vector<16xi32>
    %mul3A_57 = arith.muli %add3A_54, %mul3A_56 : vector<16xi32>
    %add3A_58 = arith.constant 64 : i32
    %add3A_59 = vector.broadcast %add3A_58 : i32 to vector<16xi32>
    %add3A_60 = arith.addi %iota3A, %add3A_59 : vector<16xi32>
    %mul3A_61 = arith.constant 64 : i32
    %mul3A_62 = vector.broadcast %mul3A_61 : i32 to vector<16xi32>
    %mul3A_63 = arith.muli %add3A_60, %mul3A_62 : vector<16xi32>
    %add3A_64 = arith.constant 80 : i32
    %add3A_65 = vector.broadcast %add3A_64 : i32 to vector<16xi32>
    %add3A_66 = arith.addi %iota3A, %add3A_65 : vector<16xi32>
    %mul3A_67 = arith.constant 64 : i32
    %mul3A_68 = vector.broadcast %mul3A_67 : i32 to vector<16xi32>
    %mul3A_69 = arith.muli %add3A_66, %mul3A_68 : vector<16xi32>
    %add3A_70 = arith.constant 96 : i32
    %add3A_71 = vector.broadcast %add3A_70 : i32 to vector<16xi32>
    %add3A_72 = arith.addi %iota3A, %add3A_71 : vector<16xi32>
    %mul3A_73 = arith.constant 64 : i32
    %mul3A_74 = vector.broadcast %mul3A_73 : i32 to vector<16xi32>
    %mul3A_75 = arith.muli %add3A_72, %mul3A_74 : vector<16xi32>
    %add3A_76 = arith.constant 112 : i32
    %add3A_77 = vector.broadcast %add3A_76 : i32 to vector<16xi32>
    %add3A_78 = arith.addi %iota3A, %add3A_77 : vector<16xi32>
    %mul3A_79 = arith.constant 64 : i32
    %mul3A_80 = vector.broadcast %mul3A_79 : i32 to vector<16xi32>
    %mul3A_81 = arith.muli %add3A_78, %mul3A_80 : vector<16xi32>
    %add3A_82 = arith.constant 16 : i32
    %add3A_83 = vector.broadcast %add3A_82 : i32 to vector<16xi32>
    %add3A_84 = arith.addi %mul3A_39, %add3A_83 : vector<16xi32>
    %add3A_85 = arith.constant 16 : i32
    %add3A_86 = vector.broadcast %add3A_85 : i32 to vector<16xi32>
    %add3A_87 = arith.addi %mul3A_45, %add3A_86 : vector<16xi32>
    %add3A_88 = arith.constant 16 : i32
    %add3A_89 = vector.broadcast %add3A_88 : i32 to vector<16xi32>
    %add3A_90 = arith.addi %mul3A_51, %add3A_89 : vector<16xi32>
    %add3A_91 = arith.constant 16 : i32
    %add3A_92 = vector.broadcast %add3A_91 : i32 to vector<16xi32>
    %add3A_93 = arith.addi %mul3A_57, %add3A_92 : vector<16xi32>
    %add3A_94 = arith.constant 16 : i32
    %add3A_95 = vector.broadcast %add3A_94 : i32 to vector<16xi32>
    %add3A_96 = arith.addi %mul3A_63, %add3A_95 : vector<16xi32>
    %add3A_97 = arith.constant 16 : i32
    %add3A_98 = vector.broadcast %add3A_97 : i32 to vector<16xi32>
    %add3A_99 = arith.addi %mul3A_69, %add3A_98 : vector<16xi32>
    %add3A_100 = arith.constant 16 : i32
    %add3A_101 = vector.broadcast %add3A_100 : i32 to vector<16xi32>
    %add3A_102 = arith.addi %mul3A_75, %add3A_101 : vector<16xi32>
    %add3A_103 = arith.constant 16 : i32
    %add3A_104 = vector.broadcast %add3A_103 : i32 to vector<16xi32>
    %add3A_105 = arith.addi %mul3A_81, %add3A_104 : vector<16xi32>
    %add3A_106 = arith.constant 8 : i32
    %add3A_107 = vector.broadcast %add3A_106 : i32 to vector<16xi32>
    %add3A_108 = arith.addi %mul3A_39, %add3A_107 : vector<16xi32>
    %gather3A = tpu.vector_load_idx %arg5[%add3A_108] : memref<8192xf32, #tpu.memory_space<vmem>>[vector<16xi32>], vector<16xf32>,
    %add3A_109 = arith.constant 8 : i32
    %add3A_110 = vector.broadcast %add3A_109 : i32 to vector<16xi32>
    %add3A_111 = arith.addi %mul3A_45, %add3A_110 : vector<16xi32>
    %gather3A_112 = tpu.vector_load_idx %arg5[%add3A_111] : memref<8192xf32, #tpu.memory_space<vmem>>[vector<16xi32>], vector<16xf32>,
    %add3A_113 = arith.constant 8 : i32
    %add3A_114 = vector.broadcast %add3A_113 : i32 to vector<16xi32>
    %add3A_115 = arith.addi %mul3A_51, %add3A_114 : vector<16xi32>
    %gather3A_116 = tpu.vector_load_idx %arg5[%add3A_115] : memref<8192xf32, #tpu.memory_space<vmem>>[vector<16xi32>], vector<16xf32>,
    %add3A_117 = arith.constant 8 : i32
    %add3A_118 = vector.broadcast %add3A_117 : i32 to vector<16xi32>
    %add3A_119 = arith.addi %mul3A_57, %add3A_118 : vector<16xi32>
    %gather3A_120 = tpu.vector_load_idx %arg5[%add3A_119] : memref<8192xf32, #tpu.memory_space<vmem>>[vector<16xi32>], vector<16xf32>,
    %add3A_121 = arith.constant 8 : i32
    %add3A_122 = vector.broadcast %add3A_121 : i32 to vector<16xi32>
    %add3A_123 = arith.addi %mul3A_63, %add3A_122 : vector<16xi32>
    %gather3A_124 = tpu.vector_load_idx %arg5[%add3A_123] : memref<8192xf32, #tpu.memory_space<vmem>>[vector<16xi32>], vector<16xf32>,
    %add3A_125 = arith.constant 8 : i32
    %add3A_126 = vector.broadcast %add3A_125 : i32 to vector<16xi32>
    %add3A_127 = arith.addi %mul3A_69, %add3A_126 : vector<16xi32>
    %gather3A_128 = tpu.vector_load_idx %arg5[%add3A_127] : memref<8192xf32, #tpu.memory_space<vmem>>[vector<16xi32>], vector<16xf32>,
    %add3A_129 = arith.constant 8 : i32
    %add3A_130 = vector.broadcast %add3A_129 : i32 to vector<16xi32>
    %add3A_131 = arith.addi %mul3A_75, %add3A_130 : vector<16xi32>
    %gather3A_132 = tpu.vector_load_idx %arg5[%add3A_131] : memref<8192xf32, #tpu.memory_space<vmem>>[vector<16xi32>], vector<16xf32>,
    %add3A_133 = arith.constant 8 : i32
    %add3A_134 = vector.broadcast %add3A_133 : i32 to vector<16xi32>
    %add3A_135 = arith.addi %mul3A_81, %add3A_134 : vector<16xi32>
    %gather3A_136 = tpu.vector_load_idx %arg5[%add3A_135] : memref<8192xf32, #tpu.memory_space<vmem>>[vector<16xi32>], vector<16xf32>,
    %add3A_137 = arith.constant 16 : i32
    %add3A_138 = vector.broadcast %add3A_137 : i32 to vector<16xi32>
    %add3A_139 = arith.addi %mul3A_39, %add3A_138 : vector<16xi32>
    %gather3A_140 = tpu.vector_load_idx %arg5[%add3A_139] : memref<8192xf32, #tpu.memory_space<vmem>>[vector<16xi32>], vector<16xf32>,
    %add3A_141 = arith.constant 16 : i32
    %add3A_142 = vector.broadcast %add3A_141 : i32 to vector<16xi32>
    %add3A_143 = arith.addi %mul3A_45, %add3A_142 : vector<16xi32>
    %gather3A_144 = tpu.vector_load_idx %arg5[%add3A_143] : memref<8192xf32, #tpu.memory_space<vmem>>[vector<16xi32>], vector<16xf32>,
    %add3A_145 = arith.constant 16 : i32
    %add3A_146 = vector.broadcast %add3A_145 : i32 to vector<16xi32>
    %add3A_147 = arith.addi %mul3A_51, %add3A_146 : vector<16xi32>
    %gather3A_148 = tpu.vector_load_idx %arg5[%add3A_147] : memref<8192xf32, #tpu.memory_space<vmem>>[vector<16xi32>], vector<16xf32>,
    %add3A_149 = arith.constant 16 : i32
    %add3A_150 = vector.broadcast %add3A_149 : i32 to vector<16xi32>
    %add3A_151 = arith.addi %mul3A_57, %add3A_150 : vector<16xi32>
    %gather3A_152 = tpu.vector_load_idx %arg5[%add3A_151] : memref<8192xf32, #tpu.memory_space<vmem>>[vector<16xi32>], vector<16xf32>,
    %add3A_153 = arith.constant 16 : i32
    %add3A_154 = vector.broadcast %add3A_153 : i32 to vector<16xi32>
    %add3A_155 = arith.addi %mul3A_63, %add3A_154 : vector<16xi32>
    %gather3A_156 = tpu.vector_load_idx %arg5[%add3A_155] : memref<8192xf32, #tpu.memory_space<vmem>>[vector<16xi32>], vector<16xf32>,
    %add3A_157 = arith.constant 16 : i32
    %add3A_158 = vector.broadcast %add3A_157 : i32 to vector<16xi32>
    %add3A_159 = arith.addi %mul3A_69, %add3A_158 : vector<16xi32>
    %gather3A_160 = tpu.vector_load_idx %arg5[%add3A_159] : memref<8192xf32, #tpu.memory_space<vmem>>[vector<16xi32>], vector<16xf32>,
    %add3A_161 = arith.constant 16 : i32
    %add3A_162 = vector.broadcast %add3A_161 : i32 to vector<16xi32>
    %add3A_163 = arith.addi %mul3A_75, %add3A_162 : vector<16xi32>
    %gather3A_164 = tpu.vector_load_idx %arg5[%add3A_163] : memref<8192xf32, #tpu.memory_space<vmem>>[vector<16xi32>], vector<16xf32>,
    %add3A_165 = arith.constant 16 : i32
    %add3A_166 = vector.broadcast %add3A_165 : i32 to vector<16xi32>
    %add3A_167 = arith.addi %mul3A_81, %add3A_166 : vector<16xi32>
    %gather3A_168 = tpu.vector_load_idx %arg5[%add3A_167] : memref<8192xf32, #tpu.memory_space<vmem>>[vector<16xi32>], vector<16xf32>,
    %add3A_169 = arith.constant 24 : i32
    %add3A_170 = vector.broadcast %add3A_169 : i32 to vector<16xi32>
    %add3A_171 = arith.addi %mul3A_39, %add3A_170 : vector<16xi32>
    %gather3A_172 = tpu.vector_load_idx %arg5[%add3A_171] : memref<8192xf32, #tpu.memory_space<vmem>>[vector<16xi32>], vector<16xf32>,
    %add3A_173 = arith.constant 24 : i32
    %add3A_174 = vector.broadcast %add3A_173 : i32 to vector<16xi32>
    %add3A_175 = arith.addi %mul3A_45, %add3A_174 : vector<16xi32>
    %gather3A_176 = tpu.vector_load_idx %arg5[%add3A_175] : memref<8192xf32, #tpu.memory_space<vmem>>[vector<16xi32>], vector<16xf32>,
    %add3A_177 = arith.constant 24 : i32
    %add3A_178 = vector.broadcast %add3A_177 : i32 to vector<16xi32>
    %add3A_179 = arith.addi %mul3A_51, %add3A_178 : vector<16xi32>
    %gather3A_180 = tpu.vector_load_idx %arg5[%add3A_179] : memref<8192xf32, #tpu.memory_space<vmem>>[vector<16xi32>], vector<16xf32>,
    %add3A_181 = arith.constant 24 : i32
    %add3A_182 = vector.broadcast %add3A_181 : i32 to vector<16xi32>
    %add3A_183 = arith.addi %mul3A_57, %add3A_182 : vector<16xi32>
    %gather3A_184 = tpu.vector_load_idx %arg5[%add3A_183] : memref<8192xf32, #tpu.memory_space<vmem>>[vector<16xi32>], vector<16xf32>,
    %add3A_185 = arith.constant 24 : i32
    %add3A_186 = vector.broadcast %add3A_185 : i32 to vector<16xi32>
    %add3A_187 = arith.addi %mul3A_63, %add3A_186 : vector<16xi32>
    %gather3A_188 = tpu.vector_load_idx %arg5[%add3A_187] : memref<8192xf32, #tpu.memory_space<vmem>>[vector<16xi32>], vector<16xf32>,
    %add3A_189 = arith.constant 24 : i32
    %add3A_190 = vector.broadcast %add3A_189 : i32 to vector<16xi32>
    %add3A_191 = arith.addi %mul3A_69, %add3A_190 : vector<16xi32>
    %gather3A_192 = tpu.vector_load_idx %arg5[%add3A_191] : memref<8192xf32, #tpu.memory_space<vmem>>[vector<16xi32>], vector<16xf32>,
    %add3A_193 = arith.constant 24 : i32
    %add3A_194 = vector.broadcast %add3A_193 : i32 to vector<16xi32>
    %add3A_195 = arith.addi %mul3A_75, %add3A_194 : vector<16xi32>
    %gather3A_196 = tpu.vector_load_idx %arg5[%add3A_195] : memref<8192xf32, #tpu.memory_space<vmem>>[vector<16xi32>], vector<16xf32>,
    %add3A_197 = arith.constant 24 : i32
    %add3A_198 = vector.broadcast %add3A_197 : i32 to vector<16xi32>
    %add3A_199 = arith.addi %mul3A_81, %add3A_198 : vector<16xi32>
    %gather3A_200 = tpu.vector_load_idx %arg5[%add3A_199] : memref<8192xf32, #tpu.memory_space<vmem>>[vector<16xi32>], vector<16xf32>,
    %scan3A = arith.constant 0 : i32
    %scan3A_201 = arith.constant 0 : i32
    %scan3A_202 = arith.constant 32 : i32
    %scan3A_203 = arith.addi %scan3A_201, %scan3A_202 : i32
    %scan3A_204 = arith.constant 1 : i32
    scf.for %scan3A_213 = %scan3A_201 to %scan3A_203 step %scan3A_204  : i32 {
      %mul3A_214 = arith.constant 2 : i32
      %mul3A_215 = arith.muli %mul3A_214, %scan3A_213 : i32
      %add3A_216 = arith.constant 0 : i32
      %add3A_217 = arith.addi %mul3A_215, %add3A_216 : i32
      %mul3A_218 = arith.constant 128 : i32
      %mul3A_219 = arith.muli %add3A_217, %mul3A_218 : i32
      %add3A_220 = arith.addi %mul3A_22, %mul3A_219 : i32
      %dma_wait3A_221 = tpu.memref_slice %arg2[%add3A_220, %mul3A_20] : memref<16384x2048xf32, #tpu.memory_space<hbm>> -> memref<128x128xf32, #tpu.memory_space<hbm>>
      %dma_wait3A_222 = tpu.memref_slice %arg2[%add3A_220, %mul3A_20] : memref<16384x2048xf32, #tpu.memory_space<hbm>> -> memref<128x128xf32, #tpu.memory_space<hbm>>
      tpu.wait_dma2 semaphore(%arg10 : memref<!tpu.dma_semaphore, #tpu.memory_space<semaphore_mem>>) src(%dma_wait3A_222 : memref<128x128xf32, #tpu.memory_space<hbm>>) dst(%arg6 : memref<128x128xf32, #tpu.memory_space<vmem>>)
      %gt3A = arith.constant 0 : i32
      %gt3A_223 = arith.cmpi sgt, %scan3A_213, %gt3A : i32
      %convert_element_type3A = arith.extui %gt3A_223 : i1 to i32
      %cond3A = arith.constant 0 : i32
      %cond3A_224 = arith.cmpi ne, %convert_element_type3A, %cond3A : i32
      scf.if %cond3A_224 {
        %mul3A_263 = arith.constant 128 : i32
        %mul3A_264 = arith.muli %add3A_217, %mul3A_263 : i32
        %add3A_265 = arith.addi %mul3A_22, %mul3A_264 : i32
        %dma_wait3A_266 = tpu.memref_slice %arg4[%add3A_265, %mul3A_20] : memref<16384x2048xf32, #tpu.memory_space<hbm>> -> memref<128x128xf32, #tpu.memory_space<hbm>>
        %dma_wait3A_267 = tpu.memref_slice %arg4[%add3A_265, %mul3A_20] : memref<16384x2048xf32, #tpu.memory_space<hbm>> -> memref<128x128xf32, #tpu.memory_space<hbm>>
        tpu.wait_dma2 semaphore(%arg12 : memref<!tpu.dma_semaphore, #tpu.memory_space<semaphore_mem>>) src(%arg8 : memref<128x128xf32, #tpu.memory_space<vmem>>) dst(%dma_wait3A_267 : memref<128x128xf32, #tpu.memory_space<hbm>>)
      } else {
      }
      %parallel_loop3A = arith.constant 0 : i32
      %parallel_loop3A_225 = arith.constant 128 : i32
      %parallel_loop3A_226 = arith.constant 1 : i32
      scf.for %parallel_loop3A_263 = %parallel_loop3A to %parallel_loop3A_225 step %parallel_loop3A_226  : i32 {
        %parallel_loop3A_264 = arith.index_cast %parallel_loop3A_263 : i32 to index
        %parallel_loop3A_265 = arith.constant 0 : index
        %parallel_loop3A_266 = tpu.vector_load %arg6[%parallel_loop3A_264, %parallel_loop3A_265] {strides = array<i32>} : memref<128x128xf32, #tpu.memory_space<vmem>>, vector<16xf32>,
        %parallel_loop3A_267 = arith.cmpf olt, %gather3A_140, %parallel_loop3A_266 : vector<16xf32>
        %parallel_loop3A_268 = arith.select %parallel_loop3A_267, %add3A_84, %mul3A_39 : vector<16xi1>, vector<16xi32>
        %parallel_loop3A_269 = arith.select %parallel_loop3A_267, %gather3A_172, %gather3A : vector<16xi1>, vector<16xf32>
        %parallel_loop3A_270 = arith.cmpf olt, %parallel_loop3A_269, %parallel_loop3A_266 : vector<16xf32>
        %parallel_loop3A_271 = arith.constant 8 : i32
        %parallel_loop3A_272 = vector.broadcast %parallel_loop3A_271 : i32 to vector<16xi32>
        %parallel_loop3A_273 = arith.addi %parallel_loop3A_268, %parallel_loop3A_272 : vector<16xi32>
        %parallel_loop3A_274 = arith.select %parallel_loop3A_270, %parallel_loop3A_273, %parallel_loop3A_268 : vector<16xi1>, vector<16xi32>
        %parallel_loop3A_275 = arith.constant 4 : i32
        %parallel_loop3A_276 = vector.broadcast %parallel_loop3A_275 : i32 to vector<16xi32>
        %parallel_loop3A_277 = arith.addi %parallel_loop3A_274, %parallel_loop3A_276 : vector<16xi32>
        %parallel_loop3A_278 = tpu.vector_load_idx %arg5[%parallel_loop3A_277] : memref<8192xf32, #tpu.memory_space<vmem>>[vector<16xi32>], vector<16xf32>,
        %parallel_loop3A_279 = arith.cmpf olt, %parallel_loop3A_278, %parallel_loop3A_266 : vector<16xf32>
        %parallel_loop3A_280 = arith.select %parallel_loop3A_279, %parallel_loop3A_277, %parallel_loop3A_274 : vector<16xi1>, vector<16xi32>
        %parallel_loop3A_281 = arith.constant 2 : i32
        %parallel_loop3A_282 = vector.broadcast %parallel_loop3A_281 : i32 to vector<16xi32>
        %parallel_loop3A_283 = arith.addi %parallel_loop3A_280, %parallel_loop3A_282 : vector<16xi32>
        %parallel_loop3A_284 = tpu.vector_load_idx %arg5[%parallel_loop3A_283] : memref<8192xf32, #tpu.memory_space<vmem>>[vector<16xi32>], vector<16xf32>,
        %parallel_loop3A_285 = arith.cmpf olt, %parallel_loop3A_284, %parallel_loop3A_266 : vector<16xf32>
        %parallel_loop3A_286 = arith.select %parallel_loop3A_285, %parallel_loop3A_283, %parallel_loop3A_280 : vector<16xi1>, vector<16xi32>
        %parallel_loop3A_287 = arith.constant 1 : i32
        %parallel_loop3A_288 = vector.broadcast %parallel_loop3A_287 : i32 to vector<16xi32>
        %parallel_loop3A_289 = arith.addi %parallel_loop3A_286, %parallel_loop3A_288 : vector<16xi32>
        %parallel_loop3A_290 = tpu.vector_load_idx %arg5[%parallel_loop3A_289] : memref<8192xf32, #tpu.memory_space<vmem>>[vector<16xi32>], vector<16xf32>,
        %parallel_loop3A_291 = arith.cmpf olt, %parallel_loop3A_290, %parallel_loop3A_266 : vector<16xf32>
        %parallel_loop3A_292 = arith.select %parallel_loop3A_291, %parallel_loop3A_289, %parallel_loop3A_286 : vector<16xi1>, vector<16xi32>
        %parallel_loop3A_293 = arith.constant 32 : i32
        %parallel_loop3A_294 = vector.broadcast %parallel_loop3A_293 : i32 to vector<16xi32>
        %parallel_loop3A_295 = arith.addi %parallel_loop3A_292, %parallel_loop3A_294 : vector<16xi32>
        %parallel_loop3A_296 = tpu.vector_load_idx %arg5[%parallel_loop3A_295] : memref<8192xf32, #tpu.memory_space<vmem>>[vector<16xi32>], vector<16xf32>,
        %parallel_loop3A_297 = arith.index_cast %parallel_loop3A_263 : i32 to index
        %parallel_loop3A_298 = arith.constant 0 : index
        %parallel_loop3A_299 = tpu.vector_load %arg8[%parallel_loop3A_297, %parallel_loop3A_298] {strides = array<i32>} : memref<128x128xf32, #tpu.memory_space<vmem>>, vector<16xf32>,
        tpu.vector_store %arg8[%parallel_loop3A_297, %parallel_loop3A_298], %parallel_loop3A_296 {strides = array<i32>} : memref<128x128xf32, #tpu.memory_space<vmem>>, vector<16xf32>,
        %parallel_loop3A_300 = arith.index_cast %parallel_loop3A_263 : i32 to index
        %parallel_loop3A_301 = arith.constant 16 : index
        %parallel_loop3A_302 = tpu.vector_load %arg6[%parallel_loop3A_300, %parallel_loop3A_301] {strides = array<i32>} : memref<128x128xf32, #tpu.memory_space<vmem>>, vector<16xf32>,
        %parallel_loop3A_303 = arith.cmpf olt, %gather3A_144, %parallel_loop3A_302 : vector<16xf32>
        %parallel_loop3A_304 = arith.select %parallel_loop3A_303, %add3A_87, %mul3A_45 : vector<16xi1>, vector<16xi32>
        %parallel_loop3A_305 = arith.select %parallel_loop3A_303, %gather3A_176, %gather3A_112 : vector<16xi1>, vector<16xf32>
        %parallel_loop3A_306 = arith.cmpf olt, %parallel_loop3A_305, %parallel_loop3A_302 : vector<16xf32>
        %parallel_loop3A_307 = arith.constant 8 : i32
        %parallel_loop3A_308 = vector.broadcast %parallel_loop3A_307 : i32 to vector<16xi32>
        %parallel_loop3A_309 = arith.addi %parallel_loop3A_304, %parallel_loop3A_308 : vector<16xi32>
        %parallel_loop3A_310 = arith.select %parallel_loop3A_306, %parallel_loop3A_309, %parallel_loop3A_304 : vector<16xi1>, vector<16xi32>
        %parallel_loop3A_311 = arith.constant 4 : i32
        %parallel_loop3A_312 = vector.broadcast %parallel_loop3A_311 : i32 to vector<16xi32>
        %parallel_loop3A_313 = arith.addi %parallel_loop3A_310, %parallel_loop3A_312 : vector<16xi32>
        %parallel_loop3A_314 = tpu.vector_load_idx %arg5[%parallel_loop3A_313] : memref<8192xf32, #tpu.memory_space<vmem>>[vector<16xi32>], vector<16xf32>,
        %parallel_loop3A_315 = arith.cmpf olt, %parallel_loop3A_314, %parallel_loop3A_302 : vector<16xf32>
        %parallel_loop3A_316 = arith.select %parallel_loop3A_315, %parallel_loop3A_313, %parallel_loop3A_310 : vector<16xi1>, vector<16xi32>
        %parallel_loop3A_317 = arith.constant 2 : i32
        %parallel_loop3A_318 = vector.broadcast %parallel_loop3A_317 : i32 to vector<16xi32>
        %parallel_loop3A_319 = arith.addi %parallel_loop3A_316, %parallel_loop3A_318 : vector<16xi32>
        %parallel_loop3A_320 = tpu.vector_load_idx %arg5[%parallel_loop3A_319] : memref<8192xf32, #tpu.memory_space<vmem>>[vector<16xi32>], vector<16xf32>,
        %parallel_loop3A_321 = arith.cmpf olt, %parallel_loop3A_320, %parallel_loop3A_302 : vector<16xf32>
        %parallel_loop3A_322 = arith.select %parallel_loop3A_321, %parallel_loop3A_319, %parallel_loop3A_316 : vector<16xi1>, vector<16xi32>
        %parallel_loop3A_323 = arith.constant 1 : i32
        %parallel_loop3A_324 = vector.broadcast %parallel_loop3A_323 : i32 to vector<16xi32>
        %parallel_loop3A_325 = arith.addi %parallel_loop3A_322, %parallel_loop3A_324 : vector<16xi32>
        %parallel_loop3A_326 = tpu.vector_load_idx %arg5[%parallel_loop3A_325] : memref<8192xf32, #tpu.memory_space<vmem>>[vector<16xi32>], vector<16xf32>,
        %parallel_loop3A_327 = arith.cmpf olt, %parallel_loop3A_326, %parallel_loop3A_302 : vector<16xf32>
        %parallel_loop3A_328 = arith.select %parallel_loop3A_327, %parallel_loop3A_325, %parallel_loop3A_322 : vector<16xi1>, vector<16xi32>
        %parallel_loop3A_329 = arith.constant 32 : i32
        %parallel_loop3A_330 = vector.broadcast %parallel_loop3A_329 : i32 to vector<16xi32>
        %parallel_loop3A_331 = arith.addi %parallel_loop3A_328, %parallel_loop3A_330 : vector<16xi32>
        %parallel_loop3A_332 = tpu.vector_load_idx %arg5[%parallel_loop3A_331] : memref<8192xf32, #tpu.memory_space<vmem>>[vector<16xi32>], vector<16xf32>,
        %parallel_loop3A_333 = arith.index_cast %parallel_loop3A_263 : i32 to index
        %parallel_loop3A_334 = arith.constant 16 : index
        %parallel_loop3A_335 = tpu.vector_load %arg8[%parallel_loop3A_333, %parallel_loop3A_334] {strides = array<i32>} : memref<128x128xf32, #tpu.memory_space<vmem>>, vector<16xf32>,
        tpu.vector_store %arg8[%parallel_loop3A_333, %parallel_loop3A_334], %parallel_loop3A_332 {strides = array<i32>} : memref<128x128xf32, #tpu.memory_space<vmem>>, vector<16xf32>,
        %parallel_loop3A_336 = arith.index_cast %parallel_loop3A_263 : i32 to index
        %parallel_loop3A_337 = arith.constant 32 : index
        %parallel_loop3A_338 = tpu.vector_load %arg6[%parallel_loop3A_336, %parallel_loop3A_337] {strides = array<i32>} : memref<128x128xf32, #tpu.memory_space<vmem>>, vector<16xf32>,
        %parallel_loop3A_339 = arith.cmpf olt, %gather3A_148, %parallel_loop3A_338 : vector<16xf32>
        %parallel_loop3A_340 = arith.select %parallel_loop3A_339, %add3A_90, %mul3A_51 : vector<16xi1>, vector<16xi32>
        %parallel_loop3A_341 = arith.select %parallel_loop3A_339, %gather3A_180, %gather3A_116 : vector<16xi1>, vector<16xf32>
        %parallel_loop3A_342 = arith.cmpf olt, %parallel_loop3A_341, %parallel_loop3A_338 : vector<16xf32>
        %parallel_loop3A_343 = arith.constant 8 : i32
        %parallel_loop3A_344 = vector.broadcast %parallel_loop3A_343 : i32 to vector<16xi32>
        %parallel_loop3A_345 = arith.addi %parallel_loop3A_340, %parallel_loop3A_344 : vector<16xi32>
        %parallel_loop3A_346 = arith.select %parallel_loop3A_342, %parallel_loop3A_345, %parallel_loop3A_340 : vector<16xi1>, vector<16xi32>
        %parallel_loop3A_347 = arith.constant 4 : i32
        %parallel_loop3A_348 = vector.broadcast %parallel_loop3A_347 : i32 to vector<16xi32>
        %parallel_loop3A_349 = arith.addi %parallel_loop3A_346, %parallel_loop3A_348 : vector<16xi32>
        %parallel_loop3A_350 = tpu.vector_load_idx %arg5[%parallel_loop3A_349] : memref<8192xf32, #tpu.memory_space<vmem>>[vector<16xi32>], vector<16xf32>,
        %parallel_loop3A_351 = arith.cmpf olt, %parallel_loop3A_350, %parallel_loop3A_338 : vector<16xf32>
        %parallel_loop3A_352 = arith.select %parallel_loop3A_351, %parallel_loop3A_349, %parallel_loop3A_346 : vector<16xi1>, vector<16xi32>
        %parallel_loop3A_353 = arith.constant 2 : i32
        %parallel_loop3A_354 = vector.broadcast %parallel_loop3A_353 : i32 to vector<16xi32>
        %parallel_loop3A_355 = arith.addi %parallel_loop3A_352, %parallel_loop3A_354 : vector<16xi32>
        %parallel_loop3A_356 = tpu.vector_load_idx %arg5[%parallel_loop3A_355] : memref<8192xf32, #tpu.memory_space<vmem>>[vector<16xi32>], vector<16xf32>,
        %parallel_loop3A_357 = arith.cmpf olt, %parallel_loop3A_356, %parallel_loop3A_338 : vector<16xf32>
        %parallel_loop3A_358 = arith.select %parallel_loop3A_357, %parallel_loop3A_355, %parallel_loop3A_352 : vector<16xi1>, vector<16xi32>
        %parallel_loop3A_359 = arith.constant 1 : i32
        %parallel_loop3A_360 = vector.broadcast %parallel_loop3A_359 : i32 to vector<16xi32>
        %parallel_loop3A_361 = arith.addi %parallel_loop3A_358, %parallel_loop3A_360 : vector<16xi32>
        %parallel_loop3A_362 = tpu.vector_load_idx %arg5[%parallel_loop3A_361] : memref<8192xf32, #tpu.memory_space<vmem>>[vector<16xi32>], vector<16xf32>,
        %parallel_loop3A_363 = arith.cmpf olt, %parallel_loop3A_362, %parallel_loop3A_338 : vector<16xf32>
        %parallel_loop3A_364 = arith.select %parallel_loop3A_363, %parallel_loop3A_361, %parallel_loop3A_358 : vector<16xi1>, vector<16xi32>
        %parallel_loop3A_365 = arith.constant 32 : i32
        %parallel_loop3A_366 = vector.broadcast %parallel_loop3A_365 : i32 to vector<16xi32>
        %parallel_loop3A_367 = arith.addi %parallel_loop3A_364, %parallel_loop3A_366 : vector<16xi32>
        %parallel_loop3A_368 = tpu.vector_load_idx %arg5[%parallel_loop3A_367] : memref<8192xf32, #tpu.memory_space<vmem>>[vector<16xi32>], vector<16xf32>,
        %parallel_loop3A_369 = arith.index_cast %parallel_loop3A_263 : i32 to index
        %parallel_loop3A_370 = arith.constant 32 : index
        %parallel_loop3A_371 = tpu.vector_load %arg8[%parallel_loop3A_369, %parallel_loop3A_370] {strides = array<i32>} : memref<128x128xf32, #tpu.memory_space<vmem>>, vector<16xf32>,
        tpu.vector_store %arg8[%parallel_loop3A_369, %parallel_loop3A_370], %parallel_loop3A_368 {strides = array<i32>} : memref<128x128xf32, #tpu.memory_space<vmem>>, vector<16xf32>,
        %parallel_loop3A_372 = arith.index_cast %parallel_loop3A_263 : i32 to index
        %parallel_loop3A_373 = arith.constant 48 : index
        %parallel_loop3A_374 = tpu.vector_load %arg6[%parallel_loop3A_372, %parallel_loop3A_373] {strides = array<i32>} : memref<128x128xf32, #tpu.memory_space<vmem>>, vector<16xf32>,
        %parallel_loop3A_375 = arith.cmpf olt, %gather3A_152, %parallel_loop3A_374 : vector<16xf32>
        %parallel_loop3A_376 = arith.select %parallel_loop3A_375, %add3A_93, %mul3A_57 : vector<16xi1>, vector<16xi32>
        %parallel_loop3A_377 = arith.select %parallel_loop3A_375, %gather3A_184, %gather3A_120 : vector<16xi1>, vector<16xf32>
        %parallel_loop3A_378 = arith.cmpf olt, %parallel_loop3A_377, %parallel_loop3A_374 : vector<16xf32>
        %parallel_loop3A_379 = arith.constant 8 : i32
        %parallel_loop3A_380 = vector.broadcast %parallel_loop3A_379 : i32 to vector<16xi32>
        %parallel_loop3A_381 = arith.addi %parallel_loop3A_376, %parallel_loop3A_380 : vector<16xi32>
        %parallel_loop3A_382 = arith.select %parallel_loop3A_378, %parallel_loop3A_381, %parallel_loop3A_376 : vector<16xi1>, vector<16xi32>
        %parallel_loop3A_383 = arith.constant 4 : i32
        %parallel_loop3A_384 = vector.broadcast %parallel_loop3A_383 : i32 to vector<16xi32>
        %parallel_loop3A_385 = arith.addi %parallel_loop3A_382, %parallel_loop3A_384 : vector<16xi32>
        %parallel_loop3A_386 = tpu.vector_load_idx %arg5[%parallel_loop3A_385] : memref<8192xf32, #tpu.memory_space<vmem>>[vector<16xi32>], vector<16xf32>,
        %parallel_loop3A_387 = arith.cmpf olt, %parallel_loop3A_386, %parallel_loop3A_374 : vector<16xf32>
        %parallel_loop3A_388 = arith.select %parallel_loop3A_387, %parallel_loop3A_385, %parallel_loop3A_382 : vector<16xi1>, vector<16xi32>
        %parallel_loop3A_389 = arith.constant 2 : i32
        %parallel_loop3A_390 = vector.broadcast %parallel_loop3A_389 : i32 to vector<16xi32>
        %parallel_loop3A_391 = arith.addi %parallel_loop3A_388, %parallel_loop3A_390 : vector<16xi32>
        %parallel_loop3A_392 = tpu.vector_load_idx %arg5[%parallel_loop3A_391] : memref<8192xf32, #tpu.memory_space<vmem>>[vector<16xi32>], vector<16xf32>,
        %parallel_loop3A_393 = arith.cmpf olt, %parallel_loop3A_392, %parallel_loop3A_374 : vector<16xf32>
        %parallel_loop3A_394 = arith.select %parallel_loop3A_393, %parallel_loop3A_391, %parallel_loop3A_388 : vector<16xi1>, vector<16xi32>
        %parallel_loop3A_395 = arith.constant 1 : i32
        %parallel_loop3A_396 = vector.broadcast %parallel_loop3A_395 : i32 to vector<16xi32>
        %parallel_loop3A_397 = arith.addi %parallel_loop3A_394, %parallel_loop3A_396 : vector<16xi32>
        %parallel_loop3A_398 = tpu.vector_load_idx %arg5[%parallel_loop3A_397] : memref<8192xf32, #tpu.memory_space<vmem>>[vector<16xi32>], vector<16xf32>,
        %parallel_loop3A_399 = arith.cmpf olt, %parallel_loop3A_398, %parallel_loop3A_374 : vector<16xf32>
        %parallel_loop3A_400 = arith.select %parallel_loop3A_399, %parallel_loop3A_397, %parallel_loop3A_394 : vector<16xi1>, vector<16xi32>
        %parallel_loop3A_401 = arith.constant 32 : i32
        %parallel_loop3A_402 = vector.broadcast %parallel_loop3A_401 : i32 to vector<16xi32>
        %parallel_loop3A_403 = arith.addi %parallel_loop3A_400, %parallel_loop3A_402 : vector<16xi32>
        %parallel_loop3A_404 = tpu.vector_load_idx %arg5[%parallel_loop3A_403] : memref<8192xf32, #tpu.memory_space<vmem>>[vector<16xi32>], vector<16xf32>,
        %parallel_loop3A_405 = arith.index_cast %parallel_loop3A_263 : i32 to index
        %parallel_loop3A_406 = arith.constant 48 : index
        %parallel_loop3A_407 = tpu.vector_load %arg8[%parallel_loop3A_405, %parallel_loop3A_406] {strides = array<i32>} : memref<128x128xf32, #tpu.memory_space<vmem>>, vector<16xf32>,
        tpu.vector_store %arg8[%parallel_loop3A_405, %parallel_loop3A_406], %parallel_loop3A_404 {strides = array<i32>} : memref<128x128xf32, #tpu.memory_space<vmem>>, vector<16xf32>,
        %parallel_loop3A_408 = arith.index_cast %parallel_loop3A_263 : i32 to index
        %parallel_loop3A_409 = arith.constant 64 : index
        %parallel_loop3A_410 = tpu.vector_load %arg6[%parallel_loop3A_408, %parallel_loop3A_409] {strides = array<i32>} : memref<128x128xf32, #tpu.memory_space<vmem>>, vector<16xf32>,
        %parallel_loop3A_411 = arith.cmpf olt, %gather3A_156, %parallel_loop3A_410 : vector<16xf32>
        %parallel_loop3A_412 = arith.select %parallel_loop3A_411, %add3A_96, %mul3A_63 : vector<16xi1>, vector<16xi32>
        %parallel_loop3A_413 = arith.select %parallel_loop3A_411, %gather3A_188, %gather3A_124 : vector<16xi1>, vector<16xf32>
        %parallel_loop3A_414 = arith.cmpf olt, %parallel_loop3A_413, %parallel_loop3A_410 : vector<16xf32>
        %parallel_loop3A_415 = arith.constant 8 : i32
        %parallel_loop3A_416 = vector.broadcast %parallel_loop3A_415 : i32 to vector<16xi32>
        %parallel_loop3A_417 = arith.addi %parallel_loop3A_412, %parallel_loop3A_416 : vector<16xi32>
        %parallel_loop3A_418 = arith.select %parallel_loop3A_414, %parallel_loop3A_417, %parallel_loop3A_412 : vector<16xi1>, vector<16xi32>
        %parallel_loop3A_419 = arith.constant 4 : i32
        %parallel_loop3A_420 = vector.broadcast %parallel_loop3A_419 : i32 to vector<16xi32>
        %parallel_loop3A_421 = arith.addi %parallel_loop3A_418, %parallel_loop3A_420 : vector<16xi32>
        %parallel_loop3A_422 = tpu.vector_load_idx %arg5[%parallel_loop3A_421] : memref<8192xf32, #tpu.memory_space<vmem>>[vector<16xi32>], vector<16xf32>,
        %parallel_loop3A_423 = arith.cmpf olt, %parallel_loop3A_422, %parallel_loop3A_410 : vector<16xf32>
        %parallel_loop3A_424 = arith.select %parallel_loop3A_423, %parallel_loop3A_421, %parallel_loop3A_418 : vector<16xi1>, vector<16xi32>
        %parallel_loop3A_425 = arith.constant 2 : i32
        %parallel_loop3A_426 = vector.broadcast %parallel_loop3A_425 : i32 to vector<16xi32>
        %parallel_loop3A_427 = arith.addi %parallel_loop3A_424, %parallel_loop3A_426 : vector<16xi32>
        %parallel_loop3A_428 = tpu.vector_load_idx %arg5[%parallel_loop3A_427] : memref<8192xf32, #tpu.memory_space<vmem>>[vector<16xi32>], vector<16xf32>,
        %parallel_loop3A_429 = arith.cmpf olt, %parallel_loop3A_428, %parallel_loop3A_410 : vector<16xf32>
        %parallel_loop3A_430 = arith.select %parallel_loop3A_429, %parallel_loop3A_427, %parallel_loop3A_424 : vector<16xi1>, vector<16xi32>
        %parallel_loop3A_431 = arith.constant 1 : i32
        %parallel_loop3A_432 = vector.broadcast %parallel_loop3A_431 : i32 to vector<16xi32>
        %parallel_loop3A_433 = arith.addi %parallel_loop3A_430, %parallel_loop3A_432 : vector<16xi32>
        %parallel_loop3A_434 = tpu.vector_load_idx %arg5[%parallel_loop3A_433] : memref<8192xf32, #tpu.memory_space<vmem>>[vector<16xi32>], vector<16xf32>,
        %parallel_loop3A_435 = arith.cmpf olt, %parallel_loop3A_434, %parallel_loop3A_410 : vector<16xf32>
        %parallel_loop3A_436 = arith.select %parallel_loop3A_435, %parallel_loop3A_433, %parallel_loop3A_430 : vector<16xi1>, vector<16xi32>
        %parallel_loop3A_437 = arith.constant 32 : i32
        %parallel_loop3A_438 = vector.broadcast %parallel_loop3A_437 : i32 to vector<16xi32>
        %parallel_loop3A_439 = arith.addi %parallel_loop3A_436, %parallel_loop3A_438 : vector<16xi32>
        %parallel_loop3A_440 = tpu.vector_load_idx %arg5[%parallel_loop3A_439] : memref<8192xf32, #tpu.memory_space<vmem>>[vector<16xi32>], vector<16xf32>,
        %parallel_loop3A_441 = arith.index_cast %parallel_loop3A_263 : i32 to index
        %parallel_loop3A_442 = arith.constant 64 : index
        %parallel_loop3A_443 = tpu.vector_load %arg8[%parallel_loop3A_441, %parallel_loop3A_442] {strides = array<i32>} : memref<128x128xf32, #tpu.memory_space<vmem>>, vector<16xf32>,
        tpu.vector_store %arg8[%parallel_loop3A_441, %parallel_loop3A_442], %parallel_loop3A_440 {strides = array<i32>} : memref<128x128xf32, #tpu.memory_space<vmem>>, vector<16xf32>,
        %parallel_loop3A_444 = arith.index_cast %parallel_loop3A_263 : i32 to index
        %parallel_loop3A_445 = arith.constant 80 : index
        %parallel_loop3A_446 = tpu.vector_load %arg6[%parallel_loop3A_444, %parallel_loop3A_445] {strides = array<i32>} : memref<128x128xf32, #tpu.memory_space<vmem>>, vector<16xf32>,
        %parallel_loop3A_447 = arith.cmpf olt, %gather3A_160, %parallel_loop3A_446 : vector<16xf32>
        %parallel_loop3A_448 = arith.select %parallel_loop3A_447, %add3A_99, %mul3A_69 : vector<16xi1>, vector<16xi32>
        %parallel_loop3A_449 = arith.select %parallel_loop3A_447, %gather3A_192, %gather3A_128 : vector<16xi1>, vector<16xf32>
        %parallel_loop3A_450 = arith.cmpf olt, %parallel_loop3A_449, %parallel_loop3A_446 : vector<16xf32>
        %parallel_loop3A_451 = arith.constant 8 : i32
        %parallel_loop3A_452 = vector.broadcast %parallel_loop3A_451 : i32 to vector<16xi32>
        %parallel_loop3A_453 = arith.addi %parallel_loop3A_448, %parallel_loop3A_452 : vector<16xi32>
        %parallel_loop3A_454 = arith.select %parallel_loop3A_450, %parallel_loop3A_453, %parallel_loop3A_448 : vector<16xi1>, vector<16xi32>
        %parallel_loop3A_455 = arith.constant 4 : i32
        %parallel_loop3A_456 = vector.broadcast %parallel_loop3A_455 : i32 to vector<16xi32>
        %parallel_loop3A_457 = arith.addi %parallel_loop3A_454, %parallel_loop3A_456 : vector<16xi32>
        %parallel_loop3A_458 = tpu.vector_load_idx %arg5[%parallel_loop3A_457] : memref<8192xf32, #tpu.memory_space<vmem>>[vector<16xi32>], vector<16xf32>,
        %parallel_loop3A_459 = arith.cmpf olt, %parallel_loop3A_458, %parallel_loop3A_446 : vector<16xf32>
        %parallel_loop3A_460 = arith.select %parallel_loop3A_459, %parallel_loop3A_457, %parallel_loop3A_454 : vector<16xi1>, vector<16xi32>
        %parallel_loop3A_461 = arith.constant 2 : i32
        %parallel_loop3A_462 = vector.broadcast %parallel_loop3A_461 : i32 to vector<16xi32>
        %parallel_loop3A_463 = arith.addi %parallel_loop3A_460, %parallel_loop3A_462 : vector<16xi32>
        %parallel_loop3A_464 = tpu.vector_load_idx %arg5[%parallel_loop3A_463] : memref<8192xf32, #tpu.memory_space<vmem>>[vector<16xi32>], vector<16xf32>,
        %parallel_loop3A_465 = arith.cmpf olt, %parallel_loop3A_464, %parallel_loop3A_446 : vector<16xf32>
        %parallel_loop3A_466 = arith.select %parallel_loop3A_465, %parallel_loop3A_463, %parallel_loop3A_460 : vector<16xi1>, vector<16xi32>
        %parallel_loop3A_467 = arith.constant 1 : i32
        %parallel_loop3A_468 = vector.broadcast %parallel_loop3A_467 : i32 to vector<16xi32>
        %parallel_loop3A_469 = arith.addi %parallel_loop3A_466, %parallel_loop3A_468 : vector<16xi32>
        %parallel_loop3A_470 = tpu.vector_load_idx %arg5[%parallel_loop3A_469] : memref<8192xf32, #tpu.memory_space<vmem>>[vector<16xi32>], vector<16xf32>,
        %parallel_loop3A_471 = arith.cmpf olt, %parallel_loop3A_470, %parallel_loop3A_446 : vector<16xf32>
        %parallel_loop3A_472 = arith.select %parallel_loop3A_471, %parallel_loop3A_469, %parallel_loop3A_466 : vector<16xi1>, vector<16xi32>
        %parallel_loop3A_473 = arith.constant 32 : i32
        %parallel_loop3A_474 = vector.broadcast %parallel_loop3A_473 : i32 to vector<16xi32>
        %parallel_loop3A_475 = arith.addi %parallel_loop3A_472, %parallel_loop3A_474 : vector<16xi32>
        %parallel_loop3A_476 = tpu.vector_load_idx %arg5[%parallel_loop3A_475] : memref<8192xf32, #tpu.memory_space<vmem>>[vector<16xi32>], vector<16xf32>,
        %parallel_loop3A_477 = arith.index_cast %parallel_loop3A_263 : i32 to index
        %parallel_loop3A_478 = arith.constant 80 : index
        %parallel_loop3A_479 = tpu.vector_load %arg8[%parallel_loop3A_477, %parallel_loop3A_478] {strides = array<i32>} : memref<128x128xf32, #tpu.memory_space<vmem>>, vector<16xf32>,
        tpu.vector_store %arg8[%parallel_loop3A_477, %parallel_loop3A_478], %parallel_loop3A_476 {strides = array<i32>} : memref<128x128xf32, #tpu.memory_space<vmem>>, vector<16xf32>,
        %parallel_loop3A_480 = arith.index_cast %parallel_loop3A_263 : i32 to index
        %parallel_loop3A_481 = arith.constant 96 : index
        %parallel_loop3A_482 = tpu.vector_load %arg6[%parallel_loop3A_480, %parallel_loop3A_481] {strides = array<i32>} : memref<128x128xf32, #tpu.memory_space<vmem>>, vector<16xf32>,
        %parallel_loop3A_483 = arith.cmpf olt, %gather3A_164, %parallel_loop3A_482 : vector<16xf32>
        %parallel_loop3A_484 = arith.select %parallel_loop3A_483, %add3A_102, %mul3A_75 : vector<16xi1>, vector<16xi32>
        %parallel_loop3A_485 = arith.select %parallel_loop3A_483, %gather3A_196, %gather3A_132 : vector<16xi1>, vector<16xf32>
        %parallel_loop3A_486 = arith.cmpf olt, %parallel_loop3A_485, %parallel_loop3A_482 : vector<16xf32>
        %parallel_loop3A_487 = arith.constant 8 : i32
        %parallel_loop3A_488 = vector.broadcast %parallel_loop3A_487 : i32 to vector<16xi32>
        %parallel_loop3A_489 = arith.addi %parallel_loop3A_484, %parallel_loop3A_488 : vector<16xi32>
        %parallel_loop3A_490 = arith.select %parallel_loop3A_486, %parallel_loop3A_489, %parallel_loop3A_484 : vector<16xi1>, vector<16xi32>
        %parallel_loop3A_491 = arith.constant 4 : i32
        %parallel_loop3A_492 = vector.broadcast %parallel_loop3A_491 : i32 to vector<16xi32>
        %parallel_loop3A_493 = arith.addi %parallel_loop3A_490, %parallel_loop3A_492 : vector<16xi32>
        %parallel_loop3A_494 = tpu.vector_load_idx %arg5[%parallel_loop3A_493] : memref<8192xf32, #tpu.memory_space<vmem>>[vector<16xi32>], vector<16xf32>,
        %parallel_loop3A_495 = arith.cmpf olt, %parallel_loop3A_494, %parallel_loop3A_482 : vector<16xf32>
        %parallel_loop3A_496 = arith.select %parallel_loop3A_495, %parallel_loop3A_493, %parallel_loop3A_490 : vector<16xi1>, vector<16xi32>
        %parallel_loop3A_497 = arith.constant 2 : i32
        %parallel_loop3A_498 = vector.broadcast %parallel_loop3A_497 : i32 to vector<16xi32>
        %parallel_loop3A_499 = arith.addi %parallel_loop3A_496, %parallel_loop3A_498 : vector<16xi32>
        %parallel_loop3A_500 = tpu.vector_load_idx %arg5[%parallel_loop3A_499] : memref<8192xf32, #tpu.memory_space<vmem>>[vector<16xi32>], vector<16xf32>,
        %parallel_loop3A_501 = arith.cmpf olt, %parallel_loop3A_500, %parallel_loop3A_482 : vector<16xf32>
        %parallel_loop3A_502 = arith.select %parallel_loop3A_501, %parallel_loop3A_499, %parallel_loop3A_496 : vector<16xi1>, vector<16xi32>
        %parallel_loop3A_503 = arith.constant 1 : i32
        %parallel_loop3A_504 = vector.broadcast %parallel_loop3A_503 : i32 to vector<16xi32>
        %parallel_loop3A_505 = arith.addi %parallel_loop3A_502, %parallel_loop3A_504 : vector<16xi32>
        %parallel_loop3A_506 = tpu.vector_load_idx %arg5[%parallel_loop3A_505] : memref<8192xf32, #tpu.memory_space<vmem>>[vector<16xi32>], vector<16xf32>,
        %parallel_loop3A_507 = arith.cmpf olt, %parallel_loop3A_506, %parallel_loop3A_482 : vector<16xf32>
        %parallel_loop3A_508 = arith.select %parallel_loop3A_507, %parallel_loop3A_505, %parallel_loop3A_502 : vector<16xi1>, vector<16xi32>
        %parallel_loop3A_509 = arith.constant 32 : i32
        %parallel_loop3A_510 = vector.broadcast %parallel_loop3A_509 : i32 to vector<16xi32>
        %parallel_loop3A_511 = arith.addi %parallel_loop3A_508, %parallel_loop3A_510 : vector<16xi32>
        %parallel_loop3A_512 = tpu.vector_load_idx %arg5[%parallel_loop3A_511] : memref<8192xf32, #tpu.memory_space<vmem>>[vector<16xi32>], vector<16xf32>,
        %parallel_loop3A_513 = arith.index_cast %parallel_loop3A_263 : i32 to index
        %parallel_loop3A_514 = arith.constant 96 : index
        %parallel_loop3A_515 = tpu.vector_load %arg8[%parallel_loop3A_513, %parallel_loop3A_514] {strides = array<i32>} : memref<128x128xf32, #tpu.memory_space<vmem>>, vector<16xf32>,
        tpu.vector_store %arg8[%parallel_loop3A_513, %parallel_loop3A_514], %parallel_loop3A_512 {strides = array<i32>} : memref<128x128xf32, #tpu.memory_space<vmem>>, vector<16xf32>,
        %parallel_loop3A_516 = arith.index_cast %parallel_loop3A_263 : i32 to index
        %parallel_loop3A_517 = arith.constant 112 : index
        %parallel_loop3A_518 = tpu.vector_load %arg6[%parallel_loop3A_516, %parallel_loop3A_517] {strides = array<i32>} : memref<128x128xf32, #tpu.memory_space<vmem>>, vector<16xf32>,
        %parallel_loop3A_519 = arith.cmpf olt, %gather3A_168, %parallel_loop3A_518 : vector<16xf32>
        %parallel_loop3A_520 = arith.select %parallel_loop3A_519, %add3A_105, %mul3A_81 : vector<16xi1>, vector<16xi32>
        %parallel_loop3A_521 = arith.select %parallel_loop3A_519, %gather3A_200, %gather3A_136 : vector<16xi1>, vector<16xf32>
        %parallel_loop3A_522 = arith.cmpf olt, %parallel_loop3A_521, %parallel_loop3A_518 : vector<16xf32>
        %parallel_loop3A_523 = arith.constant 8 : i32
        %parallel_loop3A_524 = vector.broadcast %parallel_loop3A_523 : i32 to vector<16xi32>
        %parallel_loop3A_525 = arith.addi %parallel_loop3A_520, %parallel_loop3A_524 : vector<16xi32>
        %parallel_loop3A_526 = arith.select %parallel_loop3A_522, %parallel_loop3A_525, %parallel_loop3A_520 : vector<16xi1>, vector<16xi32>
        %parallel_loop3A_527 = arith.constant 4 : i32
        %parallel_loop3A_528 = vector.broadcast %parallel_loop3A_527 : i32 to vector<16xi32>
        %parallel_loop3A_529 = arith.addi %parallel_loop3A_526, %parallel_loop3A_528 : vector<16xi32>
        %parallel_loop3A_530 = tpu.vector_load_idx %arg5[%parallel_loop3A_529] : memref<8192xf32, #tpu.memory_space<vmem>>[vector<16xi32>], vector<16xf32>,
        %parallel_loop3A_531 = arith.cmpf olt, %parallel_loop3A_530, %parallel_loop3A_518 : vector<16xf32>
        %parallel_loop3A_532 = arith.select %parallel_loop3A_531, %parallel_loop3A_529, %parallel_loop3A_526 : vector<16xi1>, vector<16xi32>
        %parallel_loop3A_533 = arith.constant 2 : i32
        %parallel_loop3A_534 = vector.broadcast %parallel_loop3A_533 : i32 to vector<16xi32>
        %parallel_loop3A_535 = arith.addi %parallel_loop3A_532, %parallel_loop3A_534 : vector<16xi32>
        %parallel_loop3A_536 = tpu.vector_load_idx %arg5[%parallel_loop3A_535] : memref<8192xf32, #tpu.memory_space<vmem>>[vector<16xi32>], vector<16xf32>,
        %parallel_loop3A_537 = arith.cmpf olt, %parallel_loop3A_536, %parallel_loop3A_518 : vector<16xf32>
        %parallel_loop3A_538 = arith.select %parallel_loop3A_537, %parallel_loop3A_535, %parallel_loop3A_532 : vector<16xi1>, vector<16xi32>
        %parallel_loop3A_539 = arith.constant 1 : i32
        %parallel_loop3A_540 = vector.broadcast %parallel_loop3A_539 : i32 to vector<16xi32>
        %parallel_loop3A_541 = arith.addi %parallel_loop3A_538, %parallel_loop3A_540 : vector<16xi32>
        %parallel_loop3A_542 = tpu.vector_load_idx %arg5[%parallel_loop3A_541] : memref<8192xf32, #tpu.memory_space<vmem>>[vector<16xi32>], vector<16xf32>,
        %parallel_loop3A_543 = arith.cmpf olt, %parallel_loop3A_542, %parallel_loop3A_518 : vector<16xf32>
        %parallel_loop3A_544 = arith.select %parallel_loop3A_543, %parallel_loop3A_541, %parallel_loop3A_538 : vector<16xi1>, vector<16xi32>
        %parallel_loop3A_545 = arith.constant 32 : i32
        %parallel_loop3A_546 = vector.broadcast %parallel_loop3A_545 : i32 to vector<16xi32>
        %parallel_loop3A_547 = arith.addi %parallel_loop3A_544, %parallel_loop3A_546 : vector<16xi32>
        %parallel_loop3A_548 = tpu.vector_load_idx %arg5[%parallel_loop3A_547] : memref<8192xf32, #tpu.memory_space<vmem>>[vector<16xi32>], vector<16xf32>,
        %parallel_loop3A_549 = arith.index_cast %parallel_loop3A_263 : i32 to index
        %parallel_loop3A_550 = arith.constant 112 : index
        %parallel_loop3A_551 = tpu.vector_load %arg8[%parallel_loop3A_549, %parallel_loop3A_550] {strides = array<i32>} : memref<128x128xf32, #tpu.memory_space<vmem>>, vector<16xf32>,
        tpu.vector_store %arg8[%parallel_loop3A_549, %parallel_loop3A_550], %parallel_loop3A_548 {strides = array<i32>} : memref<128x128xf32, #tpu.memory_space<vmem>>, vector<16xf32>,
      } {sc.loop_unroll_factor = 4 : i64, sc.parallel_access}
      %mul3A_227 = arith.constant 128 : i32
      %mul3A_228 = arith.muli %add3A_217, %mul3A_227 : i32
      %add3A_229 = arith.addi %mul3A_22, %mul3A_228 : i32
      %dma_start3A_230 = tpu.memref_slice %arg4[%add3A_229, %mul3A_20] : memref<16384x2048xf32, #tpu.memory_space<hbm>> -> memref<128x128xf32, #tpu.memory_space<hbm>>
      %dma_start3A_231 = tpu.memref_slice %arg4[%add3A_229, %mul3A_20] : memref<16384x2048xf32, #tpu.memory_space<hbm>> -> memref<128x128xf32, #tpu.memory_space<hbm>>
      tpu.enqueue_dma source(%arg8 : memref<128x128xf32, #tpu.memory_space<vmem>>) target(%dma_start3A_231 : memref<128x128xf32, #tpu.memory_space<hbm>>) target_semaphore(%arg12 : memref<!tpu.dma_semaphore, #tpu.memory_space<semaphore_mem>>)
      %lt3A = arith.constant 31 : i32
      %lt3A_232 = arith.cmpi slt, %scan3A_213, %lt3A : i32
      %convert_element_type3A_233 = arith.extui %lt3A_232 : i1 to i32
      %cond3A_234 = arith.constant 0 : i32
      %cond3A_235 = arith.cmpi ne, %convert_element_type3A_233, %cond3A_234 : i32
      scf.if %cond3A_235 {
        %add3A_263 = arith.constant 2 : i32
        %add3A_264 = arith.addi %add3A_217, %add3A_263 : i32
        %mul3A_265 = arith.constant 128 : i32
        %mul3A_266 = arith.muli %add3A_264, %mul3A_265 : i32
        %add3A_267 = arith.addi %mul3A_22, %mul3A_266 : i32
        %dma_start3A_268 = tpu.memref_slice %arg2[%add3A_267, %mul3A_20] : memref<16384x2048xf32, #tpu.memory_space<hbm>> -> memref<128x128xf32, #tpu.memory_space<hbm>>
        %dma_start3A_269 = tpu.memref_slice %arg2[%add3A_267, %mul3A_20] : memref<16384x2048xf32, #tpu.memory_space<hbm>> -> memref<128x128xf32, #tpu.memory_space<hbm>>
        tpu.enqueue_dma source(%dma_start3A_269 : memref<128x128xf32, #tpu.memory_space<hbm>>) target(%arg6 : memref<128x128xf32, #tpu.memory_space<vmem>>) target_semaphore(%arg10 : memref<!tpu.dma_semaphore, #tpu.memory_space<semaphore_mem>>)
      } else {
      }
      %mul3A_236 = arith.constant 2 : i32
      %mul3A_237 = arith.muli %mul3A_236, %scan3A_213 : i32
      %add3A_238 = arith.constant 1 : i32
      %add3A_239 = arith.addi %mul3A_237, %add3A_238 : i32
      %mul3A_240 = arith.constant 128 : i32
      %mul3A_241 = arith.muli %add3A_239, %mul3A_240 : i32
      %add3A_242 = arith.addi %mul3A_22, %mul3A_241 : i32
      %dma_wait3A_243 = tpu.memref_slice %arg2[%add3A_242, %mul3A_20] : memref<16384x2048xf32, #tpu.memory_space<hbm>> -> memref<128x128xf32, #tpu.memory_space<hbm>>
      %dma_wait3A_244 = tpu.memref_slice %arg2[%add3A_242, %mul3A_20] : memref<16384x2048xf32, #tpu.memory_space<hbm>> -> memref<128x128xf32, #tpu.memory_space<hbm>>
      tpu.wait_dma2 semaphore(%arg11 : memref<!tpu.dma_semaphore, #tpu.memory_space<semaphore_mem>>) src(%dma_wait3A_244 : memref<128x128xf32, #tpu.memory_space<hbm>>) dst(%arg7 : memref<128x128xf32, #tpu.memory_space<vmem>>)
      %gt3A_245 = arith.constant 0 : i32
      %gt3A_246 = arith.cmpi sgt, %scan3A_213, %gt3A_245 : i32
      %convert_element_type3A_247 = arith.extui %gt3A_246 : i1 to i32
      %cond3A_248 = arith.constant 0 : i32
      %cond3A_249 = arith.cmpi ne, %convert_element_type3A_247, %cond3A_248 : i32
      scf.if %cond3A_249 {
        %mul3A_263 = arith.constant 128 : i32
        %mul3A_264 = arith.muli %add3A_239, %mul3A_263 : i32
        %add3A_265 = arith.addi %mul3A_22, %mul3A_264 : i32
        %dma_wait3A_266 = tpu.memref_slice %arg4[%add3A_265, %mul3A_20] : memref<16384x2048xf32, #tpu.memory_space<hbm>> -> memref<128x128xf32, #tpu.memory_space<hbm>>
        %dma_wait3A_267 = tpu.memref_slice %arg4[%add3A_265, %mul3A_20] : memref<16384x2048xf32, #tpu.memory_space<hbm>> -> memref<128x128xf32, #tpu.memory_space<hbm>>
        tpu.wait_dma2 semaphore(%arg13 : memref<!tpu.dma_semaphore, #tpu.memory_space<semaphore_mem>>) src(%arg9 : memref<128x128xf32, #tpu.memory_space<vmem>>) dst(%dma_wait3A_267 : memref<128x128xf32, #tpu.memory_space<hbm>>)
      } else {
      }
      %parallel_loop3A_250 = arith.constant 0 : i32
      %parallel_loop3A_251 = arith.constant 128 : i32
      %parallel_loop3A_252 = arith.constant 1 : i32
      scf.for %parallel_loop3A_263 = %parallel_loop3A_250 to %parallel_loop3A_251 step %parallel_loop3A_252  : i32 {
        %parallel_loop3A_264 = arith.index_cast %parallel_loop3A_263 : i32 to index
        %parallel_loop3A_265 = arith.constant 0 : index
        %parallel_loop3A_266 = tpu.vector_load %arg7[%parallel_loop3A_264, %parallel_loop3A_265] {strides = array<i32>} : memref<128x128xf32, #tpu.memory_space<vmem>>, vector<16xf32>,
        %parallel_loop3A_267 = arith.cmpf olt, %gather3A_140, %parallel_loop3A_266 : vector<16xf32>
        %parallel_loop3A_268 = arith.select %parallel_loop3A_267, %add3A_84, %mul3A_39 : vector<16xi1>, vector<16xi32>
        %parallel_loop3A_269 = arith.select %parallel_loop3A_267, %gather3A_172, %gather3A : vector<16xi1>, vector<16xf32>
        %parallel_loop3A_270 = arith.cmpf olt, %parallel_loop3A_269, %parallel_loop3A_266 : vector<16xf32>
        %parallel_loop3A_271 = arith.constant 8 : i32
        %parallel_loop3A_272 = vector.broadcast %parallel_loop3A_271 : i32 to vector<16xi32>
        %parallel_loop3A_273 = arith.addi %parallel_loop3A_268, %parallel_loop3A_272 : vector<16xi32>
        %parallel_loop3A_274 = arith.select %parallel_loop3A_270, %parallel_loop3A_273, %parallel_loop3A_268 : vector<16xi1>, vector<16xi32>
        %parallel_loop3A_275 = arith.constant 4 : i32
        %parallel_loop3A_276 = vector.broadcast %parallel_loop3A_275 : i32 to vector<16xi32>
        %parallel_loop3A_277 = arith.addi %parallel_loop3A_274, %parallel_loop3A_276 : vector<16xi32>
        %parallel_loop3A_278 = tpu.vector_load_idx %arg5[%parallel_loop3A_277] : memref<8192xf32, #tpu.memory_space<vmem>>[vector<16xi32>], vector<16xf32>,
        %parallel_loop3A_279 = arith.cmpf olt, %parallel_loop3A_278, %parallel_loop3A_266 : vector<16xf32>
        %parallel_loop3A_280 = arith.select %parallel_loop3A_279, %parallel_loop3A_277, %parallel_loop3A_274 : vector<16xi1>, vector<16xi32>
        %parallel_loop3A_281 = arith.constant 2 : i32
        %parallel_loop3A_282 = vector.broadcast %parallel_loop3A_281 : i32 to vector<16xi32>
        %parallel_loop3A_283 = arith.addi %parallel_loop3A_280, %parallel_loop3A_282 : vector<16xi32>
        %parallel_loop3A_284 = tpu.vector_load_idx %arg5[%parallel_loop3A_283] : memref<8192xf32, #tpu.memory_space<vmem>>[vector<16xi32>], vector<16xf32>,
        %parallel_loop3A_285 = arith.cmpf olt, %parallel_loop3A_284, %parallel_loop3A_266 : vector<16xf32>
        %parallel_loop3A_286 = arith.select %parallel_loop3A_285, %parallel_loop3A_283, %parallel_loop3A_280 : vector<16xi1>, vector<16xi32>
        %parallel_loop3A_287 = arith.constant 1 : i32
        %parallel_loop3A_288 = vector.broadcast %parallel_loop3A_287 : i32 to vector<16xi32>
        %parallel_loop3A_289 = arith.addi %parallel_loop3A_286, %parallel_loop3A_288 : vector<16xi32>
        %parallel_loop3A_290 = tpu.vector_load_idx %arg5[%parallel_loop3A_289] : memref<8192xf32, #tpu.memory_space<vmem>>[vector<16xi32>], vector<16xf32>,
        %parallel_loop3A_291 = arith.cmpf olt, %parallel_loop3A_290, %parallel_loop3A_266 : vector<16xf32>
        %parallel_loop3A_292 = arith.select %parallel_loop3A_291, %parallel_loop3A_289, %parallel_loop3A_286 : vector<16xi1>, vector<16xi32>
        %parallel_loop3A_293 = arith.constant 32 : i32
        %parallel_loop3A_294 = vector.broadcast %parallel_loop3A_293 : i32 to vector<16xi32>
        %parallel_loop3A_295 = arith.addi %parallel_loop3A_292, %parallel_loop3A_294 : vector<16xi32>
        %parallel_loop3A_296 = tpu.vector_load_idx %arg5[%parallel_loop3A_295] : memref<8192xf32, #tpu.memory_space<vmem>>[vector<16xi32>], vector<16xf32>,
        %parallel_loop3A_297 = arith.index_cast %parallel_loop3A_263 : i32 to index
        %parallel_loop3A_298 = arith.constant 0 : index
        %parallel_loop3A_299 = tpu.vector_load %arg9[%parallel_loop3A_297, %parallel_loop3A_298] {strides = array<i32>} : memref<128x128xf32, #tpu.memory_space<vmem>>, vector<16xf32>,
        tpu.vector_store %arg9[%parallel_loop3A_297, %parallel_loop3A_298], %parallel_loop3A_296 {strides = array<i32>} : memref<128x128xf32, #tpu.memory_space<vmem>>, vector<16xf32>,
        %parallel_loop3A_300 = arith.index_cast %parallel_loop3A_263 : i32 to index
        %parallel_loop3A_301 = arith.constant 16 : index
        %parallel_loop3A_302 = tpu.vector_load %arg7[%parallel_loop3A_300, %parallel_loop3A_301] {strides = array<i32>} : memref<128x128xf32, #tpu.memory_space<vmem>>, vector<16xf32>,
        %parallel_loop3A_303 = arith.cmpf olt, %gather3A_144, %parallel_loop3A_302 : vector<16xf32>
        %parallel_loop3A_304 = arith.select %parallel_loop3A_303, %add3A_87, %mul3A_45 : vector<16xi1>, vector<16xi32>
        %parallel_loop3A_305 = arith.select %parallel_loop3A_303, %gather3A_176, %gather3A_112 : vector<16xi1>, vector<16xf32>
        %parallel_loop3A_306 = arith.cmpf olt, %parallel_loop3A_305, %parallel_loop3A_302 : vector<16xf32>
        %parallel_loop3A_307 = arith.constant 8 : i32
        %parallel_loop3A_308 = vector.broadcast %parallel_loop3A_307 : i32 to vector<16xi32>
        %parallel_loop3A_309 = arith.addi %parallel_loop3A_304, %parallel_loop3A_308 : vector<16xi32>
        %parallel_loop3A_310 = arith.select %parallel_loop3A_306, %parallel_loop3A_309, %parallel_loop3A_304 : vector<16xi1>, vector<16xi32>
        %parallel_loop3A_311 = arith.constant 4 : i32
        %parallel_loop3A_312 = vector.broadcast %parallel_loop3A_311 : i32 to vector<16xi32>
        %parallel_loop3A_313 = arith.addi %parallel_loop3A_310, %parallel_loop3A_312 : vector<16xi32>
        %parallel_loop3A_314 = tpu.vector_load_idx %arg5[%parallel_loop3A_313] : memref<8192xf32, #tpu.memory_space<vmem>>[vector<16xi32>], vector<16xf32>,
        %parallel_loop3A_315 = arith.cmpf olt, %parallel_loop3A_314, %parallel_loop3A_302 : vector<16xf32>
        %parallel_loop3A_316 = arith.select %parallel_loop3A_315, %parallel_loop3A_313, %parallel_loop3A_310 : vector<16xi1>, vector<16xi32>
        %parallel_loop3A_317 = arith.constant 2 : i32
        %parallel_loop3A_318 = vector.broadcast %parallel_loop3A_317 : i32 to vector<16xi32>
        %parallel_loop3A_319 = arith.addi %parallel_loop3A_316, %parallel_loop3A_318 : vector<16xi32>
        %parallel_loop3A_320 = tpu.vector_load_idx %arg5[%parallel_loop3A_319] : memref<8192xf32, #tpu.memory_space<vmem>>[vector<16xi32>], vector<16xf32>,
        %parallel_loop3A_321 = arith.cmpf olt, %parallel_loop3A_320, %parallel_loop3A_302 : vector<16xf32>
        %parallel_loop3A_322 = arith.select %parallel_loop3A_321, %parallel_loop3A_319, %parallel_loop3A_316 : vector<16xi1>, vector<16xi32>
        %parallel_loop3A_323 = arith.constant 1 : i32
        %parallel_loop3A_324 = vector.broadcast %parallel_loop3A_323 : i32 to vector<16xi32>
        %parallel_loop3A_325 = arith.addi %parallel_loop3A_322, %parallel_loop3A_324 : vector<16xi32>
        %parallel_loop3A_326 = tpu.vector_load_idx %arg5[%parallel_loop3A_325] : memref<8192xf32, #tpu.memory_space<vmem>>[vector<16xi32>], vector<16xf32>,
        %parallel_loop3A_327 = arith.cmpf olt, %parallel_loop3A_326, %parallel_loop3A_302 : vector<16xf32>
        %parallel_loop3A_328 = arith.select %parallel_loop3A_327, %parallel_loop3A_325, %parallel_loop3A_322 : vector<16xi1>, vector<16xi32>
        %parallel_loop3A_329 = arith.constant 32 : i32
        %parallel_loop3A_330 = vector.broadcast %parallel_loop3A_329 : i32 to vector<16xi32>
        %parallel_loop3A_331 = arith.addi %parallel_loop3A_328, %parallel_loop3A_330 : vector<16xi32>
        %parallel_loop3A_332 = tpu.vector_load_idx %arg5[%parallel_loop3A_331] : memref<8192xf32, #tpu.memory_space<vmem>>[vector<16xi32>], vector<16xf32>,
        %parallel_loop3A_333 = arith.index_cast %parallel_loop3A_263 : i32 to index
        %parallel_loop3A_334 = arith.constant 16 : index
        %parallel_loop3A_335 = tpu.vector_load %arg9[%parallel_loop3A_333, %parallel_loop3A_334] {strides = array<i32>} : memref<128x128xf32, #tpu.memory_space<vmem>>, vector<16xf32>,
        tpu.vector_store %arg9[%parallel_loop3A_333, %parallel_loop3A_334], %parallel_loop3A_332 {strides = array<i32>} : memref<128x128xf32, #tpu.memory_space<vmem>>, vector<16xf32>,
        %parallel_loop3A_336 = arith.index_cast %parallel_loop3A_263 : i32 to index
        %parallel_loop3A_337 = arith.constant 32 : index
        %parallel_loop3A_338 = tpu.vector_load %arg7[%parallel_loop3A_336, %parallel_loop3A_337] {strides = array<i32>} : memref<128x128xf32, #tpu.memory_space<vmem>>, vector<16xf32>,
        %parallel_loop3A_339 = arith.cmpf olt, %gather3A_148, %parallel_loop3A_338 : vector<16xf32>
        %parallel_loop3A_340 = arith.select %parallel_loop3A_339, %add3A_90, %mul3A_51 : vector<16xi1>, vector<16xi32>
        %parallel_loop3A_341 = arith.select %parallel_loop3A_339, %gather3A_180, %gather3A_116 : vector<16xi1>, vector<16xf32>
        %parallel_loop3A_342 = arith.cmpf olt, %parallel_loop3A_341, %parallel_loop3A_338 : vector<16xf32>
        %parallel_loop3A_343 = arith.constant 8 : i32
        %parallel_loop3A_344 = vector.broadcast %parallel_loop3A_343 : i32 to vector<16xi32>
        %parallel_loop3A_345 = arith.addi %parallel_loop3A_340, %parallel_loop3A_344 : vector<16xi32>
        %parallel_loop3A_346 = arith.select %parallel_loop3A_342, %parallel_loop3A_345, %parallel_loop3A_340 : vector<16xi1>, vector<16xi32>
        %parallel_loop3A_347 = arith.constant 4 : i32
        %parallel_loop3A_348 = vector.broadcast %parallel_loop3A_347 : i32 to vector<16xi32>
        %parallel_loop3A_349 = arith.addi %parallel_loop3A_346, %parallel_loop3A_348 : vector<16xi32>
        %parallel_loop3A_350 = tpu.vector_load_idx %arg5[%parallel_loop3A_349] : memref<8192xf32, #tpu.memory_space<vmem>>[vector<16xi32>], vector<16xf32>,
        %parallel_loop3A_351 = arith.cmpf olt, %parallel_loop3A_350, %parallel_loop3A_338 : vector<16xf32>
        %parallel_loop3A_352 = arith.select %parallel_loop3A_351, %parallel_loop3A_349, %parallel_loop3A_346 : vector<16xi1>, vector<16xi32>
        %parallel_loop3A_353 = arith.constant 2 : i32
        %parallel_loop3A_354 = vector.broadcast %parallel_loop3A_353 : i32 to vector<16xi32>
        %parallel_loop3A_355 = arith.addi %parallel_loop3A_352, %parallel_loop3A_354 : vector<16xi32>
        %parallel_loop3A_356 = tpu.vector_load_idx %arg5[%parallel_loop3A_355] : memref<8192xf32, #tpu.memory_space<vmem>>[vector<16xi32>], vector<16xf32>,
        %parallel_loop3A_357 = arith.cmpf olt, %parallel_loop3A_356, %parallel_loop3A_338 : vector<16xf32>
        %parallel_loop3A_358 = arith.select %parallel_loop3A_357, %parallel_loop3A_355, %parallel_loop3A_352 : vector<16xi1>, vector<16xi32>
        %parallel_loop3A_359 = arith.constant 1 : i32
        %parallel_loop3A_360 = vector.broadcast %parallel_loop3A_359 : i32 to vector<16xi32>
        %parallel_loop3A_361 = arith.addi %parallel_loop3A_358, %parallel_loop3A_360 : vector<16xi32>
        %parallel_loop3A_362 = tpu.vector_load_idx %arg5[%parallel_loop3A_361] : memref<8192xf32, #tpu.memory_space<vmem>>[vector<16xi32>], vector<16xf32>,
        %parallel_loop3A_363 = arith.cmpf olt, %parallel_loop3A_362, %parallel_loop3A_338 : vector<16xf32>
        %parallel_loop3A_364 = arith.select %parallel_loop3A_363, %parallel_loop3A_361, %parallel_loop3A_358 : vector<16xi1>, vector<16xi32>
        %parallel_loop3A_365 = arith.constant 32 : i32
        %parallel_loop3A_366 = vector.broadcast %parallel_loop3A_365 : i32 to vector<16xi32>
        %parallel_loop3A_367 = arith.addi %parallel_loop3A_364, %parallel_loop3A_366 : vector<16xi32>
        %parallel_loop3A_368 = tpu.vector_load_idx %arg5[%parallel_loop3A_367] : memref<8192xf32, #tpu.memory_space<vmem>>[vector<16xi32>], vector<16xf32>,
        %parallel_loop3A_369 = arith.index_cast %parallel_loop3A_263 : i32 to index
        %parallel_loop3A_370 = arith.constant 32 : index
        %parallel_loop3A_371 = tpu.vector_load %arg9[%parallel_loop3A_369, %parallel_loop3A_370] {strides = array<i32>} : memref<128x128xf32, #tpu.memory_space<vmem>>, vector<16xf32>,
        tpu.vector_store %arg9[%parallel_loop3A_369, %parallel_loop3A_370], %parallel_loop3A_368 {strides = array<i32>} : memref<128x128xf32, #tpu.memory_space<vmem>>, vector<16xf32>,
        %parallel_loop3A_372 = arith.index_cast %parallel_loop3A_263 : i32 to index
        %parallel_loop3A_373 = arith.constant 48 : index
        %parallel_loop3A_374 = tpu.vector_load %arg7[%parallel_loop3A_372, %parallel_loop3A_373] {strides = array<i32>} : memref<128x128xf32, #tpu.memory_space<vmem>>, vector<16xf32>,
        %parallel_loop3A_375 = arith.cmpf olt, %gather3A_152, %parallel_loop3A_374 : vector<16xf32>
        %parallel_loop3A_376 = arith.select %parallel_loop3A_375, %add3A_93, %mul3A_57 : vector<16xi1>, vector<16xi32>
        %parallel_loop3A_377 = arith.select %parallel_loop3A_375, %gather3A_184, %gather3A_120 : vector<16xi1>, vector<16xf32>
        %parallel_loop3A_378 = arith.cmpf olt, %parallel_loop3A_377, %parallel_loop3A_374 : vector<16xf32>
        %parallel_loop3A_379 = arith.constant 8 : i32
        %parallel_loop3A_380 = vector.broadcast %parallel_loop3A_379 : i32 to vector<16xi32>
        %parallel_loop3A_381 = arith.addi %parallel_loop3A_376, %parallel_loop3A_380 : vector<16xi32>
        %parallel_loop3A_382 = arith.select %parallel_loop3A_378, %parallel_loop3A_381, %parallel_loop3A_376 : vector<16xi1>, vector<16xi32>
        %parallel_loop3A_383 = arith.constant 4 : i32
        %parallel_loop3A_384 = vector.broadcast %parallel_loop3A_383 : i32 to vector<16xi32>
        %parallel_loop3A_385 = arith.addi %parallel_loop3A_382, %parallel_loop3A_384 : vector<16xi32>
        %parallel_loop3A_386 = tpu.vector_load_idx %arg5[%parallel_loop3A_385] : memref<8192xf32, #tpu.memory_space<vmem>>[vector<16xi32>], vector<16xf32>,
        %parallel_loop3A_387 = arith.cmpf olt, %parallel_loop3A_386, %parallel_loop3A_374 : vector<16xf32>
        %parallel_loop3A_388 = arith.select %parallel_loop3A_387, %parallel_loop3A_385, %parallel_loop3A_382 : vector<16xi1>, vector<16xi32>
        %parallel_loop3A_389 = arith.constant 2 : i32
        %parallel_loop3A_390 = vector.broadcast %parallel_loop3A_389 : i32 to vector<16xi32>
        %parallel_loop3A_391 = arith.addi %parallel_loop3A_388, %parallel_loop3A_390 : vector<16xi32>
        %parallel_loop3A_392 = tpu.vector_load_idx %arg5[%parallel_loop3A_391] : memref<8192xf32, #tpu.memory_space<vmem>>[vector<16xi32>], vector<16xf32>,
        %parallel_loop3A_393 = arith.cmpf olt, %parallel_loop3A_392, %parallel_loop3A_374 : vector<16xf32>
        %parallel_loop3A_394 = arith.select %parallel_loop3A_393, %parallel_loop3A_391, %parallel_loop3A_388 : vector<16xi1>, vector<16xi32>
        %parallel_loop3A_395 = arith.constant 1 : i32
        %parallel_loop3A_396 = vector.broadcast %parallel_loop3A_395 : i32 to vector<16xi32>
        %parallel_loop3A_397 = arith.addi %parallel_loop3A_394, %parallel_loop3A_396 : vector<16xi32>
        %parallel_loop3A_398 = tpu.vector_load_idx %arg5[%parallel_loop3A_397] : memref<8192xf32, #tpu.memory_space<vmem>>[vector<16xi32>], vector<16xf32>,
        %parallel_loop3A_399 = arith.cmpf olt, %parallel_loop3A_398, %parallel_loop3A_374 : vector<16xf32>
        %parallel_loop3A_400 = arith.select %parallel_loop3A_399, %parallel_loop3A_397, %parallel_loop3A_394 : vector<16xi1>, vector<16xi32>
        %parallel_loop3A_401 = arith.constant 32 : i32
        %parallel_loop3A_402 = vector.broadcast %parallel_loop3A_401 : i32 to vector<16xi32>
        %parallel_loop3A_403 = arith.addi %parallel_loop3A_400, %parallel_loop3A_402 : vector<16xi32>
        %parallel_loop3A_404 = tpu.vector_load_idx %arg5[%parallel_loop3A_403] : memref<8192xf32, #tpu.memory_space<vmem>>[vector<16xi32>], vector<16xf32>,
        %parallel_loop3A_405 = arith.index_cast %parallel_loop3A_263 : i32 to index
        %parallel_loop3A_406 = arith.constant 48 : index
        %parallel_loop3A_407 = tpu.vector_load %arg9[%parallel_loop3A_405, %parallel_loop3A_406] {strides = array<i32>} : memref<128x128xf32, #tpu.memory_space<vmem>>, vector<16xf32>,
        tpu.vector_store %arg9[%parallel_loop3A_405, %parallel_loop3A_406], %parallel_loop3A_404 {strides = array<i32>} : memref<128x128xf32, #tpu.memory_space<vmem>>, vector<16xf32>,
        %parallel_loop3A_408 = arith.index_cast %parallel_loop3A_263 : i32 to index
        %parallel_loop3A_409 = arith.constant 64 : index
        %parallel_loop3A_410 = tpu.vector_load %arg7[%parallel_loop3A_408, %parallel_loop3A_409] {strides = array<i32>} : memref<128x128xf32, #tpu.memory_space<vmem>>, vector<16xf32>,
        %parallel_loop3A_411 = arith.cmpf olt, %gather3A_156, %parallel_loop3A_410 : vector<16xf32>
        %parallel_loop3A_412 = arith.select %parallel_loop3A_411, %add3A_96, %mul3A_63 : vector<16xi1>, vector<16xi32>
        %parallel_loop3A_413 = arith.select %parallel_loop3A_411, %gather3A_188, %gather3A_124 : vector<16xi1>, vector<16xf32>
        %parallel_loop3A_414 = arith.cmpf olt, %parallel_loop3A_413, %parallel_loop3A_410 : vector<16xf32>
        %parallel_loop3A_415 = arith.constant 8 : i32
        %parallel_loop3A_416 = vector.broadcast %parallel_loop3A_415 : i32 to vector<16xi32>
        %parallel_loop3A_417 = arith.addi %parallel_loop3A_412, %parallel_loop3A_416 : vector<16xi32>
        %parallel_loop3A_418 = arith.select %parallel_loop3A_414, %parallel_loop3A_417, %parallel_loop3A_412 : vector<16xi1>, vector<16xi32>
        %parallel_loop3A_419 = arith.constant 4 : i32
        %parallel_loop3A_420 = vector.broadcast %parallel_loop3A_419 : i32 to vector<16xi32>
        %parallel_loop3A_421 = arith.addi %parallel_loop3A_418, %parallel_loop3A_420 : vector<16xi32>
        %parallel_loop3A_422 = tpu.vector_load_idx %arg5[%parallel_loop3A_421] : memref<8192xf32, #tpu.memory_space<vmem>>[vector<16xi32>], vector<16xf32>,
        %parallel_loop3A_423 = arith.cmpf olt, %parallel_loop3A_422, %parallel_loop3A_410 : vector<16xf32>
        %parallel_loop3A_424 = arith.select %parallel_loop3A_423, %parallel_loop3A_421, %parallel_loop3A_418 : vector<16xi1>, vector<16xi32>
        %parallel_loop3A_425 = arith.constant 2 : i32
        %parallel_loop3A_426 = vector.broadcast %parallel_loop3A_425 : i32 to vector<16xi32>
        %parallel_loop3A_427 = arith.addi %parallel_loop3A_424, %parallel_loop3A_426 : vector<16xi32>
        %parallel_loop3A_428 = tpu.vector_load_idx %arg5[%parallel_loop3A_427] : memref<8192xf32, #tpu.memory_space<vmem>>[vector<16xi32>], vector<16xf32>,
        %parallel_loop3A_429 = arith.cmpf olt, %parallel_loop3A_428, %parallel_loop3A_410 : vector<16xf32>
        %parallel_loop3A_430 = arith.select %parallel_loop3A_429, %parallel_loop3A_427, %parallel_loop3A_424 : vector<16xi1>, vector<16xi32>
        %parallel_loop3A_431 = arith.constant 1 : i32
        %parallel_loop3A_432 = vector.broadcast %parallel_loop3A_431 : i32 to vector<16xi32>
        %parallel_loop3A_433 = arith.addi %parallel_loop3A_430, %parallel_loop3A_432 : vector<16xi32>
        %parallel_loop3A_434 = tpu.vector_load_idx %arg5[%parallel_loop3A_433] : memref<8192xf32, #tpu.memory_space<vmem>>[vector<16xi32>], vector<16xf32>,
        %parallel_loop3A_435 = arith.cmpf olt, %parallel_loop3A_434, %parallel_loop3A_410 : vector<16xf32>
        %parallel_loop3A_436 = arith.select %parallel_loop3A_435, %parallel_loop3A_433, %parallel_loop3A_430 : vector<16xi1>, vector<16xi32>
        %parallel_loop3A_437 = arith.constant 32 : i32
        %parallel_loop3A_438 = vector.broadcast %parallel_loop3A_437 : i32 to vector<16xi32>
        %parallel_loop3A_439 = arith.addi %parallel_loop3A_436, %parallel_loop3A_438 : vector<16xi32>
        %parallel_loop3A_440 = tpu.vector_load_idx %arg5[%parallel_loop3A_439] : memref<8192xf32, #tpu.memory_space<vmem>>[vector<16xi32>], vector<16xf32>,
        %parallel_loop3A_441 = arith.index_cast %parallel_loop3A_263 : i32 to index
        %parallel_loop3A_442 = arith.constant 64 : index
        %parallel_loop3A_443 = tpu.vector_load %arg9[%parallel_loop3A_441, %parallel_loop3A_442] {strides = array<i32>} : memref<128x128xf32, #tpu.memory_space<vmem>>, vector<16xf32>,
        tpu.vector_store %arg9[%parallel_loop3A_441, %parallel_loop3A_442], %parallel_loop3A_440 {strides = array<i32>} : memref<128x128xf32, #tpu.memory_space<vmem>>, vector<16xf32>,
        %parallel_loop3A_444 = arith.index_cast %parallel_loop3A_263 : i32 to index
        %parallel_loop3A_445 = arith.constant 80 : index
        %parallel_loop3A_446 = tpu.vector_load %arg7[%parallel_loop3A_444, %parallel_loop3A_445] {strides = array<i32>} : memref<128x128xf32, #tpu.memory_space<vmem>>, vector<16xf32>,
        %parallel_loop3A_447 = arith.cmpf olt, %gather3A_160, %parallel_loop3A_446 : vector<16xf32>
        %parallel_loop3A_448 = arith.select %parallel_loop3A_447, %add3A_99, %mul3A_69 : vector<16xi1>, vector<16xi32>
        %parallel_loop3A_449 = arith.select %parallel_loop3A_447, %gather3A_192, %gather3A_128 : vector<16xi1>, vector<16xf32>
        %parallel_loop3A_450 = arith.cmpf olt, %parallel_loop3A_449, %parallel_loop3A_446 : vector<16xf32>
        %parallel_loop3A_451 = arith.constant 8 : i32
        %parallel_loop3A_452 = vector.broadcast %parallel_loop3A_451 : i32 to vector<16xi32>
        %parallel_loop3A_453 = arith.addi %parallel_loop3A_448, %parallel_loop3A_452 : vector<16xi32>
        %parallel_loop3A_454 = arith.select %parallel_loop3A_450, %parallel_loop3A_453, %parallel_loop3A_448 : vector<16xi1>, vector<16xi32>
        %parallel_loop3A_455 = arith.constant 4 : i32
        %parallel_loop3A_456 = vector.broadcast %parallel_loop3A_455 : i32 to vector<16xi32>
        %parallel_loop3A_457 = arith.addi %parallel_loop3A_454, %parallel_loop3A_456 : vector<16xi32>
        %parallel_loop3A_458 = tpu.vector_load_idx %arg5[%parallel_loop3A_457] : memref<8192xf32, #tpu.memory_space<vmem>>[vector<16xi32>], vector<16xf32>,
        %parallel_loop3A_459 = arith.cmpf olt, %parallel_loop3A_458, %parallel_loop3A_446 : vector<16xf32>
        %parallel_loop3A_460 = arith.select %parallel_loop3A_459, %parallel_loop3A_457, %parallel_loop3A_454 : vector<16xi1>, vector<16xi32>
        %parallel_loop3A_461 = arith.constant 2 : i32
        %parallel_loop3A_462 = vector.broadcast %parallel_loop3A_461 : i32 to vector<16xi32>
        %parallel_loop3A_463 = arith.addi %parallel_loop3A_460, %parallel_loop3A_462 : vector<16xi32>
        %parallel_loop3A_464 = tpu.vector_load_idx %arg5[%parallel_loop3A_463] : memref<8192xf32, #tpu.memory_space<vmem>>[vector<16xi32>], vector<16xf32>,
        %parallel_loop3A_465 = arith.cmpf olt, %parallel_loop3A_464, %parallel_loop3A_446 : vector<16xf32>
        %parallel_loop3A_466 = arith.select %parallel_loop3A_465, %parallel_loop3A_463, %parallel_loop3A_460 : vector<16xi1>, vector<16xi32>
        %parallel_loop3A_467 = arith.constant 1 : i32
        %parallel_loop3A_468 = vector.broadcast %parallel_loop3A_467 : i32 to vector<16xi32>
        %parallel_loop3A_469 = arith.addi %parallel_loop3A_466, %parallel_loop3A_468 : vector<16xi32>
        %parallel_loop3A_470 = tpu.vector_load_idx %arg5[%parallel_loop3A_469] : memref<8192xf32, #tpu.memory_space<vmem>>[vector<16xi32>], vector<16xf32>,
        %parallel_loop3A_471 = arith.cmpf olt, %parallel_loop3A_470, %parallel_loop3A_446 : vector<16xf32>
        %parallel_loop3A_472 = arith.select %parallel_loop3A_471, %parallel_loop3A_469, %parallel_loop3A_466 : vector<16xi1>, vector<16xi32>
        %parallel_loop3A_473 = arith.constant 32 : i32
        %parallel_loop3A_474 = vector.broadcast %parallel_loop3A_473 : i32 to vector<16xi32>
        %parallel_loop3A_475 = arith.addi %parallel_loop3A_472, %parallel_loop3A_474 : vector<16xi32>
        %parallel_loop3A_476 = tpu.vector_load_idx %arg5[%parallel_loop3A_475] : memref<8192xf32, #tpu.memory_space<vmem>>[vector<16xi32>], vector<16xf32>,
        %parallel_loop3A_477 = arith.index_cast %parallel_loop3A_263 : i32 to index
        %parallel_loop3A_478 = arith.constant 80 : index
        %parallel_loop3A_479 = tpu.vector_load %arg9[%parallel_loop3A_477, %parallel_loop3A_478] {strides = array<i32>} : memref<128x128xf32, #tpu.memory_space<vmem>>, vector<16xf32>,
        tpu.vector_store %arg9[%parallel_loop3A_477, %parallel_loop3A_478], %parallel_loop3A_476 {strides = array<i32>} : memref<128x128xf32, #tpu.memory_space<vmem>>, vector<16xf32>,
        %parallel_loop3A_480 = arith.index_cast %parallel_loop3A_263 : i32 to index
        %parallel_loop3A_481 = arith.constant 96 : index
        %parallel_loop3A_482 = tpu.vector_load %arg7[%parallel_loop3A_480, %parallel_loop3A_481] {strides = array<i32>} : memref<128x128xf32, #tpu.memory_space<vmem>>, vector<16xf32>,
        %parallel_loop3A_483 = arith.cmpf olt, %gather3A_164, %parallel_loop3A_482 : vector<16xf32>
        %parallel_loop3A_484 = arith.select %parallel_loop3A_483, %add3A_102, %mul3A_75 : vector<16xi1>, vector<16xi32>
        %parallel_loop3A_485 = arith.select %parallel_loop3A_483, %gather3A_196, %gather3A_132 : vector<16xi1>, vector<16xf32>
        %parallel_loop3A_486 = arith.cmpf olt, %parallel_loop3A_485, %parallel_loop3A_482 : vector<16xf32>
        %parallel_loop3A_487 = arith.constant 8 : i32
        %parallel_loop3A_488 = vector.broadcast %parallel_loop3A_487 : i32 to vector<16xi32>
        %parallel_loop3A_489 = arith.addi %parallel_loop3A_484, %parallel_loop3A_488 : vector<16xi32>
        %parallel_loop3A_490 = arith.select %parallel_loop3A_486, %parallel_loop3A_489, %parallel_loop3A_484 : vector<16xi1>, vector<16xi32>
        %parallel_loop3A_491 = arith.constant 4 : i32
        %parallel_loop3A_492 = vector.broadcast %parallel_loop3A_491 : i32 to vector<16xi32>
        %parallel_loop3A_493 = arith.addi %parallel_loop3A_490, %parallel_loop3A_492 : vector<16xi32>
        %parallel_loop3A_494 = tpu.vector_load_idx %arg5[%parallel_loop3A_493] : memref<8192xf32, #tpu.memory_space<vmem>>[vector<16xi32>], vector<16xf32>,
        %parallel_loop3A_495 = arith.cmpf olt, %parallel_loop3A_494, %parallel_loop3A_482 : vector<16xf32>
        %parallel_loop3A_496 = arith.select %parallel_loop3A_495, %parallel_loop3A_493, %parallel_loop3A_490 : vector<16xi1>, vector<16xi32>
        %parallel_loop3A_497 = arith.constant 2 : i32
        %parallel_loop3A_498 = vector.broadcast %parallel_loop3A_497 : i32 to vector<16xi32>
        %parallel_loop3A_499 = arith.addi %parallel_loop3A_496, %parallel_loop3A_498 : vector<16xi32>
        %parallel_loop3A_500 = tpu.vector_load_idx %arg5[%parallel_loop3A_499] : memref<8192xf32, #tpu.memory_space<vmem>>[vector<16xi32>], vector<16xf32>,
        %parallel_loop3A_501 = arith.cmpf olt, %parallel_loop3A_500, %parallel_loop3A_482 : vector<16xf32>
        %parallel_loop3A_502 = arith.select %parallel_loop3A_501, %parallel_loop3A_499, %parallel_loop3A_496 : vector<16xi1>, vector<16xi32>
        %parallel_loop3A_503 = arith.constant 1 : i32
        %parallel_loop3A_504 = vector.broadcast %parallel_loop3A_503 : i32 to vector<16xi32>
        %parallel_loop3A_505 = arith.addi %parallel_loop3A_502, %parallel_loop3A_504 : vector<16xi32>
        %parallel_loop3A_506 = tpu.vector_load_idx %arg5[%parallel_loop3A_505] : memref<8192xf32, #tpu.memory_space<vmem>>[vector<16xi32>], vector<16xf32>,
        %parallel_loop3A_507 = arith.cmpf olt, %parallel_loop3A_506, %parallel_loop3A_482 : vector<16xf32>
        %parallel_loop3A_508 = arith.select %parallel_loop3A_507, %parallel_loop3A_505, %parallel_loop3A_502 : vector<16xi1>, vector<16xi32>
        %parallel_loop3A_509 = arith.constant 32 : i32
        %parallel_loop3A_510 = vector.broadcast %parallel_loop3A_509 : i32 to vector<16xi32>
        %parallel_loop3A_511 = arith.addi %parallel_loop3A_508, %parallel_loop3A_510 : vector<16xi32>
        %parallel_loop3A_512 = tpu.vector_load_idx %arg5[%parallel_loop3A_511] : memref<8192xf32, #tpu.memory_space<vmem>>[vector<16xi32>], vector<16xf32>,
        %parallel_loop3A_513 = arith.index_cast %parallel_loop3A_263 : i32 to index
        %parallel_loop3A_514 = arith.constant 96 : index
        %parallel_loop3A_515 = tpu.vector_load %arg9[%parallel_loop3A_513, %parallel_loop3A_514] {strides = array<i32>} : memref<128x128xf32, #tpu.memory_space<vmem>>, vector<16xf32>,
        tpu.vector_store %arg9[%parallel_loop3A_513, %parallel_loop3A_514], %parallel_loop3A_512 {strides = array<i32>} : memref<128x128xf32, #tpu.memory_space<vmem>>, vector<16xf32>,
        %parallel_loop3A_516 = arith.index_cast %parallel_loop3A_263 : i32 to index
        %parallel_loop3A_517 = arith.constant 112 : index
        %parallel_loop3A_518 = tpu.vector_load %arg7[%parallel_loop3A_516, %parallel_loop3A_517] {strides = array<i32>} : memref<128x128xf32, #tpu.memory_space<vmem>>, vector<16xf32>,
        %parallel_loop3A_519 = arith.cmpf olt, %gather3A_168, %parallel_loop3A_518 : vector<16xf32>
        %parallel_loop3A_520 = arith.select %parallel_loop3A_519, %add3A_105, %mul3A_81 : vector<16xi1>, vector<16xi32>
        %parallel_loop3A_521 = arith.select %parallel_loop3A_519, %gather3A_200, %gather3A_136 : vector<16xi1>, vector<16xf32>
        %parallel_loop3A_522 = arith.cmpf olt, %parallel_loop3A_521, %parallel_loop3A_518 : vector<16xf32>
        %parallel_loop3A_523 = arith.constant 8 : i32
        %parallel_loop3A_524 = vector.broadcast %parallel_loop3A_523 : i32 to vector<16xi32>
        %parallel_loop3A_525 = arith.addi %parallel_loop3A_520, %parallel_loop3A_524 : vector<16xi32>
        %parallel_loop3A_526 = arith.select %parallel_loop3A_522, %parallel_loop3A_525, %parallel_loop3A_520 : vector<16xi1>, vector<16xi32>
        %parallel_loop3A_527 = arith.constant 4 : i32
        %parallel_loop3A_528 = vector.broadcast %parallel_loop3A_527 : i32 to vector<16xi32>
        %parallel_loop3A_529 = arith.addi %parallel_loop3A_526, %parallel_loop3A_528 : vector<16xi32>
        %parallel_loop3A_530 = tpu.vector_load_idx %arg5[%parallel_loop3A_529] : memref<8192xf32, #tpu.memory_space<vmem>>[vector<16xi32>], vector<16xf32>,
        %parallel_loop3A_531 = arith.cmpf olt, %parallel_loop3A_530, %parallel_loop3A_518 : vector<16xf32>
        %parallel_loop3A_532 = arith.select %parallel_loop3A_531, %parallel_loop3A_529, %parallel_loop3A_526 : vector<16xi1>, vector<16xi32>
        %parallel_loop3A_533 = arith.constant 2 : i32
        %parallel_loop3A_534 = vector.broadcast %parallel_loop3A_533 : i32 to vector<16xi32>
        %parallel_loop3A_535 = arith.addi %parallel_loop3A_532, %parallel_loop3A_534 : vector<16xi32>
        %parallel_loop3A_536 = tpu.vector_load_idx %arg5[%parallel_loop3A_535] : memref<8192xf32, #tpu.memory_space<vmem>>[vector<16xi32>], vector<16xf32>,
        %parallel_loop3A_537 = arith.cmpf olt, %parallel_loop3A_536, %parallel_loop3A_518 : vector<16xf32>
        %parallel_loop3A_538 = arith.select %parallel_loop3A_537, %parallel_loop3A_535, %parallel_loop3A_532 : vector<16xi1>, vector<16xi32>
        %parallel_loop3A_539 = arith.constant 1 : i32
        %parallel_loop3A_540 = vector.broadcast %parallel_loop3A_539 : i32 to vector<16xi32>
        %parallel_loop3A_541 = arith.addi %parallel_loop3A_538, %parallel_loop3A_540 : vector<16xi32>
        %parallel_loop3A_542 = tpu.vector_load_idx %arg5[%parallel_loop3A_541] : memref<8192xf32, #tpu.memory_space<vmem>>[vector<16xi32>], vector<16xf32>,
        %parallel_loop3A_543 = arith.cmpf olt, %parallel_loop3A_542, %parallel_loop3A_518 : vector<16xf32>
        %parallel_loop3A_544 = arith.select %parallel_loop3A_543, %parallel_loop3A_541, %parallel_loop3A_538 : vector<16xi1>, vector<16xi32>
        %parallel_loop3A_545 = arith.constant 32 : i32
        %parallel_loop3A_546 = vector.broadcast %parallel_loop3A_545 : i32 to vector<16xi32>
        %parallel_loop3A_547 = arith.addi %parallel_loop3A_544, %parallel_loop3A_546 : vector<16xi32>
        %parallel_loop3A_548 = tpu.vector_load_idx %arg5[%parallel_loop3A_547] : memref<8192xf32, #tpu.memory_space<vmem>>[vector<16xi32>], vector<16xf32>,
        %parallel_loop3A_549 = arith.index_cast %parallel_loop3A_263 : i32 to index
        %parallel_loop3A_550 = arith.constant 112 : index
        %parallel_loop3A_551 = tpu.vector_load %arg9[%parallel_loop3A_549, %parallel_loop3A_550] {strides = array<i32>} : memref<128x128xf32, #tpu.memory_space<vmem>>, vector<16xf32>,
        tpu.vector_store %arg9[%parallel_loop3A_549, %parallel_loop3A_550], %parallel_loop3A_548 {strides = array<i32>} : memref<128x128xf32, #tpu.memory_space<vmem>>, vector<16xf32>,
      } {sc.loop_unroll_factor = 4 : i64, sc.parallel_access}
      %mul3A_253 = arith.constant 128 : i32
      %mul3A_254 = arith.muli %add3A_239, %mul3A_253 : i32
      %add3A_255 = arith.addi %mul3A_22, %mul3A_254 : i32
      %dma_start3A_256 = tpu.memref_slice %arg4[%add3A_255, %mul3A_20] : memref<16384x2048xf32, #tpu.memory_space<hbm>> -> memref<128x128xf32, #tpu.memory_space<hbm>>
      %dma_start3A_257 = tpu.memref_slice %arg4[%add3A_255, %mul3A_20] : memref<16384x2048xf32, #tpu.memory_space<hbm>> -> memref<128x128xf32, #tpu.memory_space<hbm>>
      tpu.enqueue_dma source(%arg9 : memref<128x128xf32, #tpu.memory_space<vmem>>) target(%dma_start3A_257 : memref<128x128xf32, #tpu.memory_space<hbm>>) target_semaphore(%arg13 : memref<!tpu.dma_semaphore, #tpu.memory_space<semaphore_mem>>)
      %lt3A_258 = arith.constant 31 : i32
      %lt3A_259 = arith.cmpi slt, %scan3A_213, %lt3A_258 : i32
      %convert_element_type3A_260 = arith.extui %lt3A_259 : i1 to i32
      %cond3A_261 = arith.constant 0 : i32
      %cond3A_262 = arith.cmpi ne, %convert_element_type3A_260, %cond3A_261 : i32
      scf.if %cond3A_262 {
        %add3A_263 = arith.constant 2 : i32
        %add3A_264 = arith.addi %add3A_239, %add3A_263 : i32
        %mul3A_265 = arith.constant 128 : i32
        %mul3A_266 = arith.muli %add3A_264, %mul3A_265 : i32
        %add3A_267 = arith.addi %mul3A_22, %mul3A_266 : i32
        %dma_start3A_268 = tpu.memref_slice %arg2[%add3A_267, %mul3A_20] : memref<16384x2048xf32, #tpu.memory_space<hbm>> -> memref<128x128xf32, #tpu.memory_space<hbm>>
        %dma_start3A_269 = tpu.memref_slice %arg2[%add3A_267, %mul3A_20] : memref<16384x2048xf32, #tpu.memory_space<hbm>> -> memref<128x128xf32, #tpu.memory_space<hbm>>
        tpu.enqueue_dma source(%dma_start3A_269 : memref<128x128xf32, #tpu.memory_space<hbm>>) target(%arg7 : memref<128x128xf32, #tpu.memory_space<vmem>>) target_semaphore(%arg11 : memref<!tpu.dma_semaphore, #tpu.memory_space<semaphore_mem>>)
      } else {
      }
    }
    %scan3A_205 = arith.constant 32 : i32
    %add3A_206 = arith.constant 7936 : i32
    %add3A_207 = arith.addi %mul3A_22, %add3A_206 : i32
    %dma_wait3A = tpu.memref_slice %arg4[%add3A_207, %mul3A_20] : memref<16384x2048xf32, #tpu.memory_space<hbm>> -> memref<128x128xf32, #tpu.memory_space<hbm>>
    %dma_wait3A_208 = tpu.memref_slice %arg4[%add3A_207, %mul3A_20] : memref<16384x2048xf32, #tpu.memory_space<hbm>> -> memref<128x128xf32, #tpu.memory_space<hbm>>
    tpu.wait_dma2 semaphore(%arg12 : memref<!tpu.dma_semaphore, #tpu.memory_space<semaphore_mem>>) src(%arg8 : memref<128x128xf32, #tpu.memory_space<vmem>>) dst(%dma_wait3A_208 : memref<128x128xf32, #tpu.memory_space<hbm>>)
    %add3A_209 = arith.constant 8064 : i32
    %add3A_210 = arith.addi %mul3A_22, %add3A_209 : i32
    %dma_wait3A_211 = tpu.memref_slice %arg4[%add3A_210, %mul3A_20] : memref<16384x2048xf32, #tpu.memory_space<hbm>> -> memref<128x128xf32, #tpu.memory_space<hbm>>
    %dma_wait3A_212 = tpu.memref_slice %arg4[%add3A_210, %mul3A_20] : memref<16384x2048xf32, #tpu.memory_space<hbm>> -> memref<128x128xf32, #tpu.memory_space<hbm>>
    tpu.wait_dma2 semaphore(%arg13 : memref<!tpu.dma_semaphore, #tpu.memory_space<semaphore_mem>>) src(%arg9 : memref<128x128xf32, #tpu.memory_space<vmem>>) dst(%dma_wait3A_212 : memref<128x128xf32, #tpu.memory_space<hbm>>)
    return
  }
}

</mosaic_0001>

<sc_bundles>
// kernel: kernel.3.cloned.1.call-start
scs
__scs_entry_jumppad:
0x0: {  	(pc) =	sbr.rel $0x88, $3  }
0x1: {  	(tag) =	ssettag $0x0;
	lr =	simm.s32 $0x1  }
0x2: {  	[smem:$0x3F9E] =	sst lr;
	_ =	strace $0xD0000000  }
0x3: {  	_ = 	snop  }
0x4: {  	_ = 	snop  }
0x5: {  	_ = 	snop  }
0x6: {  	_ = 	snop  }
0x7: {  	_ = 	snop  }
__scs_overlays_trampoline_lowered:
0x8: {  	[smem:$0x3FAD] =	sst s0  }
0x9: {  	[smem:$0x3FAE] =	sst s1  }
0xa: {  	[smem:$0x3FAF] =	sst s2  }
0xb: {  	[smem:$0x3FB0] =	sst s3  }
0xc: {  	[smem:$0x3FB1] =	sst s4  }
0xd: {  	[smem:$0x3FB2] =	sst s5  }
0xe: {  	[smem:$0x3FB3] =	sst s6  }
0xf: {  	[smem:$0x3FB4] =	sst s7  }
0x10: {  	[smem:$0x3FB5] =	sst s8  }
0x11: {  	[smem:$0x3FB6] =	sst s9;
	s0 =	simm.s32 @!p0 $0x0  }
0x12: {  	s1 =	sld [smem:$0x3F9C];
	s0 =	simm.s32 @p0 $0x1  }
0x13: {  	[smem:$0x3FB7] =	sst s0;
	s0 =	simm.s32 @!p1 $0x0  }
0x14: {  	s2 =	sld [smem:$0x3F9B];
	s0 =	simm.s32 @p1 $0x1  }
0x15: {  	[smem:$0x3FB8] =	sst s0;
	s0 =	simm.s32 @!p2 $0x0  }
0x16: {  	s3 =	sld [smem:$0x3FDB];
	s0 =	simm.s32 @p2 $0x1  }
0x17: {  	s4 =	simm.s32 $0x1BF5;
	[smem:$0x3FBA] =	sst s0  }
0x18: {  	s0 =	sld [smem:$0x3F9D];
	_ =	swait.ge [sflag:s4], $0x0  }
0x19: {  	s7 =	sld [smem:$0x3F9E]  }
0x1a: {  	s8 =	sadd.s32 $0xFFFFE003, lr  }
0x1b: {  	s9 =	sadd.s32 $0xFFFFFEF7, lr;
	s5 =	simm.s32 $0xFFFFFFFF;
	p2 =	slt.u32 s8, $0xFFFFF086  }
0x1c: {  	p1 =	slt.u32 s9, $0xF7A;
	s5 =	simm.s32 @!p2 $0x0  }
0x1d: {  	s5 =	simm.s32 @p1 $0x1;
	p0 =	seq.s32 s7, s2  }
0x1e: {  	s7 =	smul.u32 @!p0 $0xF7A, s2;
	p2 =	seq.s32 @!p0 s5, $0x0  }
0x1f: {  	s9 =	smul.u32 $0xF7A, s1;
	s8 =	simm.s32 @!p0 $0x1BF5;
	p2 =	por !p2, p0  }
0x20: {  	[sflag:s8] =	ssyncset.s32 @!p0 $0xFFFFF086;
	s6 =	sadd.s32 @!p0 s3, s7;
	s7 =	simm.s32 @!p0 $0x108  }
0x21: {  	s3 =	sadd.s32 s3, s9;
	s6 =	sadd.s32 @!p0 $0x88, s6;
	s7 =	simm.s32 @p2 $0x1082  }
0x22: {  	[simem:s7], [sflag:s8] =	dma.local @!p0 [hbm:s6], $0xF7A  }
0x23: {  	s9 =	sor.u32 $0xD0000000, s2;
	s6 =	simm.s32 $0x108;
	_ =	swait.ge @!p0 [sflag:s8], $0x0  }
0x24: {  	s3 =	sadd.s32 $0x88, s3;
	s6 =	simm.s32 @!p1 $0x1082;
	[sflag:s4] =	ssyncset.s32 $0xFFFFF086  }
0x25: {  	[simem:s6], [sflag:s4] =	dma.local [hbm:s3], $0xF7A  }
0x26: {  	[smem:$0x3F9E] =	sst s1;
	(tag) =	ssettag s2;
	_ =	strace s9  }
0x27: {  	s1 =	sld [smem:$0x3FAE]  }
0x28: {  	s2 =	sld [smem:$0x3FAF]  }
0x29: {  	s4 =	sld [smem:$0x3FB1]  }
0x2a: {  	p0 =	seq.s32 s5, $0x0;
	s5 =	sld [smem:$0x3FB2]  }
0x2b: {  	s6 =	sld [smem:$0x3FB3]  }
0x2c: {  	s7 =	sld [smem:$0x3FB4]  }
0x2d: {  	s3 =	simm.s32 $0x108;
	s8 =	sld [smem:$0x3FB5]  }
0x2e: {  	s3 =	simm.s32 @!p0 $0x1082;
	s9 =	sld [smem:$0x3FB6]  }
0x2f: {  	lr =	sadd.s32 s0, s3;
	s0 =	sld [smem:$0x3FAD]  }
0x30: {  	s3 =	sld [smem:$0x3FB0]  }
0x31: {  	[smem:$0x3FB9] =	sst s10  }
0x32: {  	s10 =	sld [smem:$0x3FB7];
	_ =	sdelay $0x3  }
0x33: {  	p0 =	seq.s32 s10, $0x1;
	s10 =	sld [smem:$0x3FB9];
	_ =	sdelay $0x3  }
0x34: {  	[smem:$0x3FB9] =	sst s10  }
0x35: {  	s10 =	sld [smem:$0x3FB8];
	_ =	sdelay $0x3  }
0x36: {  	p1 =	seq.s32 s10, $0x1;
	s10 =	sld [smem:$0x3FB9];
	_ =	sdelay $0x3  }
0x37: {  	[smem:$0x3FB9] =	sst s10  }
0x38: {  	s10 =	sld [smem:$0x3FBA]  }
0x39: {  	_ = 	snop;
	(pc) =	sbr.ind lr, $3  }
0x3a: {  	_ = 	snop  }
0x3b: {  	_ = 	snop  }
0x3c: {  	p2 =	seq.s32 s10, $0x1;
	s10 =	sld [smem:$0x3FB9]  }
0x3d: {  	_ =	shalt  }
0x3e: {  	_ =	shalt  }
0x3f: {  	_ =	shalt  }
0x40: {  	_ =	shalt  }
0x41: {  	_ =	shalt  }
0x42: {  	_ =	shalt  }
0x43: {  	_ =	shalt  }
0x44: {  	_ =	shalt  }
0x45: {  	_ =	shalt  }
0x46: {  	_ =	shalt  }
0x47: {  	_ =	shalt  }
0x48: {  	_ =	shalt  }
0x49: {  	_ =	shalt  }
0x4a: {  	_ =	shalt  }
0x4b: {  	_ =	shalt  }
0x4c: {  	_ =	shalt  }
0x4d: {  	_ =	shalt  }
0x4e: {  	_ =	shalt  }
0x4f: {  	_ =	shalt  }
0x50: {  	_ =	shalt  }
0x51: {  	_ =	shalt  }
0x52: {  	_ =	shalt  }
0x53: {  	_ =	shalt  }
0x54: {  	_ =	shalt  }
0x55: {  	_ =	shalt  }
0x56: {  	_ =	shalt  }
0x57: {  	_ =	shalt  }
0x58: {  	_ =	shalt  }
0x59: {  	_ =	shalt  }
0x5a: {  	_ =	shalt  }
0x5b: {  	_ =	shalt  }
0x5c: {  	_ =	shalt  }
0x5d: {  	_ =	shalt  }
0x5e: {  	_ =	shalt  }
0x5f: {  	_ =	shalt  }
0x60: {  	_ =	shalt  }
0x61: {  	_ =	shalt  }
0x62: {  	_ =	shalt  }
0x63: {  	_ =	shalt  }
0x64: {  	_ =	shalt  }
0x65: {  	_ =	shalt  }
0x66: {  	_ =	shalt  }
0x67: {  	_ =	shalt  }
0x68: {  	_ =	shalt  }
0x69: {  	_ =	shalt  }
0x6a: {  	_ =	shalt  }
0x6b: {  	_ =	shalt  }
0x6c: {  	_ =	shalt  }
0x6d: {  	_ =	shalt  }
0x6e: {  	_ =	shalt  }
0x6f: {  	_ =	shalt  }
0x70: {  	_ =	shalt  }
0x71: {  	_ =	shalt  }
0x72: {  	_ =	shalt  }
0x73: {  	_ =	shalt  }
0x74: {  	_ =	shalt  }
0x75: {  	_ =	shalt  }
0x76: {  	_ =	shalt  }
0x77: {  	_ =	shalt  }
0x78: {  	_ =	shalt  }
0x79: {  	_ =	shalt  }
0x7a: {  	_ =	shalt  }
0x7b: {  	_ =	shalt  }
0x7c: {  	_ =	shalt  }
0x7d: {  	_ =	shalt  }
0x7e: {  	_ =	shalt  }
0x7f: {  	_ =	shalt  }
0x80: {  	_ =	shalt  }
0x81: {  	_ =	shalt  }
0x82: {  	_ =	shalt  }
0x83: {  	_ =	shalt  }
0x84: {  	_ =	shalt  }
0x85: {  	_ =	shalt  }
0x86: {  	_ =	shalt  }
0x87: {  	_ =	shalt  }
.Lfunc_end0:
.L_simem_size_0:
called_computation_lowered:
.L_overlay_start_0:
0x88: {  	s2 =	sld [smem:$0x3FD9]  }
0x89: {  	s3 =	sld [smem:$0x3FFE];
	_ =	sdelay $0x1  }
0x8a: {  	s1 =	srdreg.scid  }
0x8b: {  	s0 =	sand.u32 $0x1, s1  }
0x8c: {  	s17 =	sshll.u32 s0, $0xA;
	s2 =	sadd.s32 s3, s2  }
0x8d: {  	s2 =	sadd.s32 s2, s17  }
0x8e: {  	[smem:$0x3FC5] =	sst s2  }
0x8f: {  	_ = 	snop  }
0x90: {  	s2 =	sld [smem:$0x3FC9]  }
0x91: {  	s18 =	sld [smem:$0x3FD0];
	(tm) =	ssettm $0x1  }
0x92: {  	s4 =	sld [smem:$0x3FFB];
	_ =	sdelay $0x3  }
0x93: {  	_ =	strace s4  }
0x94: {  	s4 =	sld [smem:$0x3FFC];
	_ =	sdelay $0x3  }
0x95: {  	_ =	strace s4  }
0x96: {  	s4 =	sld [smem:$0x3FFD];
	_ =	sdelay $0x3  }
0x97: {  	_ =	strace s4  }
0x98: {  	_ =	strace $0x8FFFFFFF  }
0x99: {  	s19 =	sld [smem:$0x3FDB];
	_ =	sdelay $0x1  }
0x9a: {  	s5 =	simm.s32 $_scs_section_size  }
0x9b: {  	s6 =	simm.s32 $_size__tile_overlayer_lowered;
	s7 =	simm.s32 $_tile_overlayer_lowered  }
0x9c: {  	s22 =	simm.s32 $0x1BFF;
	s21 =	sshll.u32 s7, $0x1;
	s4 =	sadd.s32 s5, s19  }
0x9d: {  	s8 =	simm.s32 $0x0;
	s20 =	sshll.u32 s6, $0x1;
	s6 =	sadd.s32 s21, s4  }
0x9e: {  	[timem:s8], [sflag:s22] =	dma.local [hbm:s6], s20  }
0x9f: {  	_ =	swait.ge [sflag:s22], s20  }
0xa0: {  	s5 =	ssub.s32 $0x0, s20;
	[sflag:s22] =	ssyncset.done $0x0  }
0xa1: {  	[sflag:s22] =	ssyncadd.s32 s5;
	_ =	sdelay $0x1  }
0xa2: {  	s23 =	simm.s32 $0x1B8B  }
0xa3: {  	_ =	swait.ge [sflag:s23], $0x1  }
0xa4: {  	[sflag:s23] =	ssyncset.done $0x0  }
0xa5: {  	s25 =	simm.s32 $0x1B8E;
	s24 =	sld [smem:$0x3FFE];
	[sflag:s23] =	ssyncadd.s32 $0xFFFFFFFF  }
0xa6: {  	s26 =	simm.s32 $execute0_lowered;
	[smem:$0x3FD2] =	sst s25  }
0xa7: {  	s6 =	sshll.u32 s26, $0x1;
	_ =	strace $0x80000046;
	[dreg:$0x1] =	wrdreg $0xFFFFFFFF  }
0xa8: {  	s28 =	simm.s32 $_size_execute0_lowered;
	s4 =	sadd.s32 s4, s6;
	[dreg:$0x0] =	wrdreg $0x0  }
0xa9: {  	s6 =	sshll.u32 s28, $0x1;
	[dreg:$0x2] =	wrdreg s4  }
0xaa: {  	[dreg:$0x3] =	wrdreg s6  }
0xab: {  	[dreg:$0x4] =	wrdreg $0xC0  }
0xac: {  	_ =	task [dreg:s8], $0x5FFFF  }
0xad: {  	[dreg:$0x1] =	wrdreg $0xFFFFFFFF  }
0xae: {  	[dreg:$0x0] =	wrdreg $0x60  }
0xaf: {  	[dreg:$0x2] =	wrdreg s2  }
0xb0: {  	[dreg:$0x3] =	wrdreg s24  }
0xb1: {  	[dreg:$0x4] =	wrdreg s18  }
0xb2: {  	[dreg:$0x5] =	wrdreg $0x9  }
0xb3: {  	_ =	task.clear_ibuf [dreg:s8], $0x6FFFF;
	_ =	strace $0x90000046  }
0xb4: {  	s29 =	simm.s32 $0x9;
	_ =	strace $0x80000048  }
0xb5: {  	_ =	swait.ge [sflag:s29], $0x1  }
0xb6: {  	[sflag:s29] =	ssyncadd.s32 $0xFFFFFFFF  }
0xb7: {  	_ =	strace $0x90000048  }
0xb8: {  	_ =	sfence  }
0xb9: {  	s30 =	sld [smem:$0x0];
	_ =	sdelay $0x2  }
0xba: {  	s31 =	sshll.u32 s1, $0xD;
	s1 =	sshrl.u32 s1, $0x2  }
0xbb: {  	s3 =	sand.u32 $0x4000, s31;
	s1 =	sadd.s32 s1, s30  }
0xbc: {  	s0 =	sor.u32 s3, s0;
	s1 =	sshll.u32 s1, $0x11  }
0xbd: {  	s0 =	sor.u32 s1, s0  }
0xbe: {  	s0 =	sadd.s32 $0x8F2B, s0  }
0xbf: {  	[sflag:s0] =	ssyncadd.remote.s32 $0x1  }
0xc0: {  	_ =	sfence.sel $0xFFFF  }
0xc1: {  	[dreg:$0x0] =	wrdreg $0xFFFFFFFF;
	(pc) =	sbr.abs _section_cstart, $3  }
0xc2: {  	[dreg:$0x1] =	wrdreg $0xFFFFFFFF  }
0xc3: {  	_ =	task.clear_ibuf [dreg:s8], $0x2FFFF;
	_ =	strace $0x9FFFFFFF  }
0xc4: {  	(tm) =	ssettm $0x7FFFFFFF  }
0xc5: {  	_ =	shalt  }
tec
execute0_lowered:
.L_overlay_start_1:
0x0: {  	(tag) =	ssettag $0x1  }
0x1: {  	v0 =	vlaneseq.u32  }
0x2: {  	v8 =	vmul.u32 $0x40, v0;
	_ =	sdelay $0x1  }
0x3: {  	v1 =	vor.u32 $0x8, v8  }
0x4: {  	[tilespmem:$0x1FD80] =	vst v1;
	v1 =	vor.u32 $0x408, v8  }
0x5: {  	[tilespmem:$0x1FD90] =	vst v1;
	v1 =	vor.u32 $0x808, v8  }
0x6: {  	[tilespmem:$0x1FDA0] =	vst v1;
	v1 =	vor.u32 $0xC08, v8  }
0x7: {  	[tilespmem:$0x1FDB0] =	vst v1;
	v1 =	vor.u32 $0x1008, v8  }
0x8: {  	[tilespmem:$0x1FDC0] =	vst v1;
	v1 =	vor.u32 $0x1408, v8  }
0x9: {  	[tilespmem:$0x1FDD0] =	vst v1;
	v1 =	vor.u32 $0x1808, v8  }
0xa: {  	[tilespmem:$0x1FDE0] =	vst v1;
	v1 =	vor.u32 $0x1C08, v8  }
0xb: {  	[tilespmem:$0x1FDF0] =	vst v1;
	v1 =	vor.u32 $0x10, v8  }
0xc: {  	s6 =	stileid.u32;
	[tilespmem:$0x1FE00] =	vst v1;
	v1 =	vor.u32 $0x410, v8  }
0xd: {  	s2 =	srdreg.scid;
	s4 =	sshll.u32 s6, $0x1;
	[tilespmem:$0x1FE10] =	vst v1;
	v1 =	vor.u32 $0x810, v8  }
0xe: {  	s1 =	rddreg [dreg:$0x0];
	s2 =	sand.u32 $0x1, s2;
	s4 =	sand.u32 $0xE, s4;
	[tilespmem:$0x1FE20] =	vst v1;
	v1 =	vor.u32 $0x1410, v8  }
0xf: {  	s0 =	rddreg [dreg:$0x1];
	s5 =	sor.u32 s2, s4;
	s4 =	simm.s32 $0x0;
	[tilespmem:$0x1FE30] =	vst v1;
	v1 =	vor.u32 $0x1810, v8  }
0x10: {  	v0 =	vshrl.u32 v0, $0x1;
	[smem:$0x7FF] =	sst s4;
	[tilespmem:$0x1FE40] =	vst v1;
	v1 =	vor.u32 $0x18, v8  }
0x11: {  	s3 =	rddreg [dreg:$0x2];
	v6 =	vmul.u32 $0x80, v0;
	v0 =	vor.u32 $0x1018, v8;
	_ =	strace $0x80000047;
	[tilespmem:$0x1FE50] =	vst v1  }
0x12: {  	[tilespmem:$0x1FE90] =	vst v0  }
0x13: {  	v62 =	vor.u32 $0xC10, v8;
	[tilespmem:$0x1FF00] =	vst v8  }
0x14: {  	[tilespmem:$0x1FF10] =	vst v62  }
0x15: {  	v51 =	vor.u32 $0x800, v6;
	[tilespmem:$0x1FF20] =	vst v6  }
0x16: {  	v44 =	vor.u32 $0xC00, v8;
	[tilespmem:$0x1FF40] =	vst v51  }
0x17: {  	v20 =	vor.u32 $0xC00, v6;
	[tilespmem:$0x1FF50] =	vst v44  }
0x18: {  	v50 =	vor.u32 $0x400, v6;
	[tilespmem:$0x1FF60] =	vst v20  }
0x19: {  	v4 =	vor.u32 $0x1000, v8;
	[tilespmem:$0x1FF70] =	vst v50  }
0x1a: {  	v5 =	vor.u32 $0x1000, v6;
	[tilespmem:$0x1FF80] =	vst v4  }
0x1b: {  	v7 =	vor.u32 $0x1800, v8;
	[tilespmem:$0x1FF90] =	vst v5  }
0x1c: {  	v46 =	vor.u32 $0x400, v8;
	[tilespmem:$0x1FFA0] =	vst v7  }
0x1d: {  	v53 =	vor.u32 $0x1C00, v6;
	[tilespmem:$0x1FFB0] =	vst v46  }
0x1e: {  	v55 =	vor.u32 $0x1C00, v8;
	[tilespmem:$0x1FFC0] =	vst v53  }
0x1f: {  	v30 =	vor.u32 $0x1010, v8;
	[tilespmem:$0x1FFD0] =	vst v55  }
0x20: {  	v2 =	vor.u32 $0x1C10, v8;
	[tilespmem:$0x1FFE0] =	vst v30  }
0x21: {  	s15 =	simm.s32 $0x400;
	v1 =	vor.u32 $0x418, v8;
	[tilespmem:$0x1FFF0] =	vst v2  }
0x22: {  	s16 =	simm.s32 $0x4000;
	s18 =	simm.s32 $0x6000;
	s19 =	simm.s32 $0x1;
	v0 =	vor.u32 $0x1418, v8;
	[tilespmem:$0x1FE60] =	vst v1  }
0x23: {  	s20 =	simm.s32 $0xA000;
	s21 =	simm.s32 $0x2;
	s22 =	simm.s32 $0xE000;
	v1 =	vor.u32 $0x818, v8;
	[tilespmem:$0x1FEA0] =	vst v0  }
0x24: {  	s23 =	simm.s32 $0x3;
	s24 =	simm.s32 $0x4;
	s7 =	sshrl.u32 s6, $0x3;
	v0 =	vor.u32 $0x1818, v8;
	[tilespmem:$0x1FE70] =	vst v1  }
0x25: {  	s25 =	simm.s32 $0x0;
	s6 =	sshll.u32 s7, $0x18;
	s5 =	sshll.u32 s5, $0xA;
	v1 =	vor.u32 $0xC18, v8;
	[tilespmem:$0x1FEB0] =	vst v0  }
0x26: {  	s2 =	ssub.s32 $0x2, s2;
	s6 =	sor.u32 s6, s5;
	s0 =	sadd.s32 s5, s0;
	v0 =	vor.u32 $0x1C18, v8;
	[tilespmem:$0x1FE80] =	vst v1  }
.Ltmp0:
0x27: {  	s9 =	sshrl.u32 s6, $0x3;
	s0 =	sadd.s32 $0x400, s0;
	[tilespmem:$0x1FEC0] =	vst v0;
	v0 =	vor.u32 $0x1400, v8;
	(pc) =	sbr.rel .LBB2_1-.Ltmp0, $4  }
0x28: {  	s8 =	sshrl.u32 s2, $0x1;
	s9 =	sadd.s32 s1, s9;
	[dreg:$0x5] =	wrdreg s0;
	v1 =	vor.u32 $0x800, v8;
	[tilespmem:$0x1FED0] =	vst v0  }
0x29: {  	s2 =	ssub.s32 s2, s8;
	s30 =	sadd.s32 $0x8000, s9;
	[dreg:$0x4] =	wrdreg s9;
	v0 =	vor.u32 $0x1400, v6;
	[tilespmem:$0x1FF30] =	vst v1  }
0x2a: {  	s8 =	sshll.u32 s7, $0xD;
	s31 =	smax.u32 s2, $0x1;
	[dreg:$0x6] =	wrdreg s30;
	[tilespmem:$0x1FEE0] =	vst v0;
	v0 =	vor.u32 $0x1800, v6  }
0x2b: {  	s11 =	sor.u32 $0x100, s8;
	s12 =	sor.u32 $0x180, s8;
	[dreg:$0x7] =	wrdreg s31;
	[tilespmem:$0x1FEF0] =	vst v0  }
.LBB2_8:
0x2c: {  	_ =	swait.ge [sflag:s23], $0x4000  }
0x2d: {  	[sflag:s23] =	ssyncset.done $0x0  }
0x2e: {  	[sflag:s23] =	ssyncadd.s32 $0xFFFFC000  }
0x2f: {  	_ =	swait.ge [sflag:s24], $0x4000  }
0x30: {  	v6 =	vld [tilespmem:$0x1FF20]  }
0x31: {  	v46 =	vld [tilespmem:$0x1FFB0]  }
0x32: {  	s25 =	sadd.s32 $0x1, s25;
	s0 =	rddreg [dreg:$0x7];
	v50 =	vld [tilespmem:$0x1FF70]  }
0x33: {  	v1 =	vld [tilespmem:$0x1FF30];
	p0 =	sne.s32 s25, s0  }
.Ltmp1:
0x34: {  	v51 =	vld [tilespmem:$0x1FF40];
	(pc) =	sbr.rel @!p0 .LBB2_9-.Ltmp1, $4  }
0x35: {  	v44 =	vld [tilespmem:$0x1FF50]  }
0x36: {  	v20 =	vld [tilespmem:$0x1FF60]  }
0x37: {  	[sflag:s24] =	ssyncset.done $0x0;
	v4 =	vld [tilespmem:$0x1FF80]  }
0x38: {  	v2 =	vmov v56;
	v5 =	vld [tilespmem:$0x1FF90];
	[sflag:s24] =	ssyncadd.s32 $0xFFFFC000  }
.LBB2_1:
0x39: {  	s0 =	rddreg [dreg:$0x5];
	s29 =	simm.s32 $0x5  }
0x3a: {  	[tilespmem:s4], [sflag:$0x5] =	stream.linear.gather [hbm4b:s0+s4], $0x2000, $0x38;
	[tilespmem:$0x12000] =	vst v63  }
0x3b: {  	_ =	swait.ge [sflag:s29], $0x2000  }
0x3c: {  	v0 =	vld [tilespmem:$0x1FD80];
	_ =	sdelay $0x2  }
0x3d: {  	[sflag:s29] =	ssyncset.done $0x0  }
0x3e: {  	s2 =	simm.s32 $0x2000;
	s30 =	rddreg [dreg:$0x4];
	[sflag:s29] =	ssyncadd.s32 $0xFFFFE000  }
0x3f: {  	[tilespmem:s2], [sflag:$0x1] =	stream.strided.gather [hbm4b:s30+s15], $0x4000, s16, s15, $0x38;
	[tilespmem:$0x12000] =	vst v63  }
0x40: {  	s31 =	rddreg [dreg:$0x6]  }
0x41: {  	[tilespmem:s18], [sflag:$0x2] =	stream.strided.gather [hbm4b:s31+s15], $0x4000, s16, s15, $0x38;
	[tilespmem:$0x12000] =	vst v63  }
0x42: {  	v0 =	vld.idx.msk [tilespmem:v0+s4+$0x0], $0xffff;
	_ =	sdelay $0x4  }
0x43: {  	[tilespmem:$0x1FC00] =	vst v0;
	v0 =	vld [tilespmem:$0x1FD90];
	_ =	sdelay $0x7  }
0x44: {  	v56 =	vld.idx.msk [tilespmem:v0+s4+$0x0], $0xffff  }
0x45: {  	v0 =	vld [tilespmem:$0x1FDA0];
	_ =	sdelay $0x7  }
0x46: {  	v57 =	vld.idx.msk [tilespmem:v0+s4+$0x0], $0xffff  }
0x47: {  	v0 =	vld [tilespmem:$0x1FDB0];
	_ =	sdelay $0x7  }
0x48: {  	v0 =	vld.idx.msk [tilespmem:v0+s4+$0x0], $0xffff;
	_ =	sdelay $0x4  }
0x49: {  	[tilespmem:$0x1FC10] =	vst v0;
	v0 =	vld [tilespmem:$0x1FDC0];
	_ =	sdelay $0x7  }
0x4a: {  	v0 =	vld.idx.msk [tilespmem:v0+s4+$0x0], $0xffff;
	_ =	sdelay $0x4  }
0x4b: {  	[tilespmem:$0x1FC20] =	vst v0;
	v0 =	vld [tilespmem:$0x1FDD0];
	_ =	sdelay $0x7  }
0x4c: {  	v0 =	vld.idx.msk [tilespmem:v0+s4+$0x0], $0xffff;
	_ =	sdelay $0x4  }
0x4d: {  	[tilespmem:$0x1FC30] =	vst v0;
	v0 =	vld [tilespmem:$0x1FDE0];
	_ =	sdelay $0x7  }
0x4e: {  	v0 =	vld.idx.msk [tilespmem:v0+s4+$0x0], $0xffff;
	_ =	sdelay $0x4  }
0x4f: {  	[tilespmem:$0x1FC40] =	vst v0;
	v0 =	vld [tilespmem:$0x1FDF0];
	_ =	sdelay $0x7  }
0x50: {  	v0 =	vld.idx.msk [tilespmem:v0+s4+$0x0], $0xffff;
	_ =	sdelay $0x4  }
0x51: {  	[tilespmem:$0x1FC50] =	vst v0;
	v0 =	vld [tilespmem:$0x1FE00];
	_ =	sdelay $0x7  }
0x52: {  	v8 =	vld.idx.msk [tilespmem:v0+s4+$0x0], $0xffff  }
0x53: {  	v0 =	vld [tilespmem:$0x1FE10];
	_ =	sdelay $0x7  }
0x54: {  	v16 =	vld.idx.msk [tilespmem:v0+s4+$0x0], $0xffff  }
0x55: {  	v0 =	vld [tilespmem:$0x1FE20];
	_ =	sdelay $0x7  }
0x56: {  	v17 =	vld.idx.msk [tilespmem:v0+s4+$0x0], $0xffff  }
0x57: {  	v0 =	vld.idx.msk [tilespmem:v62+s4+$0x0], $0xffff;
	_ =	sdelay $0x4  }
0x58: {  	[tilespmem:$0x1FC60] =	vst v0;
	v0 =	vld.idx.msk [tilespmem:v30+s4+$0x0], $0xffff;
	_ =	sdelay $0x4  }
0x59: {  	[tilespmem:$0x1FC70] =	vst v0;
	v0 =	vld [tilespmem:$0x1FE30];
	_ =	sdelay $0x7  }
0x5a: {  	v0 =	vld.idx.msk [tilespmem:v0+s4+$0x0], $0xffff;
	_ =	sdelay $0x4  }
0x5b: {  	[tilespmem:$0x1FC80] =	vst v0;
	v0 =	vld [tilespmem:$0x1FE40];
	_ =	sdelay $0x7  }
0x5c: {  	v0 =	vld.idx.msk [tilespmem:v0+s4+$0x0], $0xffff;
	_ =	sdelay $0x4  }
0x5d: {  	[tilespmem:$0x1FC90] =	vst v0;
	v0 =	vld.idx.msk [tilespmem:v2+s4+$0x0], $0xffff;
	_ =	sdelay $0x4  }
0x5e: {  	[tilespmem:$0x1FCA0] =	vst v0;
	v0 =	vld [tilespmem:$0x1FE50];
	_ =	sdelay $0x7  }
0x5f: {  	v58 =	vld.idx.msk [tilespmem:v0+s4+$0x0], $0xffff  }
0x60: {  	v0 =	vld [tilespmem:$0x1FE60];
	_ =	sdelay $0x7  }
0x61: {  	v47 =	vld.idx.msk [tilespmem:v0+s4+$0x0], $0xffff  }
0x62: {  	v0 =	vld [tilespmem:$0x1FE70];
	_ =	sdelay $0x7  }
0x63: {  	v19 =	vld.idx.msk [tilespmem:v0+s4+$0x0], $0xffff  }
0x64: {  	v0 =	vld [tilespmem:$0x1FE80];
	_ =	sdelay $0x7  }
0x65: {  	v0 =	vld.idx.msk [tilespmem:v0+s4+$0x0], $0xffff;
	_ =	sdelay $0x4  }
0x66: {  	[tilespmem:$0x1FCB0] =	vst v0;
	v0 =	vld [tilespmem:$0x1FE90];
	_ =	sdelay $0x7  }
0x67: {  	v0 =	vld.idx.msk [tilespmem:v0+s4+$0x0], $0xffff;
	_ =	sdelay $0x4  }
0x68: {  	[tilespmem:$0x1FCC0] =	vst v0;
	v0 =	vld [tilespmem:$0x1FEA0];
	_ =	sdelay $0x7  }
0x69: {  	v0 =	vld.idx.msk [tilespmem:v0+s4+$0x0], $0xffff;
	_ =	sdelay $0x4  }
0x6a: {  	[tilespmem:$0x1FCD0] =	vst v0;
	v0 =	vld [tilespmem:$0x1FEB0];
	_ =	sdelay $0x7  }
0x6b: {  	v0 =	vld.idx.msk [tilespmem:v0+s4+$0x0], $0xffff;
	_ =	sdelay $0x4  }
0x6c: {  	[tilespmem:$0x1FCE0] =	vst v0;
	v0 =	vld [tilespmem:$0x1FEC0];
	_ =	sdelay $0x4  }
0x6d: {  	[tilespmem:$0x1FD00] =	vst v56  }
0x6e: {  	[tilespmem:$0x1FD10] =	vst v57  }
0x6f: {  	[tilespmem:$0x1FD20] =	vst v8  }
0x70: {  	[tilespmem:$0x1FD30] =	vst v16;
	v0 =	vld.idx.msk [tilespmem:v0+s4+$0x0], $0xffff  }
0x71: {  	[tilespmem:$0x1FD40] =	vst v17  }
0x72: {  	[tilespmem:$0x1FD50] =	vst v58  }
0x73: {  	[tilespmem:$0x1FD60] =	vst v47  }
0x74: {  	[tilespmem:$0x1FD70] =	vst v19  }
0x75: {  	s26 =	simm.s32 $0x0;
	[tilespmem:$0x1FCF0] =	vst v0  }
.LBB2_2:
0x76: {  	_ =	swait.ge [sflag:s19], $0x4000  }
0x77: {  	p0 =	seq.s32 s26, $0x0;
	[sflag:s19] =	ssyncset.done $0x0  }
0x78: {  	s0 =	simm.s32 @!p0 $0x3;
	[sflag:s19] =	ssyncadd.s32 $0xFFFFC000  }
0x79: {  	_ =	swait.ge @!p0 [sflag:s0], $0x4000  }
0x7a: {  	[sflag:s0] =	ssyncset.done @!p0 $0x0;
	v60 =	vld [tilespmem:$0x1FF00]  }
0x7b: {  	s9 =	simm.s32 $0x2100;
	v61 =	vld [tilespmem:$0x1FE00];
	[sflag:s0] =	ssyncadd.s32 @!p0 $0xFFFFC000  }
0x7c: {  	v0 =	vld [tilespmem:s9+$0x80]  }
0x7d: {  	v59 =	vld [tilespmem:$0x1FC00];
	_ =	sdelay $0x3  }
0x7e: {  	vm0 =	vlt.f32 v8, v0  }
0x7f: {  	v22 =	vmov v1;
	v1 =	vsel vm0, v61, v60;
	v2 =	vsel vm0, v58, v59  }
0x80: {  	vm0 =	vlt.f32 v2, v0;
	v2 =	vor.u32 $0x8, v1  }
0x81: {  	v1 =	vsel vm0, v2, v1  }
0x82: {  	v2 =	vor.u32 $0x4, v1  }
0x83: {  	v3 =	vand.u32 $0x5C, v2  }
0x84: {  	v3 =	vor.u32 v6, v3;
	_ =	sdelay $0x4  }
0x85: {  	v3 =	vld.idx.msk [tilespmem:v3+s4+$0x0], $0xffff;
	_ =	sdelay $0x1  }
0x86: {  	v33 =	vmov v5;
	v5 =	vld [tilespmem:s9+$0xFFFFFF00]  }
0x87: {  	v35 =	vmov v4;
	v4 =	vld [tilespmem:s9+$0xFFFFFF80]  }
0x88: {  	v26 =	vmov v6;
	v6 =	vld [tilespmem:s9+$0x0]  }
0x89: {  	vm0 =	vlt.f32 v3, v0  }
0x8a: {  	v1 =	vsel vm0, v2, v1  }
0x8b: {  	vm1 =	vlt.f32 v8, v5;
	v2 =	vor.u32 $0x2, v1  }
0x8c: {  	v7 =	vsel vm1, v61, v60  }
0x8d: {  	v23 =	vmovc v57;
	v11 =	vor.u32 $0x8, v7;
	vm2 =	vlt.f32 v8, v6;
	vm0 =	vlt.f32 v8, v4  }
0x8e: {  	v57 =	vmovc v8;
	v10 =	vsel vm2, v61, v60;
	v8 =	vsel vm1, v58, v59;
	v3 =	vsel vm0, v61, v60  }
0x8f: {  	v9 =	vsel vm0, v58, v59;
	vm0 =	vlt.f32 v8, v5;
	v8 =	vsel vm2, v58, v59  }
0x90: {  	vm1 =	vlt.f32 v9, v4;
	v9 =	vor.u32 $0x8, v3;
	v7 =	vsel vm0, v11, v7;
	v11 =	vld.idx.msk [tilespmem:v2+s4+$0x0], $0xffff  }
0x91: {  	vm0 =	vlt.f32 v8, v6;
	v8 =	vor.u32 $0x4, v7;
	v3 =	vsel vm1, v9, v3  }
0x92: {  	v9 =	vor.u32 $0x8, v10;
	v12 =	vor.u32 $0x4, v3;
	v13 =	vand.u32 $0x5C, v8  }
0x93: {  	v9 =	vsel vm0, v9, v10;
	v10 =	vand.u32 $0x5C, v12;
	v13 =	vor.u32 v26, v13  }
0x94: {  	v14 =	vor.u32 $0x4, v9;
	v10 =	vor.u32 v26, v10  }
0x95: {  	v15 =	vand.u32 $0x5C, v14;
	vm0 =	vlt.f32 v11, v0  }
0x96: {  	v11 =	vor.u32 v26, v15;
	v1 =	vsel vm0, v2, v1  }
0x97: {  	v2 =	vadd.s32 $0x1, v1  }
0x98: {  	v13 =	vld.idx.msk [tilespmem:v13+s4+$0x0], $0xffff  }
0x99: {  	v10 =	vld.idx.msk [tilespmem:v10+s4+$0x0], $0xffff;
	_ =	sdelay $0x1  }
0x9a: {  	v11 =	vld.idx.msk [tilespmem:v11+s4+$0x0], $0xffff  }
0x9b: {  	v15 =	vld.idx.msk [tilespmem:v2+s4+$0x0], $0xffff  }
0x9c: {  	vm0 =	vlt.f32 v13, v5  }
0x9d: {  	v7 =	vsel vm0, v8, v7;
	vm0 =	vlt.f32 v10, v4  }
0x9e: {  	v8 =	vor.u32 $0x2, v7;
	v3 =	vsel vm0, v12, v3  }
0x9f: {  	v10 =	vor.u32 $0x2, v3;
	vm0 =	vlt.f32 v11, v6  }
0xa0: {  	v9 =	vsel vm0, v14, v9;
	vm0 =	vlt.f32 v15, v0  }
0xa1: {  	v0 =	vor.u32 $0x2, v9;
	v1 =	vsel vm0, v2, v1  }
0xa2: {  	v1 =	vadd.s32 $0x20, v1  }
0xa3: {  	v2 =	vld.idx.msk [tilespmem:v8+s4+$0x0], $0xffff  }
0xa4: {  	v11 =	vld.idx.msk [tilespmem:v10+s4+$0x0], $0xffff;
	_ =	sdelay $0x1  }
0xa5: {  	v12 =	vld.idx.msk [tilespmem:v0+s4+$0x0], $0xffff  }
0xa6: {  	v1 =	vld.idx.msk [tilespmem:v1+s4+$0x0], $0xffff  }
0xa7: {  	vm0 =	vlt.f32 v2, v5  }
0xa8: {  	v2 =	vsel vm0, v8, v7;
	vm0 =	vlt.f32 v11, v4  }
0xa9: {  	v7 =	vadd.s32 $0x1, v2;
	v3 =	vsel vm0, v10, v3  }
0xaa: {  	s29 =	simm.s32 $0xA100;
	v8 =	vadd.s32 $0x1, v3;
	vm0 =	vlt.f32 v12, v6  }
0xab: {  	v0 =	vsel vm0, v0, v9;
	[tilespmem:s29+$0x80] =	vst v1  }
0xac: {  	v1 =	vadd.s32 $0x1, v0;
	v9 =	vld [tilespmem:s9+$0x90]  }
0xad: {  	v24 =	vmov v46;
	v46 =	vmov v50;
	v50 =	vld [tilespmem:$0x1FE10]  }
0xae: {  	v10 =	vld.idx.msk [tilespmem:v7+s4+$0x0], $0xffff  }
0xaf: {  	v11 =	vld.idx.msk [tilespmem:v8+s4+$0x0], $0xffff;
	_ =	sdelay $0x1  }
0xb0: {  	v12 =	vld.idx.msk [tilespmem:v1+s4+$0x0], $0xffff;
	vm0 =	vlt.f32 v16, v9  }
0xb1: {  	v13 =	vsel vm0, v50, v24;
	v14 =	vsel vm0, v47, v56  }
0xb2: {  	vm0 =	vlt.f32 v10, v5;
	vm1 =	vlt.f32 v14, v9;
	v5 =	vor.u32 $0x8, v13  }
0xb3: {  	v2 =	vsel vm0, v7, v2;
	vm0 =	vlt.f32 v11, v4;
	v4 =	vsel vm1, v5, v13  }
0xb4: {  	v3 =	vsel vm0, v8, v3;
	v2 =	vadd.s32 $0x20, v2;
	v5 =	vor.u32 $0x4, v4  }
0xb5: {  	vm0 =	vlt.f32 v12, v6;
	v3 =	vadd.s32 $0x20, v3;
	v6 =	vand.u32 $0x5C, v5  }
0xb6: {  	v0 =	vsel vm0, v1, v0;
	v1 =	vor.u32 v46, v6  }
0xb7: {  	v0 =	vadd.s32 $0x20, v0;
	_ =	sdelay $0x1  }
0xb8: {  	v2 =	vld.idx.msk [tilespmem:v2+s4+$0x0], $0xffff  }
0xb9: {  	v3 =	vld.idx.msk [tilespmem:v3+s4+$0x0], $0xffff  }
0xba: {  	v1 =	vld.idx.msk [tilespmem:v1+s4+$0x0], $0xffff  }
0xbb: {  	v0 =	vld.idx.msk [tilespmem:v0+s4+$0x0], $0xffff;
	_ =	sdelay $0x2  }
0xbc: {  	[tilespmem:s29+$0xFFFFFF00] =	vst v2  }
0xbd: {  	[tilespmem:s29+$0xFFFFFF80] =	vst v3;
	v2 =	vld [tilespmem:s9+$0xFFFFFF10];
	vm0 =	vlt.f32 v1, v9  }
0xbe: {  	[tilespmem:s29+$0x0] =	vst v0;
	v0 =	vld [tilespmem:s9+$0xFFFFFF90];
	v1 =	vsel vm0, v5, v4  }
0xbf: {  	v3 =	vld [tilespmem:s9+$0x10];
	v4 =	vor.u32 $0x2, v1;
	_ =	sdelay $0x2  }
0xc0: {  	vm0 =	vlt.f32 v16, v2  }
0xc1: {  	v5 =	vsel vm0, v50, v24;
	vm1 =	vlt.f32 v16, v0  }
0xc2: {  	v6 =	vsel vm0, v47, v56;
	vm0 =	vlt.f32 v16, v3;
	v7 =	vsel vm1, v50, v24;
	v8 =	vld.idx.msk [tilespmem:v4+s4+$0x0], $0xffff  }
0xc3: {  	v10 =	vsel vm1, v47, v56;
	vm1 =	vlt.f32 v6, v2;
	v6 =	vor.u32 $0x8, v5  }
0xc4: {  	v11 =	vsel vm0, v50, v24;
	v12 =	vsel vm0, v47, v56;
	vm0 =	vlt.f32 v10, v0  }
0xc5: {  	v10 =	vor.u32 $0x8, v7;
	v5 =	vsel vm1, v6, v5;
	vm2 =	vlt.f32 v12, v3  }
0xc6: {  	v6 =	vsel vm0, v10, v7;
	v7 =	vor.u32 $0x8, v11;
	v10 =	vor.u32 $0x4, v5  }
0xc7: {  	v7 =	vsel vm2, v7, v11;
	v11 =	vand.u32 $0x5C, v10;
	vm0 =	vlt.f32 v8, v9  }
0xc8: {  	v11 =	vor.u32 v46, v11;
	v8 =	vor.u32 $0x4, v6;
	v1 =	vsel vm0, v4, v1  }
0xc9: {  	v12 =	vand.u32 $0x5C, v8;
	v13 =	vadd.s32 $0x1, v1  }
0xca: {  	v4 =	vor.u32 $0x4, v7;
	v12 =	vor.u32 v46, v12  }
0xcb: {  	v14 =	vand.u32 $0x5C, v4  }
0xcc: {  	v14 =	vor.u32 v46, v14  }
0xcd: {  	v11 =	vld.idx.msk [tilespmem:v11+s4+$0x0], $0xffff  }
0xce: {  	v15 =	vld.idx.msk [tilespmem:v13+s4+$0x0], $0xffff  }
0xcf: {  	v12 =	vld.idx.msk [tilespmem:v12+s4+$0x0], $0xffff;
	_ =	sdelay $0x1  }
0xd0: {  	v14 =	vld.idx.msk [tilespmem:v14+s4+$0x0], $0xffff  }
0xd1: {  	vm0 =	vlt.f32 v11, v2  }
0xd2: {  	v5 =	vsel vm0, v10, v5;
	vm0 =	vlt.f32 v15, v9  }
0xd3: {  	vm1 =	vlt.f32 v12, v0;
	v9 =	vor.u32 $0x2, v5;
	v1 =	vsel vm0, v13, v1  }
0xd4: {  	v6 =	vsel vm1, v8, v6;
	v1 =	vadd.s32 $0x20, v1  }
0xd5: {  	vm0 =	vlt.f32 v14, v3;
	v8 =	vor.u32 $0x2, v6  }
0xd6: {  	v4 =	vsel vm0, v4, v7  }
0xd7: {  	v7 =	vor.u32 $0x2, v4  }
0xd8: {  	v10 =	vld.idx.msk [tilespmem:v9+s4+$0x0], $0xffff  }
0xd9: {  	v1 =	vld.idx.msk [tilespmem:v1+s4+$0x0], $0xffff  }
0xda: {  	v11 =	vld.idx.msk [tilespmem:v8+s4+$0x0], $0xffff;
	_ =	sdelay $0x1  }
0xdb: {  	v12 =	vld.idx.msk [tilespmem:v7+s4+$0x0], $0xffff;
	_ =	sdelay $0x1  }
0xdc: {  	vm0 =	vlt.f32 v10, v2;
	[tilespmem:s29+$0x90] =	vst v1  }
0xdd: {  	v1 =	vsel vm0, v9, v5;
	vm0 =	vlt.f32 v11, v0;
	v5 =	vld [tilespmem:s9+$0xA0]  }
0xde: {  	v9 =	vadd.s32 $0x1, v1;
	v6 =	vsel vm0, v8, v6;
	v29 =	vld [tilespmem:$0x1FE20]  }
0xdf: {  	vm0 =	vlt.f32 v12, v3;
	v8 =	vadd.s32 $0x1, v6  }
0xe0: {  	v4 =	vsel vm0, v7, v4  }
0xe1: {  	v7 =	vadd.s32 $0x1, v4  }
0xe2: {  	vm0 =	vlt.f32 v17, v5  }
0xe3: {  	v10 =	vld.idx.msk [tilespmem:v9+s4+$0x0], $0xffff;
	v11 =	vsel vm0, v29, v22;
	v12 =	vsel vm0, v19, v23  }
0xe4: {  	v13 =	vld.idx.msk [tilespmem:v8+s4+$0x0], $0xffff;
	vm0 =	vlt.f32 v12, v5;
	v12 =	vor.u32 $0x8, v11  }
0xe5: {  	v11 =	vsel vm0, v12, v11  }
0xe6: {  	v14 =	vld.idx.msk [tilespmem:v7+s4+$0x0], $0xffff;
	v12 =	vor.u32 $0x4, v11  }
0xe7: {  	v15 =	vand.u32 $0x5C, v12  }
0xe8: {  	vm0 =	vlt.f32 v10, v2;
	v2 =	vor.u32 v51, v15  }
0xe9: {  	v1 =	vsel vm0, v9, v1;
	vm0 =	vlt.f32 v13, v0  }
0xea: {  	v0 =	vadd.s32 $0x20, v1;
	v1 =	vsel vm0, v8, v6  }
0xeb: {  	vm0 =	vlt.f32 v14, v3;
	v1 =	vadd.s32 $0x20, v1  }
0xec: {  	v3 =	vsel vm0, v7, v4  }
0xed: {  	v3 =	vadd.s32 $0x20, v3;
	v2 =	vld.idx.msk [tilespmem:v2+s4+$0x0], $0xffff;
	_ =	sdelay $0x1  }
0xee: {  	v0 =	vld.idx.msk [tilespmem:v0+s4+$0x0], $0xffff  }
0xef: {  	v1 =	vld.idx.msk [tilespmem:v1+s4+$0x0], $0xffff;
	_ =	sdelay $0x1  }
0xf0: {  	v3 =	vld.idx.msk [tilespmem:v3+s4+$0x0], $0xffff;
	vm0 =	vlt.f32 v2, v5  }
0xf1: {  	v2 =	vsel vm0, v12, v11  }
0xf2: {  	[tilespmem:s29+$0xFFFFFF10] =	vst v0;
	v0 =	vor.u32 $0x2, v2  }
0xf3: {  	v4 =	vld [tilespmem:s9+$0xFFFFFF20];
	[tilespmem:s29+$0xFFFFFF90] =	vst v1;
	v1 =	vand.u32 $0xBFF, v0  }
0xf4: {  	v8 =	vld [tilespmem:s9+$0xFFFFFFA0]  }
0xf5: {  	[tilespmem:s29+$0x10] =	vst v3  }
0xf6: {  	v3 =	vld [tilespmem:s9+$0x20];
	_ =	sdelay $0x1  }
0xf7: {  	vm0 =	vlt.f32 v17, v4;
	v1 =	vld.idx.msk [tilespmem:v1+s4+$0x0], $0xffff  }
0xf8: {  	v6 =	vsel vm0, v29, v22;
	v7 =	vsel vm0, v19, v23;
	vm0 =	vlt.f32 v17, v8  }
0xf9: {  	vm1 =	vlt.f32 v7, v4;
	v7 =	vsel vm0, v29, v22  }
0xfa: {  	vm2 =	vlt.f32 v17, v3;
	v9 =	vsel vm0, v19, v23;
	v10 =	vor.u32 $0x8, v6  }
0xfb: {  	v11 =	vsel vm2, v29, v22;
	v12 =	vsel vm2, v19, v23;
	vm0 =	vlt.f32 v9, v8  }
0xfc: {  	v9 =	vor.u32 $0x8, v7;
	v6 =	vsel vm1, v10, v6;
	vm1 =	vlt.f32 v1, v5  }
0xfd: {  	vm2 =	vlt.f32 v12, v3;
	v10 =	vor.u32 $0x4, v6;
	v0 =	vsel vm1, v0, v2  }
0xfe: {  	v1 =	vor.u32 $0x8, v11;
	v2 =	vsel vm0, v9, v7;
	v9 =	vadd.s32 $0x1, v0  }
0xff: {  	v7 =	vand.u32 $0x5C, v10;
	v1 =	vsel vm2, v1, v11;
	v11 =	vor.u32 $0x4, v2  }
0x100: {  	v7 =	vor.u32 v51, v7;
	v12 =	vor.u32 $0x4, v1;
	v13 =	vand.u32 $0x5C, v11  }
0x101: {  	v14 =	vand.u32 $0x5C, v12;
	v13 =	vor.u32 v51, v13  }
0x102: {  	v14 =	vor.u32 v51, v14  }
0x103: {  	v15 =	vld.idx.msk [tilespmem:v9+s4+$0x0], $0xffff;
	_ =	sdelay $0x1  }
0x104: {  	v7 =	vld.idx.msk [tilespmem:v7+s4+$0x0], $0xffff  }
0x105: {  	v13 =	vld.idx.msk [tilespmem:v13+s4+$0x0], $0xffff  }
0x106: {  	v14 =	vld.idx.msk [tilespmem:v14+s4+$0x0], $0xffff  }
0x107: {  	vm0 =	vlt.f32 v15, v5  }
0x108: {  	v0 =	vsel vm0, v9, v0  }
0x109: {  	vm1 =	vlt.f32 v7, v4;
	v0 =	vadd.s32 $0x20, v0  }
0x10a: {  	v5 =	vsel vm1, v10, v6;
	vm0 =	vlt.f32 v13, v8  }
0x10b: {  	v6 =	vor.u32 $0x2, v5;
	v2 =	vsel vm0, v11, v2;
	vm0 =	vlt.f32 v14, v3  }
0x10c: {  	v7 =	vand.u32 $0xBFF, v6;
	v9 =	vor.u32 $0x2, v2;
	v1 =	vsel vm0, v12, v1  }
0x10d: {  	v10 =	vand.u32 $0xBFF, v9;
	v11 =	vor.u32 $0x2, v1  }
0x10e: {  	v12 =	vand.u32 $0xBFF, v11;
	v0 =	vld.idx.msk [tilespmem:v0+s4+$0x0], $0xffff;
	_ =	sdelay $0x2  }
0x10f: {  	v13 =	vld.idx.msk [tilespmem:v7+s4+$0x0], $0xffff  }
0x110: {  	v10 =	vld.idx.msk [tilespmem:v10+s4+$0x0], $0xffff  }
0x111: {  	v12 =	vld.idx.msk [tilespmem:v12+s4+$0x0], $0xffff;
	[tilespmem:s29+$0xA0] =	vst v0  }
0x112: {  	v7 =	vld [tilespmem:s9+$0xB0]  }
0x113: {  	v63 =	vld [tilespmem:$0x1FC60]  }
0x114: {  	vm0 =	vlt.f32 v13, v4;
	v40 =	vld [tilespmem:$0x1FC10]  }
0x115: {  	v41 =	vld [tilespmem:$0x1FCB0];
	v0 =	vsel vm0, v6, v5  }
0x116: {  	vm0 =	vlt.f32 v10, v8;
	v5 =	vadd.s32 $0x1, v0  }
0x117: {  	v2 =	vsel vm0, v9, v2  }
0x118: {  	vm0 =	vlt.f32 v12, v3;
	v9 =	vadd.s32 $0x1, v2  }
0x119: {  	v1 =	vsel vm0, v11, v1;
	vm1 =	vlt.f32 v63, v7  }
0x11a: {  	v11 =	vadd.s32 $0x1, v1;
	v6 =	vsel vm1, v62, v44;
	v10 =	vsel vm1, v41, v40  }
0x11b: {  	s31 =	simm.s32 $0x2300;
	vm0 =	vlt.f32 v10, v7;
	v10 =	vor.u32 $0x8, v6;
	v12 =	vld.idx.msk [tilespmem:v5+s4+$0x0], $0xffff  }
0x11c: {  	v10 =	vsel vm0, v10, v6;
	v6 =	vld [tilespmem:s31+$0x80]  }
0x11d: {  	v13 =	vor.u32 $0x4, v10;
	v14 =	vld.idx.msk [tilespmem:v9+s4+$0x0], $0xffff  }
0x11e: {  	v15 =	vand.u32 $0x5C, v13  }
0x11f: {  	v45 =	vmov v16;
	v16 =	vld.idx.msk [tilespmem:v11+s4+$0x0], $0xffff;
	v15 =	vor.u32 v20, v15  }
0x120: {  	vm0 =	vlt.f32 v12, v4  }
0x121: {  	v0 =	vsel vm0, v5, v0;
	vm0 =	vlt.f32 v57, v6  }
0x122: {  	vm1 =	vlt.f32 v14, v8;
	v4 =	vsel vm0, v61, v60;
	v5 =	vsel vm0, v58, v59  }
0x123: {  	v0 =	vadd.s32 $0x20, v0;
	vm0 =	vlt.f32 v5, v6;
	v5 =	vor.u32 $0x8, v4  }
0x124: {  	v8 =	vsel vm1, v9, v2;
	vm1 =	vlt.f32 v16, v3;
	v9 =	vld.idx.msk [tilespmem:v15+s4+$0x0], $0xffff;
	v12 =	vsel vm0, v5, v4  }
0x125: {  	v3 =	vld [tilespmem:s31+$0x0];
	v1 =	vsel vm1, v11, v1;
	v4 =	vadd.s32 $0x20, v8;
	v8 =	vor.u32 $0x4, v12  }
0x126: {  	v5 =	vld [tilespmem:s31+$0xFFFFFF00];
	v1 =	vadd.s32 $0x20, v1;
	v11 =	vand.u32 $0x5C, v8  }
0x127: {  	v2 =	vld [tilespmem:s31+$0xFFFFFF80];
	v11 =	vor.u32 v26, v11;
	_ =	sdelay $0x1  }
0x128: {  	v0 =	vld.idx.msk [tilespmem:v0+s4+$0x0], $0xffff;
	vm0 =	vlt.f32 v9, v7  }
0x129: {  	vm1 =	vlt.f32 v57, v3;
	v4 =	vld.idx.msk [tilespmem:v4+s4+$0x0], $0xffff;
	v9 =	vsel vm0, v13, v10  }
0x12a: {  	v31 =	vmovc v17;
	vm2 =	vlt.f32 v57, v5;
	v17 =	vsel vm1, v61, v60;
	v13 =	vld.idx.msk [tilespmem:v1+s4+$0x0], $0xffff;
	v10 =	vor.u32 $0x2, v9  }
0x12b: {  	vm0 =	vlt.f32 v57, v2;
	v14 =	vsel vm2, v61, v60;
	v15 =	vsel vm2, v58, v59;
	v11 =	vld.idx.msk [tilespmem:v11+s4+$0x0], $0xffff  }
0x12c: {  	v1 =	vsel vm0, v61, v60;
	v16 =	vsel vm0, v58, v59;
	vm0 =	vlt.f32 v15, v5  }
0x12d: {  	v15 =	vsel vm1, v58, v59;
	v18 =	vor.u32 $0x8, v14;
	vm1 =	vlt.f32 v16, v2;
	[tilespmem:s29+$0xFFFFFF20] =	vst v0  }
0x12e: {  	v16 =	vor.u32 $0x8, v1;
	vm2 =	vlt.f32 v15, v3;
	v14 =	vsel vm0, v18, v14;
	v0 =	vld [tilespmem:s9+$0xFFFFFF30];
	[tilespmem:s29+$0xFFFFFFA0] =	vst v4  }
0x12f: {  	v18 =	vor.u32 $0x4, v14;
	v16 =	vsel vm1, v16, v1;
	v4 =	vor.u32 $0x8, v17;
	[tilespmem:s29+$0x20] =	vst v13;
	v15 =	vld.idx.msk [tilespmem:v10+s4+$0x0], $0xffff  }
0x130: {  	v13 =	vsel vm2, v4, v17;
	v17 =	vand.u32 $0x5C, v18;
	v4 =	vld [tilespmem:s9+$0x30];
	vm0 =	vlt.f32 v11, v6  }
0x131: {  	v1 =	vld [tilespmem:s9+$0xFFFFFFB0];
	v17 =	vor.u32 v26, v17;
	v11 =	vor.u32 $0x4, v16;
	v8 =	vsel vm0, v8, v12  }
0x132: {  	v32 =	vmovc v19;
	v52 =	vmovc v20;
	v12 =	vor.u32 $0x4, v13;
	v19 =	vand.u32 $0x5C, v11;
	v20 =	vor.u32 $0x2, v8  }
0x133: {  	v49 =	vmovc v24;
	vm1 =	vlt.f32 v63, v0;
	v21 =	vand.u32 $0x5C, v12;
	v19 =	vor.u32 v26, v19  }
0x134: {  	v36 =	vmovc v22;
	v22 =	vsel vm1, v41, v40;
	vm0 =	vlt.f32 v15, v7;
	v15 =	vor.u32 v26, v21  }
0x135: {  	v37 =	vmovc v23;
	vm2 =	vlt.f32 v63, v4;
	v9 =	vsel vm0, v10, v9;
	v10 =	vsel vm1, v62, v44  }
0x136: {  	v55 =	vmovc v26;
	v17 =	vld.idx.msk [tilespmem:v17+s4+$0x0], $0xffff;
	vm0 =	vlt.f32 v63, v1;
	v25 =	vsel vm2, v62, v44;
	v21 =	vadd.s32 $0x1, v9  }
0x137: {  	v26 =	vsel vm2, v41, v40;
	v23 =	vsel vm0, v62, v44;
	v24 =	vsel vm0, v41, v40;
	v27 =	vld.idx.msk [tilespmem:v20+s4+$0x0], $0xffff  }
0x138: {  	vm0 =	vlt.f32 v22, v0;
	v22 =	vor.u32 $0x8, v10;
	vm2 =	vlt.f32 v26, v4;
	v19 =	vld.idx.msk [tilespmem:v19+s4+$0x0], $0xffff  }
0x139: {  	vm1 =	vlt.f32 v24, v1;
	v24 =	vor.u32 $0x8, v23;
	v10 =	vsel vm0, v22, v10;
	v15 =	vld.idx.msk [tilespmem:v15+s4+$0x0], $0xffff  }
0x13a: {  	v22 =	vor.u32 $0x8, v25;
	v23 =	vsel vm1, v24, v23;
	v24 =	vor.u32 $0x4, v10  }
0x13b: {  	v22 =	vsel vm2, v22, v25;
	v25 =	vand.u32 $0x5C, v24;
	vm0 =	vlt.f32 v17, v5;
	v26 =	vld.idx.msk [tilespmem:v21+s4+$0x0], $0xffff  }
0x13c: {  	v17 =	vor.u32 v52, v25;
	v14 =	vsel vm0, v18, v14;
	vm0 =	vlt.f32 v27, v6  }
0x13d: {  	v18 =	vor.u32 $0x2, v14;
	vm1 =	vlt.f32 v19, v2;
	v8 =	vsel vm0, v20, v8  }
0x13e: {  	v11 =	vsel vm1, v11, v16;
	vm0 =	vlt.f32 v15, v3;
	v15 =	vadd.s32 $0x1, v8  }
0x13f: {  	v16 =	vor.u32 $0x2, v11;
	v12 =	vsel vm0, v12, v13;
	v13 =	vor.u32 $0x4, v23  }
0x140: {  	vm0 =	vlt.f32 v26, v7;
	v7 =	vor.u32 $0x2, v12;
	v20 =	vand.u32 $0x5C, v13  }
0x141: {  	v19 =	vor.u32 $0x4, v22;
	v17 =	vld.idx.msk [tilespmem:v17+s4+$0x0], $0xffff;
	v9 =	vsel vm0, v21, v9;
	v20 =	vor.u32 v52, v20  }
0x142: {  	v25 =	vld.idx.msk [tilespmem:v18+s4+$0x0], $0xffff;
	v21 =	vand.u32 $0x5C, v19;
	v9 =	vadd.s32 $0x20, v9  }
0x143: {  	v21 =	vor.u32 v52, v21;
	v26 =	vld.idx.msk [tilespmem:v15+s4+$0x0], $0xffff  }
0x144: {  	v27 =	vld.idx.msk [tilespmem:v16+s4+$0x0], $0xffff  }
0x145: {  	v28 =	vld.idx.msk [tilespmem:v7+s4+$0x0], $0xffff  }
0x146: {  	vm0 =	vlt.f32 v17, v0;
	v17 =	vld.idx.msk [tilespmem:v20+s4+$0x0], $0xffff  }
0x147: {  	v10 =	vsel vm0, v24, v10;
	v9 =	vld.idx.msk [tilespmem:v9+s4+$0x0], $0xffff  }
0x148: {  	v20 =	vld.idx.msk [tilespmem:v21+s4+$0x0], $0xffff;
	v21 =	vor.u32 $0x2, v10;
	_ =	sdelay $0x1  }
0x149: {  	vm0 =	vlt.f32 v25, v5  }
0x14a: {  	v14 =	vsel vm0, v18, v14;
	vm0 =	vlt.f32 v26, v6  }
0x14b: {  	v8 =	vsel vm0, v15, v8;
	vm0 =	vlt.f32 v27, v2  }
0x14c: {  	v6 =	vadd.s32 $0x1, v14;
	v11 =	vsel vm0, v16, v11;
	vm0 =	vlt.f32 v28, v3;
	[tilespmem:s29+$0xB0] =	vst v9;
	v16 =	vld.idx.msk [tilespmem:v21+s4+$0x0], $0xffff  }
0x14d: {  	v8 =	vadd.s32 $0x20, v8;
	v12 =	vsel vm0, v7, v12;
	v7 =	vld [tilespmem:s9+$0xC0]  }
0x14e: {  	v26 =	vld [tilespmem:$0x1FC70]  }
0x14f: {  	v34 =	vmov v56;
	vm0 =	vlt.f32 v17, v1;
	v9 =	vadd.s32 $0x1, v11;
	v56 =	vld [tilespmem:$0x1FC20]  }
0x150: {  	v15 =	vadd.s32 $0x1, v12;
	v13 =	vsel vm0, v13, v23;
	vm0 =	vlt.f32 v20, v4;
	v53 =	vld [tilespmem:$0x1FCC0]  }
0x151: {  	v17 =	vor.u32 $0x2, v13;
	v18 =	vsel vm0, v19, v22;
	v19 =	vld.idx.msk [tilespmem:v6+s4+$0x0], $0xffff  }
0x152: {  	v20 =	vor.u32 $0x2, v18;
	v8 =	vld.idx.msk [tilespmem:v8+s4+$0x0], $0xffff;
	_ =	sdelay $0x1  }
0x153: {  	v22 =	vld.idx.msk [tilespmem:v9+s4+$0x0], $0xffff;
	vm0 =	vlt.f32 v26, v7  }
0x154: {  	v23 =	vld.idx.msk [tilespmem:v15+s4+$0x0], $0xffff;
	vm1 =	vlt.f32 v16, v0;
	v16 =	vsel vm0, v30, v35;
	v24 =	vsel vm0, v53, v56  }
0x155: {  	s30 =	simm.s32 $0xA300;
	v25 =	vld.idx.msk [tilespmem:v17+s4+$0x0], $0xffff;
	v10 =	vsel vm1, v21, v10;
	vm0 =	vlt.f32 v24, v7;
	v21 =	vor.u32 $0x8, v16  }
0x156: {  	vm1 =	vlt.f32 v19, v5;
	v5 =	vld.idx.msk [tilespmem:v20+s4+$0x0], $0xffff;
	[tilespmem:s30+$0x80] =	vst v8;
	v16 =	vsel vm0, v21, v16  }
0x157: {  	v19 =	vadd.s32 $0x1, v10;
	v6 =	vsel vm1, v6, v14;
	v8 =	vld [tilespmem:s31+$0x90];
	v14 =	vor.u32 $0x4, v16  }
0x158: {  	vm0 =	vlt.f32 v22, v2;
	v2 =	vadd.s32 $0x20, v6;
	v6 =	vand.u32 $0x5C, v14  }
0x159: {  	v9 =	vsel vm0, v9, v11;
	vm0 =	vlt.f32 v23, v3;
	v3 =	vor.u32 v33, v6  }
0x15a: {  	v6 =	vsel vm0, v15, v12;
	v9 =	vadd.s32 $0x20, v9;
	vm0 =	vlt.f32 v25, v1  }
0x15b: {  	v6 =	vadd.s32 $0x20, v6;
	v11 =	vsel vm0, v17, v13;
	vm0 =	vlt.f32 v5, v4  }
0x15c: {  	v12 =	vld.idx.msk [tilespmem:v19+s4+$0x0], $0xffff;
	v13 =	vadd.s32 $0x1, v11;
	v15 =	vsel vm0, v20, v18;
	vm0 =	vlt.f32 v45, v8  }
0x15d: {  	v2 =	vld.idx.msk [tilespmem:v2+s4+$0x0], $0xffff;
	v17 =	vadd.s32 $0x1, v15;
	v5 =	vsel vm0, v50, v49;
	v18 =	vsel vm0, v47, v34  }
0x15e: {  	vm0 =	vlt.f32 v18, v8;
	v18 =	vor.u32 $0x8, v5;
	v3 =	vld.idx.msk [tilespmem:v3+s4+$0x0], $0xffff  }
0x15f: {  	v9 =	vld.idx.msk [tilespmem:v9+s4+$0x0], $0xffff;
	v18 =	vsel vm0, v18, v5  }
0x160: {  	v5 =	vld.idx.msk [tilespmem:v6+s4+$0x0], $0xffff;
	v20 =	vor.u32 $0x4, v18  }
0x161: {  	v21 =	vld.idx.msk [tilespmem:v13+s4+$0x0], $0xffff;
	v6 =	vand.u32 $0x5C, v20  }
0x162: {  	v22 =	vld.idx.msk [tilespmem:v17+s4+$0x0], $0xffff;
	v23 =	vor.u32 v46, v6  }
0x163: {  	[tilespmem:s30+$0xFFFFFF00] =	vst v2;
	vm0 =	vlt.f32 v3, v7  }
0x164: {  	v6 =	vld [tilespmem:s31+$0xFFFFFF10];
	[tilespmem:s30+$0xFFFFFF80] =	vst v9;
	v2 =	vsel vm0, v14, v16  }
0x165: {  	[tilespmem:s30+$0x0] =	vst v5;
	v5 =	vld [tilespmem:s31+$0xFFFFFF90];
	v9 =	vor.u32 $0x2, v2  }
0x166: {  	vm0 =	vlt.f32 v12, v0;
	v3 =	vld [tilespmem:s31+$0x10];
	v0 =	vand.u32 $0x13FF, v9  }
0x167: {  	v10 =	vsel vm0, v19, v10;
	vm0 =	vlt.f32 v21, v1;
	vm1 =	vlt.f32 v22, v4;
	v1 =	vld.idx.msk [tilespmem:v23+s4+$0x0], $0xffff  }
0x168: {  	v4 =	vadd.s32 $0x20, v10;
	v10 =	vsel vm0, v13, v11;
	v11 =	vsel vm1, v17, v15  }
0x169: {  	v10 =	vadd.s32 $0x20, v10;
	vm0 =	vlt.f32 v45, v6;
	v11 =	vadd.s32 $0x20, v11  }
0x16a: {  	v12 =	vsel vm0, v50, v49;
	v13 =	vsel vm0, v47, v34;
	vm1 =	vlt.f32 v45, v5  }
0x16b: {  	vm0 =	vlt.f32 v45, v3;
	v14 =	vsel vm1, v50, v49;
	v15 =	vsel vm1, v47, v34;
	v0 =	vld.idx.msk [tilespmem:v0+s4+$0x0], $0xffff  }
0x16c: {  	vm1 =	vlt.f32 v13, v6;
	v16 =	vsel vm0, v50, v49;
	vm2 =	vlt.f32 v1, v8  }
0x16d: {  	v1 =	vor.u32 $0x8, v12;
	v13 =	vsel vm0, v47, v34;
	v4 =	vld.idx.msk [tilespmem:v4+s4+$0x0], $0xffff;
	vm0 =	vlt.f32 v15, v5  }
0x16e: {  	v15 =	vor.u32 $0x8, v14;
	v17 =	vsel vm2, v20, v18;
	v12 =	vsel vm1, v1, v12  }
0x16f: {  	vm1 =	vlt.f32 v13, v3;
	v1 =	vor.u32 $0x2, v17;
	v13 =	vor.u32 $0x4, v12  }
0x170: {  	v14 =	vsel vm0, v15, v14;
	v15 =	vand.u32 $0x5C, v13;
	vm0 =	vlt.f32 v0, v7  }
0x171: {  	v15 =	vor.u32 v46, v15;
	v9 =	vsel vm0, v9, v2  }
0x172: {  	v18 =	vor.u32 $0x4, v14;
	v0 =	vor.u32 $0x8, v16;
	[tilespmem:s29+$0xFFFFFF30] =	vst v4;
	v2 =	vld.idx.msk [tilespmem:v10+s4+$0x0], $0xffff;
	v19 =	vadd.s32 $0x1, v9  }
0x173: {  	v10 =	vand.u32 $0x5C, v18;
	v4 =	vsel vm1, v0, v16;
	v0 =	vld [tilespmem:s9+$0xFFFFFF40]  }
0x174: {  	v10 =	vor.u32 v46, v10;
	v16 =	vld.idx.msk [tilespmem:v1+s4+$0x0], $0xffff  }
0x175: {  	v11 =	vld.idx.msk [tilespmem:v11+s4+$0x0], $0xffff;
	v20 =	vor.u32 $0x4, v4  }
0x176: {  	v21 =	vand.u32 $0x5C, v20;
	v15 =	vld.idx.msk [tilespmem:v15+s4+$0x0], $0xffff  }
0x177: {  	v21 =	vor.u32 v46, v21;
	v22 =	vld.idx.msk [tilespmem:v19+s4+$0x0], $0xffff;
	_ =	sdelay $0x1  }
0x178: {  	[tilespmem:s29+$0xFFFFFFB0] =	vst v2;
	vm1 =	vlt.f32 v26, v0;
	v10 =	vld.idx.msk [tilespmem:v10+s4+$0x0], $0xffff;
	vm0 =	vlt.f32 v16, v8  }
0x179: {  	[tilespmem:s29+$0x30] =	vst v11;
	v2 =	vsel vm1, v53, v56;
	v16 =	vsel vm0, v1, v17;
	v1 =	vld [tilespmem:s9+$0xFFFFFFC0];
	v17 =	vsel vm1, v30, v35  }
0x17a: {  	vm0 =	vlt.f32 v2, v0;
	v2 =	vld [tilespmem:s9+$0x40];
	v11 =	vadd.s32 $0x1, v16;
	vm1 =	vlt.f32 v15, v6  }
0x17b: {  	v21 =	vld.idx.msk [tilespmem:v21+s4+$0x0], $0xffff;
	v12 =	vsel vm1, v13, v12;
	vm1 =	vlt.f32 v22, v7  }
0x17c: {  	v9 =	vsel vm1, v19, v9  }
0x17d: {  	v15 =	vor.u32 $0x8, v17;
	v9 =	vadd.s32 $0x20, v9  }
0x17e: {  	vm2 =	vlt.f32 v10, v5;
	v7 =	vor.u32 $0x2, v12;
	v10 =	vsel vm0, v15, v17  }
0x17f: {  	v13 =	vsel vm2, v18, v14;
	vm0 =	vlt.f32 v26, v1;
	vm1 =	vlt.f32 v26, v2;
	v17 =	vld.idx.msk [tilespmem:v11+s4+$0x0], $0xffff  }
0x180: {  	v18 =	vsel vm0, v30, v35;
	v19 =	vsel vm0, v53, v56;
	vm0 =	vlt.f32 v21, v3  }
0x181: {  	v15 =	vor.u32 $0x2, v13;
	vm2 =	vlt.f32 v19, v1;
	v19 =	vsel vm0, v20, v4  }
0x182: {  	v14 =	vor.u32 $0x4, v10;
	v20 =	vsel vm1, v53, v56;
	v21 =	vor.u32 $0x2, v19;
	v9 =	vld.idx.msk [tilespmem:v9+s4+$0x0], $0xffff  }
0x183: {  	v4 =	vsel vm1, v30, v35;
	v23 =	vor.u32 $0x8, v18;
	vm0 =	vlt.f32 v20, v2  }
0x184: {  	v20 =	vor.u32 $0x8, v4;
	v18 =	vsel vm2, v23, v18;
	vm1 =	vlt.f32 v17, v8  }
0x185: {  	v22 =	vld.idx.msk [tilespmem:v7+s4+$0x0], $0xffff;
	v17 =	vor.u32 $0x4, v18;
	v11 =	vsel vm1, v11, v16;
	v16 =	vsel vm0, v20, v4  }
0x186: {  	v23 =	vand.u32 $0x5C, v14;
	v24 =	vld.idx.msk [tilespmem:v15+s4+$0x0], $0xffff;
	v4 =	vand.u32 $0x5C, v17;
	v20 =	vor.u32 $0x4, v16  }
0x187: {  	v8 =	vor.u32 v33, v23;
	v23 =	vor.u32 v33, v4;
	v25 =	vld.idx.msk [tilespmem:v21+s4+$0x0], $0xffff;
	v4 =	vand.u32 $0x5C, v20;
	[tilespmem:s29+$0xC0] =	vst v9  }
0x188: {  	v11 =	vadd.s32 $0x20, v11;
	v9 =	vor.u32 v33, v4;
	v4 =	vld [tilespmem:s9+$0xD0]  }
0x189: {  	v35 =	vld [tilespmem:$0x1FC80]  }
0x18a: {  	v39 =	vld [tilespmem:$0x1FED0]  }
0x18b: {  	vm0 =	vlt.f32 v22, v6;
	v34 =	vld [tilespmem:$0x1FE30]  }
0x18c: {  	v7 =	vsel vm0, v7, v12;
	v42 =	vld [tilespmem:$0x1FC30]  }
0x18d: {  	vm0 =	vlt.f32 v24, v5;
	v12 =	vadd.s32 $0x1, v7;
	v11 =	vld.idx.msk [tilespmem:v11+s4+$0x0], $0xffff  }
0x18e: {  	v13 =	vsel vm0, v15, v13;
	v54 =	vld [tilespmem:$0x1FCD0]  }
0x18f: {  	v8 =	vld.idx.msk [tilespmem:v8+s4+$0x0], $0xffff;
	v15 =	vadd.s32 $0x1, v13  }
0x190: {  	v22 =	vld.idx.msk [tilespmem:v23+s4+$0x0], $0xffff;
	vm0 =	vlt.f32 v25, v3  }
0x191: {  	v19 =	vsel vm0, v21, v19;
	v9 =	vld.idx.msk [tilespmem:v9+s4+$0x0], $0xffff  }
0x192: {  	v21 =	vadd.s32 $0x1, v19;
	v23 =	vld.idx.msk [tilespmem:v12+s4+$0x0], $0xffff;
	vm0 =	vlt.f32 v35, v4;
	[tilespmem:s30+$0x90] =	vst v11  }
0x193: {  	v24 =	vsel vm0, v34, v39;
	v25 =	vsel vm0, v54, v42;
	v38 =	vld [tilespmem:$0x1FEE0]  }
0x194: {  	vm0 =	vlt.f32 v8, v0;
	v26 =	vld.idx.msk [tilespmem:v15+s4+$0x0], $0xffff;
	vm1 =	vlt.f32 v25, v4;
	v8 =	vor.u32 $0x8, v24  }
0x195: {  	v10 =	vsel vm0, v14, v10;
	vm0 =	vlt.f32 v22, v1;
	v11 =	vsel vm1, v8, v24;
	v8 =	vld [tilespmem:s31+$0xA0]  }
0x196: {  	v14 =	vor.u32 $0x2, v10;
	v17 =	vsel vm0, v17, v18;
	v18 =	vor.u32 $0x4, v11  }
0x197: {  	v22 =	vld.idx.msk [tilespmem:v21+s4+$0x0], $0xffff;
	vm0 =	vlt.f32 v9, v2;
	v9 =	vor.u32 $0x2, v17;
	v24 =	vand.u32 $0x5C, v18  }
0x198: {  	v16 =	vsel vm0, v20, v16;
	vm0 =	vlt.f32 v23, v6;
	v6 =	vor.u32 v38, v24  }
0x199: {  	v20 =	vand.u32 $0x13FF, v14;
	v23 =	vand.u32 $0x13FF, v9;
	v7 =	vsel vm0, v12, v7  }
0x19a: {  	vm0 =	vlt.f32 v26, v5;
	v5 =	vadd.s32 $0x20, v7;
	vm1 =	vlt.f32 v31, v8  }
0x19b: {  	v7 =	vsel vm0, v15, v13;
	v12 =	vsel vm1, v29, v36;
	v13 =	vsel vm1, v32, v37  }
0x19c: {  	vm0 =	vlt.f32 v22, v3;
	vm1 =	vlt.f32 v13, v8;
	v3 =	vor.u32 $0x8, v12  }
0x19d: {  	v7 =	vadd.s32 $0x20, v7;
	v13 =	vsel vm0, v21, v19;
	v12 =	vsel vm1, v3, v12;
	v6 =	vld.idx.msk [tilespmem:v6+s4+$0x0], $0xffff  }
0x19e: {  	v15 =	vor.u32 $0x2, v16;
	v3 =	vadd.s32 $0x20, v13;
	v13 =	vor.u32 $0x4, v12  }
0x19f: {  	v19 =	vand.u32 $0x13FF, v15;
	v20 =	vld.idx.msk [tilespmem:v20+s4+$0x0], $0xffff;
	v21 =	vand.u32 $0x5C, v13  }
0x1a0: {  	v5 =	vld.idx.msk [tilespmem:v5+s4+$0x0], $0xffff;
	v21 =	vor.u32 v51, v21  }
0x1a1: {  	v22 =	vld.idx.msk [tilespmem:v23+s4+$0x0], $0xffff  }
0x1a2: {  	v7 =	vld.idx.msk [tilespmem:v7+s4+$0x0], $0xffff;
	vm0 =	vlt.f32 v6, v4  }
0x1a3: {  	v6 =	vld.idx.msk [tilespmem:v3+s4+$0x0], $0xffff;
	v11 =	vsel vm0, v18, v11  }
0x1a4: {  	v18 =	vld.idx.msk [tilespmem:v19+s4+$0x0], $0xffff;
	v19 =	vor.u32 $0x2, v11  }
0x1a5: {  	[tilespmem:s30+$0xFFFFFF10] =	vst v5;
	v21 =	vld.idx.msk [tilespmem:v21+s4+$0x0], $0xffff;
	v23 =	vand.u32 $0x17FF, v19  }
0x1a6: {  	v3 =	vld [tilespmem:s31+$0xFFFFFF20]  }
0x1a7: {  	[tilespmem:s30+$0xFFFFFF90] =	vst v7  }
0x1a8: {  	vm1 =	vlt.f32 v22, v1;
	vm0 =	vlt.f32 v20, v0;
	v5 =	vld [tilespmem:s31+$0xFFFFFFA0];
	[tilespmem:s30+$0x10] =	vst v6  }
0x1a9: {  	v9 =	vsel vm1, v9, v17;
	v6 =	vsel vm0, v14, v10;
	v7 =	vld [tilespmem:s31+$0x20]  }
0x1aa: {  	vm0 =	vlt.f32 v18, v2;
	v10 =	vadd.s32 $0x1, v6;
	vm1 =	vlt.f32 v21, v8;
	v14 =	vld.idx.msk [tilespmem:v23+s4+$0x0], $0xffff  }
0x1ab: {  	v15 =	vsel vm0, v15, v16;
	v16 =	vadd.s32 $0x1, v9;
	vm0 =	vlt.f32 v31, v3  }
0x1ac: {  	v12 =	vsel vm1, v13, v12;
	v13 =	vadd.s32 $0x1, v15;
	v18 =	vsel vm0, v32, v37  }
0x1ad: {  	vm1 =	vlt.f32 v31, v5;
	v21 =	vsel vm0, v29, v36;
	v17 =	vor.u32 $0x2, v12  }
0x1ae: {  	vm0 =	vlt.f32 v18, v3;
	v18 =	vsel vm1, v29, v36;
	v22 =	vsel vm1, v32, v37  }
0x1af: {  	v20 =	vand.u32 $0xBFF, v17;
	vm1 =	vlt.f32 v31, v7;
	vm2 =	vlt.f32 v14, v4  }
0x1b0: {  	v23 =	vsel vm1, v29, v36;
	v24 =	vsel vm1, v32, v37;
	v11 =	vsel vm2, v19, v11  }
0x1b1: {  	vm1 =	vlt.f32 v22, v5;
	v14 =	vor.u32 $0x8, v21;
	v19 =	vld.idx.msk [tilespmem:v10+s4+$0x0], $0xffff;
	v22 =	vadd.s32 $0x1, v11  }
0x1b2: {  	v25 =	vor.u32 $0x8, v18;
	v14 =	vsel vm0, v14, v21  }
0x1b3: {  	v18 =	vsel vm1, v25, v18;
	v21 =	vld.idx.msk [tilespmem:v16+s4+$0x0], $0xffff;
	v25 =	vor.u32 $0x4, v14  }
0x1b4: {  	vm2 =	vlt.f32 v24, v7;
	v24 =	vor.u32 $0x8, v23;
	v20 =	vld.idx.msk [tilespmem:v20+s4+$0x0], $0xffff;
	v27 =	vand.u32 $0x5C, v25  }
0x1b5: {  	v26 =	vld.idx.msk [tilespmem:v13+s4+$0x0], $0xffff;
	v23 =	vsel vm2, v24, v23;
	v24 =	vor.u32 $0x4, v18;
	v27 =	vor.u32 v51, v27  }
0x1b6: {  	v28 =	vor.u32 $0x4, v23;
	v29 =	vand.u32 $0x5C, v24;
	vm0 =	vlt.f32 v19, v0;
	v0 =	vld.idx.msk [tilespmem:v22+s4+$0x0], $0xffff  }
0x1b7: {  	v30 =	vand.u32 $0x5C, v28;
	v29 =	vor.u32 v51, v29  }
0x1b8: {  	v19 =	vor.u32 v51, v30;
	v6 =	vsel vm0, v10, v6  }
0x1b9: {  	vm1 =	vlt.f32 v21, v1;
	vm0 =	vlt.f32 v20, v8;
	v1 =	vadd.s32 $0x20, v6  }
0x1ba: {  	v6 =	vsel vm0, v17, v12;
	vm0 =	vlt.f32 v26, v2;
	v2 =	vsel vm1, v16, v9;
	v12 =	vld.idx.msk [tilespmem:v27+s4+$0x0], $0xffff  }
0x1bb: {  	v10 =	vsel vm0, v13, v15;
	v2 =	vadd.s32 $0x20, v2;
	vm0 =	vlt.f32 v0, v4  }
0x1bc: {  	v9 =	vadd.s32 $0x1, v6;
	v13 =	vld.idx.msk [tilespmem:v29+s4+$0x0], $0xffff;
	v4 =	vsel vm0, v22, v11  }
0x1bd: {  	v4 =	vadd.s32 $0x20, v4  }
0x1be: {  	v10 =	vadd.s32 $0x20, v10;
	v0 =	vld.idx.msk [tilespmem:v19+s4+$0x0], $0xffff  }
0x1bf: {  	v1 =	vld.idx.msk [tilespmem:v1+s4+$0x0], $0xffff;
	vm0 =	vlt.f32 v12, v3  }
0x1c0: {  	v15 =	vld.idx.msk [tilespmem:v2+s4+$0x0], $0xffff;
	v12 =	vsel vm0, v25, v14  }
0x1c1: {  	v11 =	vld.idx.msk [tilespmem:v9+s4+$0x0], $0xffff;
	vm0 =	vlt.f32 v13, v5;
	v13 =	vor.u32 $0x2, v12  }
0x1c2: {  	v16 =	vand.u32 $0xBFF, v13;
	v4 =	vld.idx.msk [tilespmem:v4+s4+$0x0], $0xffff  }
0x1c3: {  	v10 =	vld.idx.msk [tilespmem:v10+s4+$0x0], $0xffff  }
0x1c4: {  	[tilespmem:s29+$0xFFFFFF40] =	vst v1  }
0x1c5: {  	v14 =	vsel vm0, v24, v18;
	v32 =	vld [tilespmem:s9+$0xFFFFFF50];
	[tilespmem:s29+$0xFFFFFFC0] =	vst v15  }
0x1c6: {  	v17 =	vor.u32 $0x2, v14;
	v43 =	vld [tilespmem:s9+$0xFFFFFFD0]  }
0x1c7: {  	v18 =	vand.u32 $0xBFF, v17;
	vm1 =	vlt.f32 v11, v8;
	v15 =	vld.idx.msk [tilespmem:v16+s4+$0x0], $0xffff;
	[tilespmem:s29+$0xD0] =	vst v4  }
0x1c8: {  	vm0 =	vlt.f32 v0, v7;
	v0 =	vsel vm1, v9, v6;
	[tilespmem:s29+$0x40] =	vst v10;
	v11 =	vld [tilespmem:s9+$0xE0]  }
0x1c9: {  	v9 =	vadd.s32 $0x20, v0;
	v0 =	vld [tilespmem:$0x1FC90];
	_ =	sdelay $0x1  }
0x1ca: {  	v8 =	vsel vm0, v28, v23;
	vm0 =	vlt.f32 v35, v32  }
0x1cb: {  	v4 =	vld.idx.msk [tilespmem:v18+s4+$0x0], $0xffff;
	v16 =	vsel vm0, v34, v39;
	v18 =	vsel vm0, v54, v42;
	vm0 =	vlt.f32 v35, v43  }
0x1cc: {  	v51 =	vld [tilespmem:$0x1FE40];
	v20 =	vsel vm0, v54, v42;
	vm2 =	vlt.f32 v15, v3  }
0x1cd: {  	vm3 =	vlt.f32 v20, v43;
	v20 =	vsel vm2, v13, v12;
	vm2 =	vlt.f32 v0, v11;
	v0 =	vld [tilespmem:$0x1FFA0];
	_ =	sdelay $0x1  }
0x1ce: {  	v6 =	vor.u32 $0x2, v8  }
0x1cf: {  	v10 =	vand.u32 $0xBFF, v6;
	v1 =	vld [tilespmem:$0x1FCE0]  }
0x1d0: {  	v9 =	vld.idx.msk [tilespmem:v9+s4+$0x0], $0xffff  }
0x1d1: {  	vm4 =	vlt.f32 v4, v5;
	v4 =	vsel vm2, v51, v0;
	v0 =	vld [tilespmem:$0x1FC40];
	_ =	sdelay $0x2  }
0x1d2: {  	v10 =	vld.idx.msk [tilespmem:v10+s4+$0x0], $0xffff  }
0x1d3: {  	v48 =	vld [tilespmem:s9+$0x50];
	[tilespmem:s30+$0xA0] =	vst v9  }
0x1d4: {  	v12 =	vsel vm2, v1, v0;
	v0 =	vld [tilespmem:$0x1FEF0]  }
0x1d5: {  	vm1 =	vlt.f32 v18, v32;
	vm2 =	vlt.f32 v12, v11;
	v12 =	vor.u32 $0x8, v4  }
0x1d6: {  	v18 =	vor.u32 $0x8, v16;
	v21 =	vadd.s32 $0x1, v20;
	v22 =	vsel vm2, v12, v4  }
0x1d7: {  	vm13 =	vlt.f32 v10, v7;
	v9 =	vsel vm4, v17, v14;
	v24 =	vor.u32 $0x4, v22  }
0x1d8: {  	v8 =	vsel vm13, v6, v8;
	v23 =	vadd.s32 $0x1, v9;
	v12 =	vld [tilespmem:s31+$0xB0];
	v6 =	vand.u32 $0x5C, v24  }
0x1d9: {  	v19 =	vsel vm0, v34, v39;
	vm0 =	vlt.f32 v35, v48;
	v6 =	vor.u32 v0, v6  }
0x1da: {  	v15 =	vsel vm1, v18, v16;
	v13 =	vor.u32 $0x8, v19;
	v25 =	vadd.s32 $0x1, v8  }
0x1db: {  	v10 =	vsel vm0, v54, v42;
	v14 =	vor.u32 $0x4, v15;
	v4 =	vsel vm0, v34, v39  }
0x1dc: {  	v18 =	vld.idx.msk [tilespmem:v21+s4+$0x0], $0xffff;
	vm0 =	vlt.f32 v10, v48;
	v39 =	vsel vm3, v13, v19;
	v10 =	vor.u32 $0x8, v4  }
0x1dd: {  	v19 =	vld.idx.msk [tilespmem:v23+s4+$0x0], $0xffff;
	v17 =	vor.u32 $0x4, v39;
	v42 =	vsel vm0, v10, v4;
	vm0 =	vlt.f32 v63, v12  }
0x1de: {  	v10 =	vsel vm0, v62, v44;
	v13 =	vsel vm0, v41, v40;
	v29 =	vld.idx.msk [tilespmem:v6+s4+$0x0], $0xffff;
	v6 =	vand.u32 $0x5C, v17  }
0x1df: {  	v26 =	vld.idx.msk [tilespmem:v25+s4+$0x0], $0xffff;
	vm0 =	vlt.f32 v13, v12;
	v27 =	vor.u32 $0x8, v10;
	v0 =	vor.u32 v38, v6  }
0x1e0: {  	s0 =	simm.s32 $0x2500;
	v28 =	vand.u32 $0x5C, v14;
	v27 =	vsel vm0, v27, v10;
	[tilespmem:$0x1FAF0] =	vst v0  }
0x1e1: {  	v28 =	vor.u32 v38, v28;
	v31 =	vor.u32 $0x4, v27;
	v10 =	vld [tilespmem:s0+$0x80]  }
0x1e2: {  	vm1 =	vlt.f32 v19, v5;
	vm0 =	vlt.f32 v18, v3;
	v54 =	vand.u32 $0x5C, v31;
	v6 =	vld [tilespmem:s0+$0xFFFFFF80]  }
0x1e3: {  	v19 =	vsel vm0, v21, v20;
	v20 =	vsel vm1, v23, v9;
	v3 =	vor.u32 v52, v54;
	v9 =	vld [tilespmem:s0+$0xFFFFFF00]  }
0x1e4: {  	v13 =	vor.u32 $0x4, v42;
	vm0 =	vlt.f32 v26, v7;
	v7 =	vadd.s32 $0x20, v19;
	v5 =	vld [tilespmem:s0+$0x0]  }
0x1e5: {  	v8 =	vsel vm0, v25, v8;
	v19 =	vadd.s32 $0x20, v20;
	vm1 =	vlt.f32 v29, v11  }
0x1e6: {  	v30 =	vand.u32 $0x5C, v13;
	v8 =	vadd.s32 $0x20, v8;
	v20 =	vsel vm1, v24, v22  }
0x1e7: {  	v18 =	vor.u32 v38, v30;
	v21 =	vor.u32 $0x2, v20;
	vm0 =	vlt.f32 v57, v10  }
0x1e8: {  	v22 =	vand.u32 $0x1BFF, v21;
	vm1 =	vlt.f32 v57, v6;
	v3 =	vld.idx.msk [tilespmem:v3+s4+$0x0], $0xffff;
	vm3 =	vlt.f32 v57, v9  }
0x1e9: {  	v7 =	vld.idx.msk [tilespmem:v7+s4+$0x0], $0xffff;
	v23 =	vsel vm0, v58, v59;
	v24 =	vsel vm0, v61, v60;
	vm0 =	vlt.f32 v57, v5  }
0x1ea: {  	v19 =	vld.idx.msk [tilespmem:v19+s4+$0x0], $0xffff;
	v25 =	vsel vm1, v61, v60;
	vm2 =	vlt.f32 v23, v10;
	v23 =	vor.u32 $0x8, v24  }
0x1eb: {  	v29 =	vld.idx.msk [tilespmem:v8+s4+$0x0], $0xffff;
	v26 =	vsel vm3, v58, v59;
	v8 =	vsel vm1, v58, v59;
	v23 =	vsel vm2, v23, v24  }
0x1ec: {  	v36 =	vsel vm0, v61, v60;
	vm1 =	vlt.f32 v26, v9;
	v30 =	vor.u32 $0x4, v23  }
0x1ed: {  	v24 =	vsel vm3, v61, v60;
	v37 =	vand.u32 $0x5C, v30;
	vm2 =	vlt.f32 v3, v12;
	v22 =	vld.idx.msk [tilespmem:v22+s4+$0x0], $0xffff  }
0x1ee: {  	v38 =	vor.u32 $0x8, v36;
	[tilespmem:s30+$0xFFFFFF20] =	vst v7;
	v26 =	vor.u32 v55, v37;
	v27 =	vsel vm2, v31, v27  }
0x1ef: {  	v7 =	vor.u32 $0x8, v24;
	[tilespmem:s30+$0xFFFFFFA0] =	vst v19;
	v19 =	vor.u32 $0x8, v25;
	v31 =	vor.u32 $0x2, v27  }
0x1f0: {  	v3 =	vsel vm0, v58, v59;
	vm0 =	vlt.f32 v8, v6;
	v8 =	vld [tilespmem:s31+$0xFFFFFF30];
	v24 =	vsel vm1, v7, v24  }
0x1f1: {  	v16 =	vld [tilespmem:s31+$0xFFFFFFB0];
	[tilespmem:s30+$0x20] =	vst v29;
	vm2 =	vlt.f32 v3, v5;
	v19 =	vsel vm0, v19, v25;
	v29 =	vor.u32 $0x4, v24  }
0x1f2: {  	v7 =	vld [tilespmem:s31+$0x30];
	v25 =	vsel vm2, v38, v36;
	vm0 =	vlt.f32 v22, v11;
	v22 =	vand.u32 $0x5C, v29  }
0x1f3: {  	v33 =	vor.u32 $0x4, v19;
	v26 =	vld.idx.msk [tilespmem:v26+s4+$0x0], $0xffff;
	v20 =	vsel vm0, v21, v20;
	v21 =	vor.u32 v55, v22  }
0x1f4: {  	v34 =	vor.u32 $0x4, v25;
	v35 =	vand.u32 $0x5C, v33;
	v54 =	vld.idx.msk [tilespmem:v31+s4+$0x0], $0xffff;
	v57 =	vadd.s32 $0x1, v20  }
0x1f5: {  	v35 =	vor.u32 v55, v35;
	v22 =	vand.u32 $0x5C, v34  }
0x1f6: {  	vm1 =	vlt.f32 v63, v16;
	vm0 =	vlt.f32 v63, v8;
	v22 =	vor.u32 v55, v22  }
0x1f7: {  	vm2 =	vlt.f32 v63, v7;
	v0 =	vsel vm1, v62, v44;
	v3 =	vsel vm1, v41, v40  }
0x1f8: {  	v1 =	vsel vm0, v62, v44;
	v2 =	vsel vm0, v41, v40;
	vm0 =	vlt.f32 v26, v10;
	v21 =	vld.idx.msk [tilespmem:v21+s4+$0x0], $0xffff  }
0x1f9: {  	vm1 =	vlt.f32 v2, v8;
	v23 =	vsel vm0, v30, v23;
	vm0 =	vlt.f32 v54, v12;
	v2 =	vld.idx.msk [tilespmem:v57+s4+$0x0], $0xffff  }
0x1fa: {  	v4 =	vsel vm2, v41, v40;
	v27 =	vsel vm0, v31, v27;
	vm0 =	vlt.f32 v3, v16;
	v3 =	vld.idx.msk [tilespmem:v35+s4+$0x0], $0xffff  }
0x1fb: {  	v55 =	vor.u32 $0x8, v0;
	v26 =	vsel vm2, v62, v44;
	vm2 =	vlt.f32 v4, v7;
	v4 =	vld.idx.msk [tilespmem:v22+s4+$0x0], $0xffff  }
0x1fc: {  	v22 =	vor.u32 $0x8, v26;
	v30 =	vor.u32 $0x2, v23;
	v31 =	vor.u32 $0x8, v1  }
0x1fd: {  	v22 =	vsel vm2, v22, v26;
	v54 =	vadd.s32 $0x1, v27;
	v1 =	vsel vm1, v31, v1  }
0x1fe: {  	v0 =	vsel vm0, v55, v0;
	v31 =	vor.u32 $0x4, v1;
	vm0 =	vlt.f32 v21, v9  }
0x1ff: {  	vm1 =	vlt.f32 v2, v11;
	v11 =	vsel vm0, v29, v24;
	vm0 =	vlt.f32 v3, v6  }
0x200: {  	v26 =	vand.u32 $0x5C, v31;
	v19 =	vsel vm0, v33, v19;
	vm0 =	vlt.f32 v4, v5;
	v4 =	vld [tilespmem:$0x1FAF0]  }
0x201: {  	v2 =	vor.u32 v52, v26;
	v21 =	vld.idx.msk [tilespmem:v30+s4+$0x0], $0xffff  }
0x202: {  	v3 =	vor.u32 $0x2, v11;
	v24 =	vld.idx.msk [tilespmem:v54+s4+$0x0], $0xffff  }
0x203: {  	v26 =	vld.idx.msk [tilespmem:v28+s4+$0x0], $0xffff;
	v28 =	vor.u32 $0x4, v0;
	v20 =	vsel vm1, v57, v20  }
0x204: {  	v63 =	vand.u32 $0x5C, v28;
	v20 =	vadd.s32 $0x20, v20  }
0x205: {  	v18 =	vld.idx.msk [tilespmem:v18+s4+$0x0], $0xffff;
	v57 =	vor.u32 $0x4, v22;
	v25 =	vsel vm0, v34, v25;
	v34 =	vor.u32 v52, v63  }
0x206: {  	v41 =	vand.u32 $0x5C, v57;
	v40 =	vor.u32 $0x2, v25;
	v2 =	vld.idx.msk [tilespmem:v2+s4+$0x0], $0xffff;
	vm0 =	vlt.f32 v21, v10  }
0x207: {  	v21 =	vor.u32 v52, v41;
	v23 =	vsel vm0, v30, v23;
	v30 =	vld.idx.msk [tilespmem:v3+s4+$0x0], $0xffff;
	vm0 =	vlt.f32 v24, v12  }
0x208: {  	v29 =	vor.u32 $0x2, v19;
	vm1 =	vlt.f32 v26, v32;
	v24 =	vsel vm0, v54, v27;
	v4 =	vld.idx.msk [tilespmem:v4+s4+$0x0], $0xffff  }
0x209: {  	v15 =	vsel vm1, v14, v15;
	v12 =	vld.idx.msk [tilespmem:v20+s4+$0x0], $0xffff;
	v14 =	vadd.s32 $0x20, v24  }
0x20a: {  	v20 =	vadd.s32 $0x1, v23;
	v34 =	vld.idx.msk [tilespmem:v34+s4+$0x0], $0xffff  }
0x20b: {  	v26 =	vld.idx.msk [tilespmem:v40+s4+$0x0], $0xffff  }
0x20c: {  	v24 =	vor.u32 $0x2, v15;
	v21 =	vld.idx.msk [tilespmem:v21+s4+$0x0], $0xffff  }
0x20d: {  	v54 =	vand.u32 $0x17FF, v24;
	vm0 =	vlt.f32 v4, v43;
	v4 =	vld.idx.msk [tilespmem:v29+s4+$0x0], $0xffff  }
0x20e: {  	[tilespmem:s29+$0xE0] =	vst v12;
	v12 =	vld.idx.msk [tilespmem:v14+s4+$0x0], $0xffff  }
0x20f: {  	vm1 =	vlt.f32 v18, v48;
	v18 =	vld.idx.msk [tilespmem:v20+s4+$0x0], $0xffff;
	v17 =	vsel vm0, v17, v39;
	vm0 =	vlt.f32 v2, v8  }
0x210: {  	v1 =	vsel vm0, v31, v1  }
0x211: {  	vm0 =	vlt.f32 v30, v9;
	v31 =	vsel vm1, v13, v42;
	vm1 =	vlt.f32 v34, v16  }
0x212: {  	v13 =	vld.idx.msk [tilespmem:v54+s4+$0x0], $0xffff;
	v3 =	vsel vm0, v3, v11;
	v0 =	vsel vm1, v28, v0;
	vm0 =	vlt.f32 v4, v6  }
0x213: {  	v38 =	vld [tilespmem:s9+$0xF0];
	vm1 =	vlt.f32 v21, v7;
	[tilespmem:s30+$0xB0] =	vst v12;
	v19 =	vsel vm0, v29, v19;
	vm0 =	vlt.f32 v26, v5  }
0x214: {  	v21 =	vsel vm1, v57, v22;
	v22 =	vld [tilespmem:$0x1FFF0];
	v25 =	vsel vm0, v40, v25;
	vm0 =	vlt.f32 v18, v10  }
0x215: {  	v52 =	vor.u32 $0x2, v17;
	v11 =	vadd.s32 $0x1, v3;
	v14 =	vsel vm0, v20, v23;
	v20 =	vld [tilespmem:$0x1FCA0]  }
0x216: {  	v2 =	vand.u32 $0x17FF, v52;
	v42 =	vld [tilespmem:$0x1FC70]  }
0x217: {  	v30 =	vor.u32 $0x2, v1;
	v36 =	vld [tilespmem:$0x1FF80]  }
0x218: {  	v29 =	vld [tilespmem:$0x1FCF0]  }
0x219: {  	v23 =	vld [tilespmem:$0x1FFD0]  }
0x21a: {  	v18 =	vld.idx.msk [tilespmem:v11+s4+$0x0], $0xffff;
	vm0 =	vlt.f32 v20, v38;
	v20 =	vadd.s32 $0x20, v14  }
0x21b: {  	v2 =	vld.idx.msk [tilespmem:v2+s4+$0x0], $0xffff  }
0x21c: {  	v26 =	vadd.s32 $0x1, v19;
	v28 =	vld.idx.msk [tilespmem:v30+s4+$0x0], $0xffff  }
0x21d: {  	v10 =	vadd.s32 $0x1, v25;
	v14 =	vld [tilespmem:s31+$0xC0]  }
0x21e: {  	vm1 =	vlt.f32 v13, v32;
	v22 =	vsel vm0, v22, v23;
	v23 =	vld [tilespmem:$0x1FC50]  }
0x21f: {  	v12 =	vor.u32 $0x2, v0;
	v13 =	vsel vm1, v24, v15;
	vm1 =	vlt.f32 v18, v9;
	v9 =	vld.idx.msk [tilespmem:v20+s4+$0x0], $0xffff  }
0x220: {  	v27 =	vor.u32 $0x2, v31;
	v37 =	vld [tilespmem:$0x1FFE0]  }
0x221: {  	v4 =	vand.u32 $0x17FF, v27;
	v55 =	vld.idx.msk [tilespmem:v26+s4+$0x0], $0xffff;
	vm2 =	vlt.f32 v2, v43;
	vm3 =	vlt.f32 v28, v8  }
0x222: {  	v24 =	vadd.s32 $0x1, v13;
	v2 =	vld.idx.msk [tilespmem:v10+s4+$0x0], $0xffff;
	v17 =	vsel vm2, v52, v17;
	v1 =	vsel vm3, v30, v1  }
0x223: {  	s2 =	simm.s32 $0xA500;
	v18 =	vadd.s32 $0x1, v1;
	v23 =	vsel vm0, v29, v23;
	v29 =	vor.u32 $0x2, v21  }
0x224: {  	v15 =	vld.idx.msk [tilespmem:v12+s4+$0x0], $0xffff;
	v30 =	vadd.s32 $0x1, v17;
	v3 =	vsel vm1, v11, v3;
	vm2 =	vlt.f32 v42, v14;
	[tilespmem:s2+$0x80] =	vst v9  }
0x225: {  	v3 =	vadd.s32 $0x20, v3;
	v20 =	vsel vm2, v37, v36;
	v28 =	vsel vm2, v53, v56;
	v63 =	vld [tilespmem:$0x1FF90]  }
0x226: {  	v4 =	vld.idx.msk [tilespmem:v4+s4+$0x0], $0xffff;
	vm1 =	vlt.f32 v55, v6;
	vm2 =	vlt.f32 v28, v14;
	v28 =	vor.u32 $0x8, v20  }
0x227: {  	v6 =	vsel vm1, v26, v19;
	vm1 =	vlt.f32 v2, v5;
	v2 =	vld.idx.msk [tilespmem:v24+s4+$0x0], $0xffff;
	v11 =	vsel vm2, v28, v20  }
0x228: {  	vm0 =	vlt.f32 v23, v38;
	v23 =	vor.u32 $0x8, v22;
	v19 =	vor.u32 $0x4, v11;
	v57 =	vld.idx.msk [tilespmem:v29+s4+$0x0], $0xffff  }
0x229: {  	v26 =	vld.idx.msk [tilespmem:v18+s4+$0x0], $0xffff;
	v20 =	vadd.s32 $0x20, v6;
	v6 =	vsel vm1, v10, v25;
	v5 =	vand.u32 $0x5C, v19  }
0x22a: {  	vm1 =	vlt.f32 v15, v16;
	v15 =	vld [tilespmem:s0+$0x90];
	v9 =	vor.u32 v63, v5;
	v5 =	vsel vm0, v23, v22  }
0x22b: {  	vm0 =	vlt.f32 v4, v48;
	v4 =	vld [tilespmem:$0x1FFC0];
	[tilespmem:$0x1FB00] =	vst v5  }
0x22c: {  	v0 =	vsel vm1, v12, v0;
	v5 =	vor.u32 $0x4, v5;
	v12 =	vld.idx.msk [tilespmem:v30+s4+$0x0], $0xffff  }
0x22d: {  	v25 =	vadd.s32 $0x20, v6;
	vm1 =	vlt.f32 v57, v7;
	[tilespmem:$0x1FB10] =	vst v5;
	v10 =	vand.u32 $0x5C, v5;
	v5 =	vld [tilespmem:$0x1FD00]  }
0x22e: {  	v22 =	vadd.s32 $0x1, v0;
	v21 =	vsel vm1, v29, v21  }
0x22f: {  	v23 =	vadd.s32 $0x1, v21;
	v3 =	vld.idx.msk [tilespmem:v3+s4+$0x0], $0xffff  }
0x230: {  	v20 =	vld.idx.msk [tilespmem:v20+s4+$0x0], $0xffff  }
0x231: {  	vm2 =	vlt.f32 v2, v32;
	vm1 =	vlt.f32 v45, v15;
	v10 =	vor.u32 v4, v10;
	v4 =	vld.idx.msk [tilespmem:v9+s4+$0x0], $0xffff  }
0x232: {  	v13 =	vsel vm2, v24, v13;
	v2 =	vld.idx.msk [tilespmem:v25+s4+$0x0], $0xffff;
	v9 =	vsel vm1, v50, v49;
	v25 =	vsel vm1, v47, v5  }
0x233: {  	vm1 =	vlt.f32 v26, v8;
	v8 =	vld.idx.msk [tilespmem:v22+s4+$0x0], $0xffff;
	vm3 =	vlt.f32 v25, v15;
	v25 =	vor.u32 $0x8, v9  }
0x234: {  	v24 =	vadd.s32 $0x20, v13;
	v1 =	vsel vm1, v18, v1;
	v18 =	vld.idx.msk [tilespmem:v23+s4+$0x0], $0xffff;
	v9 =	vsel vm3, v25, v9  }
0x235: {  	vm1 =	vlt.f32 v12, v43;
	[tilespmem:s2+$0xFFFFFF00] =	vst v3;
	v1 =	vadd.s32 $0x20, v1;
	v3 =	vor.u32 $0x4, v9  }
0x236: {  	[tilespmem:s2+$0xFFFFFF80] =	vst v20;
	vm2 =	vlt.f32 v4, v14;
	v4 =	vsel vm1, v30, v17;
	v20 =	vand.u32 $0x5C, v3  }
0x237: {  	[tilespmem:s2+$0x0] =	vst v2;
	v12 =	vld [tilespmem:s0+$0xFFFFFF10];
	v17 =	vsel vm2, v19, v11;
	v4 =	vadd.s32 $0x20, v4;
	v2 =	vor.u32 v46, v20  }
0x238: {  	v13 =	vld [tilespmem:s0+$0xFFFFFF90];
	vm1 =	vlt.f32 v8, v16;
	v8 =	vor.u32 $0x2, v17;
	v16 =	vsel vm0, v27, v31  }
0x239: {  	v11 =	vld [tilespmem:s0+$0x10];
	v0 =	vsel vm1, v22, v0;
	vm1 =	vlt.f32 v18, v7;
	v7 =	vand.u32 $0x13FF, v8  }
0x23a: {  	v20 =	vld.idx.msk [tilespmem:v24+s4+$0x0], $0xffff;
	v19 =	vadd.s32 $0x1, v16  }
0x23b: {  	v1 =	vld.idx.msk [tilespmem:v1+s4+$0x0], $0xffff;
	v0 =	vadd.s32 $0x20, v0;
	v18 =	vsel vm1, v23, v21  }
0x23c: {  	vm0 =	vlt.f32 v45, v12;
	v18 =	vadd.s32 $0x20, v18;
	v4 =	vld.idx.msk [tilespmem:v4+s4+$0x0], $0xffff  }
0x23d: {  	vm1 =	vlt.f32 v45, v13;
	v21 =	vsel vm0, v50, v49;
	v2 =	vld.idx.msk [tilespmem:v2+s4+$0x0], $0xffff  }
0x23e: {  	v22 =	vsel vm0, v47, v5;
	v24 =	vsel vm1, v47, v5;
	vm0 =	vlt.f32 v45, v11;
	v26 =	vld.idx.msk [tilespmem:v7+s4+$0x0], $0xffff  }
0x23f: {  	v25 =	vsel vm0, v50, v49;
	v7 =	vsel vm0, v47, v5;
	vm0 =	vlt.f32 v24, v13;
	v24 =	vld.idx.msk [tilespmem:v19+s4+$0x0], $0xffff  }
0x240: {  	v23 =	vsel vm1, v50, v49;
	vm1 =	vlt.f32 v22, v12;
	v22 =	vor.u32 $0x8, v21;
	v0 =	vld.idx.msk [tilespmem:v0+s4+$0x0], $0xffff  }
0x241: {  	v21 =	vsel vm1, v22, v21;
	[tilespmem:s30+$0xFFFFFF30] =	vst v1;
	v1 =	vor.u32 $0x8, v23;
	vm2 =	vlt.f32 v7, v11;
	v18 =	vld.idx.msk [tilespmem:v18+s4+$0x0], $0xffff  }
0x242: {  	v22 =	vsel vm0, v1, v23;
	v1 =	vor.u32 $0x8, v25;
	v23 =	vor.u32 $0x4, v21;
	v43 =	vld [tilespmem:s31+$0xFFFFFF40]  }
0x243: {  	[tilespmem:s29+$0xFFFFFF50] =	vst v20;
	v20 =	vsel vm2, v1, v25;
	vm0 =	vlt.f32 v2, v15;
	v2 =	vand.u32 $0x5C, v23  }
0x244: {  	v50 =	vld [tilespmem:s9+$0xFFFFFF60];
	[tilespmem:s29+$0xFFFFFFD0] =	vst v4;
	v3 =	vsel vm0, v3, v9;
	vm0 =	vlt.f32 v26, v14;
	v27 =	vor.u32 v46, v2  }
0x245: {  	v25 =	vor.u32 $0x4, v22;
	v45 =	vld [tilespmem:s9+$0xFFFFFFE0];
	v4 =	vor.u32 $0x2, v3;
	[tilespmem:s30+$0xFFFFFFB0] =	vst v0;
	v0 =	vsel vm0, v8, v17  }
0x246: {  	v26 =	vor.u32 $0x4, v20;
	v9 =	vand.u32 $0x5C, v25;
	v40 =	vld [tilespmem:s31+$0xFFFFFFC0];
	[tilespmem:s30+$0x30] =	vst v18;
	v18 =	vadd.s32 $0x1, v0  }
0x247: {  	vm1 =	vlt.f32 v24, v48;
	v17 =	vand.u32 $0x5C, v26;
	vm0 =	vlt.f32 v42, v43;
	v52 =	vld [tilespmem:$0x1FC90]  }
0x248: {  	v28 =	vor.u32 v46, v9;
	v9 =	vld [tilespmem:s31+$0x40];
	v24 =	vsel vm0, v37, v36;
	v29 =	vsel vm0, v53, v56  }
0x249: {  	v17 =	vor.u32 v46, v17;
	vm0 =	vlt.f32 v29, v43;
	v29 =	vor.u32 $0x8, v24;
	v27 =	vld.idx.msk [tilespmem:v27+s4+$0x0], $0xffff  }
0x24a: {  	v16 =	vsel vm1, v19, v16;
	v24 =	vsel vm0, v29, v24;
	v19 =	vld.idx.msk [tilespmem:v4+s4+$0x0], $0xffff  }
0x24b: {  	v16 =	vadd.s32 $0x20, v16;
	v29 =	vor.u32 $0x4, v24;
	v30 =	vld.idx.msk [tilespmem:v18+s4+$0x0], $0xffff  }
0x24c: {  	vm2 =	vlt.f32 v42, v40;
	vm0 =	vlt.f32 v52, v50;
	vm1 =	vlt.f32 v52, v45  }
0x24d: {  	v28 =	vld.idx.msk [tilespmem:v28+s4+$0x0], $0xffff;
	v31 =	vsel vm2, v37, v36;
	v54 =	vsel vm2, v53, v56;
	vm2 =	vlt.f32 v42, v9  }
0x24e: {  	v17 =	vld.idx.msk [tilespmem:v17+s4+$0x0], $0xffff;
	vm3 =	vlt.f32 v54, v40;
	v55 =	vsel vm2, v37, v36;
	vm5 =	vlt.f32 v27, v12  }
0x24f: {  	v56 =	vsel vm2, v53, v56;
	vm2 =	vlt.f32 v19, v15;
	v21 =	vsel vm5, v23, v21  }
0x250: {  	v2 =	vld [tilespmem:$0x1FC40];
	v4 =	vsel vm2, v4, v3;
	vm2 =	vlt.f32 v30, v14;
	v14 =	vor.u32 $0x2, v21  }
0x251: {  	v16 =	vld.idx.msk [tilespmem:v16+s4+$0x0], $0xffff;
	vm14 =	vlt.f32 v56, v9;
	v23 =	vadd.s32 $0x1, v4;
	v0 =	vsel vm2, v18, v0  }
0x252: {  	v53 =	vld [tilespmem:$0x1FCE0];
	v19 =	vor.u32 $0x8, v31;
	vm15 =	vlt.f32 v28, v13;
	v0 =	vadd.s32 $0x20, v0  }
0x253: {  	v54 =	vld [tilespmem:$0x1FFA0];
	v19 =	vsel vm3, v19, v31;
	v18 =	vsel vm15, v25, v22;
	vm2 =	vlt.f32 v17, v11  }
0x254: {  	v25 =	vor.u32 $0x4, v19;
	v17 =	vor.u32 $0x2, v18;
	v20 =	vsel vm2, v26, v20  }
0x255: {  	v3 =	vor.u32 $0x8, v55;
	v28 =	vand.u32 $0x5C, v25;
	v22 =	vor.u32 $0x2, v20;
	v31 =	vld.idx.msk [tilespmem:v14+s4+$0x0], $0xffff  }
0x256: {  	v26 =	vsel vm14, v3, v55;
	v3 =	vand.u32 $0x5C, v29;
	v28 =	vor.u32 v63, v28;
	v27 =	vld.idx.msk [tilespmem:v23+s4+$0x0], $0xffff  }
0x257: {  	[tilespmem:s29+$0x50] =	vst v16;
	v42 =	vsel vm0, v53, v2;
	v30 =	vor.u32 $0x4, v26;
	v57 =	vor.u32 v63, v3;
	v0 =	vld.idx.msk [tilespmem:v0+s4+$0x0], $0xffff  }
0x258: {  	v41 =	vld [tilespmem:s9+$0x60];
	v47 =	vsel vm1, v51, v54;
	v48 =	vsel vm1, v53, v2;
	v3 =	vand.u32 $0x5C, v30  }
0x259: {  	vm1 =	vlt.f32 v48, v45;
	v63 =	vor.u32 v63, v3;
	v3 =	vsel vm0, v51, v54;
	v46 =	vld.idx.msk [tilespmem:v17+s4+$0x0], $0xffff  }
0x25a: {  	v56 =	vor.u32 $0x8, v47;
	vm0 =	vlt.f32 v42, v50;
	v49 =	vor.u32 $0x8, v3;
	v16 =	vld.idx.msk [tilespmem:v22+s4+$0x0], $0xffff  }
0x25b: {  	v34 =	vsel vm1, v56, v47;
	v37 =	vsel vm0, v49, v3;
	v28 =	vld.idx.msk [tilespmem:v28+s4+$0x0], $0xffff  }
0x25c: {  	vm1 =	vlt.f32 v31, v12;
	vm0 =	vlt.f32 v27, v15;
	v15 =	vld.idx.msk [tilespmem:v57+s4+$0x0], $0xffff;
	[tilespmem:s30+$0xC0] =	vst v0  }
0x25d: {  	v21 =	vsel vm1, v14, v21;
	v14 =	vld [tilespmem:s31+$0xD0]  }
0x25e: {  	v4 =	vsel vm0, v23, v4;
	v47 =	vld [tilespmem:$0x1FC80]  }
0x25f: {  	v4 =	vadd.s32 $0x20, v4;
	v49 =	vld [tilespmem:$0x1FED0]  }
0x260: {  	vm0 =	vlt.f32 v46, v13;
	v46 =	vld [tilespmem:$0x1FE30]  }
0x261: {  	v48 =	vld [tilespmem:$0x1FCD0]  }
0x262: {  	v31 =	vadd.s32 $0x1, v21;
	v17 =	vsel vm0, v17, v18;
	vm0 =	vlt.f32 v16, v11;
	v42 =	vld [tilespmem:$0x1FC30]  }
0x263: {  	v57 =	vld.idx.msk [tilespmem:v63+s4+$0x0], $0xffff;
	v16 =	vadd.s32 $0x1, v17;
	v20 =	vsel vm0, v22, v20  }
0x264: {  	v56 =	vadd.s32 $0x1, v20;
	vm0 =	vlt.f32 v15, v43;
	v4 =	vld.idx.msk [tilespmem:v4+s4+$0x0], $0xffff  }
0x265: {  	vm1 =	vlt.f32 v52, v41;
	v24 =	vsel vm0, v29, v24;
	vm0 =	vlt.f32 v28, v40  }
0x266: {  	v63 =	vsel vm1, v53, v2;
	v19 =	vsel vm0, v25, v19;
	vm0 =	vlt.f32 v47, v14  }
0x267: {  	v22 =	vsel vm1, v51, v54;
	v25 =	vld.idx.msk [tilespmem:v31+s4+$0x0], $0xffff;
	v15 =	vsel vm0, v46, v49;
	v29 =	vsel vm0, v48, v42  }
0x268: {  	vm1 =	vlt.f32 v57, v9;
	v57 =	vld.idx.msk [tilespmem:v16+s4+$0x0], $0xffff;
	vm0 =	vlt.f32 v29, v14;
	v29 =	vor.u32 $0x8, v15  }
0x269: {  	v29 =	vsel vm0, v29, v15;
	v15 =	vld.idx.msk [tilespmem:v56+s4+$0x0], $0xffff;
	[tilespmem:s2+$0x90] =	vst v4  }
0x26a: {  	v33 =	vld [tilespmem:s0+$0xA0]  }
0x26b: {  	v55 =	vmov v51;
	v28 =	vor.u32 $0x2, v24;
	v51 =	vld [tilespmem:$0x1FEE0]  }
0x26c: {  	v26 =	vsel vm1, v30, v26;
	v30 =	vand.u32 $0x13FF, v28;
	vm0 =	vlt.f32 v63, v41;
	v63 =	vld [tilespmem:$0x1FEF0]  }
0x26d: {  	vm1 =	vlt.f32 v25, v12;
	v7 =	vld [tilespmem:$0x1FD40]  }
0x26e: {  	v5 =	vor.u32 $0x2, v26;
	v12 =	vsel vm1, v31, v21;
	v31 =	vld [tilespmem:$0x1FF30]  }
0x26f: {  	v36 =	vor.u32 $0x2, v19;
	v2 =	vand.u32 $0x13FF, v5;
	v35 =	vld [tilespmem:$0x1FD70]  }
0x270: {  	v1 =	vor.u32 $0x8, v22;
	v3 =	vand.u32 $0x13FF, v36;
	vm1 =	vlt.f32 v57, v13;
	v32 =	vld [tilespmem:$0x1FD10]  }
0x271: {  	v13 =	vsel vm0, v1, v22;
	v1 =	vadd.s32 $0x20, v12;
	v12 =	vsel vm1, v16, v17;
	v16 =	vld.idx.msk [tilespmem:v30+s4+$0x0], $0xffff  }
0x272: {  	v4 =	vor.u32 $0x4, v29;
	v30 =	vld [tilespmem:$0x1FE20]  }
0x273: {  	v10 =	vld.idx.msk [tilespmem:v10+s4+$0x0], $0xffff;
	v27 =	vor.u32 $0x4, v37;
	v0 =	vand.u32 $0x5C, v4;
	v12 =	vadd.s32 $0x20, v12  }
0x274: {  	v23 =	vor.u32 $0x4, v34;
	v6 =	vand.u32 $0x5C, v27;
	v2 =	vld.idx.msk [tilespmem:v2+s4+$0x0], $0xffff;
	v0 =	vor.u32 v51, v0  }
0x275: {  	v18 =	vand.u32 $0x5C, v23;
	v8 =	vld [tilespmem:$0x1FF40];
	vm0 =	vlt.f32 v15, v11;
	v6 =	vor.u32 v63, v6  }
0x276: {  	v3 =	vld.idx.msk [tilespmem:v3+s4+$0x0], $0xffff;
	v15 =	vsel vm0, v56, v20;
	v11 =	vor.u32 v63, v18;
	vm0 =	vlt.f32 v7, v33  }
0x277: {  	v15 =	vadd.s32 $0x20, v15;
	v18 =	vsel vm0, v30, v31;
	v20 =	vsel vm0, v35, v32;
	v22 =	vld.idx.msk [tilespmem:v1+s4+$0x0], $0xffff  }
0x278: {  	vm0 =	vlt.f32 v20, v33;
	v20 =	vor.u32 $0x8, v18;
	v12 =	vld.idx.msk [tilespmem:v12+s4+$0x0], $0xffff  }
0x279: {  	v18 =	vsel vm0, v20, v18;
	v0 =	vld.idx.msk [tilespmem:v0+s4+$0x0], $0xffff  }
0x27a: {  	v20 =	vor.u32 $0x4, v18;
	v6 =	vld.idx.msk [tilespmem:v6+s4+$0x0], $0xffff  }
0x27b: {  	v25 =	vld.idx.msk [tilespmem:v11+s4+$0x0], $0xffff;
	v1 =	vand.u32 $0x5C, v20;
	[tilespmem:$0x1FB60] =	vst v38  }
0x27c: {  	vm0 =	vlt.f32 v10, v38;
	v10 =	vld.idx.msk [tilespmem:v15+s4+$0x0], $0xffff;
	v15 =	vor.u32 v8, v1;
	_ =	sdelay $0x1  }
0x27d: {  	v17 =	vor.u32 $0x4, v13;
	v1 =	vld [tilespmem:$0x1FB10]  }
0x27e: {  	v21 =	vand.u32 $0x5C, v17;
	vm1 =	vlt.f32 v0, v14;
	v0 =	vld [tilespmem:$0x1FB00];
	[tilespmem:s2+$0xFFFFFF10] =	vst v22  }
0x27f: {  	v21 =	vor.u32 v63, v21;
	v11 =	vld [tilespmem:s0+$0xFFFFFF20]  }
0x280: {  	v15 =	vld.idx.msk [tilespmem:v15+s4+$0x0], $0xffff  }
0x281: {  	v4 =	vsel vm1, v4, v29;
	vm1 =	vlt.f32 v2, v9  }
0x282: {  	v22 =	vor.u32 $0x2, v4;
	v5 =	vsel vm1, v5, v26  }
0x283: {  	v2 =	vand.u32 $0x17FF, v22;
	v57 =	vsel vm0, v1, v0;
	vm0 =	vlt.f32 v16, v43  }
0x284: {  	v21 =	vld.idx.msk [tilespmem:v21+s4+$0x0], $0xffff;
	v26 =	vadd.s32 $0x1, v5;
	v39 =	vor.u32 $0x2, v57;
	v16 =	vsel vm0, v28, v24  }
0x285: {  	[tilespmem:s2+$0xFFFFFF90] =	vst v12;
	vm0 =	vlt.f32 v3, v40;
	vm1 =	vlt.f32 v7, v11;
	vm3 =	vlt.f32 v15, v33  }
0x286: {  	[tilespmem:s2+$0x10] =	vst v10;
	v1 =	vmovc v7;
	v3 =	vsel vm0, v36, v19;
	vm0 =	vlt.f32 v6, v50;
	v6 =	vld [tilespmem:s0+$0xFFFFFFA0];
	v12 =	vadd.s32 $0x1, v16  }
0x287: {  	v7 =	vmovc v30;
	v29 =	vsel vm1, v30, v31;
	v30 =	vsel vm1, v35, v32;
	v18 =	vsel vm3, v20, v18  }
0x288: {  	v10 =	vld [tilespmem:s0+$0x20];
	v19 =	vsel vm0, v27, v37;
	vm0 =	vlt.f32 v25, v45;
	v24 =	vadd.s32 $0x1, v3  }
0x289: {  	vm2 =	vlt.f32 v30, v11;
	v20 =	vor.u32 $0x8, v29;
	v25 =	vor.u32 $0x2, v19  }
0x28a: {  	v2 =	vld.idx.msk [tilespmem:v2+s4+$0x0], $0xffff;
	v23 =	vsel vm0, v23, v34;
	vm0 =	vlt.f32 v21, v41;
	v20 =	vsel vm2, v20, v29  }
0x28b: {  	v27 =	vand.u32 $0x1BFF, v25;
	v28 =	vor.u32 $0x2, v23;
	vm1 =	vlt.f32 v1, v6  }
0x28c: {  	v13 =	vsel vm0, v17, v13;
	v21 =	vand.u32 $0x1BFF, v28;
	v30 =	vsel vm1, v7, v31  }
0x28d: {  	v56 =	vmovc v32;
	v15 =	vsel vm1, v35, v32;
	vm1 =	vlt.f32 v1, v10;
	v32 =	vor.u32 $0x2, v18  }
0x28e: {  	v34 =	vld.idx.msk [tilespmem:v12+s4+$0x0], $0xffff;
	v31 =	vsel vm1, v7, v31;
	v35 =	vsel vm1, v35, v56;
	v36 =	vand.u32 $0xBFF, v32  }
0x28f: {  	vm1 =	vlt.f32 v2, v14;
	vm3 =	vlt.f32 v15, v6;
	v2 =	vor.u32 $0x8, v30  }
0x290: {  	v15 =	vld.idx.msk [tilespmem:v24+s4+$0x0], $0xffff;
	v4 =	vsel vm1, v22, v4;
	vm1 =	vlt.f32 v35, v10;
	v37 =	vor.u32 $0x8, v31  }
0x291: {  	v2 =	vsel vm3, v2, v30;
	v30 =	vor.u32 $0x4, v20;
	v22 =	vadd.s32 $0x1, v4  }
0x292: {  	v29 =	vld.idx.msk [tilespmem:v26+s4+$0x0], $0xffff;
	v31 =	vsel vm1, v37, v31;
	v35 =	vor.u32 $0x4, v2;
	v56 =	vand.u32 $0x5C, v30  }
0x293: {  	v7 =	vld.idx.msk [tilespmem:v39+s4+$0x0], $0xffff;
	v1 =	vand.u32 $0x5C, v35;
	v37 =	vor.u32 v8, v56;
	vm1 =	vlt.f32 v34, v43  }
0x294: {  	v17 =	vld.idx.msk [tilespmem:v21+s4+$0x0], $0xffff;
	v56 =	vor.u32 $0x4, v31;
	v1 =	vor.u32 v8, v1;
	v12 =	vsel vm1, v12, v16  }
0x295: {  	v0 =	vmovc v8;
	v16 =	vand.u32 $0x5C, v56;
	v36 =	vld.idx.msk [tilespmem:v36+s4+$0x0], $0xffff;
	vm1 =	vlt.f32 v15, v40;
	v8 =	vadd.s32 $0x20, v12  }
0x296: {  	v16 =	vor.u32 v0, v16;
	v3 =	vsel vm1, v24, v3;
	v12 =	vld.idx.msk [tilespmem:v22+s4+$0x0], $0xffff  }
0x297: {  	vm2 =	vlt.f32 v29, v9;
	v15 =	vld.idx.msk [tilespmem:v27+s4+$0x0], $0xffff;
	v3 =	vadd.s32 $0x20, v3  }
0x298: {  	v5 =	vsel vm2, v26, v5;
	v9 =	vld.idx.msk [tilespmem:v37+s4+$0x0], $0xffff  }
0x299: {  	v21 =	vor.u32 $0x2, v13;
	v5 =	vadd.s32 $0x20, v5;
	v0 =	vld.idx.msk [tilespmem:v1+s4+$0x0], $0xffff  }
0x29a: {  	v24 =	vand.u32 $0x1BFF, v21;
	vm0 =	vlt.f32 v36, v33;
	v8 =	vld.idx.msk [tilespmem:v8+s4+$0x0], $0xffff  }
0x29b: {  	v18 =	vsel vm0, v32, v18;
	vm0 =	vlt.f32 v12, v14;
	v12 =	vld.idx.msk [tilespmem:v16+s4+$0x0], $0xffff  }
0x29c: {  	v26 =	vadd.s32 $0x1, v18;
	v3 =	vld.idx.msk [tilespmem:v3+s4+$0x0], $0xffff  }
0x29d: {  	v4 =	vsel vm0, v22, v4  }
0x29e: {  	v5 =	vld.idx.msk [tilespmem:v5+s4+$0x0], $0xffff;
	vm1 =	vlt.f32 v9, v11;
	vm0 =	vlt.f32 v7, v38;
	v4 =	vadd.s32 $0x20, v4  }
0x29f: {  	v7 =	vld.idx.msk [tilespmem:v24+s4+$0x0], $0xffff;
	v14 =	vsel vm1, v30, v20;
	vm1 =	vlt.f32 v0, v6;
	[tilespmem:s30+$0xFFFFFF40] =	vst v8  }
0x2a0: {  	vm2 =	vlt.f32 v15, v50;
	v0 =	vor.u32 $0x2, v14;
	v2 =	vsel vm1, v35, v2;
	v43 =	vld [tilespmem:s31+$0xFFFFFF50]  }
0x2a1: {  	v16 =	vor.u32 $0x2, v2;
	v15 =	vld.idx.msk [tilespmem:v26+s4+$0x0], $0xffff;
	vm1 =	vlt.f32 v12, v10;
	v12 =	vand.u32 $0xBFF, v0;
	[tilespmem:s30+$0xFFFFFFC0] =	vst v3  }
0x2a2: {  	vm3 =	vlt.f32 v17, v45;
	v20 =	vand.u32 $0xBFF, v16;
	v17 =	vsel vm1, v56, v31;
	v56 =	vld [tilespmem:s31+$0xFFFFFFD0]  }
0x2a3: {  	v3 =	vld.idx.msk [tilespmem:v4+s4+$0x0], $0xffff  }
0x2a4: {  	[tilespmem:s30+$0x40] =	vst v5  }
0x2a5: {  	v24 =	vsel vm2, v25, v19;
	v8 =	vld [tilespmem:s31+$0x50];
	vm1 =	vlt.f32 v7, v41;
	v4 =	vor.u32 $0x2, v17  }
0x2a6: {  	v13 =	vsel vm1, v21, v13;
	v19 =	vand.u32 $0xBFF, v4;
	vm1 =	vlt.f32 v15, v33;
	v12 =	vld.idx.msk [tilespmem:v12+s4+$0x0], $0xffff  }
0x2a7: {  	v25 =	vsel vm3, v28, v23;
	v20 =	vld.idx.msk [tilespmem:v20+s4+$0x0], $0xffff;
	v18 =	vsel vm1, v26, v18;
	vm1 =	vlt.f32 v47, v43  }
0x2a8: {  	vm2 =	vlt.f32 v47, v56;
	v21 =	vadd.s32 $0x20, v18;
	v18 =	vsel vm1, v48, v42;
	[tilespmem:s30+$0xD0] =	vst v3  }
0x2a9: {  	v22 =	vsel vm1, v46, v49;
	v26 =	vsel vm2, v48, v42;
	vm1 =	vlt.f32 v18, v43;
	v18 =	vld [tilespmem:s31+$0xE0]  }
0x2aa: {  	v23 =	vsel vm2, v46, v49;
	vm2 =	vlt.f32 v47, v8;
	vm3 =	vlt.f32 v26, v56  }
0x2ab: {  	v19 =	vld.idx.msk [tilespmem:v19+s4+$0x0], $0xffff;
	v26 =	vsel vm2, v46, v49;
	v28 =	vsel vm2, v48, v42;
	vm2 =	vlt.f32 v12, v11  }
0x2ac: {  	v5 =	vadd.s32 $0x1, v24;
	v14 =	vsel vm2, v0, v14;
	vm2 =	vlt.f32 v20, v6  }
0x2ad: {  	v15 =	vadd.s32 $0x1, v13;
	v2 =	vsel vm2, v16, v2;
	v16 =	vld.idx.msk [tilespmem:v21+s4+$0x0], $0xffff  }
0x2ae: {  	vm8 =	vlt.f32 v28, v8;
	v28 =	vadd.s32 $0x1, v14;
	vm2 =	vlt.f32 v52, v18;
	v52 =	vld [tilespmem:$0x1FC40];
	_ =	sdelay $0x1  }
0x2af: {  	v27 =	vadd.s32 $0x1, v25;
	v7 =	vsel vm0, v39, v57;
	vm9 =	vlt.f32 v19, v10  }
0x2b0: {  	v3 =	vor.u32 $0x8, v22;
	v12 =	vor.u32 $0x8, v23;
	v29 =	vsel vm9, v4, v17;
	v17 =	vld.idx.msk [tilespmem:v5+s4+$0x0], $0xffff  }
0x2b1: {  	v3 =	vsel vm1, v3, v22;
	v48 =	vld.idx.msk [tilespmem:v15+s4+$0x0], $0xffff;
	v42 =	vsel vm3, v12, v23;
	v30 =	vadd.s32 $0x1, v2  }
0x2b2: {  	v0 =	vor.u32 $0x8, v26;
	v19 =	vsel vm2, v55, v54;
	v49 =	vld.idx.msk [tilespmem:v28+s4+$0x0], $0xffff;
	[tilespmem:s2+$0xA0] =	vst v16;
	v20 =	vsel vm2, v53, v52  }
0x2b3: {  	v40 =	vsel vm8, v0, v26;
	v4 =	vor.u32 $0x8, v19;
	v38 =	vld [tilespmem:$0x1FCB0];
	vm2 =	vlt.f32 v20, v18  }
0x2b4: {  	v26 =	vor.u32 $0x4, v3;
	v23 =	vor.u32 $0x4, v40;
	v47 =	vsel vm2, v4, v19;
	v4 =	vld.idx.msk [tilespmem:v27+s4+$0x0], $0xffff  }
0x2b5: {  	v31 =	vadd.s32 $0x1, v29;
	vm0 =	vlt.f32 v17, v50;
	v19 =	vld [tilespmem:s0+$0xB0];
	[tilespmem:$0x1FB70] =	vst v7;
	v12 =	vor.u32 $0x4, v47  }
0x2b6: {  	v16 =	vand.u32 $0x5C, v26;
	v5 =	vsel vm0, v5, v24;
	v17 =	vld.idx.msk [tilespmem:v30+s4+$0x0], $0xffff;
	v0 =	vand.u32 $0x5C, v12  }
0x2b7: {  	v54 =	vmovc v53;
	v9 =	vadd.s32 $0x20, v5;
	v5 =	vld [tilespmem:$0x1FF10];
	v53 =	vor.u32 v63, v0;
	v0 =	vadd.s32 $0x1, v7  }
0x2b8: {  	v1 =	vand.u32 $0x5C, v23;
	v16 =	vor.u32 v51, v16;
	[tilespmem:$0x1FB20] =	vst v0;
	v0 =	vld [tilespmem:$0x1FC60]  }
0x2b9: {  	v1 =	vor.u32 v51, v1;
	vm1 =	vlt.f32 v4, v45;
	v4 =	vld [tilespmem:$0x1FC10];
	_ =	sdelay $0x1  }
0x2ba: {  	vm0 =	vlt.f32 v48, v41;
	v7 =	vld [tilespmem:$0x1FD20]  }
0x2bb: {  	v13 =	vsel vm0, v15, v13;
	v24 =	vld.idx.msk [tilespmem:v31+s4+$0x0], $0xffff  }
0x2bc: {  	vm0 =	vlt.f32 v49, v11;
	v16 =	vld.idx.msk [tilespmem:v16+s4+$0x0], $0xffff;
	v25 =	vsel vm1, v27, v25;
	vm1 =	vlt.f32 v0, v19  }
0x2bd: {  	v57 =	vadd.s32 $0x20, v13;
	v1 =	vld.idx.msk [tilespmem:v1+s4+$0x0], $0xffff;
	v11 =	vsel vm1, v5, v44;
	v13 =	vsel vm1, v38, v4  }
0x2be: {  	v27 =	vld.idx.msk [tilespmem:v53+s4+$0x0], $0xffff;
	vm1 =	vlt.f32 v17, v6;
	vm2 =	vlt.f32 v13, v19;
	v6 =	vor.u32 $0x8, v11  }
0x2bf: {  	s17 =	simm.s32 $0x2700;
	v22 =	vor.u32 $0x4, v42;
	v6 =	vsel vm2, v6, v11;
	v11 =	vld [tilespmem:$0x1FF60]  }
0x2c0: {  	v55 =	vand.u32 $0x5C, v22;
	v17 =	vld [tilespmem:s17+$0x80];
	v13 =	vsel vm0, v28, v14;
	v2 =	vsel vm1, v30, v2  }
0x2c1: {  	vm0 =	vlt.f32 v24, v10;
	vm1 =	vlt.f32 v16, v43;
	v13 =	vadd.s32 $0x20, v13  }
0x2c2: {  	v21 =	vld [tilespmem:s17+$0xFFFFFF80];
	v14 =	vsel vm0, v31, v29;
	v2 =	vadd.s32 $0x20, v2;
	v24 =	vor.u32 $0x4, v6  }
0x2c3: {  	v48 =	vld [tilespmem:s17+$0x0];
	v45 =	vsel vm1, v26, v3;
	vm0 =	vlt.f32 v27, v18;
	v15 =	vand.u32 $0x5C, v24  }
0x2c4: {  	v20 =	vld [tilespmem:s17+$0xFFFFFF00];
	v14 =	vadd.s32 $0x20, v14;
	v27 =	vsel vm0, v12, v47;
	v28 =	vor.u32 v11, v15  }
0x2c5: {  	v10 =	vld [tilespmem:$0x1FF20];
	vm0 =	vlt.f32 v1, v8;
	v3 =	vor.u32 $0x2, v27;
	vm2 =	vlt.f32 v7, v17  }
0x2c6: {  	v1 =	vand.u32 $0x1BFF, v3;
	v26 =	vsel vm2, v58, v59;
	v12 =	vld.idx.msk [tilespmem:v13+s4+$0x0], $0xffff;
	v13 =	vsel vm2, v61, v60  }
0x2c7: {  	v36 =	vor.u32 v51, v55;
	vm10 =	vlt.f32 v26, v17;
	v26 =	vor.u32 $0x8, v13  }
0x2c8: {  	v25 =	vadd.s32 $0x20, v25;
	vm3 =	vlt.f32 v7, v21;
	v2 =	vld.idx.msk [tilespmem:v2+s4+$0x0], $0xffff;
	v26 =	vsel vm10, v26, v13  }
0x2c9: {  	vm11 =	vlt.f32 v7, v20;
	v41 =	vsel vm3, v58, v59;
	v31 =	vor.u32 $0x4, v26;
	v28 =	vld.idx.msk [tilespmem:v28+s4+$0x0], $0xffff  }
0x2ca: {  	v29 =	vsel vm3, v61, v60;
	vm2 =	vlt.f32 v7, v48;
	v30 =	vld.idx.msk [tilespmem:v14+s4+$0x0], $0xffff;
	v47 =	vand.u32 $0x5C, v31  }
0x2cb: {  	v14 =	vsel vm11, v58, v59;
	v46 =	vsel vm2, v61, v60;
	v1 =	vld.idx.msk [tilespmem:v1+s4+$0x0], $0xffff;
	v35 =	vor.u32 v10, v47  }
0x2cc: {  	v49 =	vsel vm2, v58, v59;
	vm2 =	vlt.f32 v41, v21;
	v13 =	vsel vm11, v61, v60;
	[tilespmem:s2+$0xFFFFFF20] =	vst v12  }
0x2cd: {  	vm3 =	vlt.f32 v14, v20;
	vm13 =	vlt.f32 v49, v48;
	v51 =	vor.u32 $0x8, v13;
	v16 =	vld [tilespmem:s0+$0xFFFFFF30]  }
0x2ce: {  	v12 =	vsel vm3, v51, v13;
	vm12 =	vlt.f32 v28, v19;
	v28 =	vor.u32 $0x8, v29  }
0x2cf: {  	v50 =	vmovc v8;
	v8 =	vsel vm12, v24, v6;
	v24 =	vor.u32 $0x8, v46;
	v28 =	vsel vm2, v28, v29  }
0x2d0: {  	[tilespmem:s2+$0x20] =	vst v30;
	v35 =	vld.idx.msk [tilespmem:v35+s4+$0x0], $0xffff;
	v29 =	vor.u32 $0x4, v12;
	vm2 =	vlt.f32 v1, v18;
	v30 =	vor.u32 $0x2, v8  }
0x2d1: {  	v39 =	vld.idx.msk [tilespmem:v36+s4+$0x0], $0xffff;
	v24 =	vsel vm13, v24, v46;
	v53 =	vor.u32 $0x4, v28;
	v1 =	vand.u32 $0x5C, v29  }
0x2d2: {  	v33 =	vld.idx.msk [tilespmem:v57+s4+$0x0], $0xffff;
	[tilespmem:s2+$0xFFFFFFA0] =	vst v2;
	v7 =	vsel vm2, v3, v27;
	vm2 =	vlt.f32 v0, v16;
	v34 =	vor.u32 $0x4, v24  }
0x2d3: {  	v51 =	vld [tilespmem:s0+$0xFFFFFFB0];
	v60 =	vand.u32 $0x5C, v53;
	v6 =	vor.u32 v10, v1;
	v61 =	vadd.s32 $0x1, v7  }
0x2d4: {  	v55 =	vld [tilespmem:s0+$0x30];
	v1 =	vsel vm2, v5, v44;
	v2 =	vsel vm2, v38, v4;
	v27 =	vand.u32 $0x5C, v34  }
0x2d5: {  	v36 =	vor.u32 v10, v60;
	v27 =	vor.u32 v10, v27;
	vm2 =	vlt.f32 v35, v17;
	v10 =	vld.idx.msk [tilespmem:v9+s4+$0x0], $0xffff  }
0x2d6: {  	v3 =	vmovc v5;
	v26 =	vsel vm2, v31, v26;
	vm2 =	vlt.f32 v2, v16;
	v2 =	vor.u32 $0x8, v1;
	v5 =	vld.idx.msk [tilespmem:v30+s4+$0x0], $0xffff  }
0x2d7: {  	v14 =	vsel vm2, v2, v1;
	v2 =	vld.idx.msk [tilespmem:v25+s4+$0x0], $0xffff  }
0x2d8: {  	v9 =	vor.u32 $0x2, v26;
	v31 =	vld.idx.msk [tilespmem:v61+s4+$0x0], $0xffff  }
0x2d9: {  	v13 =	vmov v4;
	vm3 =	vlt.f32 v0, v51;
	vm14 =	vlt.f32 v0, v55;
	v6 =	vld.idx.msk [tilespmem:v6+s4+$0x0], $0xffff  }
0x2da: {  	v0 =	vsel vm3, v3, v44;
	v4 =	vsel vm3, v38, v4;
	v41 =	vsel vm14, v3, v44;
	v36 =	vld.idx.msk [tilespmem:v36+s4+$0x0], $0xffff  }
0x2db: {  	v3 =	vsel vm14, v38, v13;
	vm3 =	vlt.f32 v4, v51;
	v1 =	vld.idx.msk [tilespmem:v27+s4+$0x0], $0xffff;
	[tilespmem:s29+$0xFFFFFF60] =	vst v10  }
0x2dc: {  	v4 =	vor.u32 $0x8, v0;
	vm4 =	vlt.f32 v3, v55;
	v3 =	vor.u32 $0x8, v41;
	v57 =	vld [tilespmem:s9+$0xFFFFFF70]  }
0x2dd: {  	v15 =	vsel vm3, v4, v0;
	v13 =	vor.u32 $0x4, v14;
	vm15 =	vlt.f32 v5, v19;
	v5 =	vld.idx.msk [tilespmem:v9+s4+$0x0], $0xffff;
	[tilespmem:s29+$0xFFFFFFE0] =	vst v2  }
0x2de: {  	[tilespmem:s29+$0x60] =	vst v33;
	v25 =	vsel vm4, v3, v41;
	v3 =	vand.u32 $0x5C, v13;
	v8 =	vsel vm15, v30, v8;
	v49 =	vld [tilespmem:s9+$0xFFFFFFF0]  }
0x2df: {  	vm3 =	vlt.f32 v6, v20;
	v6 =	vor.u32 v11, v3;
	v3 =	vld [tilespmem:s9+$0x70];
	v27 =	vadd.s32 $0x1, v8  }
0x2e0: {  	vm1 =	vlt.f32 v39, v56;
	v23 =	vsel vm0, v23, v40;
	vm2 =	vlt.f32 v31, v18;
	v40 =	vld [tilespmem:$0x1FCA0]  }
0x2e1: {  	v32 =	vsel vm1, v22, v42;
	v47 =	vld [tilespmem:$0x1FFF0];
	v7 =	vsel vm2, v61, v7  }
0x2e2: {  	v10 =	vmovc v11;
	v39 =	vld [tilespmem:$0x1FFD0];
	v11 =	vsel vm3, v29, v12;
	vm2 =	vlt.f32 v36, v21;
	v7 =	vadd.s32 $0x20, v7  }
0x2e3: {  	v42 =	vld [tilespmem:$0x1FC50];
	vm3 =	vlt.f32 v1, v48;
	v12 =	vor.u32 $0x2, v11;
	v28 =	vsel vm2, v53, v28  }
0x2e4: {  	v24 =	vsel vm3, v34, v24;
	v29 =	vor.u32 $0x2, v28;
	v18 =	vld.idx.msk [tilespmem:v27+s4+$0x0], $0xffff  }
0x2e5: {  	v30 =	vor.u32 $0x4, v15;
	v46 =	vld [tilespmem:$0x1FCF0];
	v31 =	vor.u32 $0x2, v24  }
0x2e6: {  	v35 =	vor.u32 $0x4, v25;
	v0 =	vand.u32 $0x5C, v30;
	vm1 =	vlt.f32 v5, v17;
	v5 =	vld.idx.msk [tilespmem:v6+s4+$0x0], $0xffff  }
0x2e7: {  	v33 =	vor.u32 $0x2, v45;
	v4 =	vand.u32 $0x5C, v35;
	v0 =	vor.u32 v10, v0;
	v6 =	vld.idx.msk [tilespmem:v7+s4+$0x0], $0xffff  }
0x2e8: {  	v36 =	vand.u32 $0x17FF, v33;
	v10 =	vor.u32 v10, v4;
	v22 =	vld.idx.msk [tilespmem:v12+s4+$0x0], $0xffff  }
0x2e9: {  	v34 =	vor.u32 $0x2, v23;
	v9 =	vsel vm1, v9, v26;
	vm0 =	vlt.f32 v18, v19;
	v19 =	vld.idx.msk [tilespmem:v29+s4+$0x0], $0xffff  }
0x2ea: {  	v26 =	vor.u32 $0x2, v32;
	v7 =	vadd.s32 $0x1, v9;
	v8 =	vsel vm0, v27, v8;
	v27 =	vld.idx.msk [tilespmem:v31+s4+$0x0], $0xffff;
	[tilespmem:$0x1FB90] =	vst v49  }
0x2eb: {  	vm1 =	vlt.f32 v40, v57;
	vm2 =	vlt.f32 v40, v3;
	v37 =	vand.u32 $0x17FF, v26;
	[tilespmem:$0x1FBA0] =	vst v3  }
0x2ec: {  	v53 =	vsel vm1, v47, v39;
	v18 =	vand.u32 $0x17FF, v34;
	vm0 =	vlt.f32 v40, v49;
	v4 =	vld.idx.msk [tilespmem:v0+s4+$0x0], $0xffff  }
0x2ed: {  	v1 =	vmovc v38;
	v8 =	vadd.s32 $0x20, v8;
	v0 =	vsel vm1, v46, v42;
	vm1 =	vlt.f32 v5, v16;
	v10 =	vld.idx.msk [tilespmem:v10+s4+$0x0], $0xffff  }
0x2ee: {  	v38 =	vsel vm0, v47, v39;
	v61 =	vsel vm0, v46, v42;
	[tilespmem:s30+$0xE0] =	vst v6;
	v5 =	vsel vm2, v47, v39  }
0x2ef: {  	vm0 =	vlt.f32 v22, v20;
	v6 =	vsel vm2, v46, v42;
	v13 =	vsel vm1, v13, v14;
	v14 =	vld.idx.msk [tilespmem:v7+s4+$0x0], $0xffff  }
0x2f0: {  	v60 =	vld [tilespmem:s31+$0xF0];
	v11 =	vsel vm0, v12, v11;
	v22 =	vor.u32 $0x2, v13;
	vm1 =	vlt.f32 v19, v21  }
0x2f1: {  	v12 =	vld.idx.msk [tilespmem:v36+s4+$0x0], $0xffff;
	vm0 =	vlt.f32 v0, v57;
	v19 =	vadd.s32 $0x1, v11;
	v28 =	vsel vm1, v29, v28  }
0x2f2: {  	vm1 =	vlt.f32 v27, v48;
	v0 =	vld.idx.msk [tilespmem:v8+s4+$0x0], $0xffff;
	vm2 =	vlt.f32 v4, v51;
	v4 =	vadd.s32 $0x1, v28  }
0x2f3: {  	v8 =	vsel vm1, v31, v24;
	v24 =	vld.idx.msk [tilespmem:v37+s4+$0x0], $0xffff  }
0x2f4: {  	vm1 =	vlt.f32 v10, v55;
	v10 =	vld.idx.msk [tilespmem:v18+s4+$0x0], $0xffff;
	v27 =	vadd.s32 $0x1, v8  }
0x2f5: {  	v15 =	vsel vm2, v30, v15;
	vm2 =	vlt.f32 v14, v17;
	v29 =	vld.idx.msk [tilespmem:v22+s4+$0x0], $0xffff  }
0x2f6: {  	v7 =	vsel vm2, v7, v9;
	v9 =	vld.idx.msk [tilespmem:v19+s4+$0x0], $0xffff  }
0x2f7: {  	v30 =	vsel vm1, v35, v25;
	v25 =	vld.idx.msk [tilespmem:v4+s4+$0x0], $0xffff;
	[tilespmem:s2+$0xB0] =	vst v0  }
0x2f8: {  	v7 =	vadd.s32 $0x20, v7;
	v58 =	vld [tilespmem:s0+$0xC0]  }
0x2f9: {  	vm2 =	vlt.f32 v24, v56;
	v24 =	vld.idx.msk [tilespmem:v27+s4+$0x0], $0xffff  }
0x2fa: {  	vm1 =	vlt.f32 v40, v60;
	v0 =	vld [tilespmem:$0x1FFC0]  }
0x2fb: {  	v18 =	vor.u32 $0x2, v15;
	v14 =	vsel vm1, v47, v39;
	v17 =	vsel vm1, v46, v42;
	v42 =	vld [tilespmem:$0x1FC70]  }
0x2fc: {  	v31 =	vor.u32 $0x2, v30;
	vm1 =	vlt.f32 v17, v60;
	v17 =	vor.u32 $0x8, v14;
	v37 =	vld [tilespmem:$0x1FF80]  }
0x2fd: {  	v14 =	vsel vm1, v17, v14;
	vm1 =	vlt.f32 v12, v43;
	v7 =	vld.idx.msk [tilespmem:v7+s4+$0x0], $0xffff  }
0x2fe: {  	v12 =	vor.u32 $0x4, v14;
	v17 =	vsel vm1, v33, v45;
	v45 =	vld [tilespmem:$0x1FC20]  }
0x2ff: {  	vm1 =	vlt.f32 v10, v50;
	v46 =	vld [tilespmem:$0x1FCC0];
	vm3 =	vlt.f32 v29, v16;
	v29 =	vsel vm2, v26, v32  }
0x300: {  	v26 =	vsel vm1, v34, v23;
	v13 =	vsel vm3, v22, v13;
	v22 =	vld.idx.msk [tilespmem:v18+s4+$0x0], $0xffff;
	vm1 =	vlt.f32 v9, v20  }
0x301: {  	s10 =	simm.s32 $0xA700;
	v10 =	vand.u32 $0x5C, v12;
	v11 =	vsel vm1, v19, v11;
	v19 =	vld.idx.msk [tilespmem:v31+s4+$0x0], $0xffff  }
0x302: {  	v10 =	vor.u32 v0, v10;
	v0 =	vld [tilespmem:$0x1FFE0];
	[tilespmem:s10+$0x80] =	vst v7  }
0x303: {  	vm2 =	vlt.f32 v25, v21;
	v11 =	vadd.s32 $0x20, v11;
	v25 =	vld [tilespmem:s17+$0x90]  }
0x304: {  	v39 =	vld [tilespmem:$0x1FF90]  }
0x305: {  	v9 =	vadd.s32 $0x1, v13;
	v34 =	vld [tilespmem:$0x1FD30]  }
0x306: {  	v36 =	vld [tilespmem:$0x1FFB0]  }
0x307: {  	v2 =	vmov v63;
	v63 =	vadd.s32 $0x1, v17;
	v47 =	vld [tilespmem:$0x1FD60]  }
0x308: {  	v20 =	vadd.s32 $0x1, v29;
	vm1 =	vlt.f32 v42, v58;
	v11 =	vld.idx.msk [tilespmem:v11+s4+$0x0], $0xffff  }
0x309: {  	v59 =	vor.u32 $0x8, v53;
	v4 =	vsel vm2, v4, v28;
	v23 =	vsel vm1, v46, v45;
	v10 =	vld.idx.msk [tilespmem:v10+s4+$0x0], $0xffff  }
0x30a: {  	v4 =	vadd.s32 $0x20, v4;
	v21 =	vsel vm1, v0, v37;
	vm1 =	vlt.f32 v24, v48;
	v24 =	vld.idx.msk [tilespmem:v9+s4+$0x0], $0xffff  }
0x30b: {  	vm2 =	vlt.f32 v23, v58;
	v48 =	vld [tilespmem:$0x1FD00];
	v23 =	vor.u32 $0x8, v21;
	v8 =	vsel vm1, v27, v8  }
0x30c: {  	vm1 =	vlt.f32 v22, v51;
	v21 =	vsel vm2, v23, v21;
	v23 =	vld.idx.msk [tilespmem:v63+s4+$0x0], $0xffff;
	v8 =	vadd.s32 $0x20, v8  }
0x30d: {  	vm2 =	vlt.f32 v19, v55;
	v15 =	vsel vm1, v18, v15;
	v19 =	vld.idx.msk [tilespmem:v20+s4+$0x0], $0xffff;
	vm1 =	vlt.f32 v61, v49  }
0x30e: {  	v49 =	vld [tilespmem:$0x1FE10];
	v27 =	vor.u32 $0x4, v21;
	v18 =	vsel vm2, v31, v30;
	v28 =	vadd.s32 $0x1, v15  }
0x30f: {  	v4 =	vld.idx.msk [tilespmem:v4+s4+$0x0], $0xffff;
	v7 =	vand.u32 $0x5C, v27;
	v30 =	vadd.s32 $0x1, v18;
	vm2 =	vlt.f32 v10, v60  }
0x310: {  	v7 =	vor.u32 v39, v7;
	vm8 =	vlt.f32 v24, v16;
	v14 =	vsel vm2, v12, v14  }
0x311: {  	vm2 =	vlt.f32 v6, v3;
	v9 =	vsel vm8, v9, v13;
	vm3 =	vlt.f32 v23, v43  }
0x312: {  	[tilespmem:s10+$0xFFFFFF00] =	vst v11;
	v16 =	vor.u32 $0x2, v14;
	v6 =	vsel vm3, v63, v17;
	vm3 =	vlt.f32 v34, v25  }
0x313: {  	v17 =	vld.idx.msk [tilespmem:v8+s4+$0x0], $0xffff;
	v12 =	vsel vm3, v49, v36;
	v13 =	vsel vm3, v47, v48;
	vm3 =	vlt.f32 v19, v56  }
0x314: {  	[tilespmem:s10+$0xFFFFFF80] =	vst v4;
	v19 =	vld.idx.msk [tilespmem:v28+s4+$0x0], $0xffff;
	vm9 =	vlt.f32 v13, v25;
	v8 =	vor.u32 $0x8, v12;
	v13 =	vadd.s32 $0x20, v9  }
0x315: {  	v7 =	vld.idx.msk [tilespmem:v7+s4+$0x0], $0xffff;
	v9 =	vsel vm3, v20, v29;
	v20 =	vsel vm9, v8, v12;
	v8 =	vsel vm0, v59, v53  }
0x316: {  	v10 =	vor.u32 $0x8, v38;
	v29 =	vld.idx.msk [tilespmem:v30+s4+$0x0], $0xffff;
	[tilespmem:$0x1FBB0] =	vst v8  }
0x317: {  	v4 =	vor.u32 $0x8, v5;
	v3 =	vsel vm1, v10, v38;
	v23 =	vld [tilespmem:s17+$0xFFFFFF10]  }
0x318: {  	v41 =	vsel vm2, v4, v5;
	v59 =	vld.idx.msk [tilespmem:v16+s4+$0x0], $0xffff;
	[tilespmem:$0x1FBD0] =	vst v3  }
0x319: {  	[tilespmem:$0x1FBE0] =	vst v41  }
0x31a: {  	[tilespmem:s10+$0x0] =	vst v17  }
0x31b: {  	v10 =	vld [tilespmem:$0x1FF70];
	_ =	sdelay $0x1  }
0x31c: {  	v63 =	vor.u32 $0x4, v3;
	v6 =	vadd.s32 $0x20, v6  }
0x31d: {  	v56 =	vor.u32 $0x4, v20;
	v53 =	vor.u32 $0x4, v8;
	vm0 =	vlt.f32 v7, v58  }
0x31e: {  	v31 =	vadd.s32 $0x20, v9;
	v11 =	vand.u32 $0x5C, v56;
	v24 =	vld [tilespmem:s17+$0xFFFFFF90];
	[tilespmem:$0x1FBC0] =	vst v53;
	v5 =	vsel vm0, v27, v21  }
0x31f: {  	v21 =	vld [tilespmem:s17+$0x10];
	vm0 =	vlt.f32 v19, v51;
	v7 =	vor.u32 $0x2, v5;
	v4 =	vor.u32 v10, v11  }
0x320: {  	v15 =	vsel vm0, v28, v15;
	vm0 =	vlt.f32 v29, v55;
	v17 =	vand.u32 $0x13FF, v7  }
0x321: {  	v19 =	vld.idx.msk [tilespmem:v13+s4+$0x0], $0xffff;
	v15 =	vadd.s32 $0x20, v15;
	v13 =	vsel vm0, v30, v18;
	vm0 =	vlt.f32 v34, v23  }
0x322: {  	vm1 =	vlt.f32 v59, v60;
	v18 =	vadd.s32 $0x20, v13;
	v27 =	vsel vm0, v49, v36  }
0x323: {  	v6 =	vld.idx.msk [tilespmem:v6+s4+$0x0], $0xffff;
	vm2 =	vlt.f32 v34, v24;
	v3 =	vsel vm1, v16, v14;
	v16 =	vsel vm0, v47, v48  }
0x324: {  	v29 =	vsel vm2, v49, v36;
	vm0 =	vlt.f32 v34, v21;
	v4 =	vld.idx.msk [tilespmem:v4+s4+$0x0], $0xffff;
	[tilespmem:$0x1FB80] =	vst v3;
	v3 =	vadd.s32 $0x1, v3  }
0x325: {  	v22 =	vadd.s32 $0x1, v26;
	v30 =	vsel vm2, v47, v48;
	v40 =	vsel vm0, v47, v48;
	v28 =	vld.idx.msk [tilespmem:v31+s4+$0x0], $0xffff;
	[tilespmem:$0x1FB30] =	vst v3  }
0x326: {  	vm1 =	vlt.f32 v16, v23;
	vm2 =	vlt.f32 v40, v21;
	v31 =	vsel vm0, v49, v36;
	v16 =	vld.idx.msk [tilespmem:v17+s4+$0x0], $0xffff  }
0x327: {  	vm0 =	vlt.f32 v30, v24;
	v17 =	vor.u32 $0x8, v27;
	v30 =	vld.idx.msk [tilespmem:v15+s4+$0x0], $0xffff;
	v15 =	vor.u32 $0x8, v29  }
0x328: {  	[tilespmem:s2+$0xFFFFFF30] =	vst v19;
	v18 =	vld.idx.msk [tilespmem:v18+s4+$0x0], $0xffff;
	v27 =	vsel vm1, v17, v27;
	v29 =	vsel vm0, v15, v29  }
0x329: {  	v15 =	vor.u32 $0x8, v31;
	v48 =	vld [tilespmem:s0+$0xFFFFFF40];
	v9 =	vor.u32 $0x4, v27;
	vm0 =	vlt.f32 v4, v25  }
0x32a: {  	v31 =	vsel vm2, v15, v31;
	v35 =	vor.u32 $0x4, v29;
	v32 =	vsel vm0, v56, v20  }
0x32b: {  	v43 =	vld.idx.msk [tilespmem:v22+s4+$0x0], $0xffff;
	[tilespmem:s30+$0xFFFFFF50] =	vst v6;
	v6 =	vand.u32 $0x5C, v9;
	v11 =	vor.u32 $0x4, v31;
	v34 =	vor.u32 $0x2, v32  }
0x32c: {  	v49 =	vld [tilespmem:s31+$0xFFFFFF60];
	v6 =	vor.u32 v10, v6;
	v20 =	vand.u32 $0x5C, v35;
	vm0 =	vlt.f32 v16, v58;
	[tilespmem:s2+$0xFFFFFFB0] =	vst v30  }
0x32d: {  	v30 =	vand.u32 $0x5C, v11;
	v51 =	vor.u32 v10, v20;
	[tilespmem:s2+$0x30] =	vst v18;
	v7 =	vsel vm0, v7, v5;
	v47 =	vld [tilespmem:s0+$0xFFFFFFC0]  }
0x32e: {  	[tilespmem:s30+$0xFFFFFFD0] =	vst v28;
	v56 =	vmovc v0;
	v20 =	vor.u32 $0x4, v41;
	vm0 =	vlt.f32 v42, v48;
	v15 =	vld [tilespmem:s0+$0x40];
	v28 =	vadd.s32 $0x1, v7  }
0x32f: {  	v38 =	vld [tilespmem:s31+$0xFFFFFFE0];
	v30 =	vor.u32 v10, v30;
	v5 =	vmovc v37;
	v37 =	vsel vm0, v0, v37;
	v18 =	vsel vm0, v46, v45  }
0x330: {  	vm0 =	vlt.f32 v43, v50;
	vm1 =	vlt.f32 v18, v48;
	v0 =	vor.u32 $0x8, v37;
	v61 =	vld.idx.msk [tilespmem:v34+s4+$0x0], $0xffff;
	[tilespmem:$0x1FBF0] =	vst v20  }
0x331: {  	v8 =	vmov v42;
	v22 =	vsel vm0, v22, v26;
	v16 =	vsel vm1, v0, v37;
	v6 =	vld.idx.msk [tilespmem:v6+s4+$0x0], $0xffff  }
0x332: {  	v12 =	vmovc v46;
	v22 =	vadd.s32 $0x20, v22;
	v37 =	vor.u32 $0x4, v16;
	vm2 =	vlt.f32 v8, v47;
	v36 =	vld.idx.msk [tilespmem:v51+s4+$0x0], $0xffff  }
0x333: {  	v26 =	vld.idx.msk [tilespmem:v28+s4+$0x0], $0xffff;
	v0 =	vsel vm2, v46, v45;
	v4 =	vsel vm2, v56, v5;
	vm2 =	vlt.f32 v8, v15  }
0x334: {  	vm3 =	vlt.f32 v0, v47;
	v0 =	vsel vm2, v56, v5;
	v5 =	vsel vm2, v12, v45  }
0x335: {  	v30 =	vld.idx.msk [tilespmem:v30+s4+$0x0], $0xffff;
	v55 =	vor.u32 $0x8, v4;
	vm12 =	vlt.f32 v5, v15;
	vm2 =	vlt.f32 v61, v25  }
0x336: {  	v14 =	vsel vm3, v55, v4;
	vm10 =	vlt.f32 v6, v23;
	v8 =	vsel vm2, v34, v32  }
0x337: {  	vm11 =	vlt.f32 v36, v24;
	v10 =	vsel vm10, v9, v27;
	v27 =	vadd.s32 $0x1, v8  }
0x338: {  	vm2 =	vlt.f32 v26, v58;
	v58 =	vand.u32 $0x5C, v37;
	v26 =	vor.u32 $0x2, v10  }
0x339: {  	v7 =	vsel vm2, v28, v7;
	v28 =	vsel vm11, v35, v29;
	v29 =	vor.u32 $0x8, v0  }
0x33a: {  	v46 =	vmovc v15;
	vm2 =	vlt.f32 v30, v21;
	v7 =	vadd.s32 $0x20, v7;
	v15 =	vsel vm12, v29, v0  }
0x33b: {  	v42 =	vld [tilespmem:$0x1FC90];
	v13 =	vsel vm2, v11, v31;
	v31 =	vor.u32 $0x4, v14;
	v34 =	vor.u32 $0x4, v15  }
0x33c: {  	v41 =	vld [tilespmem:$0x1FE40];
	v32 =	vor.u32 v39, v58;
	v59 =	vand.u32 $0x5C, v31;
	v51 =	vand.u32 $0x5C, v34  }
0x33d: {  	v9 =	vor.u32 $0x2, v28;
	v33 =	vor.u32 v39, v59;
	v36 =	vor.u32 v39, v51;
	v39 =	vld [tilespmem:$0x1FFA0]  }
0x33e: {  	v22 =	vld.idx.msk [tilespmem:v22+s4+$0x0], $0xffff;
	v30 =	vor.u32 $0x2, v13  }
0x33f: {  	v29 =	vld.idx.msk [tilespmem:v27+s4+$0x0], $0xffff  }
0x340: {  	vm0 =	vlt.f32 v42, v49;
	v7 =	vld.idx.msk [tilespmem:v7+s4+$0x0], $0xffff  }
0x341: {  	vm1 =	vlt.f32 v42, v38;
	v4 =	vsel vm0, v54, v52;
	v61 =	vld.idx.msk [tilespmem:v26+s4+$0x0], $0xffff  }
0x342: {  	v5 =	vsel vm1, v54, v52;
	v12 =	vld.idx.msk [tilespmem:v9+s4+$0x0], $0xffff;
	v0 =	vsel vm0, v41, v39;
	vm0 =	vlt.f32 v4, v49  }
0x343: {  	v11 =	vld.idx.msk [tilespmem:v30+s4+$0x0], $0xffff;
	v4 =	vsel vm1, v41, v39;
	vm1 =	vlt.f32 v5, v38;
	v6 =	vor.u32 $0x8, v0  }
0x344: {  	vm2 =	vlt.f32 v29, v25;
	v5 =	vor.u32 $0x8, v4;
	v25 =	vsel vm0, v6, v0;
	v6 =	vld.idx.msk [tilespmem:v32+s4+$0x0], $0xffff  }
0x345: {  	v40 =	vsel vm1, v5, v4;
	v5 =	vld.idx.msk [tilespmem:v33+s4+$0x0], $0xffff;
	[tilespmem:s2+$0xC0] =	vst v7  }
0x346: {  	vm0 =	vlt.f32 v61, v23;
	v4 =	vld [tilespmem:s0+$0xD0]  }
0x347: {  	[tilespmem:s30+$0x50] =	vst v22;
	v8 =	vsel vm2, v27, v8;
	v10 =	vsel vm0, v26, v10;
	v26 =	vld.idx.msk [tilespmem:v36+s4+$0x0], $0xffff  }
0x348: {  	v8 =	vadd.s32 $0x20, v8;
	v58 =	vld [tilespmem:$0x1FC80]  }
0x349: {  	v0 =	vld [tilespmem:$0x1FED0]  }
0x34a: {  	vm0 =	vlt.f32 v12, v24;
	v3 =	vld [tilespmem:$0x1FE30];
	v12 =	vadd.s32 $0x1, v10  }
0x34b: {  	v51 =	vld [tilespmem:$0x1FCD0];
	v9 =	vsel vm0, v9, v28;
	vm0 =	vlt.f32 v11, v21  }
0x34c: {  	v45 =	vmov v52;
	v52 =	vld [tilespmem:$0x1FC30];
	v28 =	vadd.s32 $0x1, v9;
	v13 =	vsel vm0, v30, v13  }
0x34d: {  	v30 =	vadd.s32 $0x1, v13;
	v8 =	vld.idx.msk [tilespmem:v8+s4+$0x0], $0xffff  }
0x34e: {  	vm0 =	vlt.f32 v6, v48  }
0x34f: {  	v16 =	vsel vm0, v37, v16;
	vm0 =	vlt.f32 v5, v47;
	v5 =	vld.idx.msk [tilespmem:v12+s4+$0x0], $0xffff  }
0x350: {  	v17 =	vand.u32 $0x5C, v53;
	v7 =	vld [tilespmem:s31+$0x60]  }
0x351: {  	vm1 =	vlt.f32 v26, v46;
	v14 =	vsel vm0, v31, v14;
	vm0 =	vlt.f32 v58, v4;
	v55 =	vld.idx.msk [tilespmem:v28+s4+$0x0], $0xffff  }
0x352: {  	v32 =	vor.u32 $0x2, v16;
	v26 =	vsel vm0, v3, v0;
	v31 =	vsel vm0, v51, v52;
	v59 =	vld.idx.msk [tilespmem:v30+s4+$0x0], $0xffff;
	[tilespmem:s10+$0x90] =	vst v8  }
0x353: {  	v50 =	vmovc v38;
	v61 =	vand.u32 $0x13FF, v32;
	vm0 =	vlt.f32 v31, v4;
	v31 =	vor.u32 $0x8, v26;
	v38 =	vld [tilespmem:s17+$0xA0]  }
0x354: {  	v27 =	vor.u32 $0x4, v25;
	v31 =	vsel vm0, v31, v26;
	v19 =	vld [tilespmem:$0x1FE20];
	vm0 =	vlt.f32 v5, v23  }
0x355: {  	v29 =	vand.u32 $0x5C, v27;
	v15 =	vsel vm1, v34, v15;
	v8 =	vsel vm0, v12, v10;
	v10 =	vld [tilespmem:$0x1FEE0]  }
0x356: {  	vm1 =	vlt.f32 v42, v7;
	v35 =	vor.u32 $0x2, v14;
	v37 =	vor.u32 $0x2, v15;
	v53 =	vld [tilespmem:$0x1FF30]  }
0x357: {  	v3 =	vmovc v4;
	v0 =	vand.u32 $0x13FF, v35;
	v4 =	vand.u32 $0x13FF, v37;
	v6 =	vor.u32 $0x4, v31;
	v26 =	vld [tilespmem:$0x1FF40]  }
0x358: {  	v5 =	vand.u32 $0x5C, v6;
	vm0 =	vlt.f32 v55, v24;
	v12 =	vor.u32 v2, v29;
	v23 =	vld.idx.msk [tilespmem:v61+s4+$0x0], $0xffff  }
0x359: {  	v55 =	vld [tilespmem:$0x1FD70];
	v8 =	vadd.s32 $0x20, v8;
	v9 =	vsel vm0, v28, v9;
	vm0 =	vlt.f32 v59, v21  }
0x35a: {  	v43 =	vmovc v54;
	v21 =	vsel vm1, v54, v45;
	v54 =	vld [tilespmem:$0x1FD40];
	v5 =	vor.u32 v10, v5;
	v10 =	vsel vm1, v41, v39  }
0x35b: {  	v59 =	vld [tilespmem:$0x1FD10];
	v13 =	vsel vm0, v30, v13;
	vm0 =	vlt.f32 v21, v7;
	v21 =	vor.u32 $0x8, v10  }
0x35c: {  	v9 =	vadd.s32 $0x20, v9;
	v41 =	vsel vm0, v21, v10;
	v10 =	vld [tilespmem:$0x1FFC0]  }
0x35d: {  	v18 =	vor.u32 $0x4, v40;
	v0 =	vld.idx.msk [tilespmem:v0+s4+$0x0], $0xffff  }
0x35e: {  	v11 =	vand.u32 $0x5C, v18;
	v4 =	vld.idx.msk [tilespmem:v4+s4+$0x0], $0xffff;
	v13 =	vadd.s32 $0x20, v13  }
0x35f: {  	v11 =	vor.u32 v2, v11;
	v12 =	vld.idx.msk [tilespmem:v12+s4+$0x0], $0xffff;
	vm0 =	vlt.f32 v54, v38  }
0x360: {  	v30 =	vand.u32 $0x5C, v63;
	v8 =	vld.idx.msk [tilespmem:v8+s4+$0x0], $0xffff;
	v24 =	vsel vm0, v19, v53;
	v28 =	vsel vm0, v55, v59  }
0x361: {  	v9 =	vld.idx.msk [tilespmem:v9+s4+$0x0], $0xffff;
	vm0 =	vlt.f32 v28, v38;
	v28 =	vor.u32 $0x8, v24;
	v17 =	vor.u32 v10, v17  }
0x362: {  	v5 =	vld.idx.msk [tilespmem:v5+s4+$0x0], $0xffff;
	v28 =	vsel vm0, v28, v24;
	[tilespmem:$0x1FB40] =	vst v17;
	v17 =	vor.u32 v10, v30  }
0x363: {  	v34 =	vor.u32 $0x4, v28;
	v13 =	vld.idx.msk [tilespmem:v13+s4+$0x0], $0xffff;
	[tilespmem:$0x1FB50] =	vst v17  }
0x364: {  	v24 =	vand.u32 $0x5C, v20;
	vm0 =	vlt.f32 v23, v48;
	v23 =	vand.u32 $0x5C, v34;
	v11 =	vld.idx.msk [tilespmem:v11+s4+$0x0], $0xffff  }
0x365: {  	v61 =	vor.u32 v10, v24;
	v24 =	vor.u32 v26, v23  }
0x366: {  	[tilespmem:s10+$0xFFFFFF10] =	vst v8  }
0x367: {  	v23 =	vsel vm0, v32, v16;
	vm0 =	vlt.f32 v0, v47;
	vm1 =	vlt.f32 v5, v3;
	[tilespmem:s10+$0xFFFFFF90] =	vst v9;
	v36 =	vld [tilespmem:s17+$0xFFFFFF20]  }
0x368: {  	v39 =	vor.u32 $0x4, v41;
	v22 =	vsel vm0, v35, v14;
	v8 =	vsel vm1, v6, v31;
	v33 =	vld [tilespmem:s17+$0xFFFFFFA0];
	[tilespmem:s10+$0x10] =	vst v13  }
0x369: {  	vm0 =	vlt.f32 v4, v46;
	v30 =	vor.u32 $0x2, v8;
	vm1 =	vlt.f32 v11, v50;
	v11 =	vld [tilespmem:s17+$0x20]  }
0x36a: {  	v29 =	vand.u32 $0x5C, v39;
	v21 =	vsel vm0, v37, v15;
	v15 =	vand.u32 $0x17FF, v30;
	v16 =	vld.idx.msk [tilespmem:v24+s4+$0x0], $0xffff  }
0x36b: {  	v42 =	vmov v7;
	v7 =	vor.u32 v2, v29;
	vm0 =	vlt.f32 v12, v49  }
0x36c: {  	v20 =	vsel vm0, v27, v25;
	v25 =	vsel vm1, v18, v40;
	vm0 =	vlt.f32 v54, v36  }
0x36d: {  	v5 =	vmovc v54;
	v40 =	vsel vm0, v55, v59;
	v35 =	vsel vm0, v19, v53;
	vm0 =	vlt.f32 v54, v33  }
0x36e: {  	v37 =	vsel vm0, v19, v53;
	v4 =	vsel vm0, v55, v59;
	vm0 =	vlt.f32 v5, v11  }
0x36f: {  	v15 =	vld.idx.msk [tilespmem:v15+s4+$0x0], $0xffff;
	vm1 =	vlt.f32 v40, v36;
	vm2 =	vlt.f32 v16, v38;
	v0 =	vsel vm0, v55, v59  }
0x370: {  	v28 =	vsel vm2, v34, v28;
	v5 =	vor.u32 $0x8, v35;
	vm2 =	vlt.f32 v0, v11;
	v0 =	vld [tilespmem:$0x1FB40]  }
0x371: {  	v14 =	vadd.s32 $0x1, v23;
	v59 =	vmov v11;
	v11 =	vsel vm1, v5, v35;
	v5 =	vld [tilespmem:$0x1FB50]  }
0x372: {  	v12 =	vadd.s32 $0x1, v21  }
0x373: {  	v17 =	vld.idx.msk [tilespmem:v7+s4+$0x0], $0xffff;
	v13 =	vadd.s32 $0x1, v22;
	v18 =	vor.u32 $0x2, v20;
	v24 =	vor.u32 $0x2, v25  }
0x374: {  	v6 =	vmovc v53;
	v29 =	vld [tilespmem:$0x1FB20];
	v27 =	vand.u32 $0x1BFF, v18;
	v31 =	vand.u32 $0x1BFF, v24;
	v7 =	vor.u32 $0x2, v28  }
0x375: {  	v40 =	vld [tilespmem:$0x1FB30];
	v16 =	vsel vm0, v19, v6;
	vm0 =	vlt.f32 v4, v33;
	v55 =	vor.u32 $0x8, v37  }
0x376: {  	v6 =	vld.idx.msk [tilespmem:v14+s4+$0x0], $0xffff;
	v35 =	vand.u32 $0xBFF, v7;
	v34 =	vsel vm0, v55, v37;
	vm1 =	vlt.f32 v15, v3  }
0x377: {  	v15 =	vld.idx.msk [tilespmem:v12+s4+$0x0], $0xffff;
	v9 =	vor.u32 $0x4, v11;
	v10 =	vsel vm1, v30, v8;
	v8 =	vor.u32 $0x8, v16  }
0x378: {  	v19 =	vsel vm2, v8, v16;
	v16 =	vor.u32 $0x4, v34;
	v32 =	vld.idx.msk [tilespmem:v0+s4+$0x0], $0xffff;
	v0 =	vand.u32 $0x5C, v9  }
0x379: {  	v55 =	vadd.s32 $0x1, v10;
	v30 =	vld.idx.msk [tilespmem:v5+s4+$0x0], $0xffff;
	v5 =	vor.u32 v26, v0;
	v0 =	vand.u32 $0x5C, v16  }
0x37a: {  	v4 =	vld.idx.msk [tilespmem:v13+s4+$0x0], $0xffff;
	v0 =	vor.u32 v26, v0  }
0x37b: {  	v27 =	vld.idx.msk [tilespmem:v27+s4+$0x0], $0xffff  }
0x37c: {  	v35 =	vld.idx.msk [tilespmem:v35+s4+$0x0], $0xffff  }
0x37d: {  	vm0 =	vlt.f32 v6, v48;
	vm2 =	vlt.f32 v15, v46;
	v15 =	vld.idx.msk [tilespmem:v31+s4+$0x0], $0xffff  }
0x37e: {  	v14 =	vsel vm0, v14, v23;
	vm0 =	vlt.f32 v17, v42;
	v17 =	vld.idx.msk [tilespmem:v55+s4+$0x0], $0xffff  }
0x37f: {  	vm1 =	vlt.f32 v4, v47;
	v0 =	vld.idx.msk [tilespmem:v0+s4+$0x0], $0xffff  }
0x380: {  	v13 =	vsel vm1, v13, v22;
	v22 =	vsel vm0, v39, v41;
	vm0 =	vlt.f32 v27, v49  }
0x381: {  	v54 =	vld.idx.msk [tilespmem:v29+s4+$0x0], $0xffff;
	v27 =	vsel vm0, v18, v20;
	vm0 =	vlt.f32 v35, v38  }
0x382: {  	v6 =	vld [tilespmem:$0x1FB60];
	v28 =	vsel vm0, v7, v28;
	vm0 =	vlt.f32 v15, v50  }
0x383: {  	v13 =	vadd.s32 $0x20, v13;
	v46 =	vsel vm0, v24, v25;
	vm0 =	vlt.f32 v17, v3;
	v5 =	vld.idx.msk [tilespmem:v5+s4+$0x0], $0xffff  }
0x384: {  	v10 =	vsel vm0, v55, v10;
	vm0 =	vlt.f32 v0, v33;
	v0 =	vld [tilespmem:$0x1FB70];
	_ =	sdelay $0x2  }
0x385: {  	v53 =	vld.idx.msk [tilespmem:v40+s4+$0x0], $0xffff;
	v14 =	vadd.s32 $0x20, v14  }
0x386: {  	v12 =	vsel vm2, v12, v21;
	vm1 =	vlt.f32 v54, v6;
	vm2 =	vlt.f32 v5, v36;
	v5 =	vld.idx.msk [tilespmem:v13+s4+$0x0], $0xffff  }
0x387: {  	v13 =	vsel vm1, v29, v0;
	v0 =	vld [tilespmem:$0x1FB80];
	_ =	sdelay $0x1  }
0x388: {  	v8 =	vor.u32 $0x4, v19  }
0x389: {  	v4 =	vand.u32 $0x5C, v8  }
0x38a: {  	v4 =	vor.u32 v26, v4;
	vm3 =	vlt.f32 v53, v60;
	v7 =	vld.idx.msk [tilespmem:v14+s4+$0x0], $0xffff  }
0x38b: {  	v17 =	vsel vm3, v40, v0;
	v0 =	vld [tilespmem:$0x1FB90];
	_ =	sdelay $0x2  }
0x38c: {  	v26 =	vld.idx.msk [tilespmem:v61+s4+$0x0], $0xffff  }
0x38d: {  	v4 =	vld.idx.msk [tilespmem:v4+s4+$0x0], $0xffff;
	[tilespmem:s2+$0xFFFFFF40] =	vst v7  }
0x38e: {  	v60 =	vmov v0;
	vm1 =	vlt.f32 v30, v0;
	v0 =	vld [tilespmem:$0x1FBA0]  }
0x38f: {  	v21 =	vor.u32 $0x2, v22;
	v12 =	vadd.s32 $0x20, v12  }
0x390: {  	v18 =	vand.u32 $0x1BFF, v21  }
0x391: {  	v15 =	vadd.s32 $0x1, v27  }
0x392: {  	v24 =	vadd.s32 $0x1, v28;
	v14 =	vsel vm2, v9, v11;
	vm2 =	vlt.f32 v4, v59;
	v3 =	vld [tilespmem:$0x1FBC0]  }
0x393: {  	v37 =	vadd.s32 $0x20, v13;
	v13 =	vsel vm2, v8, v19;
	v61 =	vmovc v0;
	vm2 =	vlt.f32 v26, v0;
	v0 =	vld [tilespmem:$0x1FBB0]  }
0x394: {  	v23 =	vld.idx.msk [tilespmem:v12+s4+$0x0], $0xffff;
	v10 =	vadd.s32 $0x20, v10;
	v11 =	vor.u32 $0x2, v14;
	v16 =	vsel vm0, v16, v34  }
0x395: {  	v12 =	vld.idx.msk [tilespmem:v18+s4+$0x0], $0xffff;
	vm0 =	vlt.f32 v32, v57;
	v18 =	vand.u32 $0xBFF, v11;
	v32 =	vor.u32 $0x2, v16  }
0x396: {  	v6 =	vld.idx.msk [tilespmem:v15+s4+$0x0], $0xffff;
	v48 =	vand.u32 $0xBFF, v32  }
0x397: {  	v31 =	vld.idx.msk [tilespmem:v24+s4+$0x0], $0xffff  }
0x398: {  	v54 =	vsel vm0, v3, v0;
	v0 =	vld [tilespmem:$0x1FBD0]  }
0x399: {  	v10 =	vld.idx.msk [tilespmem:v10+s4+$0x0], $0xffff  }
0x39a: {  	v26 =	vld.idx.msk [tilespmem:v18+s4+$0x0], $0xffff  }
0x39b: {  	[tilespmem:s2+$0xFFFFFFC0] =	vst v5;
	vm0 =	vlt.f32 v12, v42;
	v12 =	vld.idx.msk [tilespmem:v48+s4+$0x0], $0xffff  }
0x39c: {  	v9 =	vor.u32 $0x2, v13;
	v4 =	vld [tilespmem:$0x1FBE0]  }
0x39d: {  	v3 =	vld [tilespmem:$0x1FBF0];
	v63 =	vsel vm1, v63, v0;
	v0 =	vand.u32 $0xBFF, v9  }
0x39e: {  	v20 =	vld [tilespmem:s0+$0xFFFFFFD0];
	[tilespmem:s2+$0x40] =	vst v23  }
0x39f: {  	v5 =	vld [tilespmem:$0x1FED0]  }
0x3a0: {  	v7 =	vld [tilespmem:$0x1FE30]  }
0x3a1: {  	vm1 =	vlt.f32 v6, v49;
	v6 =	vld [tilespmem:s0+$0x50]  }
0x3a2: {  	v40 =	vsel vm0, v21, v22;
	vm0 =	vlt.f32 v31, v38;
	v0 =	vld.idx.msk [tilespmem:v0+s4+$0x0], $0xffff  }
0x3a3: {  	v21 =	vsel vm0, v24, v28  }
0x3a4: {  	v21 =	vadd.s32 $0x20, v21;
	v53 =	vsel vm2, v3, v4;
	vm2 =	vlt.f32 v26, v36  }
0x3a5: {  	vm3 =	vlt.f32 v12, v33;
	v41 =	vsel vm2, v11, v14;
	vm2 =	vlt.f32 v58, v20  }
0x3a6: {  	[tilespmem:s2+$0xD0] =	vst v10;
	v12 =	vsel vm2, v7, v5;
	v14 =	vsel vm2, v51, v52;
	vm2 =	vlt.f32 v58, v6  }
0x3a7: {  	v10 =	vld [tilespmem:s0+$0xE0];
	v35 =	vsel vm3, v32, v16;
	vm13 =	vlt.f32 v0, v59;
	v0 =	vsel vm2, v51, v52  }
0x3a8: {  	vm3 =	vlt.f32 v14, v20;
	v14 =	vsel vm2, v7, v5;
	vm2 =	vlt.f32 v0, v6;
	v0 =	vld [tilespmem:$0x1FC90];
	_ =	sdelay $0x1  }
0x3a9: {  	v19 =	vld [tilespmem:s0+$0xFFFFFF50]  }
0x3aa: {  	v3 =	vld [tilespmem:$0x1FE40]  }
0x3ab: {  	v48 =	vadd.s32 $0x1, v41;
	v21 =	vld.idx.msk [tilespmem:v21+s4+$0x0], $0xffff  }
0x3ac: {  	vm14 =	vlt.f32 v0, v10;
	v0 =	vld [tilespmem:$0x1FFA0]  }
0x3ad: {  	v47 =	vadd.s32 $0x1, v46  }
0x3ae: {  	v22 =	vadd.s32 $0x1, v40;
	v38 =	vsel vm1, v15, v27;
	vm1 =	vlt.f32 v58, v19  }
0x3af: {  	v23 =	vsel vm1, v51, v52;
	v24 =	vsel vm1, v7, v5;
	v49 =	vadd.s32 $0x1, v35  }
0x3b0: {  	vm1 =	vlt.f32 v23, v19;
	v11 =	vor.u32 $0x8, v24;
	v29 =	vsel vm13, v9, v13;
	v13 =	vld.idx.msk [tilespmem:v48+s4+$0x0], $0xffff  }
0x3b1: {  	v16 =	vor.u32 $0x8, v12;
	v58 =	vld [tilespmem:$0x1FFF0];
	[tilespmem:s10+$0xA0] =	vst v21;
	v28 =	vsel vm14, v3, v0;
	v0 =	vsel vm14, v43, v45  }
0x3b2: {  	v26 =	vsel vm1, v11, v24;
	v3 =	vld [tilespmem:$0x1FEE0];
	vm1 =	vlt.f32 v0, v10;
	v0 =	vor.u32 $0x8, v28  }
0x3b3: {  	v30 =	vld.idx.msk [tilespmem:v47+s4+$0x0], $0xffff;
	v12 =	vsel vm3, v16, v12;
	v27 =	vor.u32 $0x8, v14;
	v16 =	vsel vm1, v0, v28  }
0x3b4: {  	v24 =	vld.idx.msk [tilespmem:v49+s4+$0x0], $0xffff;
	v25 =	vadd.s32 $0x1, v29;
	v11 =	vsel vm2, v27, v14;
	v27 =	vor.u32 $0x4, v16  }
0x3b5: {  	v23 =	vld.idx.msk [tilespmem:v22+s4+$0x0], $0xffff;
	vm2 =	vlt.f32 v13, v36;
	v13 =	vor.u32 $0x4, v11;
	v0 =	vand.u32 $0x5C, v27  }
0x3b6: {  	v21 =	vld [tilespmem:s17+$0xB0];
	v9 =	vor.u32 v2, v0;
	v0 =	vand.u32 $0x5C, v13  }
0x3b7: {  	v39 =	vadd.s32 $0x20, v17;
	v5 =	vor.u32 v3, v0;
	v0 =	vld [tilespmem:$0x1FC60]  }
0x3b8: {  	v17 =	vor.u32 $0x2, v54;
	vm0 =	vlt.f32 v30, v50;
	v55 =	vor.u32 $0x2, v53  }
0x3b9: {  	v37 =	vld.idx.msk [tilespmem:v37+s4+$0x0], $0xffff;
	v14 =	vor.u32 $0x4, v12;
	vm3 =	vlt.f32 v24, v33;
	v28 =	vor.u32 $0x4, v26  }
0x3ba: {  	v24 =	vand.u32 $0x5C, v14;
	v15 =	vld.idx.msk [tilespmem:v25+s4+$0x0], $0xffff;
	vm1 =	vlt.f32 v23, v42;
	v23 =	vand.u32 $0x5C, v28  }
0x3bb: {  	v18 =	vor.u32 $0x2, v63;
	v51 =	vor.u32 v3, v23;
	v52 =	vor.u32 v3, v24;
	v3 =	vld [tilespmem:$0x1FC10]  }
0x3bc: {  	v30 =	vsel vm0, v47, v46;
	vm0 =	vlt.f32 v0, v21;
	v0 =	vld [tilespmem:$0x1FF10]  }
0x3bd: {  	v50 =	vld.idx.msk [tilespmem:v17+s4+$0x0], $0xffff  }
0x3be: {  	v4 =	vld.idx.msk [tilespmem:v39+s4+$0x0], $0xffff  }
0x3bf: {  	v31 =	vsel vm1, v22, v40;
	v22 =	vld.idx.msk [tilespmem:v55+s4+$0x0], $0xffff;
	vm1 =	vlt.f32 v15, v59  }
0x3c0: {  	v59 =	vsel vm2, v48, v41;
	v29 =	vsel vm1, v25, v29;
	v23 =	vld.idx.msk [tilespmem:v18+s4+$0x0], $0xffff  }
0x3c1: {  	v25 =	vadd.s32 $0x20, v38;
	v15 =	vld.idx.msk [tilespmem:v9+s4+$0x0], $0xffff;
	v24 =	vsel vm0, v1, v3;
	v0 =	vsel vm0, v0, v44  }
0x3c2: {  	v34 =	vld.idx.msk [tilespmem:v51+s4+$0x0], $0xffff;
	[tilespmem:s29+$0xF0] =	vst v37;
	v37 =	vadd.s32 $0x20, v59;
	vm15 =	vlt.f32 v24, v21;
	v9 =	vor.u32 $0x8, v0  }
0x3c3: {  	s28 =	sshll.u32 s26, $0x8;
	v33 =	vld.idx.msk [tilespmem:v52+s4+$0x0], $0xffff;
	v24 =	vsel vm3, v49, v35;
	vm0 =	vlt.f32 v50, v57;
	v35 =	vsel vm15, v9, v0  }
0x3c4: {  	s13 =	simm.s32 $0xC;
	s7 =	simm.s32 $0x2900;
	s9 =	simm.s32 $0xA700;
	[tilespmem:s30+$0xF0] =	vst v4;
	v9 =	vadd.s32 $0x20, v30;
	v0 =	vadd.s32 $0x20, v31;
	v31 =	vld.idx.msk [tilespmem:v5+s4+$0x0], $0xffff;
	v36 =	vor.u32 $0x4, v35  }
.LBB2_3:
0x3c5: {  	v42 =	vld [tilespmem:$0x1FC00]  }
0x3c6: {  	v52 =	vld [tilespmem:$0x1FF60]  }
0x3c7: {  	v46 =	vld [tilespmem:$0x1FE00]  }
0x3c8: {  	v45 =	vld [tilespmem:$0x1FF00]  }
0x3c9: {  	v32 =	vld [tilespmem:s7+$0x80]  }
0x3ca: {  	v30 =	vld [tilespmem:s7+$0xFFFFFF80]  }
0x3cb: {  	v38 =	vadd.s32 $0x20, v24;
	v39 =	vadd.s32 $0x20, v29;
	v29 =	vld [tilespmem:s7+$0x0]  }
0x3cc: {  	vm1 =	vlt.f32 v23, v60;
	v4 =	vsel vm0, v17, v54;
	v7 =	vld [tilespmem:s7+$0xFFFFFF00]  }
0x3cd: {  	v41 =	vld [tilespmem:$0x1FD50];
	[tilespmem:$0x1FA90] =	vst v4;
	v4 =	vsel vm1, v18, v63;
	vm2 =	vlt.f32 v22, v61  }
0x3ce: {  	v24 =	vand.u32 $0x5C, v36;
	[tilespmem:$0x1FAA0] =	vst v4;
	v22 =	vld [tilespmem:$0x1FD20];
	v4 =	vsel vm2, v55, v53  }
0x3cf: {  	v40 =	vor.u32 v52, v24;
	[tilespmem:$0x1FAB0] =	vst v4;
	v4 =	vld.idx.msk [tilespmem:v37+s4+$0x0], $0xffff  }
0x3d0: {  	vm3 =	vlt.f32 v15, v10;
	vm0 =	vlt.f32 v34, v19;
	v15 =	vld.idx.msk [tilespmem:v38+s4+$0x0], $0xffff  }
0x3d1: {  	v8 =	vsel vm3, v27, v16;
	v5 =	vsel vm0, v28, v26;
	v28 =	vld.idx.msk [tilespmem:v39+s4+$0x0], $0xffff  }
0x3d2: {  	v25 =	vld.idx.msk [tilespmem:v25+s4+$0x0], $0xffff;
	vm1 =	vlt.f32 v31, v6;
	v17 =	vor.u32 $0x2, v8  }
0x3d3: {  	[tilespmem:$0x1FBA0] =	vst v61;
	v9 =	vld.idx.msk [tilespmem:v9+s4+$0x0], $0xffff;
	v16 =	vand.u32 $0x1BFF, v17;
	vm2 =	vlt.f32 v22, v32;
	vm3 =	vlt.f32 v22, v30  }
0x3d4: {  	vm5 =	vlt.f32 v22, v7;
	v18 =	vsel vm2, v46, v45;
	v27 =	vld.idx.msk [tilespmem:v40+s4+$0x0], $0xffff;
	[tilespmem:s10+$0xFFFFFF20] =	vst v4  }
0x3d5: {  	v26 =	vsel vm2, v41, v42;
	vm2 =	vlt.f32 v22, v29;
	v31 =	vsel vm3, v46, v45;
	[tilespmem:s10+$0xFFFFFFA0] =	vst v15;
	v4 =	vld [tilespmem:s17+$0xFFFFFF30]  }
0x3d6: {  	v61 =	vsel vm3, v41, v42;
	vm4 =	vlt.f32 v26, v32;
	v26 =	vor.u32 $0x8, v18;
	[tilespmem:s10+$0x20] =	vst v28;
	v15 =	vld [tilespmem:s17+$0xFFFFFFB0]  }
0x3d7: {  	v63 =	vsel vm2, v46, v45;
	v18 =	vsel vm4, v26, v18;
	v26 =	vsel vm5, v46, v45;
	v50 =	vld.idx.msk [tilespmem:v0+s4+$0x0], $0xffff  }
0x3d8: {  	v0 =	vor.u32 $0x8, v63;
	v46 =	vld.idx.msk [tilespmem:v16+s4+$0x0], $0xffff;
	v16 =	vsel vm2, v41, v42;
	vm2 =	vlt.f32 v61, v30  }
0x3d9: {  	vm12 =	vlt.f32 v16, v29;
	v16 =	vld [tilespmem:s17+$0x30];
	vm11 =	vlt.f32 v27, v21;
	v27 =	vor.u32 $0x8, v31  }
0x3da: {  	v27 =	vsel vm2, v27, v31;
	v31 =	vsel vm12, v0, v63;
	v0 =	vld [tilespmem:$0x1FC60];
	_ =	sdelay $0x1  }
0x3db: {  	v43 =	vld [tilespmem:$0x1FF20];
	[tilespmem:$0x1FB90] =	vst v60;
	v60 =	vsel vm5, v41, v42  }
0x3dc: {  	vm3 =	vlt.f32 v60, v7;
	v49 =	vor.u32 $0x8, v26;
	vm2 =	vlt.f32 v46, v10  }
0x3dd: {  	v34 =	vor.u32 $0x4, v18;
	v26 =	vsel vm3, v49, v26;
	v8 =	vsel vm2, v17, v8  }
0x3de: {  	vm2 =	vlt.f32 v0, v4;
	vm3 =	vlt.f32 v0, v15;
	vm13 =	vlt.f32 v0, v16;
	v0 =	vld [tilespmem:$0x1FC10]  }
0x3df: {  	v45 =	vand.u32 $0x5C, v34  }
0x3e0: {  	v48 =	vor.u32 v43, v45;
	_ =	sdelay $0x2  }
0x3e1: {  	v53 =	vsel vm2, v1, v0;
	v1 =	vld [tilespmem:$0x1FF50]  }
0x3e2: {  	v37 =	vor.u32 $0x4, v26;
	v28 =	vsel vm11, v36, v35  }
0x3e3: {  	vm0 =	vlt.f32 v33, v20;
	[tilespmem:s30+$0xFFFFFFE0] =	vst v9;
	v9 =	vand.u32 $0x5C, v37;
	v36 =	vor.u32 $0x2, v28;
	v33 =	vld.idx.msk [tilespmem:v48+s4+$0x0], $0xffff  }
0x3e4: {  	v17 =	vor.u32 v43, v9  }
0x3e5: {  	v47 =	vmov v62;
	v38 =	vor.u32 $0x4, v27;
	v41 =	vadd.s32 $0x1, v8  }
0x3e6: {  	v39 =	vor.u32 $0x4, v31;
	v51 =	vand.u32 $0x5C, v38;
	v45 =	vsel vm3, v47, v1;
	v1 =	vld [tilespmem:$0x1FCB0]  }
0x3e7: {  	v62 =	vld [tilespmem:$0x1FE10];
	[tilespmem:s30+$0xFFFFFF60] =	vst v25;
	v9 =	vand.u32 $0x5C, v39;
	v40 =	vor.u32 v43, v51  }
0x3e8: {  	v42 =	vor.u32 v43, v9;
	v43 =	vld.idx.msk [tilespmem:v36+s4+$0x0], $0xffff;
	v44 =	vsel vm2, v47, v44;
	vm2 =	vlt.f32 v33, v32  }
0x3e9: {  	v17 =	vld.idx.msk [tilespmem:v17+s4+$0x0], $0xffff;
	v18 =	vsel vm2, v34, v18  }
0x3ea: {  	v61 =	vld.idx.msk [tilespmem:v41+s4+$0x0], $0xffff;
	v48 =	vor.u32 $0x2, v18  }
0x3eb: {  	v54 =	vsel vm3, v1, v0;
	v1 =	vld [tilespmem:$0x1FF50]  }
0x3ec: {  	[tilespmem:s30+$0x60] =	vst v50;
	v60 =	vor.u32 $0x8, v44;
	v40 =	vld.idx.msk [tilespmem:v40+s4+$0x0], $0xffff;
	vm2 =	vlt.f32 v53, v4  }
0x3ed: {  	v14 =	vsel vm0, v14, v12;
	v42 =	vld.idx.msk [tilespmem:v42+s4+$0x0], $0xffff;
	vm14 =	vlt.f32 v43, v21;
	v34 =	vsel vm2, v60, v44  }
0x3ee: {  	v24 =	vld [tilespmem:$0x1FFD0];
	v28 =	vsel vm14, v36, v28;
	v53 =	vor.u32 $0x8, v45;
	vm3 =	vlt.f32 v54, v15  }
0x3ef: {  	v44 =	vadd.s32 $0x1, v28;
	v49 =	vld.idx.msk [tilespmem:v48+s4+$0x0], $0xffff;
	v43 =	vsel vm3, v53, v45;
	vm3 =	vlt.f32 v17, v7  }
0x3f0: {  	vm2 =	vlt.f32 v61, v10;
	v17 =	vsel vm3, v37, v26;
	v33 =	vsel vm13, v47, v1;
	v1 =	vld [tilespmem:$0x1FCB0]  }
0x3f1: {  	v22 =	vld [tilespmem:$0x1FCA0];
	v8 =	vsel vm2, v41, v8;
	vm2 =	vlt.f32 v40, v30;
	v35 =	vor.u32 $0x2, v17  }
0x3f2: {  	v25 =	vld [tilespmem:s31+$0xFFFFFF70];
	v36 =	vor.u32 $0x4, v34;
	v27 =	vsel vm2, v38, v27;
	vm2 =	vlt.f32 v42, v29  }
0x3f3: {  	v63 =	vld [tilespmem:s31+$0xFFFFFFF0];
	v8 =	vadd.s32 $0x20, v8;
	v31 =	vsel vm2, v39, v31;
	v46 =	vor.u32 $0x4, v43  }
0x3f4: {  	v23 =	vld [tilespmem:s31+$0x70];
	v39 =	vor.u32 $0x2, v31;
	vm0 =	vlt.f32 v49, v32;
	v50 =	vand.u32 $0x5C, v46  }
0x3f5: {  	v26 =	vld.idx.msk [tilespmem:v44+s4+$0x0], $0xffff;
	v18 =	vsel vm0, v48, v18;
	v60 =	vor.u32 v52, v50;
	v55 =	vsel vm13, v1, v0  }
0x3f6: {  	v54 =	vor.u32 $0x8, v33;
	v48 =	vld.idx.msk [tilespmem:v35+s4+$0x0], $0xffff;
	vm4 =	vlt.f32 v55, v16;
	v55 =	vand.u32 $0x5C, v36  }
0x3f7: {  	v0 =	vld [tilespmem:$0x1FC50];
	v33 =	vsel vm4, v54, v33;
	v10 =	vor.u32 v52, v55  }
0x3f8: {  	v41 =	vor.u32 $0x2, v5;
	v37 =	vor.u32 $0x2, v27;
	v1 =	vld [tilespmem:$0x1FCF0];
	v47 =	vor.u32 $0x4, v33  }
0x3f9: {  	v13 =	vsel vm1, v13, v11;
	v11 =	vld.idx.msk [tilespmem:v8+s4+$0x0], $0xffff;
	v50 =	vand.u32 $0x17FF, v41;
	v51 =	vand.u32 $0x5C, v47  }
0x3fa: {  	v53 =	vld.idx.msk [tilespmem:v39+s4+$0x0], $0xffff;
	vm0 =	vlt.f32 v26, v21;
	v61 =	vor.u32 v52, v51  }
0x3fb: {  	v49 =	vadd.s32 $0x1, v18;
	v8 =	vsel vm0, v44, v28;
	v28 =	vld.idx.msk [tilespmem:v60+s4+$0x0], $0xffff  }
0x3fc: {  	vm0 =	vlt.f32 v22, v63;
	v38 =	vadd.s32 $0x20, v8;
	v12 =	vld.idx.msk [tilespmem:v10+s4+$0x0], $0xffff  }
0x3fd: {  	v8 =	vsel vm0, v58, v24;
	v52 =	vld.idx.msk [tilespmem:v37+s4+$0x0], $0xffff;
	v54 =	vsel vm0, v1, v0;
	vm0 =	vlt.f32 v48, v7  }
0x3fe: {  	v42 =	vor.u32 $0x2, v14;
	v17 =	vsel vm0, v35, v17;
	v35 =	vld.idx.msk [tilespmem:v50+s4+$0x0], $0xffff  }
0x3ff: {  	vm1 =	vlt.f32 v22, v25;
	v45 =	vor.u32 $0x2, v13;
	v51 =	vand.u32 $0x17FF, v42;
	v40 =	vld.idx.msk [tilespmem:v61+s4+$0x0], $0xffff  }
0x400: {  	s31 =	smov.u32 s0;
	vm2 =	vlt.f32 v22, v23;
	v21 =	vand.u32 $0x17FF, v45;
	v60 =	vsel vm1, v1, v0;
	v61 =	vld.idx.msk [tilespmem:v49+s4+$0x0], $0xffff;
	[tilespmem:s2+$0xE0] =	vst v11  }
0x401: {  	v48 =	vsel vm2, v1, v0;
	v10 =	vsel vm1, v58, v24;
	v26 =	vld [tilespmem:s31+$0xF0];
	vm1 =	vlt.f32 v12, v4  }
0x402: {  	v44 =	vadd.s32 $0x1, v17;
	v34 =	vsel vm1, v36, v34;
	vm1 =	vlt.f32 v52, v30;
	v52 =	vld [tilespmem:$0x1FF80]  }
0x403: {  	v11 =	vsel vm2, v58, v24;
	v27 =	vsel vm1, v37, v27;
	vm1 =	vlt.f32 v53, v29;
	v37 =	vld.idx.msk [tilespmem:v38+s4+$0x0], $0xffff  }
0x404: {  	v36 =	vor.u32 $0x2, v34;
	v31 =	vsel vm1, v39, v31;
	vm1 =	vlt.f32 v28, v15;
	v28 =	vld.idx.msk [tilespmem:v51+s4+$0x0], $0xffff  }
0x405: {  	vm2 =	vlt.f32 v61, v32;
	v43 =	vsel vm1, v46, v43;
	vm1 =	vlt.f32 v40, v16;
	v40 =	vld.idx.msk [tilespmem:v21+s4+$0x0], $0xffff  }
0x406: {  	v18 =	vsel vm2, v49, v18;
	v49 =	vld [tilespmem:$0x1FCC0]  }
0x407: {  	v38 =	vadd.s32 $0x1, v27;
	v33 =	vsel vm1, v47, v33;
	vm1 =	vlt.f32 v22, v26;
	v47 =	vld.idx.msk [tilespmem:v44+s4+$0x0], $0xffff  }
0x408: {  	v55 =	vsel vm1, v1, v0;
	v1 =	vld [tilespmem:$0x1FD30]  }
0x409: {  	v39 =	vadd.s32 $0x1, v31;
	v0 =	vld [tilespmem:$0x1FD00]  }
0x40a: {  	v50 =	vor.u32 $0x2, v43;
	v46 =	vld.idx.msk [tilespmem:v36+s4+$0x0], $0xffff  }
0x40b: {  	v21 =	vsel vm1, v58, v24;
	vm1 =	vlt.f32 v55, v26;
	v55 =	vld [tilespmem:$0x1FFC0]  }
0x40c: {  	s0 =	smov.u32 s17;
	vm0 =	vlt.f32 v60, v25;
	v18 =	vadd.s32 $0x20, v18;
	v60 =	vor.u32 $0x8, v21;
	[tilespmem:s10+$0xB0] =	vst v37;
	v61 =	vld.idx.msk [tilespmem:v38+s4+$0x0], $0xffff  }
0x40d: {  	v51 =	vor.u32 $0x2, v33;
	v32 =	vsel vm1, v60, v21;
	v21 =	vld [tilespmem:s0+$0xC0]  }
0x40e: {  	vm1 =	vlt.f32 v35, v19;
	vm2 =	vlt.f32 v28, v20;
	v35 =	vor.u32 $0x4, v32;
	v37 =	vld.idx.msk [tilespmem:v39+s4+$0x0], $0xffff  }
0x40f: {  	v5 =	vsel vm1, v41, v5;
	vm1 =	vlt.f32 v40, v6;
	v28 =	vand.u32 $0x5C, v35;
	v40 =	vld.idx.msk [tilespmem:v50+s4+$0x0], $0xffff  }
0x410: {  	v14 =	vsel vm2, v42, v14;
	v42 =	vld [tilespmem:$0x1FD60];
	vm3 =	vlt.f32 v46, v4;
	v60 =	vor.u32 v55, v28  }
0x411: {  	v28 =	vsel vm1, v45, v13;
	vm1 =	vlt.f32 v47, v7;
	v7 =	vld.idx.msk [tilespmem:v18+s4+$0x0], $0xffff;
	v34 =	vsel vm3, v36, v34  }
0x412: {  	v46 =	vld [tilespmem:$0x1FC70];
	v36 =	vadd.s32 $0x1, v5;
	v17 =	vsel vm1, v44, v17;
	vm1 =	vlt.f32 v61, v30  }
0x413: {  	v47 =	vld [tilespmem:$0x1FC20];
	v27 =	vsel vm1, v38, v27;
	vm1 =	vlt.f32 v37, v29  }
0x414: {  	v30 =	vld.idx.msk [tilespmem:v51+s4+$0x0], $0xffff;
	v13 =	vadd.s32 $0x1, v34;
	v31 =	vsel vm1, v39, v31;
	vm1 =	vlt.f32 v40, v15  }
0x415: {  	v17 =	vadd.s32 $0x20, v17;
	v43 =	vsel vm1, v50, v43;
	v50 =	vld [tilespmem:$0x1FF90]  }
0x416: {  	s10 =	sadd.s32 $0x200, s10;
	v18 =	vadd.s32 $0x1, v14;
	v37 =	vld.idx.msk [tilespmem:v60+s4+$0x0], $0xffff  }
0x417: {  	v41 =	vadd.s32 $0x20, v27;
	vm2 =	vlt.f32 v46, v21;
	[tilespmem:s10+$0x80] =	vst v7;
	v39 =	vld.idx.msk [tilespmem:v36+s4+$0x0], $0xffff  }
0x418: {  	v31 =	vadd.s32 $0x20, v31;
	v61 =	vsel vm2, v56, v52;
	v53 =	vsel vm2, v49, v47;
	v27 =	vld [tilespmem:s7+$0x90]  }
0x419: {  	vm2 =	vlt.f32 v53, v21;
	v29 =	vor.u32 $0x8, v61;
	v60 =	vld.idx.msk [tilespmem:v13+s4+$0x0], $0xffff  }
0x41a: {  	vm1 =	vlt.f32 v30, v16;
	v30 =	vadd.s32 $0x1, v43;
	v17 =	vld.idx.msk [tilespmem:v17+s4+$0x0], $0xffff;
	v38 =	vsel vm2, v29, v61  }
0x41b: {  	v61 =	vld.idx.msk [tilespmem:v18+s4+$0x0], $0xffff;
	v29 =	vadd.s32 $0x1, v28;
	v44 =	vor.u32 $0x4, v38  }
0x41c: {  	v33 =	vsel vm1, v51, v33;
	v41 =	vld.idx.msk [tilespmem:v41+s4+$0x0], $0xffff;
	v7 =	vand.u32 $0x5C, v44  }
0x41d: {  	vm2 =	vlt.f32 v37, v26;
	v7 =	vor.u32 v50, v7;
	vm3 =	vlt.f32 v39, v19;
	v19 =	vld.idx.msk [tilespmem:v31+s4+$0x0], $0xffff  }
0x41e: {  	v53 =	vadd.s32 $0x1, v33;
	v32 =	vsel vm2, v35, v32;
	vm2 =	vlt.f32 v48, v23;
	v48 =	vld [tilespmem:$0x1FFB0]  }
0x41f: {  	vm15 =	vlt.f32 v60, v4;
	v60 =	vld.idx.msk [tilespmem:v30+s4+$0x0], $0xffff  }
0x420: {  	v12 =	vor.u32 $0x8, v10;
	v4 =	vsel vm3, v36, v5;
	v31 =	vor.u32 $0x2, v32;
	v39 =	vld.idx.msk [tilespmem:v29+s4+$0x0], $0xffff  }
0x421: {  	vm1 =	vlt.f32 v54, v63;
	vm3 =	vlt.f32 v1, v27;
	v36 =	vadd.s32 $0x20, v4;
	v4 =	vld [tilespmem:$0x1FF70]  }
0x422: {  	v5 =	vsel vm15, v13, v34;
	vm8 =	vlt.f32 v61, v20;
	v20 =	vsel vm3, v42, v0;
	v7 =	vld.idx.msk [tilespmem:v7+s4+$0x0], $0xffff  }
0x423: {  	v54 =	vor.u32 $0x8, v8;
	[tilespmem:s10+$0xFFFFFF80] =	vst v41;
	v13 =	vsel vm3, v62, v48;
	vm3 =	vlt.f32 v20, v27;
	v20 =	vld.idx.msk [tilespmem:v53+s4+$0x0], $0xffff  }
0x424: {  	v9 =	vsel vm0, v12, v10;
	v22 =	vsel vm1, v54, v8;
	[tilespmem:s10+$0x0] =	vst v19;
	v19 =	vld [tilespmem:s7+$0xFFFFFF90]  }
0x425: {  	v34 =	vadd.s32 $0x20, v5;
	v14 =	vsel vm8, v18, v14;
	v5 =	vor.u32 $0x8, v13;
	v61 =	vld.idx.msk [tilespmem:v31+s4+$0x0], $0xffff  }
0x426: {  	[tilespmem:s10+$0xFFFFFF00] =	vst v17;
	v14 =	vadd.s32 $0x20, v14;
	vm1 =	vlt.f32 v60, v15;
	v13 =	vsel vm3, v5, v13  }
0x427: {  	v18 =	vld [tilespmem:s7+$0xFFFFFF10];
	v5 =	vor.u32 $0x8, v11;
	v30 =	vsel vm1, v30, v43;
	v40 =	vor.u32 $0x4, v13  }
0x428: {  	v24 =	vsel vm2, v5, v11;
	v10 =	vand.u32 $0x5C, v40;
	vm0 =	vlt.f32 v7, v21  }
0x429: {  	v17 =	vld [tilespmem:s7+$0x10];
	v10 =	vor.u32 v4, v10;
	vm2 =	vlt.f32 v1, v19;
	v15 =	vsel vm0, v44, v38  }
0x42a: {  	v12 =	vld.idx.msk [tilespmem:v34+s4+$0x0], $0xffff;
	vm0 =	vlt.f32 v20, v16;
	v20 =	vadd.s32 $0x20, v30;
	vm1 =	vlt.f32 v61, v26  }
0x42b: {  	v60 =	vsel vm2, v62, v48;
	v61 =	vsel vm2, v42, v0;
	v16 =	vor.u32 $0x2, v15  }
0x42c: {  	v30 =	vsel vm0, v53, v33;
	vm0 =	vlt.f32 v1, v18;
	v31 =	vsel vm1, v31, v32  }
0x42d: {  	v51 =	vld.idx.msk [tilespmem:v36+s4+$0x0], $0xffff;
	v33 =	vand.u32 $0x13FF, v16;
	v30 =	vadd.s32 $0x20, v30;
	v53 =	vsel vm0, v62, v48  }
0x42e: {  	v14 =	vld.idx.msk [tilespmem:v14+s4+$0x0], $0xffff;
	v54 =	vsel vm0, v42, v0;
	vm0 =	vlt.f32 v1, v17;
	v36 =	vadd.s32 $0x1, v31  }
0x42f: {  	[tilespmem:s9+$0xFFFFFF30] =	vst v12;
	v12 =	vor.u32 $0x8, v60;
	v62 =	vsel vm0, v62, v48;
	vm1 =	vlt.f32 v54, v18;
	v10 =	vld.idx.msk [tilespmem:v10+s4+$0x0], $0xffff  }
0x430: {  	v45 =	vor.u32 $0x8, v53;
	v42 =	vsel vm0, v42, v0;
	vm0 =	vlt.f32 v61, v19;
	v0 =	vld [tilespmem:$0x1FC90]  }
0x431: {  	vm2 =	vlt.f32 v42, v17;
	v34 =	vsel vm0, v12, v60;
	v12 =	vor.u32 $0x8, v62;
	v20 =	vld.idx.msk [tilespmem:v20+s4+$0x0], $0xffff  }
0x432: {  	v32 =	vsel vm1, v45, v53;
	v37 =	vsel vm2, v12, v62;
	v33 =	vld.idx.msk [tilespmem:v33+s4+$0x0], $0xffff  }
0x433: {  	v35 =	vor.u32 $0x4, v32;
	v42 =	vor.u32 $0x4, v37;
	v30 =	vld.idx.msk [tilespmem:v30+s4+$0x0], $0xffff  }
0x434: {  	[tilespmem:s2+$0xFFFFFF50] =	vst v51;
	v41 =	vor.u32 $0x4, v34;
	v48 =	vld.idx.msk [tilespmem:v36+s4+$0x0], $0xffff;
	v53 =	vand.u32 $0x5C, v42;
	vm0 =	vlt.f32 v10, v27  }
0x435: {  	[tilespmem:s2+$0xFFFFFFD0] =	vst v14;
	v45 =	vor.u32 v4, v53;
	v10 =	vand.u32 $0x5C, v35;
	v40 =	vsel vm0, v40, v13;
	v13 =	vld [tilespmem:s0+$0xFFFFFF40]  }
0x436: {  	v14 =	vand.u32 $0x5C, v41;
	v51 =	vor.u32 v4, v10;
	v10 =	vld [tilespmem:s31+$0xFFFFFFE0];
	[tilespmem:s9+$0xFFFFFFB0] =	vst v20;
	v43 =	vor.u32 $0x2, v40  }
0x437: {  	v54 =	vor.u32 v4, v14;
	v14 =	vld [tilespmem:s0+$0xFFFFFFC0];
	vm0 =	vlt.f32 v33, v21  }
0x438: {  	v12 =	vld [tilespmem:s31+$0xFFFFFF60];
	[tilespmem:s9+$0x30] =	vst v30;
	v15 =	vsel vm0, v16, v15;
	vm0 =	vlt.f32 v39, v6  }
0x439: {  	v16 =	vld [tilespmem:s0+$0x40];
	v20 =	vadd.s32 $0x1, v15;
	v28 =	vsel vm0, v29, v28;
	vm0 =	vlt.f32 v48, v26  }
0x43a: {  	v61 =	vld.idx.msk [tilespmem:v45+s4+$0x0], $0xffff;
	vm1 =	vlt.f32 v46, v13;
	v31 =	vsel vm0, v36, v31;
	v28 =	vadd.s32 $0x20, v28  }
0x43b: {  	v26 =	vld.idx.msk [tilespmem:v43+s4+$0x0], $0xffff;
	v29 =	vsel vm1, v56, v52;
	v30 =	vsel vm1, v49, v47;
	v31 =	vadd.s32 $0x20, v31  }
0x43c: {  	v60 =	vld.idx.msk [tilespmem:v51+s4+$0x0], $0xffff;
	vm2 =	vlt.f32 v46, v14;
	vm0 =	vlt.f32 v30, v13;
	v30 =	vor.u32 $0x8, v29  }
0x43d: {  	v33 =	vld.idx.msk [tilespmem:v54+s4+$0x0], $0xffff;
	v62 =	vsel vm2, v56, v52;
	v48 =	vsel vm2, v49, v47;
	v30 =	vsel vm0, v30, v29  }
0x43e: {  	v3 =	vld [tilespmem:$0x1FE40];
	vm0 =	vlt.f32 v0, v12;
	vm2 =	vlt.f32 v46, v16;
	vm3 =	vlt.f32 v48, v14  }
0x43f: {  	vm11 =	vlt.f32 v61, v17;
	v38 =	vor.u32 $0x4, v30;
	v29 =	vld.idx.msk [tilespmem:v20+s4+$0x0], $0xffff;
	v51 =	vsel vm2, v56, v52  }
0x440: {  	v5 =	vld [tilespmem:$0x1FCE0];
	v46 =	vsel vm2, v49, v47;
	v37 =	vsel vm11, v42, v37;
	vm2 =	vlt.f32 v26, v27  }
0x441: {  	vm9 =	vlt.f32 v46, v16;
	vm10 =	vlt.f32 v60, v18;
	v31 =	vld.idx.msk [tilespmem:v31+s4+$0x0], $0xffff;
	v36 =	vsel vm2, v43, v40  }
0x442: {  	v7 =	vld [tilespmem:$0x1FFA0];
	v32 =	vsel vm10, v35, v32;
	vm2 =	vlt.f32 v33, v19;
	v33 =	vadd.s32 $0x1, v36  }
0x443: {  	v52 =	vor.u32 $0x8, v51;
	v28 =	vld.idx.msk [tilespmem:v28+s4+$0x0], $0xffff;
	v35 =	vor.u32 $0x2, v32;
	v34 =	vsel vm2, v41, v34  }
0x444: {  	v4 =	vld [tilespmem:$0x1FC40];
	v26 =	vor.u32 $0x8, v62;
	vm2 =	vlt.f32 v29, v21;
	v21 =	vor.u32 $0x2, v34  }
0x445: {  	[tilespmem:$0x1FAD0] =	vst v57;
	v39 =	vsel vm3, v26, v62;
	v41 =	vor.u32 $0x2, v37;
	v15 =	vsel vm2, v20, v15  }
0x446: {  	v57 =	vld [tilespmem:$0x1FE30];
	v40 =	vsel vm9, v52, v51;
	v42 =	vor.u32 $0x4, v39;
	v15 =	vadd.s32 $0x20, v15;
	[tilespmem:s2+$0xF0] =	vst v31  }
0x447: {  	v26 =	vand.u32 $0x5C, v38;
	v29 =	vand.u32 $0x5C, v42;
	v31 =	vor.u32 $0x4, v40;
	v20 =	vld.idx.msk [tilespmem:v33+s4+$0x0], $0xffff  }
0x448: {  	v53 =	vor.u32 v50, v26;
	[tilespmem:s2+$0x50] =	vst v28;
	v54 =	vor.u32 v50, v29;
	v43 =	vld.idx.msk [tilespmem:v35+s4+$0x0], $0xffff;
	v26 =	vand.u32 $0x5C, v31  }
0x449: {  	v28 =	vsel vm0, v5, v4;
	v61 =	vor.u32 v50, v26;
	v26 =	vsel vm0, v3, v7;
	v60 =	vld.idx.msk [tilespmem:v21+s4+$0x0], $0xffff  }
0x44a: {  	vm1 =	vlt.f32 v0, v10;
	vm0 =	vlt.f32 v28, v12;
	v52 =	vld.idx.msk [tilespmem:v41+s4+$0x0], $0xffff;
	v29 =	vor.u32 $0x8, v26  }
0x44b: {  	v28 =	vsel vm1, v5, v4;
	v26 =	vsel vm0, v29, v26;
	v62 =	vld.idx.msk [tilespmem:v15+s4+$0x0], $0xffff;
	v15 =	vsel vm1, v3, v7  }
0x44c: {  	v1 =	vld [tilespmem:s31+$0x60];
	vm1 =	vlt.f32 v28, v10;
	v28 =	vor.u32 $0x8, v15;
	vm0 =	vlt.f32 v20, v27  }
0x44d: {  	v44 =	vld.idx.msk [tilespmem:v53+s4+$0x0], $0xffff;
	v28 =	vsel vm1, v28, v15;
	vm1 =	vlt.f32 v43, v18;
	v20 =	vsel vm0, v33, v36  }
0x44e: {  	v53 =	vld.idx.msk [tilespmem:v54+s4+$0x0], $0xffff;
	v32 =	vsel vm1, v35, v32;
	vm0 =	vlt.f32 v60, v19;
	v54 =	vadd.s32 $0x20, v20  }
0x44f: {  	v8 =	vld [tilespmem:$0x1FC80];
	v45 =	vadd.s32 $0x1, v32;
	v34 =	vsel vm0, v21, v34;
	vm0 =	vlt.f32 v52, v17  }
0x450: {  	v60 =	vld.idx.msk [tilespmem:v61+s4+$0x0], $0xffff;
	v47 =	vadd.s32 $0x1, v34;
	v37 =	vsel vm0, v41, v37  }
0x451: {  	vm1 =	vlt.f32 v0, v1;
	v0 =	vld [tilespmem:$0x1FED0];
	[tilespmem:s9+$0xC0] =	vst v62;
	v48 =	vadd.s32 $0x1, v37  }
0x452: {  	v21 =	vsel vm1, v3, v7;
	v61 =	vsel vm1, v5, v4;
	vm1 =	vlt.f32 v44, v13;
	v20 =	vld [tilespmem:s0+$0xD0]  }
0x453: {  	v30 =	vsel vm1, v38, v30;
	vm1 =	vlt.f32 v53, v14;
	v35 =	vld.idx.msk [tilespmem:v54+s4+$0x0], $0xffff  }
0x454: {  	v29 =	vor.u32 $0x4, v26;
	v39 =	vsel vm1, v42, v39;
	v38 =	vld.idx.msk [tilespmem:v45+s4+$0x0], $0xffff  }
0x455: {  	v27 =	vor.u32 $0x4, v28;
	v36 =	vand.u32 $0x5C, v29;
	v43 =	vor.u32 $0x2, v39;
	v42 =	vld.idx.msk [tilespmem:v47+s4+$0x0], $0xffff  }
0x456: {  	v46 =	vand.u32 $0x5C, v27;
	vm0 =	vlt.f32 v61, v1;
	v61 =	vand.u32 $0x13FF, v43;
	v51 =	vld.idx.msk [tilespmem:v48+s4+$0x0], $0xffff  }
0x457: {  	v59 =	vld [tilespmem:$0x1FE20];
	v33 =	vor.u32 $0x8, v21;
	v41 =	vor.u32 $0x2, v30;
	vm1 =	vlt.f32 v60, v16  }
0x458: {  	v15 =	vld [tilespmem:$0x1FCD0];
	v33 =	vsel vm0, v33, v21;
	v31 =	vsel vm1, v31, v40;
	vm1 =	vlt.f32 v8, v20  }
0x459: {  	v44 =	vsel vm1, v57, v0;
	v0 =	vld [tilespmem:$0x1FC30];
	v57 =	vand.u32 $0x13FF, v41;
	[tilespmem:s10+$0x90] =	vst v35;
	vm0 =	vlt.f32 v38, v18  }
0x45a: {  	v38 =	vor.u32 $0x4, v33;
	v21 =	vld [tilespmem:s7+$0xA0];
	v32 =	vsel vm0, v45, v32;
	vm0 =	vlt.f32 v42, v19  }
0x45b: {  	v52 =	vand.u32 $0x5C, v38;
	v49 =	vsel vm0, v47, v34;
	vm0 =	vlt.f32 v51, v17;
	v17 =	vld.idx.msk [tilespmem:v61+s4+$0x0], $0xffff  }
0x45c: {  	v36 =	vor.u32 v2, v36;
	v45 =	vor.u32 v2, v46;
	v42 =	vor.u32 v2, v52;
	v2 =	vld [tilespmem:$0x1FD40]  }
0x45d: {  	v61 =	vld [tilespmem:$0x1FD10]  }
0x45e: {  	v62 =	vsel vm1, v15, v0;
	v0 =	vld [tilespmem:$0x1FEE0]  }
0x45f: {  	v60 =	vor.u32 $0x8, v44;
	v19 =	vadd.s32 $0x20, v32;
	v34 =	vld.idx.msk [tilespmem:v57+s4+$0x0], $0xffff;
	vm1 =	vlt.f32 v62, v20  }
0x460: {  	v57 =	vld [tilespmem:$0x1FD70];
	v44 =	vsel vm1, v60, v44  }
0x461: {  	v40 =	vor.u32 $0x2, v31;
	v60 =	vld [tilespmem:$0x1FF30];
	v35 =	vor.u32 $0x4, v44  }
0x462: {  	v4 =	vld [tilespmem:$0x1FA90];
	v62 =	vand.u32 $0x13FF, v40;
	v18 =	vand.u32 $0x5C, v35  }
0x463: {  	v11 =	vor.u32 $0x4, v22;
	v36 =	vld.idx.msk [tilespmem:v36+s4+$0x0], $0xffff;
	v18 =	vor.u32 v0, v18  }
0x464: {  	[tilespmem:$0x1FAC0] =	vst v9;
	v9 =	vor.u32 $0x4, v9;
	v47 =	vand.u32 $0x5C, v11;
	v32 =	vadd.s32 $0x20, v49;
	v19 =	vld.idx.msk [tilespmem:v19+s4+$0x0], $0xffff  }
0x465: {  	v37 =	vsel vm0, v48, v37;
	v47 =	vor.u32 v55, v47;
	vm0 =	vlt.f32 v2, v21;
	v42 =	vld.idx.msk [tilespmem:v42+s4+$0x0], $0xffff  }
0x466: {  	v50 =	vand.u32 $0x5C, v9;
	v54 =	vsel vm0, v57, v61;
	v0 =	vld [tilespmem:$0x1FF40];
	v49 =	vsel vm0, v59, v60  }
0x467: {  	v37 =	vadd.s32 $0x20, v37;
	v46 =	vld.idx.msk [tilespmem:v62+s4+$0x0], $0xffff;
	vm0 =	vlt.f32 v54, v21;
	v62 =	vor.u32 $0x8, v49  }
0x468: {  	v50 =	vor.u32 v55, v50;
	v49 =	vsel vm0, v62, v49;
	v18 =	vld.idx.msk [tilespmem:v18+s4+$0x0], $0xffff  }
0x469: {  	v6 =	vor.u32 $0x4, v24;
	v32 =	vld.idx.msk [tilespmem:v32+s4+$0x0], $0xffff;
	vm0 =	vlt.f32 v34, v13;
	v51 =	vor.u32 $0x4, v49  }
0x46a: {  	v48 =	vand.u32 $0x5C, v6;
	v62 =	vld.idx.msk [tilespmem:v47+s4+$0x0], $0xffff;
	v41 =	vsel vm0, v41, v30;
	v30 =	vand.u32 $0x5C, v51  }
0x46b: {  	v48 =	vor.u32 v55, v48;
	vm0 =	vlt.f32 v17, v14;
	v17 =	vld.idx.msk [tilespmem:v45+s4+$0x0], $0xffff;
	v55 =	vor.u32 v0, v30  }
0x46c: {  	v54 =	vld.idx.msk [tilespmem:v37+s4+$0x0], $0xffff;
	v37 =	vsel vm0, v43, v39;
	vm0 =	vlt.f32 v46, v16  }
0x46d: {  	v40 =	vsel vm0, v40, v31;
	vm0 =	vlt.f32 v18, v20;
	v18 =	vld.idx.msk [tilespmem:v50+s4+$0x0], $0xffff;
	[tilespmem:s10+$0xFFFFFF10] =	vst v19  }
0x46e: {  	[tilespmem:s10+$0xFFFFFF90] =	vst v32;
	v43 =	vadd.s32 $0x1, v41;
	v35 =	vsel vm0, v35, v44;
	vm0 =	vlt.f32 v36, v12;
	v30 =	vld [tilespmem:s7+$0xFFFFFF20]  }
0x46f: {  	v45 =	vadd.s32 $0x1, v37;
	v46 =	vadd.s32 $0x1, v40;
	v44 =	vsel vm0, v29, v26;
	v29 =	vld [tilespmem:s7+$0xFFFFFFA0]  }
0x470: {  	vm1 =	vlt.f32 v62, v63;
	v32 =	vor.u32 $0x2, v35;
	vm0 =	vlt.f32 v17, v10;
	v17 =	vld.idx.msk [tilespmem:v55+s4+$0x0], $0xffff  }
0x471: {  	[tilespmem:s10+$0x10] =	vst v54;
	v19 =	vadd.s32 $0x1, v4;
	v47 =	vand.u32 $0x17FF, v32;
	v52 =	vsel vm0, v27, v28  }
0x472: {  	v31 =	vld [tilespmem:s7+$0x20];
	v50 =	vor.u32 $0x2, v44;
	vm0 =	vlt.f32 v42, v1;
	v53 =	vor.u32 $0x2, v52  }
0x473: {  	v39 =	vand.u32 $0x1BFF, v50;
	v54 =	vand.u32 $0x1BFF, v53;
	vm2 =	vlt.f32 v2, v30  }
0x474: {  	[tilespmem:$0x1FAE0] =	vst v1;
	v27 =	vsel vm0, v38, v33;
	vm0 =	vlt.f32 v18, v25;
	v33 =	vsel vm2, v59, v60  }
0x475: {  	v1 =	vmovc v63;
	v62 =	vsel vm2, v57, v61;
	vm2 =	vlt.f32 v2, v29;
	vm12 =	vlt.f32 v17, v21  }
0x476: {  	v38 =	vld.idx.msk [tilespmem:v47+s4+$0x0], $0xffff;
	vm3 =	vlt.f32 v62, v30;
	v36 =	vsel vm2, v59, v60;
	v63 =	vsel vm2, v57, v61  }
0x477: {  	v7 =	vld [tilespmem:$0x1FAA0];
	v3 =	vmovc v56;
	v56 =	vor.u32 $0x8, v33;
	vm2 =	vlt.f32 v2, v31;
	v49 =	vsel vm12, v51, v49  }
0x478: {  	v60 =	vsel vm2, v59, v60;
	v57 =	vsel vm2, v57, v61;
	v51 =	vld.idx.msk [tilespmem:v54+s4+$0x0], $0xffff;
	v54 =	vor.u32 $0x2, v49  }
0x479: {  	v5 =	vld [tilespmem:$0x1FAB0];
	v2 =	vmovc v58;
	vm2 =	vlt.f32 v63, v29;
	v62 =	vor.u32 $0x8, v36;
	v58 =	vand.u32 $0xBFF, v54  }
0x47a: {  	v55 =	vld.idx.msk [tilespmem:v46+s4+$0x0], $0xffff;
	v56 =	vsel vm3, v56, v33;
	vm13 =	vlt.f32 v57, v31;
	v63 =	vor.u32 $0x8, v60  }
0x47b: {  	v18 =	vld.idx.msk [tilespmem:v45+s4+$0x0], $0xffff;
	v36 =	vsel vm2, v62, v36;
	v47 =	vor.u32 $0x4, v56;
	vm2 =	vlt.f32 v38, v20  }
0x47c: {  	v17 =	vld.idx.msk [tilespmem:v39+s4+$0x0], $0xffff;
	v39 =	vsel vm13, v63, v60;
	v60 =	vor.u32 $0x4, v36;
	v35 =	vsel vm2, v32, v35  }
0x47d: {  	v42 =	vld.idx.msk [tilespmem:v43+s4+$0x0], $0xffff;
	v61 =	vor.u32 $0x4, v39;
	v32 =	vand.u32 $0x5C, v47;
	v62 =	vadd.s32 $0x1, v35  }
0x47e: {  	v33 =	vand.u32 $0x5C, v60;
	v63 =	vand.u32 $0x5C, v61;
	v32 =	vor.u32 v0, v32;
	v58 =	vld.idx.msk [tilespmem:v58+s4+$0x0], $0xffff  }
0x47f: {  	v33 =	vor.u32 v0, v33;
	v63 =	vor.u32 v0, v63;
	v0 =	vld [tilespmem:$0x1FAC0]  }
0x480: {  	v48 =	vld.idx.msk [tilespmem:v48+s4+$0x0], $0xffff;
	v28 =	vadd.s32 $0x1, v5;
	vm3 =	vlt.f32 v18, v14  }
0x481: {  	v26 =	vadd.s32 $0x1, v7;
	vm14 =	vlt.f32 v55, v16;
	v59 =	vld.idx.msk [tilespmem:v19+s4+$0x0], $0xffff;
	v14 =	vsel vm3, v45, v37  }
0x482: {  	v16 =	vsel vm14, v46, v40;
	v14 =	vadd.s32 $0x20, v14;
	vm3 =	vlt.f32 v51, v10;
	v18 =	vld.idx.msk [tilespmem:v62+s4+$0x0], $0xffff  }
0x483: {  	v16 =	vadd.s32 $0x20, v16;
	v40 =	vld.idx.msk [tilespmem:v32+s4+$0x0], $0xffff;
	v32 =	vsel vm3, v53, v52;
	vm3 =	vlt.f32 v58, v21  }
0x484: {  	vm2 =	vlt.f32 v42, v13;
	v45 =	vsel vm3, v54, v49;
	v54 =	vsel vm0, v9, v0;
	v0 =	vld [tilespmem:$0x1FAD0]  }
0x485: {  	v57 =	vld.idx.msk [tilespmem:v28+s4+$0x0], $0xffff;
	v13 =	vsel vm2, v43, v41;
	vm2 =	vlt.f32 v17, v12  }
0x486: {  	v38 =	vld.idx.msk [tilespmem:v26+s4+$0x0], $0xffff;
	v41 =	vsel vm2, v50, v44;
	vm2 =	vlt.f32 v48, v23  }
0x487: {  	v53 =	vsel vm2, v6, v24;
	v6 =	vld.idx.msk [tilespmem:v14+s4+$0x0], $0xffff  }
0x488: {  	v13 =	vadd.s32 $0x20, v13;
	v14 =	vld.idx.msk [tilespmem:v16+s4+$0x0], $0xffff;
	vm0 =	vlt.f32 v18, v20  }
0x489: {  	v34 =	vor.u32 $0x2, v27;
	v16 =	vsel vm0, v62, v35;
	vm0 =	vlt.f32 v59, v0;
	v0 =	vld [tilespmem:$0x1FB90]  }
0x48a: {  	v37 =	vand.u32 $0x1BFF, v34;
	v48 =	vld [tilespmem:$0x1FE30]  }
0x48b: {  	v44 =	vld.idx.msk [tilespmem:v63+s4+$0x0], $0xffff;
	v63 =	vsel vm1, v11, v22;
	v11 =	vadd.s32 $0x1, v45  }
0x48c: {  	v42 =	vld.idx.msk [tilespmem:v33+s4+$0x0], $0xffff  }
0x48d: {  	v13 =	vld.idx.msk [tilespmem:v13+s4+$0x0], $0xffff;
	v16 =	vadd.s32 $0x20, v16  }
0x48e: {  	vm1 =	vlt.f32 v38, v0;
	v0 =	vld [tilespmem:$0x1FBA0]  }
0x48f: {  	v43 =	vadd.s32 $0x1, v41;
	v35 =	vld.idx.msk [tilespmem:v37+s4+$0x0], $0xffff  }
0x490: {  	v33 =	vadd.s32 $0x1, v32;
	v49 =	vld.idx.msk [tilespmem:v11+s4+$0x0], $0xffff  }
0x491: {  	v20 =	vsel vm0, v19, v4;
	v4 =	vld [tilespmem:$0x1FC30]  }
0x492: {  	vm2 =	vlt.f32 v40, v30;
	[tilespmem:s9+$0x40] =	vst v14;
	v14 =	vld.idx.msk [tilespmem:v16+s4+$0x0], $0xffff  }
0x493: {  	vm3 =	vlt.f32 v57, v0;
	v57 =	vmovc v25;
	v25 =	vsel vm2, v47, v56;
	v56 =	vmov v3;
	v3 =	vld [tilespmem:$0x1FCB0]  }
0x494: {  	vm0 =	vlt.f32 v44, v31;
	v47 =	vld.idx.msk [tilespmem:v43+s4+$0x0], $0xffff;
	[tilespmem:s9+$0xFFFFFF40] =	vst v13  }
0x495: {  	v39 =	vsel vm0, v61, v39;
	v13 =	vld.idx.msk [tilespmem:v33+s4+$0x0], $0xffff;
	[tilespmem:s9+$0xFFFFFFC0] =	vst v6  }
0x496: {  	v51 =	vor.u32 $0x2, v39;
	v16 =	vadd.s32 $0x20, v20;
	v6 =	vsel vm1, v26, v7;
	v20 =	vld [tilespmem:s0+$0xFFFFFFD0]  }
0x497: {  	v61 =	vmovc v23;
	v23 =	vand.u32 $0xBFF, v51;
	vm2 =	vlt.f32 v42, v29;
	v26 =	vadd.s32 $0x20, v6;
	v6 =	vld [tilespmem:s0+$0x50]  }
0x498: {  	v24 =	vor.u32 $0x2, v25;
	v36 =	vsel vm2, v60, v36;
	v22 =	vsel vm3, v28, v5;
	v5 =	vld [tilespmem:$0x1FED0]  }
0x499: {  	v60 =	vmovc v1;
	v0 =	vand.u32 $0xBFF, v24;
	v50 =	vor.u32 $0x2, v36;
	v1 =	vmov v3;
	v3 =	vld [tilespmem:$0x1FAE0]  }
0x49a: {  	v19 =	vld [tilespmem:s0+$0xFFFFFF50];
	v9 =	vand.u32 $0xBFF, v50  }
0x49b: {  	vm2 =	vlt.f32 v8, v20  }
0x49c: {  	[tilespmem:s9+$0xD0] =	vst v14;
	v28 =	vadd.s32 $0x20, v22;
	vm1 =	vlt.f32 v47, v12;
	v22 =	vsel vm2, v15, v4  }
0x49d: {  	v12 =	vld.idx.msk [tilespmem:v23+s4+$0x0], $0xffff;
	vm3 =	vlt.f32 v8, v6;
	v14 =	vsel vm2, v48, v5;
	vm2 =	vlt.f32 v22, v20  }
0x49e: {  	v0 =	vld.idx.msk [tilespmem:v0+s4+$0x0], $0xffff;
	v22 =	vsel vm3, v15, v4;
	vm0 =	vlt.f32 v35, v3;
	v35 =	vsel vm1, v43, v41  }
0x49f: {  	v9 =	vld.idx.msk [tilespmem:v9+s4+$0x0], $0xffff;
	vm1 =	vlt.f32 v8, v19;
	v34 =	vsel vm0, v34, v27;
	vm0 =	vlt.f32 v49, v21  }
0x4a0: {  	v11 =	vsel vm0, v11, v45;
	vm0 =	vlt.f32 v13, v10;
	v10 =	vsel vm1, v15, v4;
	v4 =	vld [tilespmem:$0x1FC90]  }
0x4a1: {  	v13 =	vsel vm1, v48, v5;
	vm1 =	vlt.f32 v10, v19;
	v10 =	vld [tilespmem:s0+$0xE0];
	_ =	sdelay $0x1  }
0x4a2: {  	v17 =	vor.u32 $0x2, v54;
	v27 =	vsel vm3, v48, v5;
	vm3 =	vlt.f32 v0, v30  }
0x4a3: {  	v46 =	vld [tilespmem:$0x1FE40];
	v24 =	vsel vm3, v24, v25;
	vm3 =	vlt.f32 v9, v29  }
0x4a4: {  	v52 =	vld [tilespmem:$0x1FF10];
	v36 =	vsel vm3, v50, v36;
	vm3 =	vlt.f32 v12, v31  }
0x4a5: {  	v39 =	vsel vm3, v51, v39;
	vm3 =	vlt.f32 v4, v10;
	v4 =	vld [tilespmem:$0x1FFA0]  }
0x4a6: {  	v58 =	vmov v2;
	v2 =	vld [tilespmem:$0x1FEF0];
	v18 =	vor.u32 $0x2, v63  }
0x4a7: {  	v38 =	vld.idx.msk [tilespmem:v17+s4+$0x0], $0xffff  }
0x4a8: {  	v5 =	vld [tilespmem:$0x1FCE0]  }
0x4a9: {  	v11 =	vadd.s32 $0x20, v11;
	v25 =	vld.idx.msk [tilespmem:v16+s4+$0x0], $0xffff  }
0x4aa: {  	v37 =	vadd.s32 $0x1, v34;
	v16 =	vsel vm3, v46, v4;
	v4 =	vld [tilespmem:$0x1FC40]  }
0x4ab: {  	v23 =	vld.idx.msk [tilespmem:v18+s4+$0x0], $0xffff;
	v43 =	vadd.s32 $0x1, v24  }
0x4ac: {  	v44 =	vld.idx.msk [tilespmem:v26+s4+$0x0], $0xffff  }
0x4ad: {  	v45 =	vld.idx.msk [tilespmem:v28+s4+$0x0], $0xffff;
	v40 =	vadd.s32 $0x1, v36  }
0x4ae: {  	v9 =	vld.idx.msk [tilespmem:v11+s4+$0x0], $0xffff  }
0x4af: {  	v0 =	vor.u32 $0x8, v14;
	v21 =	vor.u32 $0x8, v13;
	v41 =	vld.idx.msk [tilespmem:v37+s4+$0x0], $0xffff;
	v12 =	vsel vm3, v5, v4  }
0x4b0: {  	v26 =	vsel vm1, v21, v13;
	vm1 =	vlt.f32 v12, v10;
	v12 =	vsel vm2, v0, v14;
	v0 =	vld.idx.msk [tilespmem:v43+s4+$0x0], $0xffff  }
0x4b1: {  	v55 =	vor.u32 $0x2, v53;
	v4 =	vld [tilespmem:$0x1FEE0]  }
0x4b2: {  	vm15 =	vlt.f32 v22, v6;
	v28 =	vor.u32 $0x4, v26;
	v11 =	vor.u32 $0x8, v27;
	v47 =	vld.idx.msk [tilespmem:v40+s4+$0x0], $0xffff;
	[tilespmem:s29+$0xFFFFFFF0] =	vst v44  }
0x4b3: {  	v42 =	vadd.s32 $0x1, v39;
	v11 =	vsel vm15, v11, v27;
	v44 =	vld [tilespmem:$0x1FF50];
	[tilespmem:s10+$0xA0] =	vst v9;
	v13 =	vor.u32 $0x8, v16  }
0x4b4: {  	v9 =	vand.u32 $0x5C, v28;
	v21 =	vld [tilespmem:s7+$0xB0];
	v16 =	vsel vm1, v13, v16;
	v14 =	vor.u32 $0x4, v12  }
0x4b5: {  	v27 =	vor.u32 $0x4, v16;
	v59 =	vand.u32 $0x5C, v14;
	vm1 =	vlt.f32 v0, v30;
	v0 =	vld [tilespmem:$0x1FC60]  }
0x4b6: {  	v51 =	vor.u32 v4, v9;
	v9 =	vsel vm0, v33, v32;
	vm0 =	vlt.f32 v41, v3;
	v3 =	vld [tilespmem:$0x1FC10]  }
0x4b7: {  	v13 =	vor.u32 $0x4, v11;
	v46 =	vand.u32 $0x5C, v27;
	v48 =	vor.u32 v4, v59  }
0x4b8: {  	s13 =	sadd.s32 $0x4, s13;
	v50 =	vld.idx.msk [tilespmem:v42+s4+$0x0], $0xffff;
	[tilespmem:s29+$0xFFFFFF70] =	vst v25;
	v25 =	vadd.s32 $0x20, v35;
	v62 =	vand.u32 $0x5C, v13;
	v46 =	vor.u32 v2, v46  }
0x4b9: {  	p1 =	slt.u32 s13, $0x7C;
	v49 =	vor.u32 v4, v62;
	v9 =	vadd.s32 $0x20, v9;
	v15 =	vsel vm0, v37, v34  }
.Ltmp2:
0x4ba: {  	v22 =	vld.idx.msk [tilespmem:v55+s4+$0x0], $0xffff;
	vm0 =	vlt.f32 v38, v57;
	v30 =	vsel vm1, v43, v24;
	vm2 =	vlt.f32 v0, v21;
	(pc) =	sbr.rel @p1 .LBB2_3-.Ltmp2, $4  }
0x4bb: {  	vm1 =	vlt.f32 v47, v29;
	v34 =	vld.idx.msk [tilespmem:v51+s4+$0x0], $0xffff;
	v59 =	vsel vm2, v52, v44;
	v24 =	vsel vm2, v1, v3  }
0x4bc: {  	[tilespmem:s29+$0x70] =	vst v45;
	v33 =	vld.idx.msk [tilespmem:v48+s4+$0x0], $0xffff;
	v0 =	vadd.s32 $0x20, v15;
	vm2 =	vlt.f32 v24, v21;
	v29 =	vor.u32 $0x8, v59  }
0x4bd: {  	s17 =	smov.u32 s7;
	s7 =	sadd.s32 $0x200, s7;
	s29 =	smov.u32 s30;
	v15 =	vld.idx.msk [tilespmem:v46+s4+$0x0], $0xffff;
	v24 =	vsel vm1, v40, v36;
	vm1 =	vlt.f32 v50, v31;
	v35 =	vsel vm2, v29, v59  }
0x4be: {  	s30 =	smov.u32 s2;
	s2 =	smov.u32 s9;
	s9 =	smov.u32 s10;
	v62 =	vmovc v52;
	v37 =	vadd.s32 $0x20, v30;
	v31 =	vld.idx.msk [tilespmem:v49+s4+$0x0], $0xffff;
	v29 =	vsel vm1, v42, v39;
	v36 =	vor.u32 $0x4, v35  }
0x4bf: {  	v3 =	vld [tilespmem:$0x1FF60];
	_ =	sdelay $0x3  }
0x4c0: {  	v30 =	vand.u32 $0x5C, v36  }
0x4c1: {  	v30 =	vor.u32 v3, v30;
	_ =	sdelay $0x4  }
0x4c2: {  	v30 =	vld.idx.msk [tilespmem:v30+s4+$0x0], $0xffff  }
0x4c3: {  	v24 =	vadd.s32 $0x20, v24  }
0x4c4: {  	v29 =	vadd.s32 $0x20, v29;
	_ =	sdelay $0x2  }
0x4c5: {  	v32 =	vld.idx.msk [tilespmem:v37+s4+$0x0], $0xffff;
	vm1 =	vlt.f32 v30, v21  }
0x4c6: {  	v24 =	vld.idx.msk [tilespmem:v24+s4+$0x0], $0xffff;
	v30 =	vsel vm1, v36, v35  }
0x4c7: {  	v29 =	vld.idx.msk [tilespmem:v29+s4+$0x0], $0xffff;
	v35 =	vor.u32 $0x2, v30;
	_ =	sdelay $0x2  }
0x4c8: {  	[tilespmem:s10+$0xFFFFFF20] =	vst v32  }
0x4c9: {  	v32 =	vld [tilespmem:s17+$0xFFFFFF30];
	[tilespmem:s10+$0xFFFFFFA0] =	vst v24  }
0x4ca: {  	[tilespmem:s10+$0x20] =	vst v29;
	v49 =	vld.idx.msk [tilespmem:v35+s4+$0x0], $0xffff  }
0x4cb: {  	v5 =	vld [tilespmem:$0x1FC60]  }
0x4cc: {  	v4 =	vld [tilespmem:$0x1FC10]  }
0x4cd: {  	v24 =	vld [tilespmem:s17+$0xFFFFFFB0];
	_ =	sdelay $0x1  }
0x4ce: {  	vm2 =	vlt.f32 v49, v21  }
0x4cf: {  	vm1 =	vlt.f32 v5, v32;
	v30 =	vsel vm2, v35, v30  }
0x4d0: {  	v50 =	vsel vm1, v62, v44;
	v51 =	vsel vm1, v1, v4;
	v59 =	vadd.s32 $0x1, v30  }
0x4d1: {  	v29 =	vld [tilespmem:s17+$0x30];
	vm1 =	vlt.f32 v51, v32;
	v52 =	vor.u32 $0x8, v50;
	vm2 =	vlt.f32 v5, v24  }
0x4d2: {  	v35 =	vsel vm1, v52, v50;
	v45 =	vsel vm2, v62, v44;
	v38 =	vsel vm2, v1, v4  }
0x4d3: {  	v39 =	vor.u32 $0x4, v35;
	vm1 =	vlt.f32 v38, v24;
	v46 =	vor.u32 $0x8, v45  }
0x4d4: {  	v42 =	vand.u32 $0x5C, v39;
	v36 =	vsel vm1, v46, v45  }
0x4d5: {  	v42 =	vor.u32 v3, v42;
	v49 =	vor.u32 $0x4, v36;
	v48 =	vld.idx.msk [tilespmem:v59+s4+$0x0], $0xffff  }
0x4d6: {  	vm3 =	vlt.f32 v5, v29;
	v50 =	vand.u32 $0x5C, v49  }
0x4d7: {  	v40 =	vsel vm3, v62, v44;
	v44 =	vor.u32 v3, v50  }
0x4d8: {  	v41 =	vsel vm3, v1, v4  }
0x4d9: {  	v47 =	vor.u32 $0x8, v40;
	vm2 =	vlt.f32 v41, v29  }
0x4da: {  	v40 =	vsel vm2, v47, v40;
	v42 =	vld.idx.msk [tilespmem:v42+s4+$0x0], $0xffff;
	vm1 =	vlt.f32 v48, v21  }
0x4db: {  	v43 =	vor.u32 $0x4, v40;
	v21 =	vsel vm1, v59, v30  }
0x4dc: {  	v45 =	vand.u32 $0x5C, v43;
	v30 =	vld.idx.msk [tilespmem:v44+s4+$0x0], $0xffff;
	v21 =	vadd.s32 $0x20, v21  }
0x4dd: {  	v45 =	vor.u32 v3, v45;
	_ =	sdelay $0x1  }
0x4de: {  	vm1 =	vlt.f32 v42, v32  }
0x4df: {  	v35 =	vsel vm1, v39, v35  }
0x4e0: {  	v52 =	vor.u32 $0x2, v35;
	vm1 =	vlt.f32 v30, v24;
	v21 =	vld.idx.msk [tilespmem:v21+s4+$0x0], $0xffff  }
0x4e1: {  	v51 =	vld.idx.msk [tilespmem:v45+s4+$0x0], $0xffff;
	v30 =	vsel vm1, v49, v36  }
0x4e2: {  	v36 =	vor.u32 $0x2, v30;
	_ =	sdelay $0x2  }
0x4e3: {  	v59 =	vld.idx.msk [tilespmem:v52+s4+$0x0], $0xffff;
	[tilespmem:s10+$0xB0] =	vst v21  }
0x4e4: {  	vm1 =	vlt.f32 v51, v29;
	v21 =	vld [tilespmem:s17+$0xC0]  }
0x4e5: {  	v37 =	vsel vm1, v43, v40;
	v62 =	vld.idx.msk [tilespmem:v36+s4+$0x0], $0xffff  }
0x4e6: {  	v40 =	vor.u32 $0x2, v37;
	v5 =	vld [tilespmem:$0x1FC70]  }
0x4e7: {  	v3 =	vld [tilespmem:$0x1FC20]  }
0x4e8: {  	v4 =	vld [tilespmem:$0x1FCC0]  }
0x4e9: {  	v7 =	vld [tilespmem:$0x1FF80]  }
0x4ea: {  	vm1 =	vlt.f32 v59, v32  }
0x4eb: {  	v45 =	vld.idx.msk [tilespmem:v40+s4+$0x0], $0xffff;
	v35 =	vsel vm1, v52, v35  }
0x4ec: {  	v38 =	vadd.s32 $0x1, v35  }
0x4ed: {  	vm1 =	vlt.f32 v5, v21;
	vm2 =	vlt.f32 v62, v24  }
0x4ee: {  	v8 =	vld [tilespmem:$0x1FF90];
	v46 =	vsel vm1, v4, v3;
	v47 =	vsel vm1, v56, v7;
	v30 =	vsel vm2, v36, v30  }
0x4ef: {  	vm1 =	vlt.f32 v46, v21;
	v48 =	vor.u32 $0x8, v47;
	v50 =	vadd.s32 $0x1, v30  }
0x4f0: {  	vm2 =	vlt.f32 v45, v29;
	v49 =	vsel vm1, v48, v47  }
0x4f1: {  	v37 =	vsel vm2, v40, v37;
	v51 =	vld.idx.msk [tilespmem:v38+s4+$0x0], $0xffff;
	v41 =	vor.u32 $0x4, v49  }
0x4f2: {  	v52 =	vadd.s32 $0x1, v37;
	v59 =	vand.u32 $0x5C, v41  }
0x4f3: {  	v43 =	vor.u32 v8, v59  }
0x4f4: {  	v62 =	vld.idx.msk [tilespmem:v50+s4+$0x0], $0xffff;
	_ =	sdelay $0x1  }
0x4f5: {  	vm1 =	vlt.f32 v51, v32  }
0x4f6: {  	v46 =	vld.idx.msk [tilespmem:v52+s4+$0x0], $0xffff;
	v35 =	vsel vm1, v38, v35  }
0x4f7: {  	v35 =	vadd.s32 $0x20, v35;
	v47 =	vld.idx.msk [tilespmem:v43+s4+$0x0], $0xffff  }
0x4f8: {  	vm1 =	vlt.f32 v62, v24  }
0x4f9: {  	v24 =	vsel vm1, v50, v30  }
0x4fa: {  	v24 =	vadd.s32 $0x20, v24  }
0x4fb: {  	vm1 =	vlt.f32 v46, v29  }
0x4fc: {  	v29 =	vsel vm1, v52, v37;
	v30 =	vld.idx.msk [tilespmem:v35+s4+$0x0], $0xffff;
	vm1 =	vlt.f32 v47, v21  }
0x4fd: {  	v48 =	vsel vm1, v41, v49  }
0x4fe: {  	v29 =	vadd.s32 $0x20, v29;
	v49 =	vor.u32 $0x2, v48  }
0x4ff: {  	v50 =	vand.u32 $0x13FF, v49;
	v24 =	vld.idx.msk [tilespmem:v24+s4+$0x0], $0xffff;
	_ =	sdelay $0x1  }
0x500: {  	[tilespmem:s9+$0xFFFFFF30] =	vst v30  }
0x501: {  	v30 =	vld [tilespmem:s17+$0xFFFFFF40]  }
0x502: {  	v29 =	vld.idx.msk [tilespmem:v29+s4+$0x0], $0xffff  }
0x503: {  	v36 =	vld.idx.msk [tilespmem:v50+s4+$0x0], $0xffff;
	[tilespmem:s9+$0xFFFFFFB0] =	vst v24  }
0x504: {  	v24 =	vld [tilespmem:s17+$0xFFFFFFC0];
	_ =	sdelay $0x1  }
0x505: {  	vm1 =	vlt.f32 v5, v30  }
0x506: {  	v52 =	vsel vm1, v4, v3  }
0x507: {  	[tilespmem:s9+$0x30] =	vst v29;
	v51 =	vsel vm1, v56, v7;
	vm2 =	vlt.f32 v52, v30;
	vm1 =	vlt.f32 v36, v21  }
0x508: {  	v29 =	vld [tilespmem:s17+$0x40];
	v59 =	vor.u32 $0x8, v51;
	v32 =	vsel vm1, v49, v48;
	vm1 =	vlt.f32 v5, v24  }
0x509: {  	v35 =	vsel vm2, v59, v51;
	v44 =	vsel vm1, v56, v7;
	v45 =	vsel vm1, v4, v3  }
0x50a: {  	v62 =	vadd.s32 $0x1, v32;
	vm2 =	vlt.f32 v45, v24;
	v47 =	vor.u32 $0x8, v44  }
0x50b: {  	v37 =	vor.u32 $0x4, v35;
	v38 =	vsel vm2, v47, v44  }
0x50c: {  	v50 =	vand.u32 $0x5C, v37;
	v40 =	vor.u32 $0x4, v38  }
0x50d: {  	vm1 =	vlt.f32 v5, v29;
	v42 =	vor.u32 v8, v50;
	v51 =	vand.u32 $0x5C, v40  }
0x50e: {  	v46 =	vsel vm1, v4, v3;
	v48 =	vsel vm1, v56, v7;
	v41 =	vor.u32 v8, v51  }
0x50f: {  	vm1 =	vlt.f32 v46, v29;
	v49 =	vor.u32 $0x8, v48;
	v59 =	vld.idx.msk [tilespmem:v62+s4+$0x0], $0xffff  }
0x510: {  	v39 =	vsel vm1, v49, v48  }
0x511: {  	v52 =	vor.u32 $0x4, v39  }
0x512: {  	v56 =	vand.u32 $0x5C, v52;
	v42 =	vld.idx.msk [tilespmem:v42+s4+$0x0], $0xffff  }
0x513: {  	v44 =	vor.u32 v8, v56;
	v41 =	vld.idx.msk [tilespmem:v41+s4+$0x0], $0xffff  }
0x514: {  	vm1 =	vlt.f32 v59, v21  }
0x515: {  	v21 =	vsel vm1, v62, v32  }
0x516: {  	v21 =	vadd.s32 $0x20, v21  }
0x517: {  	vm2 =	vlt.f32 v42, v30  }
0x518: {  	v44 =	vld.idx.msk [tilespmem:v44+s4+$0x0], $0xffff;
	v62 =	vsel vm2, v37, v35;
	vm1 =	vlt.f32 v41, v24  }
0x519: {  	v35 =	vor.u32 $0x2, v62;
	v45 =	vsel vm1, v40, v38  }
0x51a: {  	v47 =	vand.u32 $0x13FF, v35;
	v46 =	vor.u32 $0x2, v45  }
0x51b: {  	v21 =	vld.idx.msk [tilespmem:v21+s4+$0x0], $0xffff;
	v48 =	vand.u32 $0x13FF, v46;
	_ =	sdelay $0x1  }
0x51c: {  	vm1 =	vlt.f32 v44, v29  }
0x51d: {  	v39 =	vsel vm1, v52, v39  }
0x51e: {  	v49 =	vor.u32 $0x2, v39;
	v38 =	vld.idx.msk [tilespmem:v47+s4+$0x0], $0xffff  }
0x51f: {  	v50 =	vand.u32 $0x13FF, v49;
	[tilespmem:s9+$0xC0] =	vst v21;
	v40 =	vld.idx.msk [tilespmem:v48+s4+$0x0], $0xffff  }
0x520: {  	v32 =	vld [tilespmem:s17+$0xD0]  }
0x521: {  	v4 =	vld [tilespmem:$0x1FC80]  }
0x522: {  	v3 =	vld [tilespmem:$0x1FED0]  }
0x523: {  	v5 =	vld [tilespmem:$0x1FE30]  }
0x524: {  	v42 =	vld.idx.msk [tilespmem:v50+s4+$0x0], $0xffff  }
0x525: {  	v7 =	vld [tilespmem:$0x1FC30];
	vm1 =	vlt.f32 v38, v30  }
0x526: {  	v8 =	vld [tilespmem:$0x1FCD0];
	v21 =	vsel vm1, v35, v62  }
0x527: {  	v52 =	vadd.s32 $0x1, v21;
	vm1 =	vlt.f32 v40, v24  }
0x528: {  	v51 =	vsel vm1, v46, v45  }
0x529: {  	vm1 =	vlt.f32 v42, v29;
	v37 =	vadd.s32 $0x1, v51  }
0x52a: {  	v56 =	vsel vm1, v49, v39;
	vm1 =	vlt.f32 v4, v32  }
0x52b: {  	v39 =	vadd.s32 $0x1, v56;
	v62 =	vsel vm1, v5, v3;
	v45 =	vsel vm1, v8, v7  }
0x52c: {  	v59 =	vld.idx.msk [tilespmem:v52+s4+$0x0], $0xffff;
	vm1 =	vlt.f32 v45, v32;
	v47 =	vor.u32 $0x8, v62  }
0x52d: {  	v41 =	vsel vm1, v47, v62;
	v62 =	vld [tilespmem:$0x1FEE0]  }
0x52e: {  	v46 =	vld.idx.msk [tilespmem:v37+s4+$0x0], $0xffff;
	_ =	sdelay $0x1  }
0x52f: {  	vm1 =	vlt.f32 v34, v19;
	v49 =	vor.u32 $0x4, v41;
	v48 =	vld.idx.msk [tilespmem:v39+s4+$0x0], $0xffff  }
0x530: {  	v26 =	vsel vm1, v28, v26;
	v28 =	vand.u32 $0x5C, v49;
	vm1 =	vlt.f32 v59, v30  }
0x531: {  	v21 =	vsel vm1, v52, v21;
	v28 =	vor.u32 v62, v28  }
0x532: {  	v21 =	vadd.s32 $0x20, v21;
	vm2 =	vlt.f32 v46, v24  }
0x533: {  	v30 =	vor.u32 $0x2, v26;
	vm1 =	vlt.f32 v33, v20;
	v24 =	vsel vm2, v37, v51  }
0x534: {  	vm2 =	vlt.f32 v48, v29;
	v29 =	vsel vm1, v14, v12;
	v12 =	vand.u32 $0x17FF, v30  }
0x535: {  	v24 =	vadd.s32 $0x20, v24;
	v14 =	vsel vm2, v39, v56  }
0x536: {  	v50 =	vor.u32 $0x2, v29;
	v14 =	vadd.s32 $0x20, v14;
	v28 =	vld.idx.msk [tilespmem:v28+s4+$0x0], $0xffff  }
0x537: {  	v51 =	vand.u32 $0x17FF, v50;
	v21 =	vld.idx.msk [tilespmem:v21+s4+$0x0], $0xffff;
	_ =	sdelay $0x1  }
0x538: {  	v52 =	vld.idx.msk [tilespmem:v12+s4+$0x0], $0xffff  }
0x539: {  	v24 =	vld.idx.msk [tilespmem:v24+s4+$0x0], $0xffff  }
0x53a: {  	v56 =	vld.idx.msk [tilespmem:v14+s4+$0x0], $0xffff  }
0x53b: {  	v35 =	vld.idx.msk [tilespmem:v51+s4+$0x0], $0xffff;
	[tilespmem:s9+$0xFFFFFF40] =	vst v21;
	vm2 =	vlt.f32 v28, v32  }
0x53c: {  	vm1 =	vlt.f32 v15, v10;
	v12 =	vld [tilespmem:s17+$0xFFFFFF50];
	v21 =	vsel vm2, v49, v41  }
0x53d: {  	v15 =	vsel vm1, v27, v16;
	vm1 =	vlt.f32 v31, v6;
	v28 =	vor.u32 $0x2, v21  }
0x53e: {  	v11 =	vsel vm1, v13, v11;
	v31 =	vand.u32 $0x17FF, v28;
	[tilespmem:s9+$0xFFFFFFC0] =	vst v24  }
0x53f: {  	v16 =	vor.u32 $0x2, v15;
	v27 =	vor.u32 $0x2, v11;
	v14 =	vld [tilespmem:s17+$0xFFFFFFD0]  }
0x540: {  	v59 =	vand.u32 $0x17FF, v27;
	vm1 =	vlt.f32 v52, v19;
	v24 =	vand.u32 $0x1BFF, v16;
	[tilespmem:s9+$0x40] =	vst v56  }
0x541: {  	v26 =	vsel vm1, v30, v26;
	vm2 =	vlt.f32 v35, v20;
	v13 =	vld [tilespmem:s17+$0x50];
	vm1 =	vlt.f32 v4, v12  }
0x542: {  	v30 =	vadd.s32 $0x1, v26;
	v42 =	vsel vm1, v5, v3;
	v43 =	vsel vm1, v8, v7  }
0x543: {  	v29 =	vsel vm2, v50, v29;
	vm2 =	vlt.f32 v43, v12;
	v44 =	vor.u32 $0x8, v42;
	v31 =	vld.idx.msk [tilespmem:v31+s4+$0x0], $0xffff  }
0x544: {  	v33 =	vadd.s32 $0x1, v29;
	v35 =	vsel vm2, v44, v42;
	vm1 =	vlt.f32 v4, v14  }
0x545: {  	v39 =	vor.u32 $0x4, v35;
	v45 =	vsel vm1, v8, v7;
	v46 =	vsel vm1, v5, v3  }
0x546: {  	vm1 =	vlt.f32 v4, v13;
	v50 =	vand.u32 $0x5C, v39;
	vm3 =	vlt.f32 v45, v14  }
0x547: {  	v47 =	vsel vm1, v5, v3;
	v48 =	vor.u32 $0x8, v46;
	v49 =	vsel vm1, v8, v7  }
0x548: {  	v40 =	vor.u32 v62, v50;
	v38 =	vsel vm3, v48, v46;
	vm2 =	vlt.f32 v31, v32  }
0x549: {  	v34 =	vld.idx.msk [tilespmem:v59+s4+$0x0], $0xffff;
	vm1 =	vlt.f32 v49, v13;
	v36 =	vor.u32 $0x4, v38;
	v21 =	vsel vm2, v28, v21  }
0x54a: {  	v24 =	vld.idx.msk [tilespmem:v24+s4+$0x0], $0xffff;
	v51 =	vor.u32 $0x8, v47;
	v52 =	vand.u32 $0x5C, v36;
	v48 =	vadd.s32 $0x1, v21  }
0x54b: {  	v59 =	vld.idx.msk [tilespmem:v30+s4+$0x0], $0xffff;
	v31 =	vsel vm1, v51, v47;
	v56 =	vor.u32 v62, v52  }
0x54c: {  	v50 =	vld.idx.msk [tilespmem:v33+s4+$0x0], $0xffff;
	v28 =	vor.u32 $0x4, v31  }
0x54d: {  	v49 =	vand.u32 $0x5C, v28  }
0x54e: {  	v43 =	vor.u32 v62, v49;
	v40 =	vld.idx.msk [tilespmem:v40+s4+$0x0], $0xffff  }
0x54f: {  	v51 =	vld.idx.msk [tilespmem:v48+s4+$0x0], $0xffff  }
0x550: {  	vm1 =	vlt.f32 v24, v10;
	vm2 =	vlt.f32 v59, v19;
	v24 =	vld.idx.msk [tilespmem:v56+s4+$0x0], $0xffff  }
0x551: {  	vm3 =	vlt.f32 v50, v20;
	v20 =	vsel vm2, v30, v26  }
0x552: {  	v15 =	vsel vm1, v16, v15;
	vm1 =	vlt.f32 v34, v6;
	v20 =	vadd.s32 $0x20, v20  }
0x553: {  	v16 =	vadd.s32 $0x1, v15;
	v27 =	vsel vm1, v27, v11;
	v19 =	vld.idx.msk [tilespmem:v43+s4+$0x0], $0xffff;
	vm2 =	vlt.f32 v40, v12  }
0x554: {  	v26 =	vsel vm3, v33, v29;
	v29 =	vsel vm2, v39, v35;
	vm1 =	vlt.f32 v51, v32  }
0x555: {  	vm2 =	vlt.f32 v24, v14;
	v24 =	vadd.s32 $0x20, v26;
	v21 =	vsel vm1, v48, v21  }
0x556: {  	v21 =	vadd.s32 $0x20, v21  }
0x557: {  	v59 =	vadd.s32 $0x1, v27;
	v20 =	vld.idx.msk [tilespmem:v20+s4+$0x0], $0xffff  }
0x558: {  	v56 =	vld.idx.msk [tilespmem:v16+s4+$0x0], $0xffff;
	v30 =	vor.u32 $0x2, v29;
	v26 =	vsel vm2, v36, v38;
	vm2 =	vlt.f32 v19, v13  }
0x559: {  	v11 =	vand.u32 $0x17FF, v30;
	v52 =	vor.u32 $0x2, v26;
	v28 =	vsel vm2, v28, v31  }
0x55a: {  	v19 =	vand.u32 $0x17FF, v52;
	v31 =	vor.u32 $0x2, v28;
	v24 =	vld.idx.msk [tilespmem:v24+s4+$0x0], $0xffff  }
0x55b: {  	v40 =	vand.u32 $0x17FF, v31;
	v21 =	vld.idx.msk [tilespmem:v21+s4+$0x0], $0xffff  }
0x55c: {  	v41 =	vld.idx.msk [tilespmem:v59+s4+$0x0], $0xffff;
	[tilespmem:s2+$0xFFFFFF50] =	vst v20  }
0x55d: {  	vm1 =	vlt.f32 v56, v10;
	v10 =	vld [tilespmem:s0+$0xFFFFFF60]  }
0x55e: {  	v11 =	vld.idx.msk [tilespmem:v11+s4+$0x0], $0xffff  }
0x55f: {  	v19 =	vld.idx.msk [tilespmem:v19+s4+$0x0], $0xffff;
	[tilespmem:s2+$0xFFFFFFD0] =	vst v24  }
0x560: {  	v20 =	vld.idx.msk [tilespmem:v40+s4+$0x0], $0xffff;
	[tilespmem:s9+$0xD0] =	vst v21  }
0x561: {  	v45 =	vld [tilespmem:$0x1FC90]  }
0x562: {  	v15 =	vsel vm1, v16, v15;
	v43 =	vld [tilespmem:$0x1FE40]  }
0x563: {  	v15 =	vadd.s32 $0x20, v15;
	vm1 =	vlt.f32 v11, v12;
	v40 =	vld [tilespmem:$0x1FFA0]  }
0x564: {  	v16 =	vsel vm1, v30, v29;
	vm1 =	vlt.f32 v41, v6;
	v41 =	vld [tilespmem:$0x1FC40]  }
0x565: {  	v24 =	vadd.s32 $0x1, v16;
	v6 =	vsel vm1, v59, v27;
	v38 =	vld [tilespmem:$0x1FCE0];
	vm2 =	vlt.f32 v19, v14  }
0x566: {  	v11 =	vld [tilespmem:s0+$0xFFFFFFE0];
	v19 =	vsel vm2, v52, v26;
	vm1 =	vlt.f32 v20, v13;
	v20 =	vadd.s32 $0x20, v6  }
0x567: {  	v26 =	vadd.s32 $0x1, v19  }
0x568: {  	v15 =	vld.idx.msk [tilespmem:v15+s4+$0x0], $0xffff  }
0x569: {  	v6 =	vld [tilespmem:s17+$0xE0];
	v21 =	vsel vm1, v31, v28;
	vm2 =	vlt.f32 v45, v10  }
0x56a: {  	v29 =	vadd.s32 $0x1, v21;
	v30 =	vld.idx.msk [tilespmem:v24+s4+$0x0], $0xffff;
	v27 =	vsel vm2, v43, v40;
	v28 =	vsel vm2, v38, v41  }
0x56b: {  	vm1 =	vlt.f32 v45, v11;
	vm2 =	vlt.f32 v28, v10;
	v28 =	vor.u32 $0x8, v27;
	v20 =	vld.idx.msk [tilespmem:v20+s4+$0x0], $0xffff  }
0x56c: {  	v31 =	vsel vm1, v43, v40;
	v42 =	vsel vm1, v38, v41;
	v27 =	vsel vm2, v28, v27;
	v28 =	vld.idx.msk [tilespmem:v26+s4+$0x0], $0xffff  }
0x56d: {  	vm1 =	vlt.f32 v42, v11;
	v44 =	vor.u32 $0x8, v31  }
0x56e: {  	v31 =	vsel vm1, v44, v31;
	vm1 =	vlt.f32 v45, v6  }
0x56f: {  	[tilespmem:s2+$0xE0] =	vst v15;
	v49 =	vsel vm1, v38, v41  }
0x570: {  	v50 =	vld.idx.msk [tilespmem:v29+s4+$0x0], $0xffff;
	v51 =	vsel vm1, v43, v40;
	vm2 =	vlt.f32 v30, v12;
	vm1 =	vlt.f32 v49, v6  }
0x571: {  	v12 =	vld [tilespmem:s0+$0xF0];
	v15 =	vor.u32 $0x8, v51;
	v16 =	vsel vm2, v24, v16;
	[tilespmem:s2+$0x50] =	vst v20;
	vm2 =	vlt.f32 v28, v14  }
0x572: {  	v24 =	vsel vm1, v15, v51;
	v16 =	vadd.s32 $0x20, v16;
	v15 =	vld [tilespmem:s0+$0x60];
	v14 =	vsel vm2, v26, v19  }
0x573: {  	v46 =	vor.u32 $0x4, v27;
	v7 =	vld [tilespmem:$0x1FCA0];
	v14 =	vadd.s32 $0x20, v14  }
0x574: {  	v48 =	vor.u32 $0x4, v31;
	v47 =	vand.u32 $0x5C, v46;
	v4 =	vld [tilespmem:$0x1FC50]  }
0x575: {  	v32 =	vor.u32 v2, v47;
	v5 =	vld [tilespmem:$0x1FCF0];
	v19 =	vand.u32 $0x5C, v48;
	vm1 =	vlt.f32 v50, v13  }
0x576: {  	v20 =	vor.u32 $0x4, v24;
	v8 =	vld [tilespmem:$0x1FFD0];
	v19 =	vor.u32 v2, v19;
	v21 =	vsel vm1, v29, v21  }
0x577: {  	v26 =	vand.u32 $0x5C, v20;
	v21 =	vadd.s32 $0x20, v21;
	v16 =	vld.idx.msk [tilespmem:v16+s4+$0x0], $0xffff  }
0x578: {  	v13 =	vor.u32 v2, v26;
	v14 =	vld.idx.msk [tilespmem:v14+s4+$0x0], $0xffff;
	_ =	sdelay $0x1  }
0x579: {  	v26 =	vld.idx.msk [tilespmem:v32+s4+$0x0], $0xffff;
	vm1 =	vlt.f32 v7, v12  }
0x57a: {  	vm2 =	vlt.f32 v45, v15;
	v28 =	vsel vm1, v5, v4;
	v19 =	vld.idx.msk [tilespmem:v19+s4+$0x0], $0xffff  }
0x57b: {  	v29 =	vsel vm1, v58, v8;
	v30 =	vsel vm2, v43, v40;
	v21 =	vld.idx.msk [tilespmem:v21+s4+$0x0], $0xffff;
	[tilespmem:s9+$0xFFFFFF50] =	vst v16  }
0x57c: {  	v52 =	vsel vm2, v38, v41;
	vm1 =	vlt.f32 v28, v12;
	v28 =	vor.u32 $0x8, v29;
	v56 =	vld.idx.msk [tilespmem:v13+s4+$0x0], $0xffff;
	[tilespmem:s9+$0xFFFFFFD0] =	vst v14  }
0x57d: {  	v13 =	vor.u32 $0x8, v30;
	v28 =	vsel vm1, v28, v29;
	vm1 =	vlt.f32 v52, v15;
	v3 =	vld [tilespmem:$0x1FFC0]  }
0x57e: {  	v30 =	vsel vm1, v13, v30;
	v14 =	vld [tilespmem:s17+$0xFFFFFF60]  }
0x57f: {  	v29 =	vor.u32 $0x4, v28;
	vm1 =	vlt.f32 v26, v10;
	v32 =	vor.u32 $0x4, v30  }
0x580: {  	v13 =	vand.u32 $0x5C, v29;
	v27 =	vsel vm1, v46, v27;
	v16 =	vand.u32 $0x5C, v32;
	[tilespmem:s9+$0x50] =	vst v21  }
0x581: {  	v26 =	vor.u32 v2, v16;
	vm1 =	vlt.f32 v19, v11;
	v19 =	vor.u32 $0x2, v27;
	v16 =	vld [tilespmem:s17+$0x60]  }
0x582: {  	v31 =	vsel vm1, v48, v31;
	vm1 =	vlt.f32 v56, v6;
	v36 =	vor.u32 v3, v13;
	v13 =	vld [tilespmem:s17+$0xFFFFFFE0]  }
0x583: {  	v21 =	vand.u32 $0x1BFF, v19;
	v20 =	vsel vm1, v20, v24;
	vm1 =	vlt.f32 v45, v14  }
0x584: {  	v33 =	vor.u32 $0x2, v31;
	v47 =	vsel vm1, v38, v41;
	v48 =	vsel vm1, v43, v40  }
0x585: {  	v59 =	vmovc v38;
	v46 =	vmovc v41;
	v24 =	vand.u32 $0x1BFF, v33;
	vm1 =	vlt.f32 v47, v14;
	v56 =	vor.u32 $0x8, v48  }
0x586: {  	v51 =	vmovc v59;
	v50 =	vmovc v46;
	v34 =	vor.u32 $0x2, v20;
	v38 =	vsel vm1, v56, v48;
	vm1 =	vlt.f32 v45, v16  }
0x587: {  	v35 =	vand.u32 $0x1BFF, v34;
	v47 =	vsel vm1, v51, v50;
	vm2 =	vlt.f32 v45, v13  }
0x588: {  	v26 =	vld.idx.msk [tilespmem:v26+s4+$0x0], $0xffff;
	v41 =	vmovc v40;
	v48 =	vor.u32 $0x4, v38;
	v49 =	vsel vm2, v59, v46;
	v52 =	vsel vm2, v43, v40  }
0x589: {  	v46 =	vsel vm1, v43, v41;
	vm2 =	vlt.f32 v49, v13;
	v59 =	vor.u32 $0x8, v52  }
0x58a: {  	vm1 =	vlt.f32 v47, v16;
	v49 =	vor.u32 $0x8, v46;
	v37 =	vsel vm2, v59, v52  }
0x58b: {  	v51 =	vand.u32 $0x5C, v48;
	v39 =	vsel vm1, v49, v46;
	v50 =	vor.u32 $0x4, v37  }
0x58c: {  	v24 =	vld.idx.msk [tilespmem:v24+s4+$0x0], $0xffff;
	v43 =	vor.u32 v2, v51;
	v56 =	vor.u32 $0x4, v39;
	v52 =	vand.u32 $0x5C, v50  }
0x58d: {  	v36 =	vld.idx.msk [tilespmem:v36+s4+$0x0], $0xffff;
	vm1 =	vlt.f32 v26, v15;
	v26 =	vand.u32 $0x5C, v56;
	v40 =	vor.u32 v2, v52  }
0x58e: {  	v21 =	vld.idx.msk [tilespmem:v21+s4+$0x0], $0xffff;
	v30 =	vsel vm1, v32, v30;
	v26 =	vor.u32 v2, v26  }
0x58f: {  	v32 =	vor.u32 $0x2, v30  }
0x590: {  	v35 =	vld.idx.msk [tilespmem:v35+s4+$0x0], $0xffff;
	v59 =	vand.u32 $0x1BFF, v32  }
0x591: {  	v43 =	vld.idx.msk [tilespmem:v43+s4+$0x0], $0xffff  }
0x592: {  	vm2 =	vlt.f32 v24, v11;
	vm1 =	vlt.f32 v36, v12;
	v47 =	vld.idx.msk [tilespmem:v40+s4+$0x0], $0xffff  }
0x593: {  	v24 =	vsel vm2, v33, v31;
	v28 =	vsel vm1, v29, v28;
	vm1 =	vlt.f32 v21, v10;
	v21 =	vld.idx.msk [tilespmem:v26+s4+$0x0], $0xffff  }
0x594: {  	v31 =	vadd.s32 $0x1, v24  }
0x595: {  	v19 =	vsel vm1, v19, v27;
	vm1 =	vlt.f32 v35, v6;
	v26 =	vor.u32 $0x2, v28;
	v29 =	vld.idx.msk [tilespmem:v59+s4+$0x0], $0xffff  }
0x596: {  	v27 =	vadd.s32 $0x1, v19;
	v20 =	vsel vm1, v34, v20;
	vm1 =	vlt.f32 v43, v14  }
0x597: {  	v25 =	vld.idx.msk [tilespmem:v25+s4+$0x0], $0xffff;
	v33 =	vadd.s32 $0x1, v20;
	v34 =	vsel vm1, v48, v38;
	vm1 =	vlt.f32 v47, v13  }
0x598: {  	v9 =	vld.idx.msk [tilespmem:v9+s4+$0x0], $0xffff;
	v35 =	vor.u32 $0x2, v34;
	v36 =	vsel vm1, v50, v37;
	vm1 =	vlt.f32 v21, v16  }
0x599: {  	v21 =	vld.idx.msk [tilespmem:v0+s4+$0x0], $0xffff;
	v0 =	vand.u32 $0x1BFF, v35;
	v37 =	vor.u32 $0x2, v36;
	v38 =	vsel vm1, v56, v39  }
0x59a: {  	v39 =	vld.idx.msk [tilespmem:v26+s4+$0x0], $0xffff;
	vm1 =	vlt.f32 v29, v15;
	v29 =	vand.u32 $0x1BFF, v37;
	v48 =	vor.u32 $0x2, v38  }
0x59b: {  	v49 =	vld.idx.msk [tilespmem:v27+s4+$0x0], $0xffff;
	v30 =	vsel vm1, v32, v30;
	v50 =	vand.u32 $0x1BFF, v48  }
0x59c: {  	v51 =	vld.idx.msk [tilespmem:v31+s4+$0x0], $0xffff;
	v52 =	vadd.s32 $0x1, v30  }
0x59d: {  	v56 =	vld.idx.msk [tilespmem:v33+s4+$0x0], $0xffff  }
0x59e: {  	v59 =	vld.idx.msk [tilespmem:v0+s4+$0x0], $0xffff  }
0x59f: {  	vm1 =	vlt.f32 v39, v12;
	v29 =	vld.idx.msk [tilespmem:v29+s4+$0x0], $0xffff  }
0x5a0: {  	v26 =	vsel vm1, v26, v28;
	vm1 =	vlt.f32 v49, v10;
	v10 =	vld.idx.msk [tilespmem:v50+s4+$0x0], $0xffff  }
0x5a1: {  	v28 =	vadd.s32 $0x1, v26;
	v0 =	vsel vm1, v27, v19;
	vm1 =	vlt.f32 v51, v11;
	v11 =	vld.idx.msk [tilespmem:v52+s4+$0x0], $0xffff  }
0x5a2: {  	[tilespmem:s30+$0xFFFFFF60] =	vst v25;
	v19 =	vadd.s32 $0x20, v0;
	v24 =	vsel vm1, v31, v24;
	vm1 =	vlt.f32 v56, v6  }
0x5a3: {  	[tilespmem:s30+$0xFFFFFFE0] =	vst v9;
	v0 =	vld [tilespmem:s31+$0xFFFFFF70];
	v24 =	vadd.s32 $0x20, v24;
	v9 =	vsel vm1, v33, v20;
	vm1 =	vlt.f32 v59, v14  }
0x5a4: {  	[tilespmem:s30+$0x60] =	vst v21;
	v6 =	vld [tilespmem:s31+$0xFFFFFFF0];
	v20 =	vadd.s32 $0x20, v9;
	v21 =	vsel vm1, v35, v34;
	vm2 =	vlt.f32 v29, v13  }
0x5a5: {  	v9 =	vld [tilespmem:s31+$0x70];
	v27 =	vadd.s32 $0x1, v21;
	v25 =	vsel vm2, v37, v36;
	vm1 =	vlt.f32 v10, v16  }
0x5a6: {  	v29 =	vld.idx.msk [tilespmem:v28+s4+$0x0], $0xffff;
	vm2 =	vlt.f32 v11, v15;
	v15 =	vadd.s32 $0x1, v25;
	v31 =	vsel vm1, v48, v38  }
0x5a7: {  	v10 =	vsel vm2, v52, v30;
	v11 =	vld.idx.msk [tilespmem:v19+s4+$0x0], $0xffff;
	v19 =	vadd.s32 $0x1, v31  }
0x5a8: {  	vm1 =	vlt.f32 v7, v0;
	v10 =	vadd.s32 $0x20, v10;
	v24 =	vld.idx.msk [tilespmem:v24+s4+$0x0], $0xffff  }
0x5a9: {  	vm2 =	vlt.f32 v7, v6;
	v46 =	vsel vm1, v58, v8;
	v20 =	vld.idx.msk [tilespmem:v20+s4+$0x0], $0xffff  }
0x5aa: {  	v47 =	vsel vm1, v5, v4;
	v48 =	vsel vm2, v58, v8;
	v50 =	vsel vm2, v5, v4;
	v30 =	vld.idx.msk [tilespmem:v27+s4+$0x0], $0xffff  }
0x5ab: {  	vm3 =	vlt.f32 v7, v9;
	v51 =	vor.u32 $0x8, v46;
	vm1 =	vlt.f32 v47, v0;
	v49 =	vld.idx.msk [tilespmem:v15+s4+$0x0], $0xffff  }
0x5ac: {  	vm2 =	vlt.f32 v50, v6;
	v52 =	vsel vm3, v58, v8;
	v59 =	vsel vm3, v5, v4;
	v56 =	vld.idx.msk [tilespmem:v19+s4+$0x0], $0xffff  }
0x5ad: {  	v32 =	vsel vm1, v51, v46;
	vm3 =	vlt.f32 v59, v9;
	[tilespmem:s2+$0xFFFFFF60] =	vst v11;
	v42 =	vld.idx.msk [tilespmem:v10+s4+$0x0], $0xffff;
	v10 =	vor.u32 $0x8, v48  }
0x5ae: {  	v43 =	vor.u32 $0x8, v52;
	[tilespmem:s2+$0xFFFFFFE0] =	vst v24;
	v34 =	vsel vm2, v10, v48;
	vm2 =	vlt.f32 v29, v12  }
0x5af: {  	v10 =	vld [tilespmem:s0+$0xFFFFFF70];
	[tilespmem:s9+$0xE0] =	vst v20;
	v20 =	vor.u32 $0x4, v32;
	vm1 =	vlt.f32 v30, v14;
	v30 =	vsel vm3, v43, v52  }
0x5b0: {  	v11 =	vld [tilespmem:s0+$0xFFFFFFF0];
	v14 =	vsel vm1, v27, v21;
	v21 =	vor.u32 $0x4, v34;
	v24 =	vor.u32 $0x4, v30  }
0x5b1: {  	vm1 =	vlt.f32 v49, v13;
	v14 =	vadd.s32 $0x20, v14;
	v27 =	vand.u32 $0x5C, v24  }
0x5b2: {  	v15 =	vsel vm1, v15, v25;
	vm1 =	vlt.f32 v56, v16;
	v25 =	vand.u32 $0x5C, v20  }
0x5b3: {  	v13 =	vld [tilespmem:s17+$0xF0];
	v27 =	vor.u32 v3, v27;
	v15 =	vadd.s32 $0x20, v15;
	v16 =	vsel vm1, v19, v31  }
0x5b4: {  	[tilespmem:s2+$0x60] =	vst v42;
	v19 =	vsel vm2, v28, v26;
	v26 =	vand.u32 $0x5C, v21;
	v16 =	vadd.s32 $0x20, v16  }
0x5b5: {  	v12 =	vld [tilespmem:s0+$0x70];
	v25 =	vor.u32 v3, v25;
	vm1 =	vlt.f32 v7, v10;
	vm2 =	vlt.f32 v7, v11  }
0x5b6: {  	v19 =	vadd.s32 $0x20, v19;
	v31 =	vsel vm1, v58, v8;
	v44 =	vsel vm1, v5, v4;
	v14 =	vld.idx.msk [tilespmem:v14+s4+$0x0], $0xffff  }
0x5b7: {  	v26 =	vor.u32 v3, v26;
	v46 =	vor.u32 $0x8, v31;
	vm1 =	vlt.f32 v44, v10  }
0x5b8: {  	v45 =	vsel vm2, v58, v8;
	vm3 =	vlt.f32 v7, v13;
	v31 =	vsel vm1, v46, v31;
	v15 =	vld.idx.msk [tilespmem:v15+s4+$0x0], $0xffff  }
0x5b9: {  	v28 =	vsel vm3, v58, v8;
	v29 =	vsel vm3, v5, v4;
	v36 =	vor.u32 $0x4, v31;
	v16 =	vld.idx.msk [tilespmem:v16+s4+$0x0], $0xffff  }
0x5ba: {  	vm4 =	vlt.f32 v7, v12;
	vm3 =	vlt.f32 v29, v13;
	v29 =	vor.u32 $0x8, v28  }
0x5bb: {  	v51 =	vand.u32 $0x5C, v36;
	v28 =	vsel vm3, v29, v28;
	v29 =	vsel vm2, v5, v4;
	[tilespmem:s9+$0xFFFFFF60] =	vst v14  }
0x5bc: {  	v47 =	vsel vm4, v58, v8;
	v48 =	vsel vm4, v5, v4;
	v40 =	vor.u32 v3, v51;
	v14 =	vld [tilespmem:s17+$0xFFFFFF70]  }
0x5bd: {  	v37 =	vor.u32 $0x4, v28;
	vm2 =	vlt.f32 v29, v11;
	v29 =	vor.u32 $0x8, v45;
	[tilespmem:s9+$0xFFFFFFE0] =	vst v15  }
0x5be: {  	vm3 =	vlt.f32 v48, v12;
	v50 =	vor.u32 $0x8, v47;
	v29 =	vsel vm2, v29, v45;
	v15 =	vld [tilespmem:s17+$0xFFFFFFF0];
	[tilespmem:s9+$0x60] =	vst v16  }
0x5bf: {  	v49 =	vand.u32 $0x5C, v37;
	v35 =	vsel vm3, v50, v47;
	v38 =	vor.u32 $0x4, v29;
	v16 =	vld [tilespmem:s17+$0x70]  }
0x5c0: {  	v33 =	vor.u32 v3, v49;
	v39 =	vor.u32 $0x4, v35;
	v52 =	vand.u32 $0x5C, v38  }
0x5c1: {  	v56 =	vand.u32 $0x5C, v39;
	v41 =	vor.u32 v3, v52;
	vm1 =	vlt.f32 v7, v14  }
0x5c2: {  	v42 =	vor.u32 v3, v56;
	v43 =	vsel vm1, v58, v8;
	v59 =	vsel vm1, v5, v4  }
0x5c3: {  	vm2 =	vlt.f32 v7, v15;
	v47 =	vor.u32 $0x8, v43;
	vm1 =	vlt.f32 v59, v14  }
0x5c4: {  	vm3 =	vlt.f32 v7, v16;
	v52 =	vsel vm2, v58, v8;
	v46 =	vsel vm2, v5, v4  }
0x5c5: {  	v43 =	vsel vm1, v47, v43;
	v48 =	vsel vm3, v58, v8;
	v49 =	vsel vm3, v5, v4  }
0x5c6: {  	v27 =	vld.idx.msk [tilespmem:v27+s4+$0x0], $0xffff;
	vm2 =	vlt.f32 v46, v15;
	v56 =	vor.u32 $0x8, v52;
	v45 =	vor.u32 $0x4, v43  }
0x5c7: {  	v33 =	vld.idx.msk [tilespmem:v33+s4+$0x0], $0xffff;
	vm3 =	vlt.f32 v49, v16;
	v58 =	vor.u32 $0x8, v48;
	v44 =	vsel vm2, v56, v52  }
0x5c8: {  	v25 =	vld.idx.msk [tilespmem:v25+s4+$0x0], $0xffff;
	v59 =	vand.u32 $0x5C, v45;
	v46 =	vsel vm3, v58, v48;
	v47 =	vor.u32 $0x4, v44  }
0x5c9: {  	v26 =	vld.idx.msk [tilespmem:v26+s4+$0x0], $0xffff;
	v48 =	vor.u32 v3, v59;
	v49 =	vor.u32 $0x4, v46;
	v50 =	vand.u32 $0x5C, v47  }
0x5ca: {  	v19 =	vld.idx.msk [tilespmem:v19+s4+$0x0], $0xffff;
	vm1 =	vlt.f32 v23, v60;
	v51 =	vand.u32 $0x5C, v49;
	v50 =	vor.u32 v3, v50  }
0x5cb: {  	v7 =	vsel vm0, v17, v54;
	v17 =	vld.idx.msk [tilespmem:v40+s4+$0x0], $0xffff;
	v8 =	vsel vm1, v18, v63;
	v23 =	vor.u32 v3, v51  }
0x5cc: {  	vm0 =	vlt.f32 v33, v13;
	v52 =	vld.idx.msk [tilespmem:v41+s4+$0x0], $0xffff;
	v40 =	vadd.s32 $0x1, v8  }
0x5cd: {  	v18 =	vadd.s32 $0x1, v7;
	vm1 =	vlt.f32 v25, v0;
	v25 =	vsel vm0, v37, v28;
	v28 =	vld.idx.msk [tilespmem:v42+s4+$0x0], $0xffff  }
0x5ce: {  	v20 =	vsel vm1, v20, v32;
	vm0 =	vlt.f32 v26, v6;
	v26 =	vor.u32 $0x2, v25;
	v54 =	vld.idx.msk [tilespmem:v48+s4+$0x0], $0xffff  }
0x5cf: {  	vm1 =	vlt.f32 v27, v9;
	v27 =	vor.u32 $0x2, v20;
	v21 =	vsel vm0, v21, v34;
	v56 =	vld.idx.msk [tilespmem:v50+s4+$0x0], $0xffff  }
0x5d0: {  	v24 =	vsel vm1, v24, v30;
	v30 =	vor.u32 $0x2, v21;
	vm0 =	vlt.f32 v17, v10;
	v17 =	vld.idx.msk [tilespmem:v23+s4+$0x0], $0xffff  }
0x5d1: {  	v58 =	vor.u32 $0x2, v24;
	v31 =	vsel vm0, v36, v31;
	vm1 =	vlt.f32 v52, v11;
	v33 =	vld.idx.msk [tilespmem:v40+s4+$0x0], $0xffff  }
0x5d2: {  	vm0 =	vlt.f32 v28, v12;
	v28 =	vsel vm1, v38, v29;
	v29 =	vor.u32 $0x2, v31;
	v23 =	vld.idx.msk [tilespmem:v18+s4+$0x0], $0xffff  }
0x5d3: {  	v59 =	vld.idx.msk [tilespmem:v26+s4+$0x0], $0xffff;
	v35 =	vsel vm0, v39, v35;
	v38 =	vor.u32 $0x2, v28;
	vm0 =	vlt.f32 v54, v14  }
0x5d4: {  	v63 =	vld.idx.msk [tilespmem:v27+s4+$0x0], $0xffff;
	v39 =	vor.u32 $0x2, v35;
	v48 =	vsel vm0, v45, v43;
	vm1 =	vlt.f32 v56, v15  }
0x5d5: {  	v50 =	vld.idx.msk [tilespmem:v30+s4+$0x0], $0xffff;
	v51 =	vor.u32 $0x2, v48;
	vm0 =	vlt.f32 v17, v16;
	v17 =	vsel vm1, v47, v44  }
0x5d6: {  	vm1 =	vlt.f32 v22, v61;
	v22 =	vld.idx.msk [tilespmem:v58+s4+$0x0], $0xffff;
	v52 =	vsel vm0, v49, v46;
	v44 =	vor.u32 $0x2, v17  }
0x5d7: {  	v3 =	vld.idx.msk [tilespmem:v29+s4+$0x0], $0xffff;
	v4 =	vsel vm1, v55, v53;
	vm0 =	vlt.f32 v23, v57;
	v5 =	vor.u32 $0x2, v52  }
0x5d8: {  	v23 =	vadd.s32 $0x1, v4;
	v7 =	vsel vm0, v18, v7;
	vm0 =	vlt.f32 v59, v13;
	v18 =	vld.idx.msk [tilespmem:v38+s4+$0x0], $0xffff  }
0x5d9: {  	vm1 =	vlt.f32 v63, v0;
	v7 =	vadd.s32 $0x20, v7;
	v25 =	vsel vm0, v26, v25;
	v26 =	vld.idx.msk [tilespmem:v39+s4+$0x0], $0xffff  }
0x5da: {  	v20 =	vsel vm1, v27, v20;
	vm0 =	vlt.f32 v50, v6;
	v27 =	vadd.s32 $0x1, v25;
	v53 =	vld.idx.msk [tilespmem:v51+s4+$0x0], $0xffff  }
0x5db: {  	v21 =	vsel vm0, v30, v21;
	vm1 =	vlt.f32 v22, v9;
	v22 =	vadd.s32 $0x1, v20;
	v30 =	vld.idx.msk [tilespmem:v44+s4+$0x0], $0xffff  }
0x5dc: {  	vm0 =	vlt.f32 v3, v10;
	v54 =	vadd.s32 $0x1, v21;
	v24 =	vsel vm1, v58, v24;
	v3 =	vld.idx.msk [tilespmem:v5+s4+$0x0], $0xffff  }
0x5dd: {  	v55 =	vld.idx.msk [tilespmem:v23+s4+$0x0], $0xffff;
	v56 =	vadd.s32 $0x1, v24;
	vm1 =	vlt.f32 v18, v11;
	v18 =	vsel vm0, v29, v31  }
0x5de: {  	v7 =	vld.idx.msk [tilespmem:v7+s4+$0x0], $0xffff;
	vm0 =	vlt.f32 v26, v12;
	v26 =	vsel vm1, v38, v28;
	v28 =	vadd.s32 $0x1, v18  }
0x5df: {  	v29 =	vld.idx.msk [tilespmem:v27+s4+$0x0], $0xffff;
	v31 =	vsel vm0, v39, v35;
	v57 =	vadd.s32 $0x1, v26;
	vm0 =	vlt.f32 v53, v14  }
0x5e0: {  	v58 =	vld.idx.msk [tilespmem:v22+s4+$0x0], $0xffff;
	v59 =	vadd.s32 $0x1, v31;
	vm1 =	vlt.f32 v30, v15;
	v30 =	vsel vm0, v51, v48  }
0x5e1: {  	v63 =	vld.idx.msk [tilespmem:v54+s4+$0x0], $0xffff;
	vm0 =	vlt.f32 v3, v16;
	v3 =	vsel vm1, v44, v17;
	v17 =	vadd.s32 $0x1, v30  }
0x5e2: {  	v42 =	vmovc v1;
	vm1 =	vlt.f32 v33, v60;
	v1 =	vld.idx.msk [tilespmem:v56+s4+$0x0], $0xffff;
	v5 =	vsel vm0, v5, v52;
	v48 =	vadd.s32 $0x1, v3  }
0x5e3: {  	v46 =	vmovc v2;
	vm0 =	vlt.f32 v55, v61;
	v2 =	vsel vm1, v40, v8;
	v8 =	vld.idx.msk [tilespmem:v28+s4+$0x0], $0xffff;
	v49 =	vadd.s32 $0x1, v5  }
0x5e4: {  	v4 =	vsel vm0, v23, v4;
	v2 =	vadd.s32 $0x20, v2;
	vm0 =	vlt.f32 v29, v13;
	v13 =	vld.idx.msk [tilespmem:v57+s4+$0x0], $0xffff  }
0x5e5: {  	v4 =	vadd.s32 $0x20, v4;
	v23 =	vsel vm0, v27, v25;
	vm0 =	vlt.f32 v58, v0;
	v0 =	vld.idx.msk [tilespmem:v59+s4+$0x0], $0xffff  }
0x5e6: {  	vm1 =	vlt.f32 v63, v6;
	v23 =	vadd.s32 $0x20, v23;
	v6 =	vsel vm0, v22, v20;
	v20 =	vld.idx.msk [tilespmem:v17+s4+$0x0], $0xffff  }
0x5e7: {  	vm0 =	vlt.f32 v1, v9;
	v1 =	vsel vm1, v54, v21;
	v6 =	vadd.s32 $0x20, v6;
	v9 =	vld.idx.msk [tilespmem:v48+s4+$0x0], $0xffff  }
0x5e8: {  	v21 =	vsel vm0, v56, v24;
	v1 =	vadd.s32 $0x20, v1;
	vm0 =	vlt.f32 v8, v10;
	v8 =	vld.idx.msk [tilespmem:v49+s4+$0x0], $0xffff  }
0x5e9: {  	v2 =	vld.idx.msk [tilespmem:v2+s4+$0x0], $0xffff;
	v10 =	vadd.s32 $0x20, v21;
	vm1 =	vlt.f32 v13, v11;
	v11 =	vsel vm0, v28, v18  }
0x5ea: {  	v4 =	vld.idx.msk [tilespmem:v4+s4+$0x0], $0xffff;
	vm0 =	vlt.f32 v0, v12;
	v0 =	vsel vm1, v57, v26;
	v11 =	vadd.s32 $0x20, v11  }
0x5eb: {  	v12 =	vld.idx.msk [tilespmem:v23+s4+$0x0], $0xffff;
	v13 =	vsel vm0, v59, v31;
	v0 =	vadd.s32 $0x20, v0;
	vm0 =	vlt.f32 v20, v14  }
0x5ec: {  	[tilespmem:s2+$0xF0] =	vst v19;
	v6 =	vld.idx.msk [tilespmem:v6+s4+$0x0], $0xffff;
	v13 =	vadd.s32 $0x20, v13;
	vm1 =	vlt.f32 v9, v15;
	v9 =	vsel vm0, v17, v30  }
0x5ed: {  	[tilespmem:s29+$0xFFFFFF70] =	vst v7;
	v1 =	vld.idx.msk [tilespmem:v1+s4+$0x0], $0xffff;
	vm0 =	vlt.f32 v8, v16;
	v3 =	vsel vm1, v48, v3;
	v7 =	vadd.s32 $0x20, v9  }
0x5ee: {  	[tilespmem:s29+$0xFFFFFFF0] =	vst v2;
	v2 =	vld.idx.msk [tilespmem:v10+s4+$0x0], $0xffff;
	v5 =	vsel vm0, v49, v5;
	v3 =	vadd.s32 $0x20, v3  }
0x5ef: {  	[tilespmem:s29+$0x70] =	vst v4;
	v4 =	vld.idx.msk [tilespmem:v11+s4+$0x0], $0xffff;
	v5 =	vadd.s32 $0x20, v5  }
0x5f0: {  	[tilespmem:s9+$0xF0] =	vst v12;
	v0 =	vld.idx.msk [tilespmem:v0+s4+$0x0], $0xffff  }
0x5f1: {  	[tilespmem:s30+$0xFFFFFF70] =	vst v6;
	v6 =	vld.idx.msk [tilespmem:v13+s4+$0x0], $0xffff  }
0x5f2: {  	[tilespmem:s30+$0xFFFFFFF0] =	vst v1;
	v1 =	vld.idx.msk [tilespmem:v7+s4+$0x0], $0xffff  }
0x5f3: {  	[tilespmem:s30+$0x70] =	vst v2;
	v2 =	vld.idx.msk [tilespmem:v3+s4+$0x0], $0xffff  }
0x5f4: {  	[tilespmem:s2+$0xFFFFFF70] =	vst v4;
	v3 =	vld.idx.msk [tilespmem:v5+s4+$0x0], $0xffff  }
0x5f5: {  	[tilespmem:s2+$0xFFFFFFF0] =	vst v0  }
0x5f6: {  	s10 =	sshll.u32 s26, $0x13;
	[tilespmem:s2+$0x70] =	vst v6  }
0x5f7: {  	s0 =	sadd.s32 s6, s10;
	[tilespmem:s9+$0xFFFFFF70] =	vst v1  }
0x5f8: {  	s0 =	sshrl.u32 s0, $0x3;
	[tilespmem:s9+$0xFFFFFFF0] =	vst v2  }
0x5f9: {  	p1 =	seq.s32 s26, $0x1F;
	s0 =	sadd.s32 s3, s0;
	[tilespmem:s9+$0x70] =	vst v3  }
0x5fa: {  	[hbm4b:s0+s15] =	stream.strided.scatter [tilespmem:s20], [sflag:$0x3], $0x4000, s16, s15, $0x38;
	[tilespmem:$0x12000] =	vst v63  }
0x5fb: {  	s0 =	sadd.s32 @!p1 s28, s11  }
0x5fc: {  	s0 =	sshll.u32 @!p1 s0, $0xB  }
0x5fd: {  	s0 =	sor.u32 @!p1 s5, s0  }
0x5fe: {  	s7 =	simm.s32 @!p1 $0x4000;
	s0 =	sshrl.u32 @!p1 s0, $0x3  }
0x5ff: {  	s2 =	simm.s32 @!p1 $0x400;
	s9 =	simm.s32 @!p1 $0x2000;
	s0 =	sadd.s32 @!p1 s1, s0  }
0x600: {  	[tilespmem:s9], [sflag:$0x1] =	stream.strided.gather @!p1 [hbm4b:s0+s2], $0x4000, s7, s2, $0x38;
	[tilespmem:$0x12000] =	vst v63  }
0x601: {  	_ =	swait.ge [sflag:s21], $0x4000  }
0x602: {  	[sflag:s21] =	ssyncset.done $0x0  }
0x603: {  	s0 =	simm.s32 @!p0 $0x4;
	[sflag:s21] =	ssyncadd.s32 $0xFFFFC000  }
0x604: {  	_ =	swait.ge @!p0 [sflag:s0], $0x4000  }
0x605: {  	v57 =	vld [tilespmem:$0x1FD20]  }
0x606: {  	v59 =	vld [tilespmem:$0x1FF00]  }
0x607: {  	[sflag:s0] =	ssyncset.done @!p0 $0x0;
	v58 =	vld [tilespmem:$0x1FE00]  }
0x608: {  	s13 =	simm.s32 $0x6100;
	v63 =	vld [tilespmem:$0x1FD50];
	[sflag:s0] =	ssyncadd.s32 @!p0 $0xFFFFC000  }
0x609: {  	v0 =	vld [tilespmem:s13+$0x80]  }
0x60a: {  	v60 =	vld [tilespmem:$0x1FC00];
	_ =	sdelay $0x3  }
0x60b: {  	vm0 =	vlt.f32 v57, v0  }
0x60c: {  	v56 =	vld [tilespmem:$0x1FF20];
	v1 =	vsel vm0, v58, v59;
	v2 =	vsel vm0, v63, v60  }
0x60d: {  	vm0 =	vlt.f32 v2, v0;
	v2 =	vor.u32 $0x8, v1  }
0x60e: {  	v1 =	vsel vm0, v2, v1  }
0x60f: {  	v2 =	vor.u32 $0x4, v1  }
0x610: {  	v3 =	vand.u32 $0x5C, v2  }
0x611: {  	v3 =	vor.u32 v56, v3;
	_ =	sdelay $0x4  }
0x612: {  	v3 =	vld.idx.msk [tilespmem:v3+s4+$0x0], $0xffff;
	_ =	sdelay $0x1  }
0x613: {  	v5 =	vld [tilespmem:s13+$0xFFFFFF00]  }
0x614: {  	v6 =	vld [tilespmem:s13+$0x0]  }
0x615: {  	v4 =	vld [tilespmem:s13+$0xFFFFFF80]  }
0x616: {  	vm0 =	vlt.f32 v3, v0  }
0x617: {  	v1 =	vsel vm0, v2, v1  }
0x618: {  	v2 =	vor.u32 $0x2, v1  }
0x619: {  	vm1 =	vlt.f32 v57, v5;
	vm2 =	vlt.f32 v57, v6  }
0x61a: {  	v7 =	vsel vm1, v58, v59;
	v8 =	vsel vm1, v63, v60;
	vm0 =	vlt.f32 v57, v4  }
0x61b: {  	v10 =	vsel vm2, v58, v59;
	v11 =	vor.u32 $0x8, v7;
	v3 =	vsel vm0, v58, v59  }
0x61c: {  	v9 =	vsel vm0, v63, v60;
	vm0 =	vlt.f32 v8, v5;
	v8 =	vsel vm2, v63, v60  }
0x61d: {  	vm1 =	vlt.f32 v9, v4;
	v9 =	vor.u32 $0x8, v3;
	v7 =	vsel vm0, v11, v7;
	v11 =	vld.idx.msk [tilespmem:v2+s4+$0x0], $0xffff  }
0x61e: {  	vm0 =	vlt.f32 v8, v6;
	v8 =	vor.u32 $0x4, v7;
	v3 =	vsel vm1, v9, v3  }
0x61f: {  	v9 =	vor.u32 $0x8, v10;
	v12 =	vor.u32 $0x4, v3;
	v13 =	vand.u32 $0x5C, v8  }
0x620: {  	v9 =	vsel vm0, v9, v10;
	v10 =	vand.u32 $0x5C, v12;
	v13 =	vor.u32 v56, v13  }
0x621: {  	v14 =	vor.u32 $0x4, v9;
	v10 =	vor.u32 v56, v10  }
0x622: {  	v15 =	vand.u32 $0x5C, v14;
	vm0 =	vlt.f32 v11, v0  }
0x623: {  	v11 =	vor.u32 v56, v15;
	v1 =	vsel vm0, v2, v1  }
0x624: {  	v2 =	vadd.s32 $0x1, v1  }
0x625: {  	v13 =	vld.idx.msk [tilespmem:v13+s4+$0x0], $0xffff  }
0x626: {  	v10 =	vld.idx.msk [tilespmem:v10+s4+$0x0], $0xffff;
	_ =	sdelay $0x1  }
0x627: {  	v11 =	vld.idx.msk [tilespmem:v11+s4+$0x0], $0xffff  }
0x628: {  	v15 =	vld.idx.msk [tilespmem:v2+s4+$0x0], $0xffff  }
0x629: {  	vm0 =	vlt.f32 v13, v5  }
0x62a: {  	v7 =	vsel vm0, v8, v7;
	vm0 =	vlt.f32 v10, v4  }
0x62b: {  	v3 =	vsel vm0, v12, v3  }
0x62c: {  	v10 =	vor.u32 $0x2, v3;
	vm0 =	vlt.f32 v11, v6  }
0x62d: {  	v8 =	vor.u32 $0x2, v7;
	v9 =	vsel vm0, v14, v9;
	vm0 =	vlt.f32 v15, v0  }
0x62e: {  	v0 =	vor.u32 $0x2, v9;
	v1 =	vsel vm0, v2, v1  }
0x62f: {  	v1 =	vadd.s32 $0x20, v1;
	_ =	sdelay $0x1  }
0x630: {  	v11 =	vld.idx.msk [tilespmem:v10+s4+$0x0], $0xffff  }
0x631: {  	v2 =	vld.idx.msk [tilespmem:v8+s4+$0x0], $0xffff  }
0x632: {  	v12 =	vld.idx.msk [tilespmem:v0+s4+$0x0], $0xffff  }
0x633: {  	v1 =	vld.idx.msk [tilespmem:v1+s4+$0x0], $0xffff;
	_ =	sdelay $0x2  }
0x634: {  	vm0 =	vlt.f32 v2, v5  }
0x635: {  	s29 =	simm.s32 $0xE100;
	v2 =	vsel vm0, v8, v7;
	vm0 =	vlt.f32 v11, v4  }
0x636: {  	v3 =	vsel vm0, v10, v3;
	vm0 =	vlt.f32 v12, v6;
	[tilespmem:s29+$0x80] =	vst v1  }
0x637: {  	v0 =	vsel vm0, v0, v9;
	v9 =	vld [tilespmem:s13+$0x90]  }
0x638: {  	v7 =	vadd.s32 $0x1, v2;
	v51 =	vld [tilespmem:$0x1FD30]  }
0x639: {  	v8 =	vadd.s32 $0x1, v3;
	v48 =	vld [tilespmem:$0x1FE10]  }
0x63a: {  	v53 =	vld [tilespmem:$0x1FFB0]  }
0x63b: {  	v1 =	vadd.s32 $0x1, v0;
	v52 =	vld [tilespmem:$0x1FD60]  }
0x63c: {  	v47 =	vld [tilespmem:$0x1FD00]  }
0x63d: {  	v10 =	vld.idx.msk [tilespmem:v7+s4+$0x0], $0xffff  }
0x63e: {  	v11 =	vld.idx.msk [tilespmem:v8+s4+$0x0], $0xffff;
	_ =	sdelay $0x1  }
0x63f: {  	v12 =	vld.idx.msk [tilespmem:v1+s4+$0x0], $0xffff;
	vm0 =	vlt.f32 v51, v9  }
0x640: {  	v45 =	vld [tilespmem:$0x1FF70];
	v13 =	vsel vm0, v48, v53;
	v14 =	vsel vm0, v52, v47  }
0x641: {  	vm0 =	vlt.f32 v10, v5;
	vm1 =	vlt.f32 v14, v9;
	v5 =	vor.u32 $0x8, v13  }
0x642: {  	v2 =	vsel vm0, v7, v2;
	vm0 =	vlt.f32 v11, v4;
	v4 =	vsel vm1, v5, v13  }
0x643: {  	v3 =	vsel vm0, v8, v3;
	v2 =	vadd.s32 $0x20, v2;
	v5 =	vor.u32 $0x4, v4  }
0x644: {  	vm0 =	vlt.f32 v12, v6;
	v3 =	vadd.s32 $0x20, v3;
	v6 =	vand.u32 $0x5C, v5  }
0x645: {  	v0 =	vsel vm0, v1, v0;
	v1 =	vor.u32 v45, v6  }
0x646: {  	v0 =	vadd.s32 $0x20, v0;
	_ =	sdelay $0x1  }
0x647: {  	v2 =	vld.idx.msk [tilespmem:v2+s4+$0x0], $0xffff  }
0x648: {  	v3 =	vld.idx.msk [tilespmem:v3+s4+$0x0], $0xffff  }
0x649: {  	v1 =	vld.idx.msk [tilespmem:v1+s4+$0x0], $0xffff  }
0x64a: {  	v0 =	vld.idx.msk [tilespmem:v0+s4+$0x0], $0xffff;
	_ =	sdelay $0x2  }
0x64b: {  	[tilespmem:s29+$0xFFFFFF00] =	vst v2  }
0x64c: {  	[tilespmem:s29+$0xFFFFFF80] =	vst v3;
	v2 =	vld [tilespmem:s13+$0xFFFFFF10];
	vm0 =	vlt.f32 v1, v9  }
0x64d: {  	[tilespmem:s29+$0x0] =	vst v0;
	v0 =	vld [tilespmem:s13+$0xFFFFFF90];
	v1 =	vsel vm0, v5, v4  }
0x64e: {  	v3 =	vld [tilespmem:s13+$0x10];
	v4 =	vor.u32 $0x2, v1;
	_ =	sdelay $0x2  }
0x64f: {  	vm0 =	vlt.f32 v51, v2  }
0x650: {  	v5 =	vsel vm0, v48, v53;
	vm1 =	vlt.f32 v51, v0  }
0x651: {  	v6 =	vsel vm0, v52, v47;
	vm0 =	vlt.f32 v51, v3;
	v7 =	vsel vm1, v48, v53;
	v8 =	vld.idx.msk [tilespmem:v4+s4+$0x0], $0xffff  }
0x652: {  	v10 =	vsel vm1, v52, v47;
	vm1 =	vlt.f32 v6, v2;
	v6 =	vor.u32 $0x8, v5  }
0x653: {  	v11 =	vsel vm0, v48, v53;
	v12 =	vsel vm0, v52, v47;
	vm0 =	vlt.f32 v10, v0  }
0x654: {  	v10 =	vor.u32 $0x8, v7;
	v5 =	vsel vm1, v6, v5;
	vm2 =	vlt.f32 v12, v3  }
0x655: {  	v6 =	vsel vm0, v10, v7;
	v7 =	vor.u32 $0x8, v11;
	v10 =	vor.u32 $0x4, v5  }
0x656: {  	v7 =	vsel vm2, v7, v11;
	v11 =	vand.u32 $0x5C, v10;
	vm0 =	vlt.f32 v8, v9  }
0x657: {  	v11 =	vor.u32 v45, v11;
	v1 =	vsel vm0, v4, v1  }
0x658: {  	v13 =	vadd.s32 $0x1, v1;
	_ =	sdelay $0x1  }
0x659: {  	v8 =	vor.u32 $0x4, v6  }
0x65a: {  	v4 =	vor.u32 $0x4, v7;
	v12 =	vand.u32 $0x5C, v8  }
0x65b: {  	v14 =	vand.u32 $0x5C, v4;
	v12 =	vor.u32 v45, v12;
	v11 =	vld.idx.msk [tilespmem:v11+s4+$0x0], $0xffff  }
0x65c: {  	v14 =	vor.u32 v45, v14;
	v15 =	vld.idx.msk [tilespmem:v13+s4+$0x0], $0xffff;
	_ =	sdelay $0x3  }
0x65d: {  	v12 =	vld.idx.msk [tilespmem:v12+s4+$0x0], $0xffff;
	vm0 =	vlt.f32 v11, v2  }
0x65e: {  	v14 =	vld.idx.msk [tilespmem:v14+s4+$0x0], $0xffff;
	v5 =	vsel vm0, v10, v5;
	vm0 =	vlt.f32 v15, v9  }
0x65f: {  	v9 =	vor.u32 $0x2, v5;
	v1 =	vsel vm0, v13, v1  }
0x660: {  	v1 =	vadd.s32 $0x20, v1;
	_ =	sdelay $0x1  }
0x661: {  	vm1 =	vlt.f32 v12, v0  }
0x662: {  	v6 =	vsel vm1, v8, v6;
	vm0 =	vlt.f32 v14, v3  }
0x663: {  	v8 =	vor.u32 $0x2, v6;
	v4 =	vsel vm0, v4, v7;
	v10 =	vld.idx.msk [tilespmem:v9+s4+$0x0], $0xffff  }
0x664: {  	v7 =	vor.u32 $0x2, v4;
	v1 =	vld.idx.msk [tilespmem:v1+s4+$0x0], $0xffff;
	_ =	sdelay $0x3  }
0x665: {  	v11 =	vld.idx.msk [tilespmem:v8+s4+$0x0], $0xffff  }
0x666: {  	v12 =	vld.idx.msk [tilespmem:v7+s4+$0x0], $0xffff;
	vm0 =	vlt.f32 v10, v2;
	[tilespmem:s29+$0x90] =	vst v1  }
0x667: {  	v1 =	vsel vm0, v9, v5;
	v5 =	vld [tilespmem:s13+$0xA0]  }
0x668: {  	v36 =	vld [tilespmem:$0x1FD40]  }
0x669: {  	v41 =	vld [tilespmem:$0x1FE20]  }
0x66a: {  	v44 =	vld [tilespmem:$0x1FF30]  }
0x66b: {  	vm0 =	vlt.f32 v11, v0;
	v37 =	vld [tilespmem:$0x1FD70]  }
0x66c: {  	v9 =	vadd.s32 $0x1, v1;
	v6 =	vsel vm0, v8, v6;
	v38 =	vld [tilespmem:$0x1FD10]  }
0x66d: {  	vm0 =	vlt.f32 v12, v3;
	v8 =	vadd.s32 $0x1, v6  }
0x66e: {  	v4 =	vsel vm0, v7, v4  }
0x66f: {  	v7 =	vadd.s32 $0x1, v4  }
0x670: {  	v30 =	vld [tilespmem:$0x1FF40];
	vm0 =	vlt.f32 v36, v5  }
0x671: {  	v10 =	vld.idx.msk [tilespmem:v9+s4+$0x0], $0xffff;
	v11 =	vsel vm0, v41, v44;
	v12 =	vsel vm0, v37, v38  }
0x672: {  	v13 =	vld.idx.msk [tilespmem:v8+s4+$0x0], $0xffff;
	vm0 =	vlt.f32 v12, v5;
	v12 =	vor.u32 $0x8, v11  }
0x673: {  	v11 =	vsel vm0, v12, v11  }
0x674: {  	v14 =	vld.idx.msk [tilespmem:v7+s4+$0x0], $0xffff;
	v12 =	vor.u32 $0x4, v11  }
0x675: {  	v15 =	vand.u32 $0x5C, v12  }
0x676: {  	vm0 =	vlt.f32 v10, v2;
	v2 =	vor.u32 v30, v15  }
0x677: {  	v1 =	vsel vm0, v9, v1;
	vm0 =	vlt.f32 v13, v0  }
0x678: {  	v0 =	vadd.s32 $0x20, v1;
	v1 =	vsel vm0, v8, v6  }
0x679: {  	vm0 =	vlt.f32 v14, v3;
	v1 =	vadd.s32 $0x20, v1  }
0x67a: {  	v3 =	vsel vm0, v7, v4  }
0x67b: {  	v3 =	vadd.s32 $0x20, v3;
	v2 =	vld.idx.msk [tilespmem:v2+s4+$0x0], $0xffff;
	_ =	sdelay $0x1  }
0x67c: {  	v0 =	vld.idx.msk [tilespmem:v0+s4+$0x0], $0xffff  }
0x67d: {  	v1 =	vld.idx.msk [tilespmem:v1+s4+$0x0], $0xffff;
	_ =	sdelay $0x1  }
0x67e: {  	v3 =	vld.idx.msk [tilespmem:v3+s4+$0x0], $0xffff;
	vm0 =	vlt.f32 v2, v5  }
0x67f: {  	v2 =	vsel vm0, v12, v11  }
0x680: {  	[tilespmem:s29+$0xFFFFFF10] =	vst v0;
	v0 =	vor.u32 $0x2, v2  }
0x681: {  	v4 =	vld [tilespmem:s13+$0xFFFFFF20];
	[tilespmem:s29+$0xFFFFFF90] =	vst v1;
	v1 =	vand.u32 $0xBFF, v0  }
0x682: {  	v8 =	vld [tilespmem:s13+$0xFFFFFFA0]  }
0x683: {  	[tilespmem:s29+$0x10] =	vst v3  }
0x684: {  	v3 =	vld [tilespmem:s13+$0x20];
	_ =	sdelay $0x1  }
0x685: {  	vm0 =	vlt.f32 v36, v4;
	v1 =	vld.idx.msk [tilespmem:v1+s4+$0x0], $0xffff  }
0x686: {  	v6 =	vsel vm0, v41, v44;
	v7 =	vsel vm0, v37, v38;
	vm0 =	vlt.f32 v36, v8  }
0x687: {  	vm1 =	vlt.f32 v7, v4;
	v7 =	vsel vm0, v41, v44  }
0x688: {  	vm2 =	vlt.f32 v36, v3;
	v9 =	vsel vm0, v37, v38;
	v10 =	vor.u32 $0x8, v6  }
0x689: {  	v11 =	vsel vm2, v41, v44;
	v12 =	vsel vm2, v37, v38;
	vm0 =	vlt.f32 v9, v8  }
0x68a: {  	v9 =	vor.u32 $0x8, v7;
	v6 =	vsel vm1, v10, v6;
	vm1 =	vlt.f32 v1, v5  }
0x68b: {  	vm2 =	vlt.f32 v12, v3;
	v10 =	vor.u32 $0x4, v6;
	v0 =	vsel vm1, v0, v2  }
0x68c: {  	v1 =	vor.u32 $0x8, v11;
	v2 =	vsel vm0, v9, v7;
	v9 =	vadd.s32 $0x1, v0  }
0x68d: {  	v7 =	vand.u32 $0x5C, v10;
	v1 =	vsel vm2, v1, v11;
	v11 =	vor.u32 $0x4, v2  }
0x68e: {  	v7 =	vor.u32 v30, v7;
	v12 =	vor.u32 $0x4, v1;
	v13 =	vand.u32 $0x5C, v11  }
0x68f: {  	v14 =	vand.u32 $0x5C, v12;
	v13 =	vor.u32 v30, v13  }
0x690: {  	v14 =	vor.u32 v30, v14  }
0x691: {  	v15 =	vld.idx.msk [tilespmem:v9+s4+$0x0], $0xffff;
	_ =	sdelay $0x1  }
0x692: {  	v7 =	vld.idx.msk [tilespmem:v7+s4+$0x0], $0xffff  }
0x693: {  	v13 =	vld.idx.msk [tilespmem:v13+s4+$0x0], $0xffff  }
0x694: {  	v14 =	vld.idx.msk [tilespmem:v14+s4+$0x0], $0xffff  }
0x695: {  	vm0 =	vlt.f32 v15, v5  }
0x696: {  	v0 =	vsel vm0, v9, v0  }
0x697: {  	vm1 =	vlt.f32 v7, v4;
	v0 =	vadd.s32 $0x20, v0  }
0x698: {  	v5 =	vsel vm1, v10, v6;
	vm0 =	vlt.f32 v13, v8  }
0x699: {  	v6 =	vor.u32 $0x2, v5;
	v2 =	vsel vm0, v11, v2;
	vm0 =	vlt.f32 v14, v3  }
0x69a: {  	v7 =	vand.u32 $0xBFF, v6;
	v9 =	vor.u32 $0x2, v2;
	v1 =	vsel vm0, v12, v1  }
0x69b: {  	v10 =	vand.u32 $0xBFF, v9;
	v11 =	vor.u32 $0x2, v1  }
0x69c: {  	v12 =	vand.u32 $0xBFF, v11;
	v0 =	vld.idx.msk [tilespmem:v0+s4+$0x0], $0xffff;
	_ =	sdelay $0x2  }
0x69d: {  	v13 =	vld.idx.msk [tilespmem:v7+s4+$0x0], $0xffff  }
0x69e: {  	v10 =	vld.idx.msk [tilespmem:v10+s4+$0x0], $0xffff  }
0x69f: {  	v12 =	vld.idx.msk [tilespmem:v12+s4+$0x0], $0xffff;
	[tilespmem:s29+$0xA0] =	vst v0  }
0x6a0: {  	v7 =	vld [tilespmem:s13+$0xB0]  }
0x6a1: {  	v39 =	vld [tilespmem:$0x1FC60]  }
0x6a2: {  	v40 =	vld [tilespmem:$0x1FF10]  }
0x6a3: {  	vm0 =	vlt.f32 v13, v4;
	v43 =	vld [tilespmem:$0x1FC10]  }
0x6a4: {  	v0 =	vsel vm0, v6, v5;
	v6 =	vld [tilespmem:$0x1FF50];
	_ =	sdelay $0x1  }
0x6a5: {  	vm0 =	vlt.f32 v10, v8;
	v5 =	vadd.s32 $0x1, v0  }
0x6a6: {  	v2 =	vsel vm0, v9, v2  }
0x6a7: {  	v9 =	vadd.s32 $0x1, v2;
	vm1 =	vlt.f32 v39, v7  }
0x6a8: {  	v49 =	vld [tilespmem:$0x1FF60];
	vm0 =	vlt.f32 v12, v3;
	v6 =	vsel vm1, v40, v6;
	v10 =	vsel vm1, v42, v43  }
0x6a9: {  	v1 =	vsel vm0, v11, v1;
	vm0 =	vlt.f32 v10, v7;
	v10 =	vor.u32 $0x8, v6  }
0x6aa: {  	s31 =	simm.s32 $0x6300;
	v11 =	vadd.s32 $0x1, v1;
	v12 =	vld.idx.msk [tilespmem:v5+s4+$0x0], $0xffff;
	v10 =	vsel vm0, v10, v6  }
0x6ab: {  	v6 =	vld [tilespmem:s31+$0x80];
	v13 =	vor.u32 $0x4, v10  }
0x6ac: {  	v14 =	vld.idx.msk [tilespmem:v9+s4+$0x0], $0xffff;
	v15 =	vand.u32 $0x5C, v13  }
0x6ad: {  	v15 =	vor.u32 v49, v15;
	_ =	sdelay $0x1  }
0x6ae: {  	v16 =	vld.idx.msk [tilespmem:v11+s4+$0x0], $0xffff  }
0x6af: {  	vm0 =	vlt.f32 v12, v4  }
0x6b0: {  	v0 =	vsel vm0, v5, v0;
	vm0 =	vlt.f32 v57, v6;
	vm1 =	vlt.f32 v14, v8  }
0x6b1: {  	v4 =	vsel vm0, v58, v59;
	v5 =	vsel vm0, v63, v60;
	v8 =	vsel vm1, v9, v2;
	v9 =	vld.idx.msk [tilespmem:v15+s4+$0x0], $0xffff  }
0x6b2: {  	vm0 =	vlt.f32 v5, v6;
	v5 =	vor.u32 $0x8, v4  }
0x6b3: {  	v0 =	vadd.s32 $0x20, v0;
	vm1 =	vlt.f32 v16, v3;
	v2 =	vld [tilespmem:s31+$0xFFFFFF80];
	v12 =	vsel vm0, v5, v4  }
0x6b4: {  	v3 =	vld [tilespmem:s31+$0x0];
	v1 =	vsel vm1, v11, v1;
	v4 =	vadd.s32 $0x20, v8;
	v8 =	vor.u32 $0x4, v12  }
0x6b5: {  	v5 =	vld [tilespmem:s31+$0xFFFFFF00];
	v1 =	vadd.s32 $0x20, v1;
	v11 =	vand.u32 $0x5C, v8  }
0x6b6: {  	v11 =	vor.u32 v56, v11;
	vm0 =	vlt.f32 v9, v7  }
0x6b7: {  	v9 =	vsel vm0, v13, v10  }
0x6b8: {  	v0 =	vld.idx.msk [tilespmem:v0+s4+$0x0], $0xffff;
	v10 =	vor.u32 $0x2, v9  }
0x6b9: {  	v4 =	vld.idx.msk [tilespmem:v4+s4+$0x0], $0xffff  }
0x6ba: {  	vm1 =	vlt.f32 v57, v3;
	vm2 =	vlt.f32 v57, v5;
	vm0 =	vlt.f32 v57, v2;
	v13 =	vld.idx.msk [tilespmem:v1+s4+$0x0], $0xffff  }
0x6bb: {  	v14 =	vsel vm2, v58, v59;
	v15 =	vsel vm2, v63, v60;
	v1 =	vsel vm0, v58, v59;
	v11 =	vld.idx.msk [tilespmem:v11+s4+$0x0], $0xffff  }
0x6bc: {  	v16 =	vsel vm0, v63, v60;
	vm0 =	vlt.f32 v15, v5;
	v15 =	vsel vm1, v63, v60  }
0x6bd: {  	v17 =	vsel vm1, v58, v59;
	v18 =	vor.u32 $0x8, v14;
	[tilespmem:s29+$0xFFFFFF20] =	vst v0;
	vm2 =	vlt.f32 v15, v3;
	v15 =	vld.idx.msk [tilespmem:v10+s4+$0x0], $0xffff  }
0x6be: {  	vm1 =	vlt.f32 v16, v2;
	v16 =	vor.u32 $0x8, v1;
	v14 =	vsel vm0, v18, v14;
	v0 =	vld [tilespmem:s13+$0xFFFFFF30];
	[tilespmem:s29+$0xFFFFFFA0] =	vst v4  }
0x6bf: {  	v18 =	vor.u32 $0x4, v14;
	v16 =	vsel vm1, v16, v1;
	v4 =	vor.u32 $0x8, v17;
	v1 =	vld [tilespmem:s13+$0xFFFFFFB0];
	[tilespmem:s29+$0x20] =	vst v13  }
0x6c0: {  	v13 =	vsel vm2, v4, v17;
	v17 =	vand.u32 $0x5C, v18;
	v4 =	vld [tilespmem:s13+$0x30];
	vm0 =	vlt.f32 v11, v6  }
0x6c1: {  	v17 =	vor.u32 v56, v17;
	v25 =	vld [tilespmem:$0x1FF50];
	v8 =	vsel vm0, v8, v12;
	v12 =	vor.u32 $0x4, v13  }
0x6c2: {  	v23 =	vld [tilespmem:$0x1FF50];
	v20 =	vor.u32 $0x2, v8;
	v21 =	vand.u32 $0x5C, v12;
	vm0 =	vlt.f32 v15, v7  }
0x6c3: {  	v11 =	vor.u32 $0x4, v16;
	v15 =	vor.u32 v56, v21;
	v9 =	vsel vm0, v10, v9;
	v10 =	vld [tilespmem:$0x1FF50]  }
0x6c4: {  	v19 =	vand.u32 $0x5C, v11;
	v21 =	vadd.s32 $0x1, v9  }
0x6c5: {  	vm1 =	vlt.f32 v39, v0;
	v19 =	vor.u32 v56, v19;
	vm2 =	vlt.f32 v39, v4  }
0x6c6: {  	v22 =	vsel vm1, v42, v43;
	v17 =	vld.idx.msk [tilespmem:v17+s4+$0x0], $0xffff;
	vm0 =	vlt.f32 v39, v1;
	v25 =	vsel vm2, v40, v25  }
0x6c7: {  	v26 =	vsel vm2, v42, v43;
	v23 =	vsel vm0, v40, v23;
	v24 =	vsel vm0, v42, v43;
	v27 =	vld.idx.msk [tilespmem:v20+s4+$0x0], $0xffff  }
0x6c8: {  	vm0 =	vlt.f32 v22, v0;
	vm2 =	vlt.f32 v26, v4;
	v15 =	vld.idx.msk [tilespmem:v15+s4+$0x0], $0xffff;
	v10 =	vsel vm1, v40, v10  }
0x6c9: {  	vm1 =	vlt.f32 v24, v1;
	v24 =	vor.u32 $0x8, v23;
	v22 =	vor.u32 $0x8, v10;
	v26 =	vld.idx.msk [tilespmem:v21+s4+$0x0], $0xffff  }
0x6ca: {  	v19 =	vld.idx.msk [tilespmem:v19+s4+$0x0], $0xffff;
	v23 =	vsel vm1, v24, v23;
	v10 =	vsel vm0, v22, v10;
	v22 =	vor.u32 $0x8, v25  }
0x6cb: {  	vm0 =	vlt.f32 v17, v5;
	v24 =	vor.u32 $0x4, v10;
	v22 =	vsel vm2, v22, v25  }
0x6cc: {  	v14 =	vsel vm0, v18, v14;
	vm0 =	vlt.f32 v27, v6;
	v25 =	vand.u32 $0x5C, v24  }
0x6cd: {  	v18 =	vor.u32 $0x2, v14;
	v8 =	vsel vm0, v20, v8;
	vm0 =	vlt.f32 v15, v3  }
0x6ce: {  	v17 =	vor.u32 v49, v25;
	v12 =	vsel vm0, v12, v13;
	vm0 =	vlt.f32 v26, v7  }
0x6cf: {  	vm1 =	vlt.f32 v19, v2;
	v15 =	vadd.s32 $0x1, v8;
	v9 =	vsel vm0, v21, v9  }
0x6d0: {  	v11 =	vsel vm1, v11, v16;
	v9 =	vadd.s32 $0x20, v9  }
0x6d1: {  	v16 =	vor.u32 $0x2, v11  }
0x6d2: {  	v13 =	vor.u32 $0x4, v23;
	v7 =	vor.u32 $0x2, v12;
	v25 =	vld.idx.msk [tilespmem:v18+s4+$0x0], $0xffff  }
0x6d3: {  	v19 =	vor.u32 $0x4, v22;
	v20 =	vand.u32 $0x5C, v13;
	v17 =	vld.idx.msk [tilespmem:v17+s4+$0x0], $0xffff  }
0x6d4: {  	v21 =	vand.u32 $0x5C, v19;
	v20 =	vor.u32 v49, v20;
	v26 =	vld.idx.msk [tilespmem:v15+s4+$0x0], $0xffff  }
0x6d5: {  	v21 =	vor.u32 v49, v21;
	v9 =	vld.idx.msk [tilespmem:v9+s4+$0x0], $0xffff  }
0x6d6: {  	v27 =	vld.idx.msk [tilespmem:v16+s4+$0x0], $0xffff  }
0x6d7: {  	v28 =	vld.idx.msk [tilespmem:v7+s4+$0x0], $0xffff  }
0x6d8: {  	vm0 =	vlt.f32 v17, v0  }
0x6d9: {  	v17 =	vld.idx.msk [tilespmem:v20+s4+$0x0], $0xffff;
	v10 =	vsel vm0, v24, v10;
	vm0 =	vlt.f32 v25, v5  }
0x6da: {  	v20 =	vld.idx.msk [tilespmem:v21+s4+$0x0], $0xffff;
	v14 =	vsel vm0, v18, v14;
	vm0 =	vlt.f32 v26, v6;
	[tilespmem:s29+$0xB0] =	vst v9  }
0x6db: {  	v8 =	vsel vm0, v15, v8;
	vm0 =	vlt.f32 v27, v2;
	v31 =	vld [tilespmem:$0x1FC70]  }
0x6dc: {  	v8 =	vadd.s32 $0x20, v8;
	v11 =	vsel vm0, v16, v11;
	vm0 =	vlt.f32 v28, v3;
	v28 =	vld [tilespmem:$0x1FFE0]  }
0x6dd: {  	v21 =	vor.u32 $0x2, v10;
	v29 =	vld [tilespmem:$0x1FF80]  }
0x6de: {  	v26 =	vld [tilespmem:$0x1FCC0]  }
0x6df: {  	v6 =	vadd.s32 $0x1, v14;
	v27 =	vld [tilespmem:$0x1FC20]  }
0x6e0: {  	v9 =	vadd.s32 $0x1, v11;
	v12 =	vsel vm0, v7, v12;
	v7 =	vld [tilespmem:s13+$0xC0]  }
0x6e1: {  	vm0 =	vlt.f32 v17, v1;
	v15 =	vadd.s32 $0x1, v12;
	v8 =	vld.idx.msk [tilespmem:v8+s4+$0x0], $0xffff  }
0x6e2: {  	v13 =	vsel vm0, v13, v23;
	vm0 =	vlt.f32 v20, v4;
	v16 =	vld.idx.msk [tilespmem:v21+s4+$0x0], $0xffff  }
0x6e3: {  	v17 =	vor.u32 $0x2, v13;
	v18 =	vsel vm0, v19, v22  }
0x6e4: {  	v19 =	vld.idx.msk [tilespmem:v6+s4+$0x0], $0xffff;
	v20 =	vor.u32 $0x2, v18  }
0x6e5: {  	s30 =	simm.s32 $0xE300;
	v22 =	vld.idx.msk [tilespmem:v9+s4+$0x0], $0xffff  }
0x6e6: {  	vm0 =	vlt.f32 v31, v7;
	v23 =	vld.idx.msk [tilespmem:v15+s4+$0x0], $0xffff;
	[tilespmem:s30+$0x80] =	vst v8  }
0x6e7: {  	v24 =	vsel vm0, v26, v27;
	vm1 =	vlt.f32 v16, v0;
	v16 =	vsel vm0, v28, v29;
	v54 =	vld [tilespmem:$0x1FF90]  }
0x6e8: {  	v25 =	vld.idx.msk [tilespmem:v17+s4+$0x0], $0xffff;
	vm0 =	vlt.f32 v24, v7;
	v10 =	vsel vm1, v21, v10;
	v21 =	vor.u32 $0x8, v16  }
0x6e9: {  	vm1 =	vlt.f32 v19, v5;
	v5 =	vld.idx.msk [tilespmem:v20+s4+$0x0], $0xffff;
	v16 =	vsel vm0, v21, v16  }
0x6ea: {  	v19 =	vadd.s32 $0x1, v10;
	v6 =	vsel vm1, v6, v14;
	v14 =	vor.u32 $0x4, v16;
	v8 =	vld [tilespmem:s31+$0x90]  }
0x6eb: {  	vm0 =	vlt.f32 v22, v2;
	v2 =	vadd.s32 $0x20, v6;
	v6 =	vand.u32 $0x5C, v14  }
0x6ec: {  	v9 =	vsel vm0, v9, v11;
	vm0 =	vlt.f32 v23, v3;
	v3 =	vor.u32 v54, v6  }
0x6ed: {  	v9 =	vadd.s32 $0x20, v9;
	v6 =	vsel vm0, v15, v12;
	vm0 =	vlt.f32 v25, v1  }
0x6ee: {  	v6 =	vadd.s32 $0x20, v6;
	v11 =	vsel vm0, v17, v13;
	vm0 =	vlt.f32 v5, v4  }
0x6ef: {  	v12 =	vld.idx.msk [tilespmem:v19+s4+$0x0], $0xffff;
	v13 =	vadd.s32 $0x1, v11;
	v15 =	vsel vm0, v20, v18;
	vm0 =	vlt.f32 v51, v8  }
0x6f0: {  	v2 =	vld.idx.msk [tilespmem:v2+s4+$0x0], $0xffff;
	v17 =	vadd.s32 $0x1, v15;
	v5 =	vsel vm0, v48, v53;
	v18 =	vsel vm0, v52, v47  }
0x6f1: {  	vm0 =	vlt.f32 v18, v8;
	v18 =	vor.u32 $0x8, v5;
	v3 =	vld.idx.msk [tilespmem:v3+s4+$0x0], $0xffff  }
0x6f2: {  	v9 =	vld.idx.msk [tilespmem:v9+s4+$0x0], $0xffff;
	v18 =	vsel vm0, v18, v5  }
0x6f3: {  	v5 =	vld.idx.msk [tilespmem:v6+s4+$0x0], $0xffff;
	v20 =	vor.u32 $0x4, v18  }
0x6f4: {  	v21 =	vld.idx.msk [tilespmem:v13+s4+$0x0], $0xffff;
	v6 =	vand.u32 $0x5C, v20  }
0x6f5: {  	[tilespmem:s30+$0xFFFFFF00] =	vst v2;
	v22 =	vld.idx.msk [tilespmem:v17+s4+$0x0], $0xffff;
	v23 =	vor.u32 v45, v6  }
0x6f6: {  	v6 =	vld [tilespmem:s31+$0xFFFFFF10];
	vm0 =	vlt.f32 v3, v7  }
0x6f7: {  	[tilespmem:s30+$0xFFFFFF80] =	vst v9;
	v2 =	vsel vm0, v14, v16  }
0x6f8: {  	[tilespmem:s30+$0x0] =	vst v5;
	v5 =	vld [tilespmem:s31+$0xFFFFFF90];
	v9 =	vor.u32 $0x2, v2  }
0x6f9: {  	vm0 =	vlt.f32 v12, v0;
	v3 =	vld [tilespmem:s31+$0x10];
	v0 =	vand.u32 $0x13FF, v9  }
0x6fa: {  	v10 =	vsel vm0, v19, v10;
	vm0 =	vlt.f32 v21, v1;
	vm1 =	vlt.f32 v22, v4;
	v1 =	vld.idx.msk [tilespmem:v23+s4+$0x0], $0xffff  }
0x6fb: {  	v4 =	vadd.s32 $0x20, v10;
	v10 =	vsel vm0, v13, v11;
	vm0 =	vlt.f32 v51, v6  }
0x6fc: {  	v11 =	vsel vm1, v17, v15;
	v10 =	vadd.s32 $0x20, v10;
	v12 =	vsel vm0, v48, v53  }
0x6fd: {  	v13 =	vsel vm0, v52, v47;
	v11 =	vadd.s32 $0x20, v11;
	vm1 =	vlt.f32 v51, v5  }
0x6fe: {  	vm0 =	vlt.f32 v51, v3;
	v14 =	vsel vm1, v48, v53;
	v15 =	vsel vm1, v52, v47;
	v0 =	vld.idx.msk [tilespmem:v0+s4+$0x0], $0xffff  }
0x6ff: {  	vm1 =	vlt.f32 v13, v6;
	v16 =	vsel vm0, v48, v53;
	vm2 =	vlt.f32 v1, v8  }
0x700: {  	v1 =	vor.u32 $0x8, v12;
	v13 =	vsel vm0, v52, v47;
	v17 =	vsel vm2, v20, v18  }
0x701: {  	v4 =	vld.idx.msk [tilespmem:v4+s4+$0x0], $0xffff;
	vm0 =	vlt.f32 v15, v5;
	v12 =	vsel vm1, v1, v12;
	v1 =	vor.u32 $0x2, v17  }
0x702: {  	v15 =	vor.u32 $0x8, v14;
	vm1 =	vlt.f32 v13, v3;
	v13 =	vor.u32 $0x4, v12  }
0x703: {  	v14 =	vsel vm0, v15, v14;
	v15 =	vand.u32 $0x5C, v13;
	vm0 =	vlt.f32 v0, v7  }
0x704: {  	v18 =	vor.u32 $0x4, v14;
	v15 =	vor.u32 v45, v15;
	v9 =	vsel vm0, v9, v2  }
0x705: {  	v0 =	vor.u32 $0x8, v16;
	v2 =	vld.idx.msk [tilespmem:v10+s4+$0x0], $0xffff;
	v10 =	vand.u32 $0x5C, v18;
	v19 =	vadd.s32 $0x1, v9  }
0x706: {  	[tilespmem:s29+$0xFFFFFF30] =	vst v4;
	v4 =	vsel vm1, v0, v16;
	v10 =	vor.u32 v45, v10;
	v16 =	vld.idx.msk [tilespmem:v1+s4+$0x0], $0xffff  }
0x707: {  	v0 =	vld [tilespmem:s13+$0xFFFFFF40]  }
0x708: {  	v11 =	vld.idx.msk [tilespmem:v11+s4+$0x0], $0xffff;
	v20 =	vor.u32 $0x4, v4  }
0x709: {  	v21 =	vand.u32 $0x5C, v20;
	v15 =	vld.idx.msk [tilespmem:v15+s4+$0x0], $0xffff  }
0x70a: {  	v21 =	vor.u32 v45, v21;
	v22 =	vld.idx.msk [tilespmem:v19+s4+$0x0], $0xffff  }
0x70b: {  	v10 =	vld.idx.msk [tilespmem:v10+s4+$0x0], $0xffff;
	vm0 =	vlt.f32 v16, v8  }
0x70c: {  	[tilespmem:s29+$0xFFFFFFB0] =	vst v2;
	vm1 =	vlt.f32 v31, v0;
	v16 =	vsel vm0, v1, v17  }
0x70d: {  	[tilespmem:s29+$0x30] =	vst v11;
	v2 =	vsel vm1, v26, v27;
	v1 =	vld [tilespmem:s13+$0xFFFFFFC0];
	v11 =	vadd.s32 $0x1, v16  }
0x70e: {  	v17 =	vsel vm1, v28, v29;
	vm0 =	vlt.f32 v2, v0;
	v2 =	vld [tilespmem:s13+$0x40];
	vm1 =	vlt.f32 v15, v6  }
0x70f: {  	v21 =	vld.idx.msk [tilespmem:v21+s4+$0x0], $0xffff;
	v15 =	vor.u32 $0x8, v17;
	v12 =	vsel vm1, v13, v12  }
0x710: {  	vm1 =	vlt.f32 v22, v7;
	vm2 =	vlt.f32 v10, v5;
	v7 =	vor.u32 $0x2, v12  }
0x711: {  	v10 =	vsel vm0, v15, v17;
	v9 =	vsel vm1, v19, v9;
	v13 =	vsel vm2, v18, v14  }
0x712: {  	v14 =	vor.u32 $0x4, v10;
	vm0 =	vlt.f32 v31, v1;
	v9 =	vadd.s32 $0x20, v9;
	v17 =	vld.idx.msk [tilespmem:v11+s4+$0x0], $0xffff  }
0x713: {  	vm1 =	vlt.f32 v31, v2;
	v15 =	vor.u32 $0x2, v13;
	v19 =	vsel vm0, v26, v27  }
0x714: {  	v18 =	vsel vm0, v28, v29;
	vm0 =	vlt.f32 v21, v3;
	vm2 =	vlt.f32 v19, v1  }
0x715: {  	v19 =	vsel vm0, v20, v4;
	v4 =	vsel vm1, v28, v29;
	v23 =	vor.u32 $0x8, v18  }
0x716: {  	v21 =	vor.u32 $0x2, v19;
	v18 =	vsel vm2, v23, v18;
	v23 =	vand.u32 $0x5C, v14  }
0x717: {  	v20 =	vsel vm1, v26, v27;
	v9 =	vld.idx.msk [tilespmem:v9+s4+$0x0], $0xffff;
	vm1 =	vlt.f32 v17, v8;
	v8 =	vor.u32 v54, v23;
	_ =	sdelay $0x1  }
0x718: {  	vm0 =	vlt.f32 v20, v2;
	v20 =	vor.u32 $0x8, v4;
	v22 =	vld.idx.msk [tilespmem:v7+s4+$0x0], $0xffff  }
0x719: {  	v24 =	vld.idx.msk [tilespmem:v15+s4+$0x0], $0xffff;
	v17 =	vor.u32 $0x4, v18;
	v11 =	vsel vm1, v11, v16;
	v16 =	vsel vm0, v20, v4  }
0x71a: {  	v4 =	vand.u32 $0x5C, v17;
	v20 =	vor.u32 $0x4, v16;
	v25 =	vld.idx.msk [tilespmem:v21+s4+$0x0], $0xffff  }
0x71b: {  	v23 =	vor.u32 v54, v4;
	v4 =	vand.u32 $0x5C, v20;
	[tilespmem:s29+$0xC0] =	vst v9;
	v8 =	vld.idx.msk [tilespmem:v8+s4+$0x0], $0xffff  }
0x71c: {  	v9 =	vor.u32 v54, v4;
	v4 =	vld [tilespmem:s13+$0xD0]  }
0x71d: {  	v11 =	vadd.s32 $0x20, v11;
	v50 =	vld [tilespmem:$0x1FC80]  }
0x71e: {  	v61 =	vld [tilespmem:$0x1FE30]  }
0x71f: {  	vm0 =	vlt.f32 v22, v6;
	v33 =	vld [tilespmem:$0x1FED0]  }
0x720: {  	v7 =	vsel vm0, v7, v12;
	vm0 =	vlt.f32 v24, v5;
	v34 =	vld [tilespmem:$0x1FCD0]  }
0x721: {  	v12 =	vadd.s32 $0x1, v7;
	v13 =	vsel vm0, v15, v13;
	v35 =	vld [tilespmem:$0x1FC30]  }
0x722: {  	v15 =	vadd.s32 $0x1, v13;
	v11 =	vld.idx.msk [tilespmem:v11+s4+$0x0], $0xffff  }
0x723: {  	v22 =	vld.idx.msk [tilespmem:v23+s4+$0x0], $0xffff;
	vm0 =	vlt.f32 v25, v3  }
0x724: {  	v19 =	vsel vm0, v21, v19  }
0x725: {  	v21 =	vadd.s32 $0x1, v19;
	v9 =	vld.idx.msk [tilespmem:v9+s4+$0x0], $0xffff;
	vm0 =	vlt.f32 v50, v4  }
0x726: {  	v23 =	vld.idx.msk [tilespmem:v12+s4+$0x0], $0xffff;
	v24 =	vsel vm0, v61, v33;
	v25 =	vsel vm0, v34, v35  }
0x727: {  	vm0 =	vlt.f32 v8, v0;
	v26 =	vld.idx.msk [tilespmem:v15+s4+$0x0], $0xffff;
	[tilespmem:s30+$0x90] =	vst v11;
	vm1 =	vlt.f32 v25, v4;
	v8 =	vor.u32 $0x8, v24  }
0x728: {  	v10 =	vsel vm0, v14, v10;
	vm0 =	vlt.f32 v22, v1;
	v11 =	vsel vm1, v8, v24;
	v8 =	vld [tilespmem:s31+$0xA0]  }
0x729: {  	v14 =	vor.u32 $0x2, v10;
	v17 =	vsel vm0, v17, v18;
	v18 =	vor.u32 $0x4, v11  }
0x72a: {  	v22 =	vld.idx.msk [tilespmem:v21+s4+$0x0], $0xffff;
	vm0 =	vlt.f32 v9, v2;
	v9 =	vor.u32 $0x2, v17;
	v24 =	vand.u32 $0x5C, v18  }
0x72b: {  	v16 =	vsel vm0, v20, v16;
	vm0 =	vlt.f32 v23, v6;
	v20 =	vand.u32 $0x13FF, v14  }
0x72c: {  	v23 =	vand.u32 $0x13FF, v9;
	v6 =	vor.u32 v62, v24;
	v7 =	vsel vm0, v12, v7  }
0x72d: {  	vm0 =	vlt.f32 v26, v5;
	v5 =	vadd.s32 $0x20, v7;
	vm1 =	vlt.f32 v36, v8  }
0x72e: {  	v7 =	vsel vm0, v15, v13;
	v12 =	vsel vm1, v41, v44;
	v13 =	vsel vm1, v37, v38  }
0x72f: {  	vm0 =	vlt.f32 v22, v3;
	vm1 =	vlt.f32 v13, v8;
	v3 =	vor.u32 $0x8, v12  }
0x730: {  	v7 =	vadd.s32 $0x20, v7;
	v13 =	vsel vm0, v21, v19;
	v12 =	vsel vm1, v3, v12  }
0x731: {  	v15 =	vor.u32 $0x2, v16;
	v6 =	vld.idx.msk [tilespmem:v6+s4+$0x0], $0xffff;
	v3 =	vadd.s32 $0x20, v13;
	v13 =	vor.u32 $0x4, v12  }
0x732: {  	v19 =	vand.u32 $0x13FF, v15;
	v20 =	vld.idx.msk [tilespmem:v20+s4+$0x0], $0xffff;
	v21 =	vand.u32 $0x5C, v13  }
0x733: {  	v5 =	vld.idx.msk [tilespmem:v5+s4+$0x0], $0xffff;
	v21 =	vor.u32 v30, v21  }
0x734: {  	v22 =	vld.idx.msk [tilespmem:v23+s4+$0x0], $0xffff  }
0x735: {  	v7 =	vld.idx.msk [tilespmem:v7+s4+$0x0], $0xffff  }
0x736: {  	vm0 =	vlt.f32 v6, v4;
	v6 =	vld.idx.msk [tilespmem:v3+s4+$0x0], $0xffff  }
0x737: {  	v11 =	vsel vm0, v18, v11;
	v18 =	vld.idx.msk [tilespmem:v19+s4+$0x0], $0xffff  }
0x738: {  	[tilespmem:s30+$0xFFFFFF10] =	vst v5;
	v19 =	vor.u32 $0x2, v11;
	v21 =	vld.idx.msk [tilespmem:v21+s4+$0x0], $0xffff  }
0x739: {  	v3 =	vld [tilespmem:s31+$0xFFFFFF20];
	v23 =	vand.u32 $0x17FF, v19  }
0x73a: {  	[tilespmem:s30+$0xFFFFFF90] =	vst v7  }
0x73b: {  	vm1 =	vlt.f32 v22, v1;
	vm0 =	vlt.f32 v20, v0;
	v5 =	vld [tilespmem:s31+$0xFFFFFFA0]  }
0x73c: {  	v9 =	vsel vm1, v9, v17;
	[tilespmem:s30+$0x10] =	vst v6;
	v6 =	vsel vm0, v14, v10  }
0x73d: {  	v7 =	vld [tilespmem:s31+$0x20];
	vm0 =	vlt.f32 v18, v2;
	v10 =	vadd.s32 $0x1, v6;
	vm1 =	vlt.f32 v21, v8  }
0x73e: {  	v15 =	vsel vm0, v15, v16;
	vm0 =	vlt.f32 v36, v3;
	v14 =	vld.idx.msk [tilespmem:v23+s4+$0x0], $0xffff;
	v12 =	vsel vm1, v13, v12  }
0x73f: {  	v16 =	vadd.s32 $0x1, v9;
	v18 =	vsel vm0, v37, v38;
	v17 =	vor.u32 $0x2, v12  }
0x740: {  	v21 =	vsel vm0, v41, v44;
	vm1 =	vlt.f32 v36, v5;
	v20 =	vand.u32 $0xBFF, v17  }
0x741: {  	v13 =	vadd.s32 $0x1, v15;
	vm0 =	vlt.f32 v18, v3;
	v18 =	vsel vm1, v41, v44  }
0x742: {  	v22 =	vsel vm1, v37, v38;
	vm1 =	vlt.f32 v36, v7;
	v25 =	vor.u32 $0x8, v18  }
0x743: {  	v23 =	vsel vm1, v41, v44;
	v24 =	vsel vm1, v37, v38;
	vm2 =	vlt.f32 v14, v4  }
0x744: {  	vm1 =	vlt.f32 v22, v5;
	v14 =	vor.u32 $0x8, v21;
	v11 =	vsel vm2, v19, v11;
	v19 =	vld.idx.msk [tilespmem:v10+s4+$0x0], $0xffff  }
0x745: {  	v18 =	vsel vm1, v25, v18;
	v14 =	vsel vm0, v14, v21;
	v22 =	vadd.s32 $0x1, v11;
	v20 =	vld.idx.msk [tilespmem:v20+s4+$0x0], $0xffff  }
0x746: {  	vm2 =	vlt.f32 v24, v7;
	v21 =	vld.idx.msk [tilespmem:v16+s4+$0x0], $0xffff;
	v24 =	vor.u32 $0x8, v23;
	v25 =	vor.u32 $0x4, v14  }
0x747: {  	v55 =	vmovc v27;
	v26 =	vld.idx.msk [tilespmem:v13+s4+$0x0], $0xffff;
	v23 =	vsel vm2, v24, v23;
	v24 =	vor.u32 $0x4, v18;
	v27 =	vand.u32 $0x5C, v25  }
0x748: {  	v31 =	vmovc v30;
	v28 =	vor.u32 $0x4, v23;
	v29 =	vand.u32 $0x5C, v24;
	v27 =	vor.u32 v30, v27  }
0x749: {  	v30 =	vand.u32 $0x5C, v28;
	v29 =	vor.u32 v31, v29;
	vm0 =	vlt.f32 v19, v0  }
0x74a: {  	v19 =	vor.u32 v31, v30;
	v0 =	vld.idx.msk [tilespmem:v22+s4+$0x0], $0xffff;
	v6 =	vsel vm0, v10, v6;
	vm0 =	vlt.f32 v20, v8  }
0x74b: {  	vm1 =	vlt.f32 v21, v1;
	v1 =	vadd.s32 $0x20, v6;
	v6 =	vsel vm0, v17, v12  }
0x74c: {  	vm0 =	vlt.f32 v26, v2;
	v2 =	vsel vm1, v16, v9;
	v9 =	vadd.s32 $0x1, v6  }
0x74d: {  	v12 =	vld.idx.msk [tilespmem:v27+s4+$0x0], $0xffff;
	v10 =	vsel vm0, v13, v15;
	v2 =	vadd.s32 $0x20, v2  }
0x74e: {  	v13 =	vld.idx.msk [tilespmem:v29+s4+$0x0], $0xffff;
	v10 =	vadd.s32 $0x20, v10  }
0x74f: {  	vm0 =	vlt.f32 v0, v4;
	v0 =	vld.idx.msk [tilespmem:v19+s4+$0x0], $0xffff  }
0x750: {  	v4 =	vsel vm0, v22, v11;
	v1 =	vld.idx.msk [tilespmem:v1+s4+$0x0], $0xffff  }
0x751: {  	v4 =	vadd.s32 $0x20, v4;
	v11 =	vld.idx.msk [tilespmem:v9+s4+$0x0], $0xffff  }
0x752: {  	vm0 =	vlt.f32 v12, v3;
	v15 =	vld.idx.msk [tilespmem:v2+s4+$0x0], $0xffff  }
0x753: {  	v12 =	vsel vm0, v25, v14;
	v10 =	vld.idx.msk [tilespmem:v10+s4+$0x0], $0xffff  }
0x754: {  	vm0 =	vlt.f32 v13, v5;
	v13 =	vor.u32 $0x2, v12  }
0x755: {  	v14 =	vsel vm0, v24, v18;
	v16 =	vand.u32 $0xBFF, v13  }
0x756: {  	v17 =	vor.u32 $0x2, v14;
	[tilespmem:s29+$0xFFFFFF40] =	vst v1;
	v4 =	vld.idx.msk [tilespmem:v4+s4+$0x0], $0xffff  }
0x757: {  	v18 =	vand.u32 $0xBFF, v17;
	v2 =	vld [tilespmem:s13+$0xFFFFFF50];
	vm1 =	vlt.f32 v11, v8;
	[tilespmem:s29+$0xFFFFFFC0] =	vst v15  }
0x758: {  	vm0 =	vlt.f32 v0, v7;
	v0 =	vsel vm1, v9, v6;
	[tilespmem:s29+$0x40] =	vst v10;
	v1 =	vld [tilespmem:s13+$0xFFFFFFD0]  }
0x759: {  	v9 =	vadd.s32 $0x20, v0;
	v0 =	vld [tilespmem:s13+$0x50]  }
0x75a: {  	v15 =	vld.idx.msk [tilespmem:v16+s4+$0x0], $0xffff  }
0x75b: {  	v8 =	vsel vm0, v28, v23  }
0x75c: {  	v6 =	vor.u32 $0x2, v8;
	[tilespmem:s29+$0xD0] =	vst v4;
	v4 =	vld.idx.msk [tilespmem:v18+s4+$0x0], $0xffff;
	vm0 =	vlt.f32 v50, v2  }
0x75d: {  	v16 =	vsel vm0, v61, v33;
	v18 =	vsel vm0, v34, v35;
	vm0 =	vlt.f32 v50, v1  }
0x75e: {  	v10 =	vand.u32 $0xBFF, v6;
	v11 =	vld [tilespmem:s13+$0xE0];
	v19 =	vsel vm0, v61, v33  }
0x75f: {  	v20 =	vsel vm0, v34, v35;
	vm0 =	vlt.f32 v50, v0;
	vm2 =	vlt.f32 v15, v3;
	v50 =	vld [tilespmem:$0x1FC90]  }
0x760: {  	vm3 =	vlt.f32 v20, v1;
	v20 =	vsel vm2, v13, v12;
	v12 =	vld [tilespmem:$0x1FE40]  }
0x761: {  	vm12 =	vlt.f32 v4, v5;
	v4 =	vld [tilespmem:$0x1FFA0];
	_ =	sdelay $0x1  }
0x762: {  	v9 =	vld.idx.msk [tilespmem:v9+s4+$0x0], $0xffff  }
0x763: {  	v10 =	vld.idx.msk [tilespmem:v10+s4+$0x0], $0xffff  }
0x764: {  	v13 =	vld [tilespmem:$0x1FCE0];
	vm2 =	vlt.f32 v50, v11  }
0x765: {  	v4 =	vsel vm2, v12, v4;
	v12 =	vld [tilespmem:$0x1FC40];
	_ =	sdelay $0x3  }
0x766: {  	vm1 =	vlt.f32 v18, v2;
	v21 =	vadd.s32 $0x1, v20;
	[tilespmem:s30+$0xA0] =	vst v9;
	v9 =	vsel vm12, v17, v14  }
0x767: {  	vm13 =	vlt.f32 v10, v7;
	v23 =	vadd.s32 $0x1, v9;
	v12 =	vsel vm2, v13, v12  }
0x768: {  	v10 =	vsel vm0, v34, v35;
	vm2 =	vlt.f32 v12, v11;
	v12 =	vor.u32 $0x8, v4  }
0x769: {  	v8 =	vsel vm13, v6, v8;
	v22 =	vsel vm2, v12, v4;
	v4 =	vsel vm0, v61, v33  }
0x76a: {  	v25 =	vadd.s32 $0x1, v8;
	v12 =	vld [tilespmem:s31+$0xB0];
	vm0 =	vlt.f32 v10, v0;
	v10 =	vor.u32 $0x8, v4  }
0x76b: {  	v13 =	vor.u32 $0x8, v19;
	v24 =	vor.u32 $0x4, v22;
	v4 =	vsel vm0, v10, v4;
	v10 =	vld [tilespmem:$0x1FF50]  }
0x76c: {  	v18 =	vor.u32 $0x8, v16;
	v14 =	vsel vm3, v13, v19;
	v19 =	vld.idx.msk [tilespmem:v23+s4+$0x0], $0xffff;
	v6 =	vand.u32 $0x5C, v24  }
0x76d: {  	v15 =	vsel vm1, v18, v16;
	v18 =	vld.idx.msk [tilespmem:v21+s4+$0x0], $0xffff;
	v6 =	vor.u32 v46, v6;
	_ =	sdelay $0x1  }
0x76e: {  	v26 =	vld.idx.msk [tilespmem:v25+s4+$0x0], $0xffff;
	vm0 =	vlt.f32 v39, v12  }
0x76f: {  	v17 =	vor.u32 $0x4, v14;
	v13 =	vsel vm0, v42, v43;
	v10 =	vsel vm0, v40, v10  }
0x770: {  	vm1 =	vlt.f32 v19, v5;
	vm0 =	vlt.f32 v13, v12;
	v27 =	vor.u32 $0x8, v10  }
0x771: {  	s0 =	simm.s32 $0x6500;
	v29 =	vld.idx.msk [tilespmem:v6+s4+$0x0], $0xffff;
	v6 =	vand.u32 $0x5C, v17;
	v27 =	vsel vm0, v27, v10;
	vm0 =	vlt.f32 v18, v3  }
0x772: {  	v32 =	vor.u32 v62, v6;
	v10 =	vld [tilespmem:s0+$0x80];
	v31 =	vor.u32 $0x4, v27;
	v19 =	vsel vm0, v21, v20  }
0x773: {  	v6 =	vld [tilespmem:s0+$0xFFFFFF80];
	v20 =	vsel vm1, v23, v9;
	vm0 =	vlt.f32 v26, v7;
	v7 =	vadd.s32 $0x20, v19  }
0x774: {  	v61 =	vand.u32 $0x5C, v31;
	v19 =	vadd.s32 $0x20, v20  }
0x775: {  	v5 =	vld [tilespmem:s0+$0x0];
	v13 =	vor.u32 $0x4, v4;
	v8 =	vsel vm0, v25, v8;
	v3 =	vor.u32 v49, v61  }
0x776: {  	v30 =	vand.u32 $0x5C, v13;
	v9 =	vld [tilespmem:s0+$0xFFFFFF00];
	v8 =	vadd.s32 $0x20, v8;
	vm1 =	vlt.f32 v29, v11  }
0x777: {  	v16 =	vor.u32 $0x4, v15;
	v18 =	vor.u32 v62, v30;
	v20 =	vsel vm1, v24, v22  }
0x778: {  	vm0 =	vlt.f32 v57, v10;
	vm1 =	vlt.f32 v57, v6;
	v21 =	vor.u32 $0x2, v20;
	v7 =	vld.idx.msk [tilespmem:v7+s4+$0x0], $0xffff  }
0x779: {  	v23 =	vsel vm0, v63, v60;
	v24 =	vsel vm0, v58, v59;
	v22 =	vand.u32 $0x1BFF, v21;
	v19 =	vld.idx.msk [tilespmem:v19+s4+$0x0], $0xffff  }
0x77a: {  	vm0 =	vlt.f32 v57, v5;
	vm2 =	vlt.f32 v23, v10;
	v23 =	vor.u32 $0x8, v24;
	v3 =	vld.idx.msk [tilespmem:v3+s4+$0x0], $0xffff  }
0x77b: {  	vm3 =	vlt.f32 v57, v9;
	v25 =	vsel vm1, v58, v59;
	v23 =	vsel vm2, v23, v24;
	v29 =	vld.idx.msk [tilespmem:v8+s4+$0x0], $0xffff  }
0x77c: {  	v26 =	vsel vm3, v63, v60;
	v36 =	vsel vm0, v58, v59;
	v30 =	vor.u32 $0x4, v23  }
0x77d: {  	v24 =	vsel vm3, v58, v59;
	v8 =	vsel vm1, v63, v60;
	v37 =	vand.u32 $0x5C, v30  }
0x77e: {  	v28 =	vand.u32 $0x5C, v16;
	vm1 =	vlt.f32 v26, v9;
	v26 =	vor.u32 v56, v37;
	v22 =	vld.idx.msk [tilespmem:v22+s4+$0x0], $0xffff;
	[tilespmem:s30+$0xFFFFFF20] =	vst v7  }
0x77f: {  	[tilespmem:s30+$0xFFFFFFA0] =	vst v19;
	vm2 =	vlt.f32 v3, v12;
	v3 =	vsel vm0, v63, v60;
	vm0 =	vlt.f32 v8, v6;
	v8 =	vld [tilespmem:s31+$0xFFFFFF30]  }
0x780: {  	v7 =	vor.u32 $0x8, v24;
	[tilespmem:s30+$0x20] =	vst v29;
	v27 =	vsel vm2, v31, v27;
	vm2 =	vlt.f32 v3, v5;
	v3 =	vld [tilespmem:s31+$0xFFFFFFB0]  }
0x781: {  	v28 =	vor.u32 v62, v28;
	v19 =	vor.u32 $0x8, v25;
	v24 =	vsel vm1, v7, v24;
	v7 =	vld [tilespmem:s31+$0x30]  }
0x782: {  	v38 =	vor.u32 $0x8, v36;
	v19 =	vsel vm0, v19, v25;
	v46 =	vld [tilespmem:$0x1FF50];
	v31 =	vor.u32 $0x2, v27  }
0x783: {  	v44 =	vmovc v33;
	v29 =	vor.u32 $0x4, v24;
	v25 =	vsel vm2, v38, v36;
	v33 =	vor.u32 $0x4, v19;
	v26 =	vld.idx.msk [tilespmem:v26+s4+$0x0], $0xffff  }
0x784: {  	v34 =	vor.u32 $0x4, v25;
	vm0 =	vlt.f32 v22, v11;
	v22 =	vand.u32 $0x5C, v29  }
0x785: {  	v62 =	vld [tilespmem:$0x1FF50];
	v41 =	vand.u32 $0x5C, v33;
	v20 =	vsel vm0, v21, v20;
	v21 =	vor.u32 v56, v22  }
0x786: {  	v35 =	vor.u32 v56, v41;
	vm0 =	vlt.f32 v39, v8;
	v37 =	vadd.s32 $0x1, v20  }
0x787: {  	v22 =	vand.u32 $0x5C, v34;
	v38 =	vsel vm0, v40, v46;
	vm1 =	vlt.f32 v39, v3;
	v36 =	vld.idx.msk [tilespmem:v31+s4+$0x0], $0xffff  }
0x788: {  	vm2 =	vlt.f32 v39, v7;
	v39 =	vsel vm0, v42, v43;
	vm0 =	vlt.f32 v26, v10;
	v26 =	vld [tilespmem:$0x1FF50]  }
0x789: {  	v61 =	vmov v40;
	v22 =	vor.u32 v56, v22  }
0x78a: {  	v40 =	vsel vm1, v61, v62;
	v46 =	vsel vm1, v42, v43;
	v21 =	vld.idx.msk [tilespmem:v21+s4+$0x0], $0xffff  }
0x78b: {  	v42 =	vsel vm2, v42, v43;
	vm1 =	vlt.f32 v39, v8;
	v23 =	vsel vm0, v30, v23;
	v30 =	vld.idx.msk [tilespmem:v37+s4+$0x0], $0xffff  }
0x78c: {  	v62 =	vor.u32 $0x8, v40;
	v35 =	vld.idx.msk [tilespmem:v35+s4+$0x0], $0xffff;
	vm0 =	vlt.f32 v36, v12;
	v36 =	vor.u32 $0x2, v23  }
0x78d: {  	v26 =	vsel vm2, v61, v26;
	v27 =	vsel vm0, v31, v27;
	v31 =	vor.u32 $0x8, v38  }
0x78e: {  	v22 =	vld.idx.msk [tilespmem:v22+s4+$0x0], $0xffff;
	vm0 =	vlt.f32 v46, v3;
	vm2 =	vlt.f32 v42, v7;
	v31 =	vsel vm1, v31, v38  }
0x78f: {  	v39 =	vadd.s32 $0x1, v27;
	v40 =	vsel vm0, v62, v40;
	v41 =	vor.u32 $0x4, v31  }
0x790: {  	vm0 =	vlt.f32 v21, v9;
	v62 =	vand.u32 $0x5C, v41;
	vm1 =	vlt.f32 v30, v11  }
0x791: {  	v28 =	vld.idx.msk [tilespmem:v28+s4+$0x0], $0xffff;
	v24 =	vsel vm0, v29, v24;
	vm0 =	vlt.f32 v35, v6;
	v11 =	vor.u32 v49, v62  }
0x792: {  	v46 =	vor.u32 $0x8, v26;
	v21 =	vld.idx.msk [tilespmem:v36+s4+$0x0], $0xffff;
	v29 =	vor.u32 $0x2, v24;
	v19 =	vsel vm0, v33, v19  }
0x793: {  	v20 =	vsel vm1, v37, v20;
	vm0 =	vlt.f32 v22, v5;
	v22 =	vld.idx.msk [tilespmem:v32+s4+$0x0], $0xffff;
	v33 =	vor.u32 $0x2, v19  }
0x794: {  	v26 =	vsel vm2, v46, v26;
	v32 =	vor.u32 $0x4, v40;
	v20 =	vadd.s32 $0x20, v20;
	v30 =	vld.idx.msk [tilespmem:v39+s4+$0x0], $0xffff  }
0x795: {  	v18 =	vld.idx.msk [tilespmem:v18+s4+$0x0], $0xffff;
	v25 =	vsel vm0, v34, v25;
	v34 =	vor.u32 $0x4, v26;
	v42 =	vand.u32 $0x5C, v32  }
0x796: {  	vm1 =	vlt.f32 v28, v2;
	v46 =	vand.u32 $0x5C, v34;
	v35 =	vor.u32 v49, v42;
	v11 =	vld.idx.msk [tilespmem:v11+s4+$0x0], $0xffff  }
0x797: {  	v43 =	vor.u32 $0x2, v25;
	vm0 =	vlt.f32 v21, v10;
	v21 =	vor.u32 v49, v46;
	v49 =	vld.idx.msk [tilespmem:v29+s4+$0x0], $0xffff  }
0x798: {  	v15 =	vsel vm1, v16, v15;
	v23 =	vsel vm0, v36, v23;
	v16 =	vld.idx.msk [tilespmem:v33+s4+$0x0], $0xffff  }
0x799: {  	vm0 =	vlt.f32 v30, v12;
	v12 =	vld.idx.msk [tilespmem:v20+s4+$0x0], $0xffff;
	v20 =	vadd.s32 $0x1, v23  }
0x79a: {  	vm1 =	vlt.f32 v18, v0;
	v27 =	vsel vm0, v39, v27;
	vm0 =	vlt.f32 v22, v1  }
0x79b: {  	v35 =	vld.idx.msk [tilespmem:v35+s4+$0x0], $0xffff;
	v22 =	vadd.s32 $0x20, v27;
	v17 =	vsel vm0, v17, v14;
	v27 =	vor.u32 $0x2, v15  }
0x79c: {  	v14 =	vld.idx.msk [tilespmem:v43+s4+$0x0], $0xffff;
	v28 =	vor.u32 $0x2, v17;
	v30 =	vand.u32 $0x17FF, v27;
	vm0 =	vlt.f32 v11, v8  }
0x79d: {  	v21 =	vld.idx.msk [tilespmem:v21+s4+$0x0], $0xffff;
	v11 =	vand.u32 $0x17FF, v28;
	v31 =	vsel vm0, v41, v31;
	vm0 =	vlt.f32 v49, v9  }
0x79e: {  	v18 =	vld.idx.msk [tilespmem:v20+s4+$0x0], $0xffff;
	v62 =	vor.u32 $0x2, v31;
	v24 =	vsel vm0, v29, v24;
	[tilespmem:s29+$0xE0] =	vst v12;
	vm0 =	vlt.f32 v16, v6  }
0x79f: {  	v12 =	vadd.s32 $0x1, v24;
	v46 =	vld [tilespmem:s13+$0xF0];
	v19 =	vsel vm0, v33, v19  }
0x7a0: {  	v29 =	vsel vm1, v13, v4;
	v13 =	vld.idx.msk [tilespmem:v22+s4+$0x0], $0xffff;
	v33 =	vadd.s32 $0x1, v19  }
0x7a1: {  	v30 =	vld.idx.msk [tilespmem:v30+s4+$0x0], $0xffff  }
0x7a2: {  	v11 =	vld.idx.msk [tilespmem:v11+s4+$0x0], $0xffff  }
0x7a3: {  	vm0 =	vlt.f32 v14, v5;
	v41 =	vld.idx.msk [tilespmem:v62+s4+$0x0], $0xffff  }
0x7a4: {  	v25 =	vsel vm0, v43, v25;
	vm0 =	vlt.f32 v18, v10;
	v18 =	vld.idx.msk [tilespmem:v12+s4+$0x0], $0xffff  }
0x7a5: {  	[tilespmem:s30+$0xB0] =	vst v13;
	v37 =	vld.idx.msk [tilespmem:v33+s4+$0x0], $0xffff  }
0x7a6: {  	v14 =	vsel vm0, v20, v23;
	v4 =	vld [tilespmem:$0x1FCA0]  }
0x7a7: {  	v20 =	vadd.s32 $0x20, v14;
	v14 =	vld [tilespmem:s31+$0xC0]  }
0x7a8: {  	vm1 =	vlt.f32 v35, v3;
	v23 =	vld [tilespmem:$0x1FFF0]  }
0x7a9: {  	v32 =	vsel vm1, v32, v40;
	v40 =	vld [tilespmem:$0x1FC70]  }
0x7aa: {  	v10 =	vadd.s32 $0x1, v25;
	v38 =	vld [tilespmem:$0x1FF80]  }
0x7ab: {  	vm1 =	vlt.f32 v21, v7;
	v42 =	vld [tilespmem:$0x1FCC0];
	vm2 =	vlt.f32 v11, v1;
	vm3 =	vlt.f32 v41, v8  }
0x7ac: {  	v13 =	vor.u32 $0x2, v32;
	v17 =	vsel vm2, v28, v17;
	v28 =	vsel vm3, v62, v31;
	v62 =	vld [tilespmem:$0x1FFE0]  }
0x7ad: {  	v21 =	vsel vm1, v34, v26;
	vm1 =	vlt.f32 v30, v2;
	vm0 =	vlt.f32 v4, v46;
	v4 =	vld [tilespmem:$0x1FFD0]  }
0x7ae: {  	v22 =	vor.u32 $0x2, v29;
	v34 =	vor.u32 $0x2, v21;
	v26 =	vld [tilespmem:$0x1FC50];
	v27 =	vsel vm1, v27, v15  }
0x7af: {  	v16 =	vand.u32 $0x17FF, v22;
	v11 =	vld.idx.msk [tilespmem:v10+s4+$0x0], $0xffff;
	v30 =	vadd.s32 $0x1, v27  }
0x7b0: {  	vm1 =	vlt.f32 v18, v9;
	v43 =	vadd.s32 $0x1, v17;
	v9 =	vld.idx.msk [tilespmem:v20+s4+$0x0], $0xffff;
	v18 =	vadd.s32 $0x1, v28  }
0x7b1: {  	v15 =	vld.idx.msk [tilespmem:v13+s4+$0x0], $0xffff;
	v12 =	vsel vm1, v12, v24;
	vm1 =	vlt.f32 v37, v6;
	vm2 =	vlt.f32 v40, v14  }
0x7b2: {  	v31 =	vsel vm2, v42, v55;
	v20 =	vsel vm2, v62, v38;
	v23 =	vsel vm0, v23, v4;
	v4 =	vld [tilespmem:$0x1FCF0]  }
0x7b3: {  	v49 =	vld.idx.msk [tilespmem:v34+s4+$0x0], $0xffff;
	v6 =	vsel vm1, v33, v19;
	vm2 =	vlt.f32 v31, v14;
	v31 =	vor.u32 $0x8, v20  }
0x7b4: {  	v16 =	vld.idx.msk [tilespmem:v16+s4+$0x0], $0xffff;
	v12 =	vadd.s32 $0x20, v12;
	vm1 =	vlt.f32 v11, v5;
	v20 =	vsel vm2, v31, v20  }
0x7b5: {  	s2 =	simm.s32 $0xE500;
	v24 =	vadd.s32 $0x20, v6;
	v11 =	vld.idx.msk [tilespmem:v30+s4+$0x0], $0xffff;
	v6 =	vsel vm1, v10, v25;
	v19 =	vor.u32 $0x4, v20  }
0x7b6: {  	vm1 =	vlt.f32 v15, v3;
	v25 =	vadd.s32 $0x20, v6;
	[tilespmem:s2+$0x80] =	vst v9;
	v31 =	vld.idx.msk [tilespmem:v18+s4+$0x0], $0xffff;
	v5 =	vand.u32 $0x5C, v19  }
0x7b7: {  	v32 =	vsel vm1, v13, v32;
	v15 =	vld [tilespmem:s0+$0x90];
	v9 =	vor.u32 v54, v5;
	v26 =	vsel vm0, v4, v26  }
0x7b8: {  	vm1 =	vlt.f32 v49, v7;
	v13 =	vld.idx.msk [tilespmem:v43+s4+$0x0], $0xffff;
	vm0 =	vlt.f32 v26, v46;
	v26 =	vor.u32 $0x8, v23  }
0x7b9: {  	v12 =	vld.idx.msk [tilespmem:v12+s4+$0x0], $0xffff;
	v21 =	vsel vm1, v34, v21;
	v5 =	vsel vm0, v26, v23;
	v23 =	vadd.s32 $0x1, v32  }
0x7ba: {  	v24 =	vld.idx.msk [tilespmem:v24+s4+$0x0], $0xffff;
	v26 =	vadd.s32 $0x1, v21  }
0x7bb: {  	vm2 =	vlt.f32 v11, v2;
	v2 =	vld.idx.msk [tilespmem:v25+s4+$0x0], $0xffff  }
0x7bc: {  	v25 =	vsel vm2, v30, v27;
	vm1 =	vlt.f32 v51, v15;
	vm0 =	vlt.f32 v16, v0;
	v9 =	vld.idx.msk [tilespmem:v9+s4+$0x0], $0xffff  }
0x7bd: {  	v4 =	vld [tilespmem:$0x1FFC0];
	v11 =	vsel vm1, v48, v53;
	v16 =	vsel vm1, v52, v47;
	vm1 =	vlt.f32 v31, v8  }
0x7be: {  	vm3 =	vlt.f32 v16, v15;
	v16 =	vor.u32 $0x8, v11;
	v18 =	vsel vm1, v18, v28;
	v8 =	vld.idx.msk [tilespmem:v23+s4+$0x0], $0xffff  }
0x7bf: {  	[tilespmem:s2+$0xFFFFFF00] =	vst v12;
	vm1 =	vlt.f32 v13, v1;
	v16 =	vsel vm3, v16, v11;
	v1 =	vadd.s32 $0x20, v18;
	v27 =	vld.idx.msk [tilespmem:v26+s4+$0x0], $0xffff  }
0x7c0: {  	v25 =	vadd.s32 $0x20, v25;
	[tilespmem:s2+$0xFFFFFF80] =	vst v24;
	v12 =	vld [tilespmem:s0+$0xFFFFFF10];
	v18 =	vor.u32 $0x4, v16  }
0x7c1: {  	v13 =	vld [tilespmem:s0+$0xFFFFFF90];
	[tilespmem:s2+$0x0] =	vst v2;
	v11 =	vand.u32 $0x5C, v18;
	vm2 =	vlt.f32 v9, v14;
	v9 =	vsel vm1, v43, v17  }
0x7c2: {  	v2 =	vor.u32 v45, v11;
	v11 =	vld [tilespmem:s0+$0x10];
	v17 =	vsel vm2, v19, v20;
	v9 =	vadd.s32 $0x20, v9  }
0x7c3: {  	v19 =	vsel vm0, v22, v29;
	vm1 =	vlt.f32 v8, v3;
	v3 =	vor.u32 $0x2, v17  }
0x7c4: {  	v1 =	vld.idx.msk [tilespmem:v1+s4+$0x0], $0xffff;
	v8 =	vsel vm1, v23, v32;
	vm1 =	vlt.f32 v27, v7;
	v7 =	vand.u32 $0x13FF, v3  }
0x7c5: {  	vm0 =	vlt.f32 v51, v12;
	v8 =	vadd.s32 $0x20, v8;
	v20 =	vsel vm1, v26, v21  }
0x7c6: {  	v22 =	vld.idx.msk [tilespmem:v25+s4+$0x0], $0xffff;
	v24 =	vsel vm0, v52, v47;
	v23 =	vsel vm0, v48, v53;
	v20 =	vadd.s32 $0x20, v20  }
0x7c7: {  	v2 =	vld.idx.msk [tilespmem:v2+s4+$0x0], $0xffff;
	vm0 =	vlt.f32 v51, v11;
	v21 =	vadd.s32 $0x1, v19;
	vm1 =	vlt.f32 v51, v13  }
0x7c8: {  	v9 =	vld.idx.msk [tilespmem:v9+s4+$0x0], $0xffff;
	v27 =	vsel vm0, v48, v53;
	v25 =	vsel vm1, v48, v53;
	v26 =	vsel vm1, v52, v47  }
0x7c9: {  	[tilespmem:s30+$0xFFFFFF30] =	vst v1;
	vm1 =	vlt.f32 v24, v12;
	v24 =	vor.u32 $0x8, v23;
	v1 =	vor.u32 $0x8, v25;
	v28 =	vld.idx.msk [tilespmem:v7+s4+$0x0], $0xffff  }
0x7ca: {  	v23 =	vsel vm1, v24, v23;
	v7 =	vsel vm0, v52, v47;
	vm0 =	vlt.f32 v26, v13;
	v8 =	vld.idx.msk [tilespmem:v8+s4+$0x0], $0xffff  }
0x7cb: {  	v24 =	vsel vm0, v1, v25;
	v25 =	vor.u32 $0x4, v23;
	v20 =	vld.idx.msk [tilespmem:v20+s4+$0x0], $0xffff  }
0x7cc: {  	vm2 =	vlt.f32 v7, v11;
	vm0 =	vlt.f32 v2, v15;
	v7 =	vld [tilespmem:s31+$0xFFFFFF40];
	v2 =	vand.u32 $0x5C, v25  }
0x7cd: {  	[tilespmem:s29+$0xFFFFFF50] =	vst v22;
	v1 =	vor.u32 $0x8, v27;
	v26 =	vld.idx.msk [tilespmem:v21+s4+$0x0], $0xffff;
	v29 =	vor.u32 v45, v2  }
0x7ce: {  	[tilespmem:s29+$0xFFFFFFD0] =	vst v9;
	v22 =	vsel vm2, v1, v27;
	v27 =	vor.u32 $0x4, v24;
	v16 =	vsel vm0, v18, v16  }
0x7cf: {  	v18 =	vor.u32 $0x2, v16;
	v9 =	vand.u32 $0x5C, v27;
	[tilespmem:s30+$0xFFFFFFB0] =	vst v8  }
0x7d0: {  	v30 =	vor.u32 v45, v9;
	vm0 =	vlt.f32 v28, v14;
	v28 =	vor.u32 $0x4, v22;
	v8 =	vld [tilespmem:s31+$0xFFFFFFC0];
	[tilespmem:s30+$0x30] =	vst v20  }
0x7d1: {  	v3 =	vsel vm0, v3, v17;
	v17 =	vand.u32 $0x5C, v28;
	v9 =	vld [tilespmem:s31+$0x40]  }
0x7d2: {  	vm0 =	vlt.f32 v40, v7;
	vm1 =	vlt.f32 v26, v0;
	v20 =	vadd.s32 $0x1, v3;
	v29 =	vld.idx.msk [tilespmem:v29+s4+$0x0], $0xffff  }
0x7d3: {  	v17 =	vor.u32 v45, v17;
	v0 =	vsel vm0, v62, v38;
	v26 =	vsel vm0, v42, v55  }
0x7d4: {  	v19 =	vsel vm1, v21, v19;
	v21 =	vld.idx.msk [tilespmem:v18+s4+$0x0], $0xffff;
	vm0 =	vlt.f32 v26, v7;
	v26 =	vor.u32 $0x8, v0  }
0x7d5: {  	v19 =	vadd.s32 $0x20, v19;
	v0 =	vsel vm0, v26, v0;
	v30 =	vld.idx.msk [tilespmem:v30+s4+$0x0], $0xffff;
	vm2 =	vlt.f32 v40, v8  }
0x7d6: {  	v26 =	vor.u32 $0x4, v0;
	v51 =	vsel vm2, v62, v38;
	v52 =	vsel vm2, v42, v55  }
0x7d7: {  	v31 =	vld.idx.msk [tilespmem:v20+s4+$0x0], $0xffff;
	vm2 =	vlt.f32 v40, v9;
	vm5 =	vlt.f32 v29, v12;
	v29 =	vand.u32 $0x5C, v26  }
0x7d8: {  	vm3 =	vlt.f32 v52, v8;
	v53 =	vsel vm2, v62, v38;
	v55 =	vsel vm2, v42, v55  }
0x7d9: {  	v17 =	vld.idx.msk [tilespmem:v17+s4+$0x0], $0xffff;
	vm2 =	vlt.f32 v21, v15;
	v21 =	vor.u32 $0x8, v51;
	v23 =	vsel vm5, v25, v23  }
0x7da: {  	vm15 =	vlt.f32 v30, v13;
	v29 =	vor.u32 v54, v29;
	vm14 =	vlt.f32 v55, v9  }
0x7db: {  	v1 =	vld [tilespmem:s13+$0xFFFFFF60];
	v16 =	vsel vm2, v18, v16;
	v18 =	vor.u32 $0x8, v53;
	v21 =	vsel vm3, v21, v51  }
0x7dc: {  	v2 =	vld [tilespmem:s13+$0xFFFFFFE0];
	v25 =	vadd.s32 $0x1, v16;
	v18 =	vsel vm14, v18, v53;
	vm2 =	vlt.f32 v31, v14  }
0x7dd: {  	v52 =	vld [tilespmem:$0x1FCE0];
	v14 =	vor.u32 $0x2, v23;
	v31 =	vor.u32 $0x4, v18;
	v3 =	vsel vm2, v20, v3  }
0x7de: {  	v55 =	vld [tilespmem:$0x1FC40];
	v20 =	vsel vm15, v27, v24;
	vm2 =	vlt.f32 v17, v11;
	v27 =	vor.u32 $0x4, v21  }
0x7df: {  	v53 =	vld [tilespmem:$0x1FFA0];
	v39 =	vand.u32 $0x5C, v31;
	v3 =	vadd.s32 $0x20, v3;
	v30 =	vand.u32 $0x5C, v27  }
0x7e0: {  	v17 =	vor.u32 $0x2, v20;
	v33 =	vor.u32 v54, v39;
	v30 =	vor.u32 v54, v30;
	v54 =	vld [tilespmem:$0x1FE40]  }
0x7e1: {  	v19 =	vld.idx.msk [tilespmem:v19+s4+$0x0], $0xffff;
	v22 =	vsel vm2, v28, v22  }
0x7e2: {  	v24 =	vor.u32 $0x2, v22;
	v28 =	vld.idx.msk [tilespmem:v25+s4+$0x0], $0xffff  }
0x7e3: {  	vm0 =	vlt.f32 v50, v1;
	v62 =	vld.idx.msk [tilespmem:v14+s4+$0x0], $0xffff  }
0x7e4: {  	vm1 =	vlt.f32 v50, v2;
	v41 =	vsel vm0, v52, v55;
	v42 =	vld.idx.msk [tilespmem:v3+s4+$0x0], $0xffff  }
0x7e5: {  	v45 =	vsel vm1, v52, v55;
	v43 =	vld.idx.msk [tilespmem:v17+s4+$0x0], $0xffff;
	v40 =	vsel vm0, v54, v53;
	vm0 =	vlt.f32 v41, v1  }
0x7e6: {  	v33 =	vld.idx.msk [tilespmem:v33+s4+$0x0], $0xffff;
	v3 =	vsel vm1, v54, v53;
	vm1 =	vlt.f32 v45, v2;
	v47 =	vor.u32 $0x8, v40  }
0x7e7: {  	[tilespmem:s29+$0x50] =	vst v19;
	v19 =	vld.idx.msk [tilespmem:v24+s4+$0x0], $0xffff;
	v48 =	vor.u32 $0x8, v3;
	v34 =	vsel vm0, v47, v40;
	vm0 =	vlt.f32 v28, v15  }
0x7e8: {  	v35 =	vsel vm1, v48, v3;
	v3 =	vld [tilespmem:s13+$0x60];
	v16 =	vsel vm0, v25, v16  }
0x7e9: {  	v15 =	vld.idx.msk [tilespmem:v29+s4+$0x0], $0xffff;
	v16 =	vadd.s32 $0x20, v16  }
0x7ea: {  	vm1 =	vlt.f32 v62, v12;
	v29 =	vld.idx.msk [tilespmem:v30+s4+$0x0], $0xffff;
	[tilespmem:s30+$0xC0] =	vst v42  }
0x7eb: {  	v23 =	vsel vm1, v14, v23;
	vm0 =	vlt.f32 v43, v13;
	v14 =	vld [tilespmem:s31+$0xD0]  }
0x7ec: {  	v32 =	vadd.s32 $0x1, v23;
	v17 =	vsel vm0, v17, v20;
	vm0 =	vlt.f32 v19, v11;
	v62 =	vld [tilespmem:$0x1FC80]  }
0x7ed: {  	v6 =	vor.u32 $0x4, v5;
	v45 =	vld [tilespmem:$0x1FE30];
	v19 =	vadd.s32 $0x1, v17;
	v22 =	vsel vm0, v24, v22  }
0x7ee: {  	v10 =	vand.u32 $0x5C, v6;
	vm0 =	vlt.f32 v15, v7;
	v37 =	vadd.s32 $0x1, v22;
	v15 =	vld.idx.msk [tilespmem:v16+s4+$0x0], $0xffff  }
0x7ef: {  	v10 =	vor.u32 v4, v10;
	v47 =	vld [tilespmem:$0x1FCD0]  }
0x7f0: {  	v4 =	vld [tilespmem:$0x1FC30];
	vm1 =	vlt.f32 v50, v3;
	v16 =	vsel vm0, v26, v0;
	vm0 =	vlt.f32 v29, v8  }
0x7f1: {  	v24 =	vsel vm1, v54, v53;
	v0 =	vld.idx.msk [tilespmem:v32+s4+$0x0], $0xffff;
	v21 =	vsel vm0, v27, v21  }
0x7f2: {  	v51 =	vsel vm1, v52, v55;
	vm1 =	vlt.f32 v33, v9;
	v33 =	vld.idx.msk [tilespmem:v19+s4+$0x0], $0xffff;
	v38 =	vor.u32 $0x2, v21  }
0x7f3: {  	v39 =	vld.idx.msk [tilespmem:v37+s4+$0x0], $0xffff;
	v40 =	vand.u32 $0x13FF, v38;
	[tilespmem:s2+$0x90] =	vst v15  }
0x7f4: {  	v18 =	vsel vm1, v31, v18;
	v43 =	vor.u32 $0x8, v24;
	vm0 =	vlt.f32 v62, v14;
	v15 =	vld [tilespmem:s0+$0xA0]  }
0x7f5: {  	v26 =	vor.u32 $0x2, v16;
	v27 =	vsel vm0, v45, v44;
	v29 =	vsel vm0, v47, v4;
	v48 =	vld [tilespmem:$0x1FEE0]  }
0x7f6: {  	v49 =	vmovc v50;
	vm0 =	vlt.f32 v29, v14;
	v29 =	vor.u32 $0x8, v27;
	vm1 =	vlt.f32 v0, v12;
	v50 =	vld [tilespmem:$0x1FEF0]  }
0x7f7: {  	v27 =	vsel vm0, v29, v27;
	vm0 =	vlt.f32 v51, v3;
	v23 =	vsel vm1, v32, v23;
	v51 =	vld [tilespmem:$0x1FD70]  }
0x7f8: {  	vm1 =	vlt.f32 v33, v13;
	v13 =	vsel vm0, v43, v24;
	vm0 =	vlt.f32 v39, v11;
	v11 =	vld.idx.msk [tilespmem:v40+s4+$0x0], $0xffff  }
0x7f9: {  	v31 =	vand.u32 $0x13FF, v26;
	v29 =	vor.u32 $0x2, v18;
	v39 =	vld [tilespmem:$0x1FF30]  }
0x7fa: {  	v41 =	vor.u32 $0x4, v27;
	v36 =	vand.u32 $0x13FF, v29;
	v40 =	vld [tilespmem:$0x1FE20]  }
0x7fb: {  	v42 =	vand.u32 $0x5C, v41;
	v22 =	vsel vm0, v37, v22;
	v37 =	vld [tilespmem:$0x1FD40]  }
0x7fc: {  	v28 =	vor.u32 $0x4, v34;
	v0 =	vor.u32 v48, v42;
	v42 =	vld [tilespmem:$0x1FD10]  }
0x7fd: {  	v10 =	vld.idx.msk [tilespmem:v10+s4+$0x0], $0xffff;
	v25 =	vor.u32 $0x4, v35;
	v23 =	vadd.s32 $0x20, v23;
	v17 =	vsel vm1, v19, v17  }
0x7fe: {  	v30 =	vand.u32 $0x5C, v28;
	v19 =	vld.idx.msk [tilespmem:v31+s4+$0x0], $0xffff;
	v24 =	vor.u32 $0x4, v13;
	v17 =	vadd.s32 $0x20, v17  }
0x7ff: {  	v20 =	vand.u32 $0x5C, v25;
	v43 =	vand.u32 $0x5C, v24;
	v12 =	vor.u32 v50, v30;
	v30 =	vld.idx.msk [tilespmem:v36+s4+$0x0], $0xffff  }
0x800: {  	v20 =	vor.u32 v50, v20;
	v33 =	vor.u32 v50, v43;
	v43 =	vld [tilespmem:$0x1FF40];
	vm0 =	vlt.f32 v37, v15  }
0x801: {  	v22 =	vadd.s32 $0x20, v22;
	v31 =	vsel vm0, v40, v39;
	v36 =	vsel vm0, v51, v42;
	v0 =	vld.idx.msk [tilespmem:v0+s4+$0x0], $0xffff  }
0x802: {  	v23 =	vld.idx.msk [tilespmem:v23+s4+$0x0], $0xffff;
	vm0 =	vlt.f32 v36, v15;
	v36 =	vor.u32 $0x8, v31  }
0x803: {  	v17 =	vld.idx.msk [tilespmem:v17+s4+$0x0], $0xffff;
	v31 =	vsel vm0, v36, v31  }
0x804: {  	v12 =	vld.idx.msk [tilespmem:v12+s4+$0x0], $0xffff;
	v32 =	vor.u32 $0x4, v31  }
0x805: {  	v20 =	vld.idx.msk [tilespmem:v20+s4+$0x0], $0xffff;
	[tilespmem:$0x1FA40] =	vst v46;
	v36 =	vand.u32 $0x5C, v32  }
0x806: {  	vm0 =	vlt.f32 v10, v46;
	v10 =	vld.idx.msk [tilespmem:v22+s4+$0x0], $0xffff;
	v22 =	vor.u32 v43, v36;
	vm1 =	vlt.f32 v0, v14  }
0x807: {  	v0 =	vsel vm0, v6, v5;
	vm0 =	vlt.f32 v19, v7;
	v19 =	vsel vm1, v41, v27  }
0x808: {  	[tilespmem:s2+$0xFFFFFF10] =	vst v23;
	v5 =	vor.u32 $0x2, v0;
	v16 =	vsel vm0, v26, v16;
	v26 =	vld.idx.msk [tilespmem:v33+s4+$0x0], $0xffff;
	vm0 =	vlt.f32 v11, v8  }
0x809: {  	[tilespmem:s2+$0xFFFFFF90] =	vst v17;
	vm1 =	vlt.f32 v30, v9;
	v11 =	vld [tilespmem:s0+$0xFFFFFF20];
	v23 =	vor.u32 $0x2, v19;
	v21 =	vsel vm0, v38, v21  }
0x80a: {  	v6 =	vld [tilespmem:s0+$0xFFFFFFA0];
	v18 =	vsel vm1, v29, v18;
	vm0 =	vlt.f32 v12, v1;
	v17 =	vand.u32 $0x17FF, v23  }
0x80b: {  	v12 =	vadd.s32 $0x1, v16;
	[tilespmem:s2+$0x10] =	vst v10;
	v27 =	vsel vm0, v28, v34;
	vm0 =	vlt.f32 v20, v2;
	v20 =	vld.idx.msk [tilespmem:v22+s4+$0x0], $0xffff  }
0x80c: {  	v10 =	vld [tilespmem:s0+$0x20];
	v29 =	vadd.s32 $0x1, v18;
	v28 =	vor.u32 $0x2, v27;
	v25 =	vsel vm0, v25, v35  }
0x80d: {  	v22 =	vadd.s32 $0x1, v21;
	v30 =	vand.u32 $0x1BFF, v28;
	v33 =	vor.u32 $0x2, v25  }
0x80e: {  	vm0 =	vlt.f32 v26, v3;
	v26 =	vand.u32 $0x1BFF, v33;
	vm1 =	vlt.f32 v37, v11  }
0x80f: {  	v34 =	vsel vm1, v40, v39;
	v41 =	vsel vm1, v51, v42;
	vm1 =	vlt.f32 v37, v6;
	v17 =	vld.idx.msk [tilespmem:v17+s4+$0x0], $0xffff  }
0x810: {  	vm2 =	vlt.f32 v41, v11;
	v35 =	vsel vm1, v40, v39;
	vm3 =	vlt.f32 v20, v15  }
0x811: {  	v20 =	vsel vm1, v51, v42;
	vm1 =	vlt.f32 v37, v10;
	v31 =	vsel vm3, v32, v31  }
0x812: {  	v32 =	vor.u32 $0x8, v34;
	v36 =	vsel vm1, v40, v39;
	v51 =	vsel vm1, v51, v42  }
0x813: {  	v38 =	vld.idx.msk [tilespmem:v12+s4+$0x0], $0xffff;
	vm3 =	vlt.f32 v20, v6;
	v37 =	vor.u32 $0x2, v31;
	v42 =	vor.u32 $0x8, v36  }
0x814: {  	v40 =	vand.u32 $0xBFF, v37;
	vm1 =	vlt.f32 v17, v14;
	v17 =	vor.u32 $0x8, v35  }
0x815: {  	v20 =	vld.idx.msk [tilespmem:v22+s4+$0x0], $0xffff;
	v19 =	vsel vm1, v23, v19;
	vm1 =	vlt.f32 v51, v10;
	v23 =	vsel vm2, v32, v34  }
0x816: {  	v34 =	vld.idx.msk [tilespmem:v29+s4+$0x0], $0xffff;
	v17 =	vsel vm3, v17, v35;
	v32 =	vadd.s32 $0x1, v19;
	v35 =	vor.u32 $0x4, v23  }
0x817: {  	v36 =	vsel vm1, v42, v36;
	v39 =	vor.u32 $0x4, v17;
	v51 =	vand.u32 $0x5C, v35  }
0x818: {  	vm1 =	vlt.f32 v38, v7;
	v7 =	vld.idx.msk [tilespmem:v5+s4+$0x0], $0xffff;
	v42 =	vand.u32 $0x5C, v39;
	v41 =	vor.u32 v43, v51  }
0x819: {  	v12 =	vsel vm1, v12, v16;
	v51 =	vor.u32 $0x4, v36;
	v42 =	vor.u32 v43, v42;
	v40 =	vld.idx.msk [tilespmem:v40+s4+$0x0], $0xffff  }
0x81a: {  	vm1 =	vlt.f32 v20, v8;
	v20 =	vld.idx.msk [tilespmem:v30+s4+$0x0], $0xffff;
	v8 =	vadd.s32 $0x20, v12;
	v16 =	vand.u32 $0x5C, v51  }
0x81b: {  	v16 =	vor.u32 v43, v16;
	vm2 =	vlt.f32 v34, v9;
	v9 =	vsel vm1, v22, v21;
	v12 =	vld.idx.msk [tilespmem:v32+s4+$0x0], $0xffff  }
0x81c: {  	v21 =	vld.idx.msk [tilespmem:v26+s4+$0x0], $0xffff;
	v9 =	vadd.s32 $0x20, v9  }
0x81d: {  	v13 =	vsel vm0, v24, v13;
	v18 =	vsel vm2, v29, v18;
	v24 =	vld.idx.msk [tilespmem:v41+s4+$0x0], $0xffff  }
0x81e: {  	v22 =	vor.u32 $0x2, v13;
	v18 =	vadd.s32 $0x20, v18;
	v29 =	vld.idx.msk [tilespmem:v42+s4+$0x0], $0xffff;
	vm0 =	vlt.f32 v40, v15  }
0x81f: {  	v26 =	vand.u32 $0x1BFF, v22;
	v8 =	vld.idx.msk [tilespmem:v8+s4+$0x0], $0xffff;
	v30 =	vsel vm0, v37, v31  }
0x820: {  	v31 =	vadd.s32 $0x1, v30;
	vm0 =	vlt.f32 v12, v14;
	v12 =	vld.idx.msk [tilespmem:v16+s4+$0x0], $0xffff  }
0x821: {  	v16 =	vld.idx.msk [tilespmem:v9+s4+$0x0], $0xffff  }
0x822: {  	vm2 =	vlt.f32 v20, v1;
	vm3 =	vlt.f32 v21, v2;
	v14 =	vsel vm0, v32, v19  }
0x823: {  	v25 =	vsel vm3, v33, v25;
	v18 =	vld.idx.msk [tilespmem:v18+s4+$0x0], $0xffff;
	v14 =	vadd.s32 $0x20, v14;
	vm1 =	vlt.f32 v24, v11  }
0x824: {  	vm0 =	vlt.f32 v7, v46;
	v7 =	vld.idx.msk [tilespmem:v26+s4+$0x0], $0xffff;
	v19 =	vsel vm1, v35, v23;
	vm1 =	vlt.f32 v29, v6  }
0x825: {  	v32 =	vadd.s32 $0x1, v25;
	[tilespmem:s30+$0xFFFFFF40] =	vst v8;
	v20 =	vor.u32 $0x2, v19;
	v17 =	vsel vm1, v39, v17;
	v23 =	vld.idx.msk [tilespmem:v31+s4+$0x0], $0xffff  }
0x826: {  	v9 =	vld [tilespmem:s31+$0xFFFFFF50];
	vm1 =	vlt.f32 v12, v10;
	v12 =	vand.u32 $0xBFF, v20;
	v24 =	vor.u32 $0x2, v17;
	[tilespmem:s30+$0xFFFFFFC0] =	vst v16  }
0x827: {  	v26 =	vand.u32 $0xBFF, v24;
	v8 =	vld [tilespmem:s31+$0xFFFFFFD0]  }
0x828: {  	v0 =	vsel vm0, v5, v0;
	v21 =	vsel vm1, v51, v36;
	[tilespmem:s30+$0x40] =	vst v18;
	v14 =	vld.idx.msk [tilespmem:v14+s4+$0x0], $0xffff  }
0x829: {  	v16 =	vsel vm2, v28, v27;
	vm1 =	vlt.f32 v7, v3;
	v27 =	vor.u32 $0x2, v21;
	v7 =	vld [tilespmem:s31+$0x50]  }
0x82a: {  	v46 =	vld.idx.msk [tilespmem:v32+s4+$0x0], $0xffff;
	v13 =	vsel vm1, v22, v13;
	v29 =	vand.u32 $0xBFF, v27;
	vm1 =	vlt.f32 v23, v15  }
0x82b: {  	v28 =	vadd.s32 $0x1, v16;
	v12 =	vld.idx.msk [tilespmem:v12+s4+$0x0], $0xffff;
	v15 =	vadd.s32 $0x1, v13;
	v18 =	vsel vm1, v31, v30  }
0x82c: {  	vm1 =	vlt.f32 v62, v9;
	v22 =	vld.idx.msk [tilespmem:v26+s4+$0x0], $0xffff;
	vm2 =	vlt.f32 v62, v8;
	v23 =	vadd.s32 $0x20, v18  }
0x82d: {  	v26 =	vsel vm1, v45, v44;
	v18 =	vsel vm1, v47, v4;
	[tilespmem:s30+$0xD0] =	vst v14;
	v30 =	vsel vm2, v45, v44  }
0x82e: {  	v31 =	vsel vm2, v47, v4;
	vm2 =	vlt.f32 v62, v7;
	vm1 =	vlt.f32 v18, v9;
	v18 =	vld [tilespmem:s31+$0xE0]  }
0x82f: {  	v14 =	vor.u32 $0x8, v26;
	v29 =	vld.idx.msk [tilespmem:v29+s4+$0x0], $0xffff;
	vm3 =	vlt.f32 v31, v8;
	v51 =	vsel vm2, v47, v4  }
0x830: {  	v31 =	vsel vm2, v45, v44;
	vm8 =	vlt.f32 v51, v7;
	v14 =	vsel vm1, v14, v26  }
0x831: {  	vm1 =	vlt.f32 v46, v2;
	vm2 =	vlt.f32 v12, v11;
	v12 =	vor.u32 $0x8, v30  }
0x832: {  	v33 =	vsel vm2, v20, v19;
	vm2 =	vlt.f32 v22, v6;
	v19 =	vor.u32 $0x8, v31  }
0x833: {  	v62 =	vadd.s32 $0x1, v33;
	v17 =	vsel vm2, v24, v17;
	v22 =	vld.idx.msk [tilespmem:v23+s4+$0x0], $0xffff;
	vm2 =	vlt.f32 v49, v18  }
0x834: {  	vm9 =	vlt.f32 v29, v10;
	v20 =	vsel vm2, v54, v53;
	v23 =	vsel vm2, v52, v55  }
0x835: {  	v24 =	vsel vm9, v27, v21;
	vm2 =	vlt.f32 v23, v18;
	v21 =	vor.u32 $0x8, v20  }
0x836: {  	v29 =	vadd.s32 $0x1, v17;
	v27 =	vld.idx.msk [tilespmem:v28+s4+$0x0], $0xffff;
	v44 =	vadd.s32 $0x1, v24;
	v45 =	vsel vm2, v21, v20  }
0x837: {  	v26 =	vld.idx.msk [tilespmem:v15+s4+$0x0], $0xffff;
	v21 =	vsel vm3, v12, v30;
	v20 =	vsel vm8, v19, v31;
	v30 =	vor.u32 $0x4, v14  }
0x838: {  	v12 =	vor.u32 $0x4, v45;
	v31 =	vld.idx.msk [tilespmem:v62+s4+$0x0], $0xffff;
	[tilespmem:s2+$0xA0] =	vst v22;
	v22 =	vor.u32 $0x4, v21;
	v47 =	vand.u32 $0x5C, v30  }
0x839: {  	v23 =	vor.u32 $0x4, v20;
	v19 =	vand.u32 $0x5C, v12;
	v55 =	vand.u32 $0x5C, v22;
	v4 =	vld [tilespmem:$0x1FC10]  }
0x83a: {  	v38 =	vor.u32 v48, v47;
	v5 =	vand.u32 $0x5C, v23;
	v49 =	vor.u32 v50, v19;
	v19 =	vld [tilespmem:s0+$0xB0]  }
0x83b: {  	[tilespmem:$0x1FA50] =	vst v0;
	v40 =	vor.u32 v48, v55;
	vm0 =	vlt.f32 v27, v1;
	v55 =	vadd.s32 $0x1, v0;
	v0 =	vld [tilespmem:$0x1FC60]  }
0x83c: {  	v2 =	vor.u32 v48, v5;
	v5 =	vld [tilespmem:$0x1FCB0];
	v16 =	vsel vm0, v28, v16;
	vm0 =	vlt.f32 v26, v3  }
0x83d: {  	v13 =	vsel vm0, v15, v13;
	vm0 =	vlt.f32 v31, v11;
	v11 =	vld [tilespmem:$0x1FF50]  }
0x83e: {  	v1 =	vld.idx.msk [tilespmem:v29+s4+$0x0], $0xffff  }
0x83f: {  	v25 =	vsel vm1, v32, v25;
	v27 =	vld.idx.msk [tilespmem:v44+s4+$0x0], $0xffff  }
0x840: {  	v3 =	vadd.s32 $0x20, v25;
	v25 =	vld.idx.msk [tilespmem:v38+s4+$0x0], $0xffff  }
0x841: {  	v28 =	vadd.s32 $0x20, v16;
	v16 =	vld.idx.msk [tilespmem:v49+s4+$0x0], $0xffff;
	vm1 =	vlt.f32 v0, v19  }
0x842: {  	v26 =	vadd.s32 $0x20, v13;
	v49 =	vld [tilespmem:$0x1FF60];
	v13 =	vsel vm1, v5, v4;
	v11 =	vsel vm1, v61, v11  }
0x843: {  	v31 =	vld.idx.msk [tilespmem:v40+s4+$0x0], $0xffff;
	vm2 =	vlt.f32 v13, v19;
	vm1 =	vlt.f32 v1, v6;
	v1 =	vor.u32 $0x8, v11  }
0x844: {  	s17 =	simm.s32 $0x6700;
	v2 =	vld.idx.msk [tilespmem:v2+s4+$0x0], $0xffff;
	v6 =	vsel vm0, v62, v33;
	v1 =	vsel vm2, v1, v11  }
0x845: {  	vm0 =	vlt.f32 v27, v10;
	v13 =	vsel vm1, v29, v17;
	v17 =	vld [tilespmem:s17+$0x80];
	v27 =	vor.u32 $0x4, v1  }
0x846: {  	v6 =	vadd.s32 $0x20, v6;
	v11 =	vld [tilespmem:s17+$0xFFFFFF80];
	v15 =	vand.u32 $0x5C, v27  }
0x847: {  	v10 =	vld [tilespmem:s17+$0x0];
	v24 =	vsel vm0, v44, v24;
	vm1 =	vlt.f32 v25, v9;
	v29 =	vor.u32 v49, v15  }
0x848: {  	v13 =	vadd.s32 $0x20, v13;
	vm0 =	vlt.f32 v16, v18;
	v24 =	vadd.s32 $0x20, v24  }
0x849: {  	v16 =	vsel vm1, v30, v14;
	vm1 =	vlt.f32 v31, v8;
	v25 =	vsel vm0, v12, v45  }
0x84a: {  	vm0 =	vlt.f32 v2, v7;
	v30 =	vor.u32 $0x2, v25;
	v15 =	vld [tilespmem:s17+$0xFFFFFF00];
	vm2 =	vlt.f32 v57, v17  }
0x84b: {  	v2 =	vand.u32 $0x1BFF, v30;
	v6 =	vld.idx.msk [tilespmem:v6+s4+$0x0], $0xffff;
	vm3 =	vlt.f32 v57, v11;
	v14 =	vsel vm2, v63, v60  }
0x84c: {  	v12 =	vsel vm2, v58, v59;
	vm2 =	vlt.f32 v57, v10;
	vm10 =	vlt.f32 v14, v17;
	v29 =	vld.idx.msk [tilespmem:v29+s4+$0x0], $0xffff  }
0x84d: {  	v24 =	vld.idx.msk [tilespmem:v24+s4+$0x0], $0xffff;
	v14 =	vor.u32 $0x8, v12;
	v31 =	vsel vm3, v58, v59;
	v44 =	vsel vm3, v63, v60  }
0x84e: {  	v13 =	vld.idx.msk [tilespmem:v13+s4+$0x0], $0xffff;
	v45 =	vsel vm2, v58, v59;
	v47 =	vsel vm2, v63, v60;
	v32 =	vsel vm10, v14, v12  }
0x84f: {  	v28 =	vld.idx.msk [tilespmem:v28+s4+$0x0], $0xffff;
	vm2 =	vlt.f32 v44, v11;
	vm11 =	vlt.f32 v57, v15;
	v62 =	vor.u32 $0x4, v32  }
0x850: {  	vm13 =	vlt.f32 v47, v10;
	v2 =	vld.idx.msk [tilespmem:v2+s4+$0x0], $0xffff;
	v12 =	vsel vm11, v58, v59;
	v46 =	vand.u32 $0x5C, v62  }
0x851: {  	v14 =	vsel vm11, v63, v60;
	[tilespmem:s2+$0xFFFFFF20] =	vst v6;
	v36 =	vor.u32 v56, v46;
	vm12 =	vlt.f32 v29, v19  }
0x852: {  	v6 =	vor.u32 $0x8, v31;
	vm3 =	vlt.f32 v14, v15;
	v14 =	vld [tilespmem:s0+$0xFFFFFF30];
	[tilespmem:s2+$0x20] =	vst v24;
	v1 =	vsel vm12, v27, v1  }
0x853: {  	[tilespmem:s2+$0xFFFFFFA0] =	vst v13;
	v24 =	vor.u32 $0x8, v45;
	v6 =	vsel vm2, v6, v31;
	v13 =	vld [tilespmem:s0+$0x30];
	v29 =	vor.u32 $0x2, v1  }
0x854: {  	v48 =	vor.u32 $0x8, v12;
	v24 =	vsel vm13, v24, v45;
	v34 =	vor.u32 $0x4, v6;
	v51 =	vld [tilespmem:$0x1FF50]  }
0x855: {  	v53 =	vmovc v50;
	v50 =	vand.u32 $0x5C, v34;
	vm2 =	vlt.f32 v2, v18;
	v27 =	vsel vm3, v48, v12;
	v12 =	vld [tilespmem:s0+$0xFFFFFFB0]  }
0x856: {  	v37 =	vor.u32 v56, v50;
	v25 =	vsel vm2, v30, v25;
	v31 =	vor.u32 $0x4, v27;
	v36 =	vld.idx.msk [tilespmem:v36+s4+$0x0], $0xffff  }
0x857: {  	v58 =	vld [tilespmem:$0x1FF50];
	v35 =	vor.u32 $0x4, v24;
	v38 =	vadd.s32 $0x1, v25;
	v2 =	vand.u32 $0x5C, v31  }
0x858: {  	v30 =	vand.u32 $0x5C, v35;
	v2 =	vor.u32 v56, v2;
	v52 =	vld.idx.msk [tilespmem:v29+s4+$0x0], $0xffff  }
0x859: {  	v26 =	vld.idx.msk [tilespmem:v26+s4+$0x0], $0xffff;
	vm2 =	vlt.f32 v0, v14;
	v30 =	vor.u32 v56, v30  }
0x85a: {  	v60 =	vld [tilespmem:$0x1FF50];
	v39 =	vsel vm2, v61, v51;
	vm14 =	vlt.f32 v0, v13  }
0x85b: {  	v57 =	vsel vm2, v5, v4;
	v37 =	vld.idx.msk [tilespmem:v37+s4+$0x0], $0xffff;
	vm3 =	vlt.f32 v0, v12;
	vm2 =	vlt.f32 v36, v17  }
0x85c: {  	v42 =	vsel vm3, v61, v58;
	v59 =	vsel vm3, v5, v4;
	v63 =	vld.idx.msk [tilespmem:v38+s4+$0x0], $0xffff;
	v32 =	vsel vm2, v62, v32  }
0x85d: {  	vm2 =	vlt.f32 v57, v14;
	v62 =	vor.u32 $0x8, v39;
	v2 =	vld.idx.msk [tilespmem:v2+s4+$0x0], $0xffff;
	vm15 =	vlt.f32 v52, v19  }
0x85e: {  	v30 =	vld.idx.msk [tilespmem:v30+s4+$0x0], $0xffff;
	v56 =	vor.u32 $0x2, v32;
	v33 =	vsel vm2, v62, v39;
	v29 =	vsel vm15, v29, v1  }
0x85f: {  	v36 =	vsel vm14, v61, v60;
	v40 =	vor.u32 $0x4, v33;
	v1 =	vld.idx.msk [tilespmem:v3+s4+$0x0], $0xffff;
	v52 =	vadd.s32 $0x1, v29  }
0x860: {  	[tilespmem:s29+$0xFFFFFF60] =	vst v28;
	v61 =	vsel vm14, v5, v4;
	vm3 =	vlt.f32 v59, v12;
	v3 =	vand.u32 $0x5C, v40  }
0x861: {  	[tilespmem:s29+$0x60] =	vst v26;
	v4 =	vld [tilespmem:s13+$0xFFFFFF70];
	v50 =	vor.u32 $0x8, v42;
	vm2 =	vlt.f32 v63, v18;
	v18 =	vor.u32 v49, v3  }
0x862: {  	v60 =	vld [tilespmem:s13+$0x70];
	v39 =	vsel vm3, v50, v42;
	vm3 =	vlt.f32 v2, v15  }
0x863: {  	v58 =	vld.idx.msk [tilespmem:v56+s4+$0x0], $0xffff;
	v2 =	vsel vm2, v38, v25;
	vm2 =	vlt.f32 v37, v11;
	v25 =	vsel vm3, v31, v27  }
0x864: {  	vm3 =	vlt.f32 v30, v10;
	v30 =	vsel vm2, v34, v6;
	[tilespmem:s29+$0xFFFFFFE0] =	vst v1;
	v6 =	vld.idx.msk [tilespmem:v52+s4+$0x0], $0xffff  }
0x865: {  	v63 =	vld [tilespmem:s13+$0xFFFFFFF0]  }
0x866: {  	vm4 =	vlt.f32 v61, v13;
	v51 =	vor.u32 $0x8, v36;
	v27 =	vadd.s32 $0x20, v2;
	v18 =	vld.idx.msk [tilespmem:v18+s4+$0x0], $0xffff  }
0x867: {  	v21 =	vsel vm1, v22, v21;
	v20 =	vsel vm0, v23, v20;
	v36 =	vsel vm4, v51, v36;
	v1 =	vld [tilespmem:$0x1FCA0]  }
0x868: {  	v43 =	vor.u32 $0x4, v39;
	v44 =	vor.u32 $0x4, v36;
	v28 =	vor.u32 $0x2, v25;
	v5 =	vld [tilespmem:$0x1FFF0]  }
0x869: {  	v57 =	vand.u32 $0x5C, v43;
	v24 =	vsel vm3, v35, v24;
	v26 =	vor.u32 $0x2, v30;
	v3 =	vld [tilespmem:$0x1FFD0]  }
0x86a: {  	v59 =	vand.u32 $0x5C, v44;
	v34 =	vor.u32 $0x2, v24;
	v2 =	vld [tilespmem:$0x1FCF0];
	vm0 =	vlt.f32 v6, v19  }
0x86b: {  	v31 =	vor.u32 v49, v57;
	vm1 =	vlt.f32 v58, v17;
	v27 =	vld.idx.msk [tilespmem:v27+s4+$0x0], $0xffff;
	v6 =	vsel vm0, v52, v29  }
0x86c: {  	v61 =	vor.u32 v49, v59;
	v22 =	vsel vm1, v56, v32;
	v42 =	vadd.s32 $0x20, v6;
	v6 =	vld [tilespmem:$0x1FC50]  }
0x86d: {  	v38 =	vadd.s32 $0x1, v22;
	v62 =	vld.idx.msk [tilespmem:v28+s4+$0x0], $0xffff  }
0x86e: {  	v23 =	vor.u32 $0x2, v21;
	v37 =	vor.u32 $0x2, v16;
	v32 =	vor.u32 $0x2, v20;
	v19 =	vld.idx.msk [tilespmem:v26+s4+$0x0], $0xffff;
	[tilespmem:$0x1FA60] =	vst v4  }
0x86f: {  	v45 =	vand.u32 $0x17FF, v37;
	v56 =	vand.u32 $0x17FF, v23;
	v57 =	vand.u32 $0x17FF, v32;
	v29 =	vld.idx.msk [tilespmem:v34+s4+$0x0], $0xffff  }
0x870: {  	vm1 =	vlt.f32 v1, v4;
	vm2 =	vlt.f32 v1, v60;
	vm0 =	vlt.f32 v1, v63;
	v31 =	vld.idx.msk [tilespmem:v31+s4+$0x0], $0xffff  }
0x871: {  	v48 =	vsel vm1, v5, v3;
	v35 =	vld.idx.msk [tilespmem:v61+s4+$0x0], $0xffff;
	v51 =	vsel vm2, v5, v3;
	v58 =	vsel vm1, v2, v6  }
0x872: {  	v59 =	vld.idx.msk [tilespmem:v38+s4+$0x0], $0xffff;
	vm1 =	vlt.f32 v18, v14;
	v18 =	vsel vm0, v5, v3;
	v50 =	vsel vm0, v2, v6  }
0x873: {  	[tilespmem:s30+$0xE0] =	vst v27;
	vm0 =	vlt.f32 v62, v15;
	v52 =	vsel vm2, v2, v6;
	v33 =	vsel vm1, v40, v33  }
0x874: {  	v62 =	vld [tilespmem:s31+$0xF0];
	v25 =	vsel vm0, v28, v25;
	vm1 =	vlt.f32 v19, v11;
	v41 =	vor.u32 $0x2, v33  }
0x875: {  	vm2 =	vlt.f32 v31, v12;
	v31 =	vld.idx.msk [tilespmem:v56+s4+$0x0], $0xffff;
	v28 =	vadd.s32 $0x1, v25;
	v30 =	vsel vm1, v26, v30  }
0x876: {  	vm1 =	vlt.f32 v29, v10;
	v26 =	vld.idx.msk [tilespmem:v42+s4+$0x0], $0xffff;
	v29 =	vadd.s32 $0x1, v30  }
0x877: {  	v19 =	vld.idx.msk [tilespmem:v45+s4+$0x0], $0xffff  }
0x878: {  	v24 =	vsel vm1, v34, v24;
	vm1 =	vlt.f32 v35, v13;
	v35 =	vld.idx.msk [tilespmem:v57+s4+$0x0], $0xffff  }
0x879: {  	v61 =	vld.idx.msk [tilespmem:v41+s4+$0x0], $0xffff  }
0x87a: {  	v34 =	vsel vm2, v43, v39;
	vm2 =	vlt.f32 v59, v17;
	v49 =	vld.idx.msk [tilespmem:v28+s4+$0x0], $0xffff  }
0x87b: {  	vm0 =	vlt.f32 v58, v4;
	v22 =	vsel vm2, v38, v22;
	[tilespmem:s2+$0xB0] =	vst v26;
	v58 =	vld.idx.msk [tilespmem:v29+s4+$0x0], $0xffff  }
0x87c: {  	v36 =	vsel vm1, v44, v36;
	vm1 =	vlt.f32 v1, v62;
	v57 =	vadd.s32 $0x20, v22;
	v22 =	vld [tilespmem:s0+$0xC0]  }
0x87d: {  	v39 =	vadd.s32 $0x1, v24;
	v17 =	vsel vm1, v5, v3;
	v47 =	vsel vm1, v2, v6;
	v1 =	vld [tilespmem:$0x1FFC0]  }
0x87e: {  	vm1 =	vlt.f32 v47, v62;
	v56 =	vor.u32 $0x8, v17;
	v6 =	vld [tilespmem:$0x1FC70]  }
0x87f: {  	v42 =	vor.u32 $0x2, v34;
	v59 =	vor.u32 $0x2, v36;
	v17 =	vsel vm1, v56, v17;
	v44 =	vld [tilespmem:$0x1FFE0]  }
0x880: {  	vm2 =	vlt.f32 v31, v8;
	vm1 =	vlt.f32 v19, v9;
	v43 =	vld [tilespmem:$0x1FF80];
	v19 =	vor.u32 $0x4, v17  }
0x881: {  	v21 =	vsel vm2, v23, v21;
	v45 =	vld [tilespmem:$0x1FC20];
	v16 =	vsel vm1, v37, v16;
	v26 =	vand.u32 $0x5C, v19  }
0x882: {  	v31 =	vld.idx.msk [tilespmem:v39+s4+$0x0], $0xffff;
	vm1 =	vlt.f32 v35, v7;
	vm3 =	vlt.f32 v61, v14;
	v23 =	vor.u32 v1, v26  }
0x883: {  	v33 =	vsel vm3, v41, v33;
	v26 =	vsel vm1, v32, v20;
	vm1 =	vlt.f32 v49, v15;
	v15 =	vld.idx.msk [tilespmem:v57+s4+$0x0], $0xffff  }
0x884: {  	v49 =	vld [tilespmem:$0x1FCC0];
	v20 =	vadd.s32 $0x1, v33;
	_ =	sdelay $0x1  }
0x885: {  	v61 =	vld.idx.msk [tilespmem:v42+s4+$0x0], $0xffff  }
0x886: {  	vm2 =	vlt.f32 v58, v11;
	v11 =	vsel vm1, v28, v25;
	v28 =	vld.idx.msk [tilespmem:v59+s4+$0x0], $0xffff;
	vm1 =	vlt.f32 v6, v22  }
0x887: {  	s13 =	simm.s32 $0xE700;
	v25 =	vsel vm2, v29, v30;
	v29 =	vsel vm1, v44, v43;
	v23 =	vld.idx.msk [tilespmem:v23+s4+$0x0], $0xffff  }
0x888: {  	v37 =	vadd.s32 $0x1, v16;
	v30 =	vsel vm1, v49, v45;
	vm1 =	vlt.f32 v31, v10;
	[tilespmem:s13+$0x80] =	vst v15;
	v31 =	vld.idx.msk [tilespmem:v20+s4+$0x0], $0xffff  }
0x889: {  	vm2 =	vlt.f32 v30, v22;
	v30 =	vadd.s32 $0x20, v25;
	v25 =	vld [tilespmem:s17+$0x90]  }
0x88a: {  	v47 =	vld [tilespmem:$0x1FF90]  }
0x88b: {  	v56 =	vadd.s32 $0x1, v21;
	v2 =	vld [tilespmem:$0x1FD30]  }
0x88c: {  	v10 =	vor.u32 $0x8, v29;
	v3 =	vld [tilespmem:$0x1FE10]  }
0x88d: {  	v11 =	vadd.s32 $0x20, v11;
	v29 =	vsel vm2, v10, v29;
	v10 =	vld.idx.msk [tilespmem:v37+s4+$0x0], $0xffff  }
0x88e: {  	v5 =	vld [tilespmem:$0x1FD60]  }
0x88f: {  	v24 =	vsel vm1, v39, v24;
	vm1 =	vlt.f32 v61, v12;
	v4 =	vld [tilespmem:$0x1FD00];
	vm2 =	vlt.f32 v28, v13  }
0x890: {  	v24 =	vadd.s32 $0x20, v24;
	v58 =	vsel vm2, v59, v36;
	v59 =	vld.idx.msk [tilespmem:v56+s4+$0x0], $0xffff;
	vm2 =	vlt.f32 v23, v62  }
0x891: {  	v57 =	vor.u32 $0x4, v29;
	v17 =	vsel vm2, v19, v17;
	vm2 =	vlt.f32 v52, v60;
	v52 =	vld [tilespmem:$0x1FFB0]  }
0x892: {  	v15 =	vand.u32 $0x5C, v57;
	v46 =	vadd.s32 $0x1, v58;
	vm3 =	vlt.f32 v10, v9;
	v9 =	vld.idx.msk [tilespmem:v11+s4+$0x0], $0xffff  }
0x893: {  	v28 =	vsel vm1, v42, v34;
	v15 =	vor.u32 v47, v15;
	v10 =	vld.idx.msk [tilespmem:v30+s4+$0x0], $0xffff  }
0x894: {  	v27 =	vor.u32 $0x8, v48;
	v61 =	vadd.s32 $0x1, v28;
	vm8 =	vlt.f32 v31, v14  }
0x895: {  	v14 =	vor.u32 $0x2, v17;
	v11 =	vsel vm3, v37, v16;
	vm3 =	vlt.f32 v2, v25  }
0x896: {  	v24 =	vld.idx.msk [tilespmem:v24+s4+$0x0], $0xffff;
	v16 =	vsel vm8, v20, v33;
	v20 =	vsel vm3, v5, v4;
	v19 =	vsel vm3, v3, v52  }
0x897: {  	v30 =	vld.idx.msk [tilespmem:v46+s4+$0x0], $0xffff;
	vm9 =	vlt.f32 v20, v25;
	vm3 =	vlt.f32 v59, v8;
	v8 =	vor.u32 $0x8, v19;
	[tilespmem:s13+$0xFFFFFF00] =	vst v9  }
0x898: {  	v15 =	vld.idx.msk [tilespmem:v15+s4+$0x0], $0xffff;
	[tilespmem:s13+$0xFFFFFF80] =	vst v10;
	v19 =	vsel vm9, v8, v19;
	v8 =	vsel vm0, v27, v48  }
0x899: {  	v20 =	vld.idx.msk [tilespmem:v61+s4+$0x0], $0xffff;
	[tilespmem:$0x1FA70] =	vst v8  }
0x89a: {  	vm1 =	vlt.f32 v50, v63;
	v23 =	vld [tilespmem:s17+$0xFFFFFF10]  }
0x89b: {  	v50 =	vor.u32 $0x8, v18;
	v16 =	vadd.s32 $0x20, v16;
	v31 =	vadd.s32 $0x20, v11;
	v27 =	vld.idx.msk [tilespmem:v14+s4+$0x0], $0xffff  }
0x89c: {  	v21 =	vsel vm3, v56, v21;
	v9 =	vor.u32 $0x8, v51;
	v10 =	vsel vm1, v50, v18;
	[tilespmem:s13+$0x0] =	vst v24;
	v24 =	vld [tilespmem:s17+$0xFFFFFF90]  }
0x89d: {  	v32 =	vadd.s32 $0x20, v21;
	v9 =	vsel vm2, v9, v51;
	vm0 =	vlt.f32 v15, v22;
	v0 =	vld [tilespmem:$0x1FF70]  }
0x89e: {  	v56 =	vor.u32 $0x4, v19;
	v18 =	vsel vm0, v57, v29;
	vm0 =	vlt.f32 v20, v12  }
0x89f: {  	v21 =	vld [tilespmem:s17+$0x10];
	v20 =	vor.u32 $0x2, v18;
	v28 =	vsel vm0, v61, v28;
	vm0 =	vlt.f32 v30, v13  }
0x8a0: {  	v11 =	vand.u32 $0x5C, v56;
	v29 =	vand.u32 $0x13FF, v20;
	v13 =	vsel vm0, v46, v58  }
0x8a1: {  	v30 =	vld.idx.msk [tilespmem:v31+s4+$0x0], $0xffff;
	v28 =	vadd.s32 $0x20, v28;
	vm0 =	vlt.f32 v2, v23;
	v31 =	vadd.s32 $0x20, v13  }
0x8a2: {  	v16 =	vld.idx.msk [tilespmem:v16+s4+$0x0], $0xffff;
	vm1 =	vlt.f32 v27, v62;
	vm2 =	vlt.f32 v2, v24;
	v15 =	vor.u32 v0, v11  }
0x8a3: {  	v11 =	vor.u32 $0x4, v8;
	v27 =	vsel vm0, v3, v52;
	v13 =	vsel vm1, v14, v17  }
0x8a4: {  	v8 =	vmovc v3;
	v17 =	vsel vm0, v5, v4;
	vm0 =	vlt.f32 v2, v21;
	v58 =	vsel vm2, v5, v4  }
0x8a5: {  	v57 =	vsel vm2, v8, v52;
	v37 =	vsel vm0, v8, v52;
	vm1 =	vlt.f32 v17, v23  }
0x8a6: {  	v17 =	vor.u32 $0x8, v27;
	v59 =	vsel vm0, v5, v4;
	vm0 =	vlt.f32 v58, v24  }
0x8a7: {  	[tilespmem:s2+$0xFFFFFF30] =	vst v16;
	v16 =	vor.u32 $0x8, v57;
	vm2 =	vlt.f32 v59, v21;
	v27 =	vsel vm1, v17, v27;
	v15 =	vld.idx.msk [tilespmem:v15+s4+$0x0], $0xffff  }
0x8a8: {  	v29 =	vld.idx.msk [tilespmem:v29+s4+$0x0], $0xffff;
	v34 =	vsel vm0, v16, v57;
	v16 =	vor.u32 $0x8, v37;
	v36 =	vor.u32 $0x4, v27  }
0x8a9: {  	v35 =	vadd.s32 $0x1, v26;
	v28 =	vld.idx.msk [tilespmem:v28+s4+$0x0], $0xffff;
	v37 =	vsel vm2, v16, v37;
	v16 =	vand.u32 $0x5C, v36  }
0x8aa: {  	v46 =	vor.u32 v0, v16  }
0x8ab: {  	v17 =	vld [tilespmem:s0+$0xFFFFFF40]  }
0x8ac: {  	v31 =	vld.idx.msk [tilespmem:v31+s4+$0x0], $0xffff;
	vm0 =	vlt.f32 v15, v25  }
0x8ad: {  	v32 =	vld.idx.msk [tilespmem:v32+s4+$0x0], $0xffff;
	[tilespmem:s30+$0xFFFFFF50] =	vst v30;
	v33 =	vsel vm0, v56, v19;
	vm0 =	vlt.f32 v29, v22  }
0x8ae: {  	v61 =	vld.idx.msk [tilespmem:v35+s4+$0x0], $0xffff;
	[tilespmem:s2+$0xFFFFFFB0] =	vst v28;
	v30 =	vor.u32 $0x2, v33;
	v28 =	vsel vm0, v20, v18  }
0x8af: {  	v57 =	vld.idx.msk [tilespmem:v46+s4+$0x0], $0xffff;
	v29 =	vor.u32 $0x4, v34;
	v50 =	vadd.s32 $0x1, v28  }
0x8b0: {  	v48 =	vor.u32 $0x4, v37;
	v19 =	vld [tilespmem:s0+$0xFFFFFFC0];
	v18 =	vand.u32 $0x5C, v29  }
0x8b1: {  	[tilespmem:s2+$0x30] =	vst v31;
	v20 =	vand.u32 $0x5C, v48;
	vm0 =	vlt.f32 v6, v17;
	v51 =	vor.u32 v0, v18  }
0x8b2: {  	v31 =	vor.u32 v0, v20;
	v20 =	vld [tilespmem:s0+$0x40];
	v52 =	vsel vm0, v44, v43;
	v18 =	vsel vm0, v49, v45  }
0x8b3: {  	vm0 =	vlt.f32 v61, v7;
	vm1 =	vlt.f32 v18, v17;
	v56 =	vor.u32 $0x8, v52;
	v7 =	vld.idx.msk [tilespmem:v30+s4+$0x0], $0xffff  }
0x8b4: {  	v2 =	vmov v6;
	v26 =	vsel vm0, v35, v26;
	v38 =	vsel vm1, v56, v52;
	v58 =	vld.idx.msk [tilespmem:v50+s4+$0x0], $0xffff  }
0x8b5: {  	[tilespmem:s30+$0xFFFFFFD0] =	vst v32;
	v8 =	vmovc v44;
	v26 =	vadd.s32 $0x20, v26;
	vm10 =	vlt.f32 v57, v23;
	vm2 =	vlt.f32 v2, v19  }
0x8b6: {  	v6 =	vmovc v43;
	v42 =	vor.u32 $0x4, v38;
	v27 =	vsel vm10, v36, v27;
	v59 =	vsel vm2, v49, v45;
	v41 =	vld.idx.msk [tilespmem:v51+s4+$0x0], $0xffff  }
0x8b7: {  	v44 =	vsel vm2, v44, v6;
	v31 =	vld.idx.msk [tilespmem:v31+s4+$0x0], $0xffff;
	vm2 =	vlt.f32 v2, v20;
	vm3 =	vlt.f32 v59, v19  }
0x8b8: {  	v16 =	vld [tilespmem:s31+$0xFFFFFFE0];
	v61 =	vsel vm2, v8, v6;
	v45 =	vsel vm2, v49, v45;
	vm2 =	vlt.f32 v7, v25  }
0x8b9: {  	v15 =	vld [tilespmem:s31+$0xFFFFFF60];
	v30 =	vsel vm2, v30, v33;
	vm2 =	vlt.f32 v58, v22;
	v22 =	vor.u32 $0x2, v27  }
0x8ba: {  	v4 =	vld [tilespmem:$0x1FC90];
	vm12 =	vlt.f32 v45, v20;
	v33 =	vadd.s32 $0x1, v30;
	v28 =	vsel vm2, v50, v28  }
0x8bb: {  	v3 =	vld [tilespmem:$0x1FFA0];
	v7 =	vor.u32 $0x8, v44;
	vm11 =	vlt.f32 v41, v24;
	v28 =	vadd.s32 $0x20, v28  }
0x8bc: {  	v56 =	vld [tilespmem:$0x1FCE0];
	v35 =	vsel vm3, v7, v44;
	v29 =	vsel vm11, v29, v34;
	vm2 =	vlt.f32 v31, v21  }
0x8bd: {  	v6 =	vld [tilespmem:$0x1FC40];
	v31 =	vor.u32 $0x2, v29;
	v32 =	vsel vm2, v48, v37;
	v37 =	vor.u32 $0x4, v35  }
0x8be: {  	v48 =	vor.u32 $0x8, v61;
	v36 =	vor.u32 $0x2, v32;
	v50 =	vand.u32 $0x5C, v37;
	v43 =	vld.idx.msk [tilespmem:v22+s4+$0x0], $0xffff  }
0x8bf: {  	v49 =	vand.u32 $0x5C, v42;
	v34 =	vsel vm12, v48, v61;
	v40 =	vor.u32 v47, v50;
	v7 =	vld.idx.msk [tilespmem:v33+s4+$0x0], $0xffff  }
0x8c0: {  	vm1 =	vlt.f32 v4, v16;
	v39 =	vor.u32 v47, v49;
	v41 =	vor.u32 $0x4, v34;
	v28 =	vld.idx.msk [tilespmem:v28+s4+$0x0], $0xffff  }
0x8c1: {  	vm0 =	vlt.f32 v4, v15;
	v45 =	vsel vm1, v54, v3;
	v26 =	vld.idx.msk [tilespmem:v26+s4+$0x0], $0xffff;
	v51 =	vand.u32 $0x5C, v41  }
0x8c2: {  	v52 =	vsel vm0, v56, v6;
	v44 =	vor.u32 v47, v51;
	v47 =	vsel vm0, v54, v3;
	v46 =	vld.idx.msk [tilespmem:v31+s4+$0x0], $0xffff  }
0x8c3: {  	v57 =	vsel vm1, v56, v6;
	vm0 =	vlt.f32 v52, v15;
	v59 =	vor.u32 $0x8, v47;
	v58 =	vld.idx.msk [tilespmem:v36+s4+$0x0], $0xffff  }
0x8c4: {  	vm1 =	vlt.f32 v57, v16;
	v47 =	vsel vm0, v59, v47;
	v52 =	vld.idx.msk [tilespmem:v40+s4+$0x0], $0xffff;
	vm2 =	vlt.f32 v7, v25  }
0x8c5: {  	vm0 =	vlt.f32 v43, v23;
	v25 =	vld.idx.msk [tilespmem:v39+s4+$0x0], $0xffff;
	v7 =	vsel vm2, v33, v30;
	[tilespmem:s2+$0xC0] =	vst v28  }
0x8c6: {  	[tilespmem:s30+$0x50] =	vst v26;
	v61 =	vor.u32 $0x8, v45;
	v27 =	vsel vm0, v22, v27;
	v22 =	vadd.s32 $0x20, v7;
	v7 =	vld [tilespmem:s0+$0xD0]  }
0x8c7: {  	v30 =	vsel vm1, v61, v45;
	v61 =	vld [tilespmem:$0x1FC80]  }
0x8c8: {  	v0 =	vld [tilespmem:$0x1FED0]  }
0x8c9: {  	v2 =	vmov v54;
	v54 =	vmov v3;
	vm0 =	vlt.f32 v46, v24;
	v3 =	vld [tilespmem:$0x1FE30]  }
0x8ca: {  	v57 =	vld.idx.msk [tilespmem:v44+s4+$0x0], $0xffff;
	v29 =	vsel vm0, v31, v29;
	vm0 =	vlt.f32 v58, v21  }
0x8cb: {  	v39 =	vadd.s32 $0x1, v27;
	v8 =	vld [tilespmem:$0x1FC30];
	v32 =	vsel vm0, v36, v32;
	vm0 =	vlt.f32 v25, v17  }
0x8cc: {  	v44 =	vadd.s32 $0x1, v29;
	v38 =	vsel vm0, v42, v38;
	vm0 =	vlt.f32 v52, v19;
	v46 =	vld.idx.msk [tilespmem:v22+s4+$0x0], $0xffff  }
0x8cd: {  	v45 =	vadd.s32 $0x1, v32;
	v35 =	vsel vm0, v37, v35;
	vm0 =	vlt.f32 v61, v7;
	v22 =	vld [tilespmem:s31+$0x60]  }
0x8ce: {  	v58 =	vsel vm0, v3, v0;
	v3 =	vld [tilespmem:$0x1FCD0];
	_ =	sdelay $0x1  }
0x8cf: {  	v40 =	vor.u32 $0x4, v47;
	v31 =	vor.u32 $0x4, v30;
	vm1 =	vlt.f32 v57, v20;
	v26 =	vld.idx.msk [tilespmem:v39+s4+$0x0], $0xffff  }
0x8d0: {  	v36 =	vand.u32 $0x5C, v40;
	v25 =	vand.u32 $0x5C, v31;
	v34 =	vsel vm1, v41, v34;
	v43 =	vld.idx.msk [tilespmem:v44+s4+$0x0], $0xffff  }
0x8d1: {  	v25 =	vor.u32 v53, v25;
	v33 =	vor.u32 $0x2, v38;
	v48 =	vor.u32 $0x2, v35;
	v41 =	vld.idx.msk [tilespmem:v45+s4+$0x0], $0xffff;
	[tilespmem:s13+$0x90] =	vst v46  }
0x8d2: {  	v57 =	vand.u32 $0x13FF, v33;
	vm1 =	vlt.f32 v4, v22;
	v59 =	vsel vm0, v3, v8;
	v5 =	vld [tilespmem:$0x1FEE0]  }
0x8d3: {  	v52 =	vor.u32 $0x8, v58;
	v46 =	vsel vm1, v2, v54;
	v54 =	vld [tilespmem:$0x1FF30];
	vm0 =	vlt.f32 v59, v7  }
0x8d4: {  	v4 =	vld [tilespmem:$0x1FD70];
	v37 =	vsel vm0, v52, v58;
	v58 =	vand.u32 $0x13FF, v48;
	vm0 =	vlt.f32 v26, v23  }
0x8d5: {  	v26 =	vld [tilespmem:s17+$0xA0];
	v51 =	vor.u32 $0x4, v37;
	v27 =	vsel vm0, v39, v27;
	vm0 =	vlt.f32 v43, v24  }
0x8d6: {  	v0 =	vmovc v53;
	v23 =	vand.u32 $0x5C, v51;
	v24 =	vadd.s32 $0x20, v27;
	v27 =	vor.u32 v53, v36;
	v53 =	vld [tilespmem:$0x1FE20]  }
0x8d7: {  	v23 =	vor.u32 v5, v23;
	v5 =	vld [tilespmem:$0x1FD40]  }
0x8d8: {  	v29 =	vsel vm0, v44, v29;
	vm0 =	vlt.f32 v41, v21;
	v21 =	vsel vm1, v56, v6;
	v6 =	vld [tilespmem:$0x1FD10]  }
0x8d9: {  	v12 =	vor.u32 $0x4, v10;
	v42 =	vor.u32 $0x2, v34;
	v2 =	vld [tilespmem:$0x1FF40];
	v29 =	vadd.s32 $0x20, v29  }
0x8da: {  	v14 =	vadd.s32 $0x1, v13;
	v18 =	vor.u32 $0x4, v9;
	v59 =	vand.u32 $0x13FF, v42;
	v36 =	vld.idx.msk [tilespmem:v57+s4+$0x0], $0xffff  }
0x8db: {  	v32 =	vsel vm0, v45, v32;
	vm0 =	vlt.f32 v21, v22;
	v21 =	vor.u32 $0x8, v46;
	v41 =	vld.idx.msk [tilespmem:v58+s4+$0x0], $0xffff  }
0x8dc: {  	v28 =	vand.u32 $0x5C, v11;
	v21 =	vsel vm0, v21, v46;
	vm0 =	vlt.f32 v5, v26;
	v23 =	vld.idx.msk [tilespmem:v23+s4+$0x0], $0xffff  }
0x8dd: {  	v32 =	vadd.s32 $0x20, v32;
	v24 =	vld.idx.msk [tilespmem:v24+s4+$0x0], $0xffff;
	v52 =	vsel vm0, v53, v54;
	v56 =	vsel vm0, v4, v6  }
0x8de: {  	v28 =	vor.u32 v1, v28;
	v29 =	vld.idx.msk [tilespmem:v29+s4+$0x0], $0xffff;
	vm0 =	vlt.f32 v56, v26;
	v58 =	vor.u32 $0x8, v52  }
0x8df: {  	v43 =	vld.idx.msk [tilespmem:v59+s4+$0x0], $0xffff;
	v59 =	vand.u32 $0x5C, v12;
	v39 =	vor.u32 $0x4, v21;
	v44 =	vsel vm0, v58, v52  }
0x8e0: {  	v49 =	vor.u32 v1, v59;
	v57 =	vand.u32 $0x5C, v39;
	v27 =	vld.idx.msk [tilespmem:v27+s4+$0x0], $0xffff;
	v50 =	vor.u32 $0x4, v44  }
0x8e1: {  	v46 =	vor.u32 v0, v57;
	v56 =	vld.idx.msk [tilespmem:v25+s4+$0x0], $0xffff;
	v25 =	vand.u32 $0x5C, v50;
	vm1 =	vlt.f32 v23, v7  }
0x8e2: {  	v32 =	vld.idx.msk [tilespmem:v32+s4+$0x0], $0xffff;
	v52 =	vand.u32 $0x5C, v18;
	[tilespmem:s13+$0xFFFFFF10] =	vst v24;
	v57 =	vor.u32 v2, v25;
	v37 =	vsel vm1, v51, v37  }
0x8e3: {  	v28 =	vld.idx.msk [tilespmem:v28+s4+$0x0], $0xffff;
	vm0 =	vlt.f32 v36, v17;
	v45 =	vor.u32 v1, v52;
	[tilespmem:s13+$0xFFFFFF90] =	vst v29;
	v29 =	vor.u32 $0x2, v37  }
0x8e4: {  	v33 =	vsel vm0, v33, v38;
	vm0 =	vlt.f32 v41, v19;
	v23 =	vld [tilespmem:s17+$0xFFFFFF20];
	v58 =	vand.u32 $0x17FF, v29  }
0x8e5: {  	v35 =	vsel vm0, v48, v35;
	vm0 =	vlt.f32 v43, v20;
	v38 =	vadd.s32 $0x1, v33;
	v25 =	vld [tilespmem:s17+$0xFFFFFFA0]  }
0x8e6: {  	v49 =	vld.idx.msk [tilespmem:v49+s4+$0x0], $0xffff;
	v34 =	vsel vm0, v42, v34;
	vm0 =	vlt.f32 v27, v15;
	vm1 =	vlt.f32 v56, v16  }
0x8e7: {  	[tilespmem:s13+$0x10] =	vst v32;
	v32 =	vadd.s32 $0x1, v35;
	v36 =	vsel vm0, v40, v47;
	v30 =	vsel vm1, v31, v30;
	v40 =	vld.idx.msk [tilespmem:v57+s4+$0x0], $0xffff  }
0x8e8: {  	v24 =	vld [tilespmem:s17+$0x20];
	v27 =	vadd.s32 $0x1, v34;
	v31 =	vor.u32 $0x2, v36;
	v42 =	vor.u32 $0x2, v30  }
0x8e9: {  	v0 =	vmovc v55;
	v1 =	vmovc v5;
	v43 =	vand.u32 $0x1BFF, v31;
	vm0 =	vlt.f32 v5, v23;
	v47 =	vand.u32 $0x1BFF, v42;
	v41 =	vld.idx.msk [tilespmem:v58+s4+$0x0], $0xffff  }
0x8ea: {  	v46 =	vld.idx.msk [tilespmem:v46+s4+$0x0], $0xffff;
	v59 =	vsel vm0, v4, v6;
	v51 =	vsel vm0, v53, v54;
	vm0 =	vlt.f32 v1, v25  }
0x8eb: {  	v48 =	vld.idx.msk [tilespmem:v55+s4+$0x0], $0xffff;
	v5 =	vmovc v6;
	vm1 =	vlt.f32 v59, v23;
	v52 =	vsel vm0, v53, v54;
	v55 =	vor.u32 $0x8, v51  }
0x8ec: {  	v6 =	vmovc v53;
	v53 =	vsel vm0, v4, v5;
	v51 =	vsel vm1, v55, v51;
	vm2 =	vlt.f32 v40, v26  }
0x8ed: {  	v56 =	vmovc v54;
	vm0 =	vlt.f32 v1, v24;
	v58 =	vor.u32 $0x4, v51;
	v44 =	vsel vm2, v50, v44;
	v50 =	vld.idx.msk [tilespmem:v38+s4+$0x0], $0xffff  }
0x8ee: {  	v40 =	vsel vm0, v6, v56;
	v56 =	vsel vm0, v4, v5;
	vm1 =	vlt.f32 v41, v7;
	v41 =	vld.idx.msk [tilespmem:v27+s4+$0x0], $0xffff  }
0x8ef: {  	v59 =	vand.u32 $0x5C, v58;
	vm2 =	vlt.f32 v56, v24;
	v56 =	vld.idx.msk [tilespmem:v32+s4+$0x0], $0xffff  }
0x8f0: {  	v1 =	vld [tilespmem:$0x1FA40];
	vm0 =	vlt.f32 v53, v25;
	v53 =	vor.u32 $0x8, v52;
	v57 =	vor.u32 $0x2, v44  }
0x8f1: {  	v54 =	vld.idx.msk [tilespmem:v14+s4+$0x0], $0xffff;
	v59 =	vor.u32 v2, v59;
	v52 =	vsel vm0, v53, v52;
	v55 =	vand.u32 $0xBFF, v57  }
0x8f2: {  	v43 =	vld.idx.msk [tilespmem:v43+s4+$0x0], $0xffff;
	v29 =	vsel vm1, v29, v37;
	v37 =	vor.u32 $0x8, v40;
	vm0 =	vlt.f32 v50, v17  }
0x8f3: {  	v37 =	vsel vm2, v37, v40;
	vm2 =	vlt.f32 v41, v20;
	v20 =	vsel vm0, v38, v33;
	v33 =	vld.idx.msk [tilespmem:v47+s4+$0x0], $0xffff  }
0x8f4: {  	vm1 =	vlt.f32 v56, v19;
	vm0 =	vlt.f32 v46, v22;
	v46 =	vld [tilespmem:$0x1FE30]  }
0x8f5: {  	v32 =	vsel vm1, v32, v35;
	vm1 =	vlt.f32 v48, v1;
	v1 =	vld [tilespmem:$0x1FE40]  }
0x8f6: {  	v40 =	vor.u32 $0x4, v52;
	v47 =	vld [tilespmem:$0x1FA60]  }
0x8f7: {  	v53 =	vadd.s32 $0x1, v29;
	v50 =	vand.u32 $0x5C, v40;
	v55 =	vld.idx.msk [tilespmem:v55+s4+$0x0], $0xffff  }
0x8f8: {  	v17 =	vor.u32 $0x4, v37;
	v50 =	vor.u32 v2, v50;
	v27 =	vsel vm2, v27, v34;
	v34 =	vld.idx.msk [tilespmem:v59+s4+$0x0], $0xffff  }
0x8f9: {  	v19 =	vand.u32 $0x5C, v17;
	v20 =	vadd.s32 $0x20, v20;
	v21 =	vsel vm0, v39, v21;
	v39 =	vld.idx.msk [tilespmem:v45+s4+$0x0], $0xffff  }
0x8fa: {  	v19 =	vor.u32 v2, v19;
	v45 =	vld [tilespmem:$0x1FF50]  }
0x8fb: {  	v32 =	vadd.s32 $0x20, v32;
	v2 =	vld [tilespmem:$0x1FA50]  }
0x8fc: {  	v35 =	vld.idx.msk [tilespmem:v53+s4+$0x0], $0xffff  }
0x8fd: {  	v38 =	vor.u32 $0x2, v21;
	v27 =	vadd.s32 $0x20, v27;
	v59 =	vld.idx.msk [tilespmem:v50+s4+$0x0], $0xffff  }
0x8fe: {  	vm0 =	vlt.f32 v43, v15;
	v56 =	vand.u32 $0x1BFF, v38;
	v4 =	vld.idx.msk [tilespmem:v20+s4+$0x0], $0xffff  }
0x8ff: {  	v31 =	vsel vm0, v31, v36;
	vm0 =	vlt.f32 v55, v26;
	v19 =	vld.idx.msk [tilespmem:v19+s4+$0x0], $0xffff  }
0x900: {  	v20 =	vld.idx.msk [tilespmem:v32+s4+$0x0], $0xffff;
	v43 =	vsel vm0, v57, v44;
	vm0 =	vlt.f32 v33, v16;
	v33 =	vadd.s32 $0x1, v31  }
0x901: {  	vm3 =	vlt.f32 v54, v62;
	vm2 =	vlt.f32 v34, v23;
	v0 =	vsel vm1, v0, v2;
	v2 =	vld [tilespmem:$0x1FF10]  }
0x902: {  	v27 =	vld.idx.msk [tilespmem:v27+s4+$0x0], $0xffff;
	v30 =	vsel vm0, v42, v30;
	v42 =	vadd.s32 $0x1, v43;
	vm0 =	vlt.f32 v35, v7  }
0x903: {  	v62 =	vld.idx.msk [tilespmem:v56+s4+$0x0], $0xffff;
	v6 =	vsel vm0, v53, v29;
	v29 =	vsel vm2, v58, v51;
	[tilespmem:s2+$0xFFFFFF40] =	vst v4  }
0x904: {  	v34 =	vadd.s32 $0x1, v30;
	vm0 =	vlt.f32 v59, v25;
	v35 =	vor.u32 $0x2, v29;
	v4 =	vld [tilespmem:$0x1FA70]  }
0x905: {  	v7 =	vsel vm3, v14, v13;
	v40 =	vsel vm0, v40, v52;
	v5 =	vand.u32 $0xBFF, v35;
	v48 =	vld.idx.msk [tilespmem:v33+s4+$0x0], $0xffff  }
0x906: {  	v6 =	vadd.s32 $0x20, v6;
	vm2 =	vlt.f32 v19, v24;
	v14 =	vor.u32 $0x2, v40;
	v19 =	vld [tilespmem:s0+$0xFFFFFF50]  }
0x907: {  	vm1 =	vlt.f32 v49, v63;
	[tilespmem:s2+$0xFFFFFFC0] =	vst v20;
	v13 =	vld.idx.msk [tilespmem:v42+s4+$0x0], $0xffff;
	v49 =	vand.u32 $0xBFF, v14  }
0x908: {  	vm0 =	vlt.f32 v28, v47;
	v37 =	vsel vm2, v17, v37;
	v20 =	vld [tilespmem:s0+$0xFFFFFFD0]  }
0x909: {  	vm2 =	vlt.f32 v39, v60;
	v28 =	vld.idx.msk [tilespmem:v34+s4+$0x0], $0xffff;
	v58 =	vsel vm0, v11, v4;
	v11 =	vor.u32 $0x2, v37  }
0x90a: {  	v54 =	vsel vm1, v12, v10;
	v12 =	vld.idx.msk [tilespmem:v5+s4+$0x0], $0xffff;
	v4 =	vsel vm2, v18, v9;
	v10 =	vand.u32 $0xBFF, v11  }
0x90b: {  	v51 =	vld.idx.msk [tilespmem:v6+s4+$0x0], $0xffff;
	[tilespmem:$0x1FA80] =	vst v4  }
0x90c: {  	vm1 =	vlt.f32 v48, v15;
	v15 =	vld.idx.msk [tilespmem:v49+s4+$0x0], $0xffff;
	[tilespmem:s2+$0x40] =	vst v27  }
0x90d: {  	vm0 =	vlt.f32 v62, v22;
	v56 =	vld [tilespmem:$0x1FED0]  }
0x90e: {  	v9 =	vsel vm0, v38, v21;
	vm0 =	vlt.f32 v13, v26;
	v6 =	vld [tilespmem:s0+$0x50]  }
0x90f: {  	v13 =	vsel vm0, v42, v43;
	vm0 =	vlt.f32 v28, v16;
	vm2 =	vlt.f32 v12, v23;
	v16 =	vld.idx.msk [tilespmem:v10+s4+$0x0], $0xffff  }
0x910: {  	v31 =	vsel vm1, v33, v31;
	vm1 =	vlt.f32 v61, v19;
	v29 =	vsel vm2, v35, v29  }
0x911: {  	vm2 =	vlt.f32 v61, v20;
	v10 =	vsel vm1, v3, v8;
	vm3 =	vlt.f32 v15, v25  }
0x912: {  	[tilespmem:s2+$0xD0] =	vst v51;
	v12 =	vsel vm1, v46, v56;
	vm1 =	vlt.f32 v10, v19;
	v21 =	vsel vm2, v46, v56  }
0x913: {  	v10 =	vld [tilespmem:s0+$0xE0];
	v35 =	vsel vm3, v14, v40;
	v14 =	vsel vm2, v3, v8;
	vm2 =	vlt.f32 v61, v6  }
0x914: {  	vm13 =	vlt.f32 v16, v24;
	v16 =	vsel vm2, v3, v8;
	v3 =	vld [tilespmem:$0x1FC90];
	_ =	sdelay $0x2  }
0x915: {  	v13 =	vadd.s32 $0x20, v13  }
0x916: {  	v33 =	vadd.s32 $0x1, v29  }
0x917: {  	vm14 =	vlt.f32 v3, v10;
	v3 =	vld [tilespmem:$0x1FFA0];
	_ =	sdelay $0x1  }
0x918: {  	v0 =	vadd.s32 $0x20, v0  }
0x919: {  	v53 =	vadd.s32 $0x1, v9;
	v13 =	vld.idx.msk [tilespmem:v13+s4+$0x0], $0xffff  }
0x91a: {  	v36 =	vadd.s32 $0x1, v35;
	vm3 =	vlt.f32 v14, v20;
	v59 =	vld.idx.msk [tilespmem:v33+s4+$0x0], $0xffff  }
0x91b: {  	v14 =	vsel vm2, v46, v56;
	vm2 =	vlt.f32 v16, v6;
	v16 =	vsel vm14, v1, v3;
	v1 =	vld [tilespmem:$0x1FCE0]  }
0x91c: {  	v37 =	vsel vm13, v11, v37;
	v3 =	vld [tilespmem:$0x1FC40]  }
0x91d: {  	v0 =	vld.idx.msk [tilespmem:v0+s4+$0x0], $0xffff;
	v39 =	vadd.s32 $0x1, v37  }
0x91e: {  	v50 =	vadd.s32 $0x20, v7;
	v18 =	vor.u32 $0x2, v54;
	v55 =	vld.idx.msk [tilespmem:v53+s4+$0x0], $0xffff  }
0x91f: {  	v17 =	vor.u32 $0x2, v58;
	v15 =	vor.u32 $0x8, v12;
	v11 =	vor.u32 $0x8, v14;
	v61 =	vld.idx.msk [tilespmem:v36+s4+$0x0], $0xffff;
	[tilespmem:s13+$0xA0] =	vst v13  }
0x920: {  	v27 =	vor.u32 $0x8, v21;
	v11 =	vsel vm2, v11, v14;
	vm2 =	vlt.f32 v59, v23;
	v59 =	vld [tilespmem:$0x1FEE0]  }
0x921: {  	v26 =	vsel vm1, v15, v12;
	v12 =	vsel vm3, v27, v21;
	v28 =	vsel vm14, v1, v3;
	v1 =	vld [tilespmem:$0x1FEF0]  }
0x922: {  	v14 =	vor.u32 $0x4, v12;
	v62 =	vld.idx.msk [tilespmem:v39+s4+$0x0], $0xffff;
	v15 =	vor.u32 $0x8, v16;
	vm1 =	vlt.f32 v28, v10  }
0x923: {  	v57 =	vmovc v63;
	v63 =	vor.u32 $0x2, v4;
	v23 =	vand.u32 $0x5C, v14;
	v21 =	vld [tilespmem:s17+$0xB0];
	v16 =	vsel vm1, v15, v16  }
0x924: {  	v13 =	vor.u32 $0x4, v11;
	vm1 =	vlt.f32 v55, v22;
	v55 =	vld [tilespmem:$0x1FC60];
	v27 =	vor.u32 $0x4, v16  }
0x925: {  	v28 =	vor.u32 $0x4, v26;
	v32 =	vsel vm1, v53, v9;
	v53 =	vld [tilespmem:$0x1FC10];
	v15 =	vand.u32 $0x5C, v27  }
0x926: {  	v49 =	vor.u32 v59, v23;
	v22 =	vand.u32 $0x5C, v28;
	v15 =	vor.u32 v1, v15;
	v1 =	vld [tilespmem:$0x1FCB0]  }
0x927: {  	v48 =	vld.idx.msk [tilespmem:v50+s4+$0x0], $0xffff;
	vm3 =	vlt.f32 v61, v25;
	v25 =	vor.u32 v59, v22;
	v22 =	vand.u32 $0x5C, v13  }
0x928: {  	v46 =	vld.idx.msk [tilespmem:v17+s4+$0x0], $0xffff;
	v50 =	vor.u32 v59, v22  }
0x929: {  	v30 =	vsel vm0, v34, v30;
	v23 =	vld.idx.msk [tilespmem:v18+s4+$0x0], $0xffff;
	vm1 =	vlt.f32 v62, v24  }
0x92a: {  	v61 =	vsel vm2, v33, v29;
	v22 =	vld.idx.msk [tilespmem:v63+s4+$0x0], $0xffff;
	v29 =	vsel vm1, v39, v37;
	vm0 =	vlt.f32 v55, v21  }
0x92b: {  	v37 =	vadd.s32 $0x20, v61;
	v33 =	vld.idx.msk [tilespmem:v49+s4+$0x0], $0xffff;
	v9 =	vsel vm0, v2, v45;
	v24 =	vsel vm0, v1, v53  }
0x92c: {  	[tilespmem:s29+$0xF0] =	vst v0;
	v0 =	vadd.s32 $0x20, v32;
	v34 =	vld.idx.msk [tilespmem:v25+s4+$0x0], $0xffff;
	v52 =	vor.u32 $0x8, v9;
	vm15 =	vlt.f32 v24, v21  }
0x92d: {  	s14 =	sadd.s32 s28, s8;
	s10 =	simm.s32 $0xE700;
	v25 =	vadd.s32 $0x20, v31;
	v31 =	vld.idx.msk [tilespmem:v50+s4+$0x0], $0xffff;
	v24 =	vsel vm3, v36, v35;
	v35 =	vsel vm15, v52, v9  }
0x92e: {  	s9 =	sadd.s32 $0x80, s14;
	s7 =	simm.s32 $0xC;
	s14 =	simm.s32 $0x6900;
	v62 =	vmovc v2;
	[tilespmem:s30+$0xF0] =	vst v48;
	vm0 =	vlt.f32 v46, v47;
	v15 =	vld.idx.msk [tilespmem:v15+s4+$0x0], $0xffff;
	v9 =	vadd.s32 $0x20, v30;
	v36 =	vor.u32 $0x4, v35  }
.LBB2_5:
0x92f: {  	v32 =	vld [tilespmem:s14+$0x80]  }
0x930: {  	v30 =	vld [tilespmem:s14+$0xFFFFFF80];
	vm1 =	vlt.f32 v23, v57;
	v1 =	vsel vm0, v17, v58  }
0x931: {  	v52 =	vld [tilespmem:$0x1FF60];
	[tilespmem:$0x1F9E0] =	vst v1;
	v1 =	vsel vm1, v18, v54  }
0x932: {  	[tilespmem:$0x1F9F0] =	vst v1;
	v1 =	vld [tilespmem:$0x1FA80]  }
0x933: {  	v39 =	vadd.s32 $0x20, v29;
	v29 =	vld [tilespmem:s14+$0x0]  }
0x934: {  	v7 =	vld [tilespmem:s14+$0xFFFFFF00]  }
0x935: {  	v2 =	vld [tilespmem:$0x1FF00]  }
0x936: {  	v38 =	vadd.s32 $0x20, v24;
	v3 =	vld [tilespmem:$0x1FE00];
	vm2 =	vlt.f32 v22, v60  }
0x937: {  	v24 =	vand.u32 $0x5C, v36;
	v63 =	vsel vm2, v63, v1;
	v1 =	vld [tilespmem:$0x1FD20]  }
0x938: {  	v41 =	vld [tilespmem:$0x1FD50];
	v40 =	vor.u32 v52, v24  }
0x939: {  	v22 =	vld [tilespmem:$0x1FC00];
	vm3 =	vlt.f32 v15, v10  }
0x93a: {  	v4 =	vld.idx.msk [tilespmem:v37+s4+$0x0], $0xffff;
	vm0 =	vlt.f32 v34, v19;
	vm1 =	vlt.f32 v31, v6;
	v8 =	vsel vm3, v27, v16  }
0x93b: {  	v5 =	vsel vm0, v28, v26;
	vm0 =	vlt.f32 v33, v20;
	v15 =	vld.idx.msk [tilespmem:v38+s4+$0x0], $0xffff;
	v17 =	vor.u32 $0x2, v8  }
0x93c: {  	v28 =	vld.idx.msk [tilespmem:v39+s4+$0x0], $0xffff;
	v13 =	vsel vm1, v13, v11;
	v16 =	vand.u32 $0x1BFF, v17;
	vm2 =	vlt.f32 v1, v32  }
0x93d: {  	v27 =	vld.idx.msk [tilespmem:v40+s4+$0x0], $0xffff;
	vm3 =	vlt.f32 v1, v30;
	vm5 =	vlt.f32 v1, v7;
	v18 =	vsel vm2, v3, v2  }
0x93e: {  	v26 =	vsel vm2, v41, v22;
	vm2 =	vlt.f32 v1, v29;
	v31 =	vsel vm3, v3, v2;
	v1 =	vld [tilespmem:$0x1FF20]  }
0x93f: {  	v25 =	vld.idx.msk [tilespmem:v25+s4+$0x0], $0xffff;
	v58 =	vsel vm5, v41, v22;
	vm4 =	vlt.f32 v26, v32;
	v26 =	vor.u32 $0x8, v18  }
0x940: {  	v9 =	vld.idx.msk [tilespmem:v9+s4+$0x0], $0xffff;
	v44 =	vsel vm3, v41, v22;
	v46 =	vsel vm2, v3, v2;
	v18 =	vsel vm4, v26, v18  }
0x941: {  	[tilespmem:s13+$0xFFFFFF20] =	vst v4;
	v48 =	vld.idx.msk [tilespmem:v16+s4+$0x0], $0xffff;
	vm3 =	vlt.f32 v58, v7;
	v16 =	vsel vm2, v41, v22;
	v61 =	vor.u32 $0x4, v18  }
0x942: {  	v4 =	vld [tilespmem:s17+$0xFFFFFF30];
	[tilespmem:s13+$0xFFFFFFA0] =	vst v15;
	vm2 =	vlt.f32 v44, v30;
	v26 =	vsel vm5, v3, v2;
	v47 =	vand.u32 $0x5C, v61  }
0x943: {  	[tilespmem:s13+$0x20] =	vst v28;
	v15 =	vld [tilespmem:s17+$0xFFFFFFB0];
	vm11 =	vlt.f32 v27, v21;
	v27 =	vor.u32 $0x8, v31;
	v49 =	vor.u32 v1, v47  }
0x944: {  	v51 =	vld.idx.msk [tilespmem:v0+s4+$0x0], $0xffff;
	vm12 =	vlt.f32 v16, v29;
	v0 =	vor.u32 $0x8, v46;
	v50 =	vor.u32 $0x8, v26  }
0x945: {  	v58 =	vld [tilespmem:$0x1FF50];
	v28 =	vsel vm11, v36, v35;
	v27 =	vsel vm2, v27, v31;
	v26 =	vsel vm3, v50, v26  }
0x946: {  	v16 =	vld [tilespmem:s17+$0x30];
	v31 =	vsel vm12, v0, v46;
	v36 =	vor.u32 $0x2, v28;
	v37 =	vor.u32 $0x4, v26  }
0x947: {  	[tilespmem:s30+$0xFFFFFFE0] =	vst v9;
	v0 =	vld [tilespmem:$0x1FCB0];
	v39 =	vor.u32 $0x4, v31;
	vm2 =	vlt.f32 v48, v10;
	v9 =	vand.u32 $0x5C, v37  }
0x948: {  	v8 =	vsel vm2, v17, v8;
	v17 =	vor.u32 v1, v9;
	v9 =	vand.u32 $0x5C, v39;
	v33 =	vld.idx.msk [tilespmem:v49+s4+$0x0], $0xffff  }
0x949: {  	v38 =	vor.u32 $0x4, v27;
	v41 =	vadd.s32 $0x1, v8;
	v42 =	vor.u32 v1, v9;
	v9 =	vld [tilespmem:$0x1FF50]  }
0x94a: {  	[tilespmem:s30+$0xFFFFFF60] =	vst v25;
	v14 =	vsel vm0, v14, v12;
	v25 =	vld [tilespmem:s31+$0xFFFFFFF0];
	vm3 =	vlt.f32 v55, v15;
	v54 =	vand.u32 $0x5C, v38  }
0x94b: {  	vm2 =	vlt.f32 v55, v4;
	v40 =	vor.u32 v1, v54;
	vm13 =	vlt.f32 v55, v16;
	v43 =	vld.idx.msk [tilespmem:v36+s4+$0x0], $0xffff  }
0x94c: {  	v22 =	vld [tilespmem:s31+$0xFFFFFF70];
	v44 =	vsel vm2, v62, v45;
	v55 =	vsel vm2, v0, v53;
	v47 =	vsel vm13, v0, v53  }
0x94d: {  	[tilespmem:$0x1FA20] =	vst v57;
	v2 =	vld [tilespmem:$0x1FCA0];
	v46 =	vsel vm3, v0, v53;
	vm4 =	vlt.f32 v47, v16;
	vm2 =	vlt.f32 v33, v32  }
0x94e: {  	v57 =	vsel vm3, v62, v9;
	v33 =	vsel vm13, v62, v58;
	v62 =	vld.idx.msk [tilespmem:v41+s4+$0x0], $0xffff;
	v18 =	vsel vm2, v61, v18  }
0x94f: {  	v17 =	vld.idx.msk [tilespmem:v17+s4+$0x0], $0xffff;
	vm3 =	vlt.f32 v46, v15;
	v53 =	vor.u32 $0x8, v57;
	v48 =	vor.u32 $0x2, v18  }
0x950: {  	v40 =	vld.idx.msk [tilespmem:v40+s4+$0x0], $0xffff;
	vm14 =	vlt.f32 v43, v21;
	vm2 =	vlt.f32 v55, v4;
	v61 =	vor.u32 $0x8, v44  }
0x951: {  	v3 =	vld [tilespmem:$0x1FFD0];
	[tilespmem:s30+$0x60] =	vst v51;
	v43 =	vsel vm3, v53, v57;
	v28 =	vsel vm14, v36, v28;
	v34 =	vsel vm2, v61, v44  }
0x952: {  	v42 =	vld.idx.msk [tilespmem:v42+s4+$0x0], $0xffff;
	v54 =	vor.u32 $0x8, v33;
	v44 =	vadd.s32 $0x1, v28;
	v36 =	vor.u32 $0x4, v34  }
0x953: {  	v23 =	vld [tilespmem:s31+$0x70];
	v33 =	vsel vm4, v54, v33;
	v55 =	vand.u32 $0x5C, v36;
	vm2 =	vlt.f32 v62, v10  }
0x954: {  	vm3 =	vlt.f32 v17, v7;
	v10 =	vor.u32 v52, v55;
	v8 =	vsel vm2, v41, v8;
	v49 =	vld.idx.msk [tilespmem:v48+s4+$0x0], $0xffff  }
0x955: {  	v0 =	vld [tilespmem:$0x1FC50];
	v17 =	vsel vm3, v37, v26;
	vm2 =	vlt.f32 v40, v30;
	v8 =	vadd.s32 $0x20, v8  }
0x956: {  	v1 =	vld [tilespmem:$0x1FCF0];
	v47 =	vor.u32 $0x4, v33;
	v35 =	vor.u32 $0x2, v17;
	v27 =	vsel vm2, v38, v27  }
0x957: {  	v51 =	vand.u32 $0x5C, v47;
	vm2 =	vlt.f32 v42, v29;
	v26 =	vld.idx.msk [tilespmem:v44+s4+$0x0], $0xffff;
	v37 =	vor.u32 $0x2, v27  }
0x958: {  	v9 =	vld [tilespmem:$0x1FFF0];
	v46 =	vor.u32 $0x4, v43;
	v58 =	vor.u32 v52, v51;
	v31 =	vsel vm2, v39, v31  }
0x959: {  	v50 =	vand.u32 $0x5C, v46;
	v39 =	vor.u32 $0x2, v31;
	v12 =	vld.idx.msk [tilespmem:v10+s4+$0x0], $0xffff;
	vm0 =	vlt.f32 v49, v32  }
0x95a: {  	v45 =	vor.u32 $0x2, v13;
	v57 =	vor.u32 v52, v50;
	v11 =	vld.idx.msk [tilespmem:v8+s4+$0x0], $0xffff;
	v18 =	vsel vm0, v48, v18  }
0x95b: {  	vm1 =	vlt.f32 v2, v22;
	v41 =	vor.u32 $0x2, v5;
	v48 =	vld.idx.msk [tilespmem:v35+s4+$0x0], $0xffff;
	v49 =	vadd.s32 $0x1, v18  }
0x95c: {  	v42 =	vor.u32 $0x2, v14;
	v61 =	vand.u32 $0x17FF, v41;
	v62 =	vld.idx.msk [tilespmem:v37+s4+$0x0], $0xffff;
	vm0 =	vlt.f32 v26, v21  }
0x95d: {  	v51 =	vand.u32 $0x17FF, v42;
	v10 =	vsel vm1, v9, v3;
	v40 =	vld.idx.msk [tilespmem:v58+s4+$0x0], $0xffff;
	v8 =	vsel vm0, v44, v28  }
0x95e: {  	v21 =	vand.u32 $0x17FF, v45;
	v53 =	vld.idx.msk [tilespmem:v39+s4+$0x0], $0xffff;
	vm0 =	vlt.f32 v2, v25;
	v38 =	vadd.s32 $0x20, v8  }
0x95f: {  	v28 =	vld.idx.msk [tilespmem:v57+s4+$0x0], $0xffff;
	v57 =	vsel vm1, v1, v0;
	vm1 =	vlt.f32 v12, v4;
	v8 =	vsel vm0, v9, v3  }
0x960: {  	v54 =	vsel vm0, v1, v0;
	v34 =	vsel vm1, v36, v34;
	vm0 =	vlt.f32 v48, v7;
	v58 =	vld.idx.msk [tilespmem:v49+s4+$0x0], $0xffff  }
0x961: {  	s31 =	smov.u32 s0;
	v36 =	vor.u32 $0x2, v34;
	vm1 =	vlt.f32 v62, v30;
	[tilespmem:s2+$0xE0] =	vst v11;
	v17 =	vsel vm0, v35, v17;
	v35 =	vld.idx.msk [tilespmem:v61+s4+$0x0], $0xffff  }
0x962: {  	v27 =	vsel vm1, v37, v27;
	v26 =	vld [tilespmem:s31+$0xF0];
	v44 =	vadd.s32 $0x1, v17  }
0x963: {  	vm1 =	vlt.f32 v53, v29;
	v61 =	vld.idx.msk [tilespmem:v38+s4+$0x0], $0xffff;
	v38 =	vadd.s32 $0x1, v27  }
0x964: {  	v31 =	vsel vm1, v39, v31;
	vm1 =	vlt.f32 v28, v15;
	v28 =	vld.idx.msk [tilespmem:v51+s4+$0x0], $0xffff  }
0x965: {  	v43 =	vsel vm1, v46, v43;
	vm1 =	vlt.f32 v40, v16;
	v40 =	vld.idx.msk [tilespmem:v21+s4+$0x0], $0xffff  }
0x966: {  	v39 =	vadd.s32 $0x1, v31;
	v46 =	vld.idx.msk [tilespmem:v36+s4+$0x0], $0xffff  }
0x967: {  	vm2 =	vlt.f32 v2, v23;
	v33 =	vsel vm1, v47, v33;
	v47 =	vld.idx.msk [tilespmem:v44+s4+$0x0], $0xffff  }
0x968: {  	v48 =	vsel vm2, v1, v0;
	v11 =	vsel vm2, v9, v3;
	vm2 =	vlt.f32 v58, v32;
	v58 =	vld.idx.msk [tilespmem:v38+s4+$0x0], $0xffff  }
0x969: {  	v18 =	vsel vm2, v49, v18;
	v49 =	vld [tilespmem:$0x1FCC0]  }
0x96a: {  	vm1 =	vlt.f32 v2, v26;
	v2 =	vld [tilespmem:$0x1FF90]  }
0x96b: {  	[tilespmem:s13+$0xB0] =	vst v61;
	v61 =	vld.idx.msk [tilespmem:v39+s4+$0x0], $0xffff  }
0x96c: {  	v21 =	vsel vm1, v9, v3;
	v3 =	vld [tilespmem:$0x1FF80]  }
0x96d: {  	v50 =	vor.u32 $0x2, v43;
	v9 =	vld [tilespmem:$0x1FFE0]  }
0x96e: {  	vm0 =	vlt.f32 v57, v22;
	v55 =	vsel vm1, v1, v0;
	v1 =	vld [tilespmem:$0x1FE10]  }
0x96f: {  	v18 =	vadd.s32 $0x20, v18;
	vm1 =	vlt.f32 v55, v26;
	v57 =	vor.u32 $0x8, v21;
	v55 =	vld [tilespmem:$0x1FFC0]  }
0x970: {  	v0 =	vld [tilespmem:$0x1FD00];
	vm3 =	vlt.f32 v46, v4;
	v32 =	vsel vm1, v57, v21;
	vm1 =	vlt.f32 v35, v19  }
0x971: {  	v51 =	vor.u32 $0x2, v33;
	v46 =	vld [tilespmem:$0x1FC70];
	v34 =	vsel vm3, v36, v34;
	v5 =	vsel vm1, v41, v5  }
0x972: {  	s0 =	smov.u32 s17;
	v35 =	vor.u32 $0x4, v32;
	vm1 =	vlt.f32 v40, v6;
	v40 =	vld.idx.msk [tilespmem:v50+s4+$0x0], $0xffff;
	v36 =	vadd.s32 $0x1, v5  }
0x973: {  	vm2 =	vlt.f32 v28, v20;
	v21 =	vld [tilespmem:s0+$0xC0];
	v28 =	vand.u32 $0x5C, v35  }
0x974: {  	v53 =	vor.u32 v55, v28;
	v28 =	vsel vm1, v45, v13;
	vm1 =	vlt.f32 v47, v7;
	v7 =	vld.idx.msk [tilespmem:v18+s4+$0x0], $0xffff  }
0x975: {  	v13 =	vadd.s32 $0x1, v34;
	v47 =	vld [tilespmem:$0x1FC20];
	v17 =	vsel vm1, v44, v17;
	vm1 =	vlt.f32 v58, v30  }
0x976: {  	v14 =	vsel vm2, v42, v14;
	v30 =	vld.idx.msk [tilespmem:v51+s4+$0x0], $0xffff;
	v27 =	vsel vm1, v38, v27;
	vm1 =	vlt.f32 v61, v29  }
0x977: {  	v18 =	vadd.s32 $0x1, v14;
	v31 =	vsel vm1, v39, v31;
	v39 =	vld.idx.msk [tilespmem:v36+s4+$0x0], $0xffff;
	vm1 =	vlt.f32 v40, v15  }
0x978: {  	v17 =	vadd.s32 $0x20, v17;
	v43 =	vsel vm1, v50, v43;
	v50 =	vld [tilespmem:$0x1FFB0]  }
0x979: {  	s13 =	sadd.s32 $0x200, s13;
	vm2 =	vlt.f32 v46, v21;
	v52 =	vadd.s32 $0x20, v27;
	v61 =	vld.idx.msk [tilespmem:v53+s4+$0x0], $0xffff  }
0x97a: {  	v57 =	vsel vm2, v9, v3;
	v58 =	vsel vm2, v49, v47;
	v53 =	vld.idx.msk [tilespmem:v13+s4+$0x0], $0xffff;
	[tilespmem:s13+$0x80] =	vst v7  }
0x97b: {  	v29 =	vor.u32 $0x8, v57;
	vm2 =	vlt.f32 v58, v21;
	v27 =	vld [tilespmem:s14+$0x90]  }
0x97c: {  	v31 =	vadd.s32 $0x20, v31;
	v38 =	vsel vm2, v29, v57;
	v57 =	vld.idx.msk [tilespmem:v18+s4+$0x0], $0xffff  }
0x97d: {  	vm1 =	vlt.f32 v30, v16;
	v30 =	vadd.s32 $0x1, v43;
	v17 =	vld.idx.msk [tilespmem:v17+s4+$0x0], $0xffff  }
0x97e: {  	v29 =	vadd.s32 $0x1, v28;
	v44 =	vor.u32 $0x4, v38;
	v41 =	vld.idx.msk [tilespmem:v52+s4+$0x0], $0xffff  }
0x97f: {  	v33 =	vsel vm1, v51, v33;
	v52 =	vld [tilespmem:$0x1FD30];
	v7 =	vand.u32 $0x5C, v44;
	vm2 =	vlt.f32 v61, v26  }
0x980: {  	v7 =	vor.u32 v2, v7;
	v32 =	vsel vm2, v35, v32;
	vm2 =	vlt.f32 v48, v23;
	v48 =	vld [tilespmem:$0x1FD60]  }
0x981: {  	v12 =	vor.u32 $0x8, v10;
	v58 =	vadd.s32 $0x1, v33;
	vm3 =	vlt.f32 v39, v19;
	v19 =	vld.idx.msk [tilespmem:v31+s4+$0x0], $0xffff  }
0x982: {  	vm15 =	vlt.f32 v53, v4;
	v4 =	vsel vm3, v36, v5;
	v53 =	vld.idx.msk [tilespmem:v30+s4+$0x0], $0xffff;
	v31 =	vor.u32 $0x2, v32  }
0x983: {  	v12 =	vsel vm0, v12, v10;
	vm1 =	vlt.f32 v54, v25;
	v36 =	vadd.s32 $0x20, v4;
	v4 =	vld [tilespmem:$0x1FF70]  }
0x984: {  	v62 =	vmovc v22;
	v61 =	vor.u32 $0x8, v8;
	v5 =	vsel vm15, v13, v34;
	v39 =	vld.idx.msk [tilespmem:v29+s4+$0x0], $0xffff;
	vm3 =	vlt.f32 v52, v27  }
0x985: {  	v24 =	vsel vm1, v61, v8;
	vm8 =	vlt.f32 v57, v20;
	v7 =	vld.idx.msk [tilespmem:v7+s4+$0x0], $0xffff;
	v20 =	vsel vm3, v48, v0  }
0x986: {  	v22 =	vor.u32 $0x4, v12;
	[tilespmem:s13+$0xFFFFFF00] =	vst v17;
	v13 =	vsel vm3, v1, v50;
	vm3 =	vlt.f32 v20, v27;
	v20 =	vld.idx.msk [tilespmem:v58+s4+$0x0], $0xffff  }
0x987: {  	v34 =	vadd.s32 $0x20, v5;
	v14 =	vsel vm8, v18, v14;
	[tilespmem:s13+$0xFFFFFF80] =	vst v41;
	v5 =	vor.u32 $0x8, v13;
	v54 =	vld.idx.msk [tilespmem:v31+s4+$0x0], $0xffff  }
0x988: {  	v14 =	vadd.s32 $0x20, v14;
	vm1 =	vlt.f32 v53, v15;
	[tilespmem:s13+$0x0] =	vst v19;
	v19 =	vld [tilespmem:s14+$0xFFFFFF90];
	v13 =	vsel vm3, v5, v13  }
0x989: {  	v18 =	vld [tilespmem:s14+$0xFFFFFF10];
	v30 =	vsel vm1, v30, v43;
	v5 =	vor.u32 $0x8, v11;
	v40 =	vor.u32 $0x4, v13  }
0x98a: {  	v5 =	vsel vm2, v5, v11;
	v10 =	vand.u32 $0x5C, v40;
	vm0 =	vlt.f32 v7, v21  }
0x98b: {  	v17 =	vld [tilespmem:s14+$0x10];
	v10 =	vor.u32 v4, v10;
	v15 =	vsel vm0, v44, v38;
	vm0 =	vlt.f32 v20, v16  }
0x98c: {  	[tilespmem:$0x1FA00] =	vst v12;
	v12 =	vld.idx.msk [tilespmem:v34+s4+$0x0], $0xffff;
	v16 =	vor.u32 $0x2, v15;
	v20 =	vadd.s32 $0x20, v30;
	vm1 =	vlt.f32 v54, v26  }
0x98d: {  	vm2 =	vlt.f32 v52, v19;
	v30 =	vsel vm0, v58, v33;
	v57 =	vand.u32 $0x13FF, v16  }
0x98e: {  	vm0 =	vlt.f32 v52, v18;
	v31 =	vsel vm1, v31, v32;
	v51 =	vsel vm2, v1, v50  }
0x98f: {  	v30 =	vadd.s32 $0x20, v30;
	v61 =	vsel vm0, v1, v50;
	v45 =	vsel vm0, v48, v0  }
0x990: {  	v58 =	vld.idx.msk [tilespmem:v36+s4+$0x0], $0xffff;
	vm0 =	vlt.f32 v52, v17;
	v36 =	vadd.s32 $0x1, v31;
	v52 =	vsel vm2, v48, v0  }
0x991: {  	[tilespmem:s10+$0xFFFFFF30] =	vst v12;
	v12 =	vor.u32 $0x8, v51;
	v53 =	vsel vm0, v1, v50;
	vm1 =	vlt.f32 v45, v18;
	v10 =	vld.idx.msk [tilespmem:v10+s4+$0x0], $0xffff  }
0x992: {  	v14 =	vld.idx.msk [tilespmem:v14+s4+$0x0], $0xffff;
	v54 =	vor.u32 $0x8, v61;
	v42 =	vsel vm0, v48, v0;
	vm0 =	vlt.f32 v52, v19  }
0x993: {  	vm2 =	vlt.f32 v42, v17;
	v34 =	vsel vm0, v12, v51;
	v12 =	vor.u32 $0x8, v53;
	v20 =	vld.idx.msk [tilespmem:v20+s4+$0x0], $0xffff  }
0x994: {  	v32 =	vsel vm1, v54, v61;
	v37 =	vsel vm2, v12, v53;
	v33 =	vld.idx.msk [tilespmem:v57+s4+$0x0], $0xffff  }
0x995: {  	v35 =	vor.u32 $0x4, v32;
	v42 =	vor.u32 $0x4, v37;
	v30 =	vld.idx.msk [tilespmem:v30+s4+$0x0], $0xffff  }
0x996: {  	v41 =	vor.u32 $0x4, v34;
	[tilespmem:s2+$0xFFFFFF50] =	vst v58;
	v57 =	vld.idx.msk [tilespmem:v36+s4+$0x0], $0xffff;
	v48 =	vand.u32 $0x5C, v42;
	vm0 =	vlt.f32 v10, v27  }
0x997: {  	[tilespmem:s2+$0xFFFFFFD0] =	vst v14;
	v45 =	vor.u32 v4, v48;
	v10 =	vand.u32 $0x5C, v35;
	v40 =	vsel vm0, v40, v13;
	v13 =	vld [tilespmem:s0+$0xFFFFFF40]  }
0x998: {  	v14 =	vand.u32 $0x5C, v41;
	v61 =	vor.u32 v4, v10;
	v10 =	vld [tilespmem:s31+$0xFFFFFFE0];
	[tilespmem:s10+$0xFFFFFFB0] =	vst v20  }
0x999: {  	v50 =	vor.u32 v4, v14;
	v58 =	vor.u32 $0x2, v40;
	vm0 =	vlt.f32 v33, v21;
	v14 =	vld [tilespmem:s0+$0xFFFFFFC0]  }
0x99a: {  	v15 =	vsel vm0, v16, v15;
	[tilespmem:s10+$0x30] =	vst v30;
	vm0 =	vlt.f32 v39, v6  }
0x99b: {  	v16 =	vld [tilespmem:s0+$0x40];
	v28 =	vsel vm0, v29, v28;
	vm0 =	vlt.f32 v57, v26  }
0x99c: {  	v6 =	vor.u32 $0x4, v5;
	v20 =	vadd.s32 $0x1, v15;
	v52 =	vld.idx.msk [tilespmem:v45+s4+$0x0], $0xffff;
	v31 =	vsel vm0, v36, v31  }
0x99d: {  	v28 =	vadd.s32 $0x20, v28;
	vm1 =	vlt.f32 v46, v13;
	v51 =	vld.idx.msk [tilespmem:v61+s4+$0x0], $0xffff;
	v31 =	vadd.s32 $0x20, v31  }
0x99e: {  	v26 =	vld.idx.msk [tilespmem:v58+s4+$0x0], $0xffff;
	v29 =	vsel vm1, v9, v3;
	v30 =	vsel vm1, v49, v47;
	vm2 =	vlt.f32 v46, v14  }
0x99f: {  	v8 =	vld [tilespmem:$0x1FC30];
	vm0 =	vlt.f32 v30, v13;
	v30 =	vor.u32 $0x8, v29;
	v53 =	vsel vm2, v9, v3  }
0x9a0: {  	v33 =	vld.idx.msk [tilespmem:v50+s4+$0x0], $0xffff;
	v54 =	vsel vm2, v49, v47;
	v30 =	vsel vm0, v30, v29;
	vm2 =	vlt.f32 v46, v16  }
0x9a1: {  	v0 =	vld [tilespmem:$0x1FC90];
	vm3 =	vlt.f32 v54, v14;
	vm11 =	vlt.f32 v52, v17;
	v38 =	vor.u32 $0x4, v30  }
0x9a2: {  	v29 =	vld.idx.msk [tilespmem:v20+s4+$0x0], $0xffff;
	v57 =	vsel vm2, v9, v3;
	v46 =	vsel vm2, v49, v47;
	v37 =	vsel vm11, v42, v37  }
0x9a3: {  	v1 =	vld [tilespmem:$0x1FE40];
	vm9 =	vlt.f32 v46, v16;
	vm10 =	vlt.f32 v51, v18;
	vm2 =	vlt.f32 v26, v27  }
0x9a4: {  	v31 =	vld.idx.msk [tilespmem:v31+s4+$0x0], $0xffff;
	v26 =	vor.u32 $0x8, v53;
	v32 =	vsel vm10, v35, v32;
	v36 =	vsel vm2, v58, v40  }
0x9a5: {  	v28 =	vld.idx.msk [tilespmem:v28+s4+$0x0], $0xffff;
	v58 =	vor.u32 $0x8, v57;
	vm2 =	vlt.f32 v33, v19;
	v35 =	vor.u32 $0x2, v32  }
0x9a6: {  	v12 =	vld [tilespmem:s31+$0xFFFFFF60];
	v39 =	vsel vm3, v26, v53;
	v26 =	vand.u32 $0x5C, v38;
	v33 =	vadd.s32 $0x1, v36  }
0x9a7: {  	v4 =	vld [tilespmem:$0x1FC40];
	v34 =	vsel vm2, v41, v34;
	vm2 =	vlt.f32 v29, v21;
	v41 =	vor.u32 $0x2, v37  }
0x9a8: {  	[tilespmem:$0x1FA10] =	vst v5;
	v5 =	vld [tilespmem:$0x1FFA0];
	v42 =	vor.u32 $0x4, v39;
	v40 =	vsel vm9, v58, v57;
	v61 =	vor.u32 v2, v26  }
0x9a9: {  	v3 =	vld [tilespmem:$0x1FCE0];
	v21 =	vor.u32 $0x2, v34;
	v15 =	vsel vm2, v20, v15;
	[tilespmem:s2+$0xF0] =	vst v31;
	v31 =	vor.u32 $0x4, v40  }
0x9aa: {  	v29 =	vand.u32 $0x5C, v42;
	[tilespmem:s2+$0x50] =	vst v28;
	v15 =	vadd.s32 $0x20, v15;
	v26 =	vand.u32 $0x5C, v31;
	v43 =	vld.idx.msk [tilespmem:v35+s4+$0x0], $0xffff  }
0x9ab: {  	v52 =	vor.u32 v2, v29;
	v54 =	vor.u32 v2, v26;
	v2 =	vld [tilespmem:s31+$0x60]  }
0x9ac: {  	v20 =	vld.idx.msk [tilespmem:v33+s4+$0x0], $0xffff  }
0x9ad: {  	vm0 =	vlt.f32 v0, v12;
	v58 =	vld.idx.msk [tilespmem:v41+s4+$0x0], $0xffff  }
0x9ae: {  	vm1 =	vlt.f32 v0, v10;
	v28 =	vsel vm0, v3, v4;
	v26 =	vsel vm0, v1, v5;
	v53 =	vld.idx.msk [tilespmem:v21+s4+$0x0], $0xffff  }
0x9af: {  	vm0 =	vlt.f32 v28, v12;
	v28 =	vsel vm1, v3, v4;
	v57 =	vld.idx.msk [tilespmem:v15+s4+$0x0], $0xffff;
	v15 =	vsel vm1, v1, v5  }
0x9b0: {  	v7 =	vld [tilespmem:$0x1FCD0];
	v29 =	vor.u32 $0x8, v26;
	vm1 =	vlt.f32 v28, v10;
	v28 =	vor.u32 $0x8, v15  }
0x9b1: {  	v9 =	vmovc v60;
	v60 =	vld [tilespmem:$0x1FF30];
	v26 =	vsel vm0, v29, v26;
	v28 =	vsel vm1, v28, v15;
	vm1 =	vlt.f32 v43, v18  }
0x9b2: {  	v44 =	vld.idx.msk [tilespmem:v61+s4+$0x0], $0xffff;
	vm0 =	vlt.f32 v20, v27;
	v32 =	vsel vm1, v35, v32;
	vm1 =	vlt.f32 v0, v2  }
0x9b3: {  	v61 =	vld.idx.msk [tilespmem:v52+s4+$0x0], $0xffff;
	v20 =	vsel vm0, v33, v36;
	vm0 =	vlt.f32 v53, v19;
	v45 =	vadd.s32 $0x1, v32  }
0x9b4: {  	v53 =	vld.idx.msk [tilespmem:v54+s4+$0x0], $0xffff;
	v52 =	vadd.s32 $0x20, v20;
	v34 =	vsel vm0, v21, v34;
	vm0 =	vlt.f32 v58, v17  }
0x9b5: {  	[tilespmem:s10+$0xC0] =	vst v57;
	v21 =	vsel vm1, v1, v5;
	v5 =	vld [tilespmem:$0x1FC80];
	v47 =	vadd.s32 $0x1, v34;
	v37 =	vsel vm0, v41, v37  }
0x9b6: {  	v29 =	vor.u32 $0x4, v26;
	v27 =	vor.u32 $0x4, v28;
	v20 =	vld [tilespmem:s0+$0xD0];
	v48 =	vadd.s32 $0x1, v37  }
0x9b7: {  	v0 =	vld [tilespmem:$0x1FE30];
	v36 =	vand.u32 $0x5C, v29;
	v54 =	vsel vm1, v3, v4;
	vm1 =	vlt.f32 v44, v13  }
0x9b8: {  	v46 =	vand.u32 $0x5C, v27;
	v30 =	vsel vm1, v38, v30;
	vm1 =	vlt.f32 v61, v14;
	v38 =	vld.idx.msk [tilespmem:v45+s4+$0x0], $0xffff  }
0x9b9: {  	vm0 =	vlt.f32 v54, v2;
	v39 =	vsel vm1, v42, v39;
	vm1 =	vlt.f32 v53, v16;
	v35 =	vld.idx.msk [tilespmem:v52+s4+$0x0], $0xffff  }
0x9ba: {  	v33 =	vor.u32 $0x8, v21;
	v43 =	vor.u32 $0x2, v39;
	v31 =	vsel vm1, v31, v40;
	v42 =	vld.idx.msk [tilespmem:v47+s4+$0x0], $0xffff  }
0x9bb: {  	v58 =	vand.u32 $0x13FF, v43;
	vm1 =	vlt.f32 v5, v20;
	v40 =	vor.u32 $0x2, v31;
	v51 =	vld.idx.msk [tilespmem:v48+s4+$0x0], $0xffff  }
0x9bc: {  	v15 =	vld [tilespmem:$0x1FEF0];
	v44 =	vsel vm1, v0, v56;
	v56 =	vsel vm1, v7, v8;
	v61 =	vand.u32 $0x13FF, v40  }
0x9bd: {  	[tilespmem:$0x1FA30] =	vst v2;
	v1 =	vmovc v2;
	v2 =	vld [tilespmem:$0x1F9E0];
	v41 =	vor.u32 $0x2, v30;
	vm1 =	vlt.f32 v56, v20;
	v57 =	vor.u32 $0x8, v44  }
0x9be: {  	v33 =	vsel vm0, v33, v21;
	v44 =	vsel vm1, v57, v44;
	vm0 =	vlt.f32 v38, v18;
	v57 =	vld [tilespmem:$0x1FD40];
	[tilespmem:s13+$0x90] =	vst v35  }
0x9bf: {  	v52 =	vand.u32 $0x13FF, v41;
	v32 =	vsel vm0, v45, v32;
	v21 =	vld [tilespmem:s14+$0xA0];
	vm0 =	vlt.f32 v42, v19  }
0x9c0: {  	v35 =	vor.u32 $0x4, v44;
	v49 =	vsel vm0, v47, v34;
	vm0 =	vlt.f32 v51, v17;
	v17 =	vld.idx.msk [tilespmem:v58+s4+$0x0], $0xffff  }
0x9c1: {  	v36 =	vor.u32 v15, v36;
	v45 =	vor.u32 v15, v46;
	v18 =	vand.u32 $0x5C, v35;
	v46 =	vld.idx.msk [tilespmem:v61+s4+$0x0], $0xffff  }
0x9c2: {  	v18 =	vor.u32 v59, v18;
	v59 =	vld [tilespmem:$0x1FE20]  }
0x9c3: {  	v19 =	vadd.s32 $0x20, v32;
	v58 =	vld [tilespmem:$0x1FD70]  }
0x9c4: {  	v38 =	vor.u32 $0x4, v33;
	v61 =	vld [tilespmem:$0x1FD10]  }
0x9c5: {  	v34 =	vld.idx.msk [tilespmem:v52+s4+$0x0], $0xffff;
	v52 =	vand.u32 $0x5C, v38;
	v32 =	vadd.s32 $0x20, v49  }
0x9c6: {  	v36 =	vld.idx.msk [tilespmem:v36+s4+$0x0], $0xffff;
	v37 =	vsel vm0, v48, v37;
	v42 =	vor.u32 v15, v52  }
0x9c7: {  	v11 =	vor.u32 $0x4, v24;
	v50 =	vand.u32 $0x5C, v22;
	v0 =	vld [tilespmem:$0x1FF40];
	v37 =	vadd.s32 $0x20, v37  }
0x9c8: {  	v50 =	vor.u32 v55, v50;
	v47 =	vand.u32 $0x5C, v11;
	vm0 =	vlt.f32 v57, v21;
	v19 =	vld.idx.msk [tilespmem:v19+s4+$0x0], $0xffff  }
0x9c9: {  	v48 =	vand.u32 $0x5C, v6;
	v49 =	vsel vm0, v59, v60;
	v56 =	vsel vm0, v58, v61;
	v18 =	vld.idx.msk [tilespmem:v18+s4+$0x0], $0xffff  }
0x9ca: {  	v47 =	vor.u32 v55, v47;
	vm0 =	vlt.f32 v56, v21;
	v54 =	vor.u32 $0x8, v49;
	v32 =	vld.idx.msk [tilespmem:v32+s4+$0x0], $0xffff  }
0x9cb: {  	v48 =	vor.u32 v55, v48;
	v42 =	vld.idx.msk [tilespmem:v42+s4+$0x0], $0xffff;
	v49 =	vsel vm0, v54, v49;
	vm0 =	vlt.f32 v34, v13  }
0x9cc: {  	v55 =	vld.idx.msk [tilespmem:v37+s4+$0x0], $0xffff;
	v51 =	vor.u32 $0x4, v49;
	v41 =	vsel vm0, v41, v30;
	vm0 =	vlt.f32 v17, v14  }
0x9cd: {  	v17 =	vld.idx.msk [tilespmem:v45+s4+$0x0], $0xffff;
	v30 =	vand.u32 $0x5C, v51;
	v37 =	vsel vm0, v43, v39;
	vm0 =	vlt.f32 v46, v16  }
0x9ce: {  	v56 =	vor.u32 v0, v30;
	v40 =	vsel vm0, v40, v31;
	vm0 =	vlt.f32 v18, v20;
	v18 =	vld.idx.msk [tilespmem:v50+s4+$0x0], $0xffff  }
0x9cf: {  	[tilespmem:s13+$0xFFFFFF10] =	vst v19;
	v35 =	vsel vm0, v35, v44;
	vm0 =	vlt.f32 v36, v12;
	v36 =	vld.idx.msk [tilespmem:v47+s4+$0x0], $0xffff  }
0x9d0: {  	v43 =	vadd.s32 $0x1, v41;
	v45 =	vadd.s32 $0x1, v37;
	v19 =	vadd.s32 $0x1, v2;
	v30 =	vld [tilespmem:s14+$0xFFFFFF20];
	[tilespmem:s13+$0xFFFFFF90] =	vst v32  }
0x9d1: {  	v46 =	vadd.s32 $0x1, v40;
	v32 =	vor.u32 $0x2, v35;
	v44 =	vsel vm0, v29, v26;
	v29 =	vld [tilespmem:s14+$0xFFFFFFA0]  }
0x9d2: {  	[tilespmem:s13+$0x10] =	vst v55;
	v47 =	vand.u32 $0x17FF, v32;
	v50 =	vor.u32 $0x2, v44;
	vm0 =	vlt.f32 v17, v10  }
0x9d3: {  	v31 =	vld [tilespmem:s14+$0x20];
	v39 =	vand.u32 $0x1BFF, v50;
	v52 =	vsel vm0, v27, v28;
	vm0 =	vlt.f32 v42, v1  }
0x9d4: {  	v28 =	vadd.s32 $0x1, v63;
	v17 =	vld.idx.msk [tilespmem:v56+s4+$0x0], $0xffff;
	v53 =	vor.u32 $0x2, v52;
	v27 =	vsel vm0, v38, v33  }
0x9d5: {  	vm0 =	vlt.f32 v18, v62;
	v54 =	vand.u32 $0x1BFF, v53;
	vm2 =	vlt.f32 v57, v30  }
0x9d6: {  	v1 =	vmovc v62;
	v33 =	vsel vm2, v59, v60;
	v62 =	vsel vm2, v58, v61;
	vm2 =	vlt.f32 v57, v29  }
0x9d7: {  	vm1 =	vlt.f32 v36, v25;
	vm3 =	vlt.f32 v62, v30;
	v36 =	vsel vm2, v59, v60  }
0x9d8: {  	v4 =	vld [tilespmem:$0x1F9F0];
	v3 =	vmovc v63;
	v63 =	vsel vm2, v58, v61;
	v56 =	vor.u32 $0x8, v33;
	vm2 =	vlt.f32 v57, v31  }
0x9d9: {  	v38 =	vld.idx.msk [tilespmem:v47+s4+$0x0], $0xffff;
	v60 =	vsel vm2, v59, v60;
	v57 =	vsel vm2, v58, v61;
	vm12 =	vlt.f32 v17, v21  }
0x9da: {  	v48 =	vld.idx.msk [tilespmem:v48+s4+$0x0], $0xffff;
	vm2 =	vlt.f32 v63, v29;
	v62 =	vor.u32 $0x8, v36;
	v49 =	vsel vm12, v51, v49  }
0x9db: {  	v56 =	vsel vm3, v56, v33;
	vm13 =	vlt.f32 v57, v31;
	v51 =	vld.idx.msk [tilespmem:v54+s4+$0x0], $0xffff;
	v54 =	vor.u32 $0x2, v49  }
0x9dc: {  	v42 =	vld.idx.msk [tilespmem:v43+s4+$0x0], $0xffff;
	v63 =	vor.u32 $0x8, v60;
	v36 =	vsel vm2, v62, v36;
	v58 =	vand.u32 $0xBFF, v54  }
0x9dd: {  	v17 =	vld.idx.msk [tilespmem:v39+s4+$0x0], $0xffff;
	v47 =	vor.u32 $0x4, v56;
	v39 =	vsel vm13, v63, v60;
	v60 =	vor.u32 $0x4, v36  }
0x9de: {  	v18 =	vld.idx.msk [tilespmem:v45+s4+$0x0], $0xffff;
	v61 =	vor.u32 $0x4, v39;
	v33 =	vand.u32 $0x5C, v60;
	vm2 =	vlt.f32 v38, v20  }
0x9df: {  	v55 =	vld.idx.msk [tilespmem:v46+s4+$0x0], $0xffff;
	v63 =	vand.u32 $0x5C, v61;
	v35 =	vsel vm2, v32, v35;
	v32 =	vand.u32 $0x5C, v47  }
0x9e0: {  	v33 =	vor.u32 v0, v33;
	v63 =	vor.u32 v0, v63;
	v32 =	vor.u32 v0, v32;
	v0 =	vld [tilespmem:$0x1FA00]  }
0x9e1: {  	v58 =	vld.idx.msk [tilespmem:v58+s4+$0x0], $0xffff  }
0x9e2: {  	v59 =	vld.idx.msk [tilespmem:v19+s4+$0x0], $0xffff  }
0x9e3: {  	v26 =	vadd.s32 $0x1, v4;
	v57 =	vld.idx.msk [tilespmem:v28+s4+$0x0], $0xffff;
	vm3 =	vlt.f32 v18, v14  }
0x9e4: {  	vm14 =	vlt.f32 v55, v16;
	v55 =	vld [tilespmem:$0x1FC60];
	v14 =	vsel vm3, v45, v37  }
0x9e5: {  	v16 =	vsel vm14, v46, v40;
	v62 =	vadd.s32 $0x1, v35;
	vm3 =	vlt.f32 v51, v10;
	v40 =	vld.idx.msk [tilespmem:v32+s4+$0x0], $0xffff  }
0x9e6: {  	v32 =	vsel vm3, v53, v52;
	vm3 =	vlt.f32 v58, v21;
	v58 =	vsel vm0, v22, v0;
	v0 =	vld [tilespmem:$0x1FA10]  }
0x9e7: {  	v46 =	vld [tilespmem:$0x1FE40];
	vm2 =	vlt.f32 v42, v13  }
0x9e8: {  	v38 =	vld.idx.msk [tilespmem:v26+s4+$0x0], $0xffff;
	v13 =	vsel vm2, v43, v41;
	vm2 =	vlt.f32 v17, v12  }
0x9e9: {  	v13 =	vadd.s32 $0x20, v13;
	v41 =	vsel vm2, v50, v44;
	vm2 =	vlt.f32 v48, v23;
	v48 =	vld [tilespmem:$0x1FE30]  }
0x9ea: {  	v14 =	vadd.s32 $0x20, v14;
	v18 =	vld.idx.msk [tilespmem:v62+s4+$0x0], $0xffff  }
0x9eb: {  	v16 =	vadd.s32 $0x20, v16;
	v44 =	vld.idx.msk [tilespmem:v63+s4+$0x0], $0xffff;
	v0 =	vsel vm2, v6, v0  }
0x9ec: {  	[tilespmem:$0x1FA80] =	vst v0;
	v63 =	vor.u32 $0x2, v0;
	v0 =	vld [tilespmem:$0x1FA60]  }
0x9ed: {  	v43 =	vadd.s32 $0x1, v41;
	v42 =	vld.idx.msk [tilespmem:v33+s4+$0x0], $0xffff  }
0x9ee: {  	v34 =	vor.u32 $0x2, v27;
	v33 =	vadd.s32 $0x1, v32;
	v13 =	vld.idx.msk [tilespmem:v13+s4+$0x0], $0xffff  }
0x9ef: {  	v37 =	vand.u32 $0x1BFF, v34;
	vm0 =	vlt.f32 v18, v20;
	v6 =	vld.idx.msk [tilespmem:v14+s4+$0x0], $0xffff  }
0x9f0: {  	v14 =	vld.idx.msk [tilespmem:v16+s4+$0x0], $0xffff;
	v16 =	vsel vm0, v62, v35  }
0x9f1: {  	v16 =	vadd.s32 $0x20, v16;
	vm0 =	vlt.f32 v59, v0;
	v0 =	vld [tilespmem:$0x1FA20]  }
0x9f2: {  	v51 =	vld.idx.msk [tilespmem:v43+s4+$0x0], $0xffff  }
0x9f3: {  	v45 =	vsel vm3, v54, v49;
	v54 =	vsel vm1, v11, v24;
	[tilespmem:s10+$0xFFFFFF40] =	vst v13;
	v13 =	vld.idx.msk [tilespmem:v33+s4+$0x0], $0xffff  }
0x9f4: {  	vm3 =	vlt.f32 v57, v9;
	v11 =	vadd.s32 $0x1, v45;
	vm2 =	vlt.f32 v40, v30;
	v35 =	vld.idx.msk [tilespmem:v37+s4+$0x0], $0xffff  }
0x9f5: {  	v62 =	vmov v1;
	v1 =	vld [tilespmem:$0x1FA30];
	[tilespmem:s10+$0x40] =	vst v14;
	v20 =	vsel vm0, v19, v2;
	vm0 =	vlt.f32 v44, v31  }
0x9f6: {  	v14 =	vld.idx.msk [tilespmem:v16+s4+$0x0], $0xffff;
	vm1 =	vlt.f32 v38, v0;
	v0 =	vsel vm2, v47, v56;
	vm2 =	vlt.f32 v42, v29  }
0x9f7: {  	[tilespmem:s10+$0xFFFFFFC0] =	vst v6;
	v19 =	vld [tilespmem:s0+$0xFFFFFF50];
	v39 =	vsel vm0, v61, v39;
	v24 =	vor.u32 $0x2, v0;
	v36 =	vsel vm2, v60, v36  }
0x9f8: {  	v57 =	vmovc v25;
	v16 =	vadd.s32 $0x20, v20;
	v20 =	vld [tilespmem:s0+$0xFFFFFFD0];
	v25 =	vand.u32 $0xBFF, v24;
	v49 =	vor.u32 $0x2, v36  }
0x9f9: {  	v50 =	vor.u32 $0x2, v39;
	v47 =	vld.idx.msk [tilespmem:v11+s4+$0x0], $0xffff;
	v9 =	vand.u32 $0xBFF, v49  }
0x9fa: {  	v2 =	vld [tilespmem:$0x1FC90];
	v60 =	vmov v23;
	v23 =	vand.u32 $0xBFF, v50  }
0x9fb: {  	v17 =	vor.u32 $0x2, v58;
	vm0 =	vlt.f32 v35, v1;
	v56 =	vld [tilespmem:$0x1FED0];
	v6 =	vsel vm1, v26, v4  }
0x9fc: {  	v22 =	vsel vm3, v28, v3;
	v34 =	vsel vm0, v34, v27;
	v26 =	vadd.s32 $0x20, v6;
	v6 =	vld [tilespmem:s0+$0x50]  }
0x9fd: {  	v28 =	vadd.s32 $0x20, v22;
	[tilespmem:s10+$0xD0] =	vst v14;
	vm1 =	vlt.f32 v51, v12;
	vm2 =	vlt.f32 v5, v20;
	v12 =	vld.idx.msk [tilespmem:v25+s4+$0x0], $0xffff  }
0x9fe: {  	vm0 =	vlt.f32 v47, v21;
	v25 =	vsel vm1, v43, v41;
	vm1 =	vlt.f32 v5, v19;
	v9 =	vld.idx.msk [tilespmem:v9+s4+$0x0], $0xffff  }
0x9ff: {  	v11 =	vsel vm0, v11, v45;
	vm0 =	vlt.f32 v13, v10;
	v13 =	vld.idx.msk [tilespmem:v23+s4+$0x0], $0xffff;
	v10 =	vsel vm1, v7, v8  }
0xa00: {  	v22 =	vsel vm2, v7, v8;
	v21 =	vsel vm1, v48, v56;
	vm1 =	vlt.f32 v10, v19;
	v10 =	vld [tilespmem:s0+$0xE0]  }
0xa01: {  	v53 =	vld [tilespmem:$0x1FC10];
	v14 =	vsel vm2, v48, v56;
	vm2 =	vlt.f32 v22, v20;
	vm3 =	vlt.f32 v5, v6  }
0xa02: {  	v52 =	vld [tilespmem:$0x1FF10];
	v51 =	vsel vm3, v48, v56;
	v22 =	vsel vm3, v7, v8;
	vm3 =	vlt.f32 v12, v30  }
0xa03: {  	v3 =	vld [tilespmem:$0x1FCE0];
	v11 =	vadd.s32 $0x20, v11;
	v24 =	vsel vm3, v24, v0;
	vm3 =	vlt.f32 v9, v29  }
0xa04: {  	v18 =	vor.u32 $0x2, v54;
	v37 =	vld.idx.msk [tilespmem:v17+s4+$0x0], $0xffff;
	v36 =	vsel vm3, v49, v36;
	vm3 =	vlt.f32 v13, v31  }
0xa05: {  	v39 =	vsel vm3, v50, v39;
	vm3 =	vlt.f32 v2, v10;
	v2 =	vld [tilespmem:$0x1FFA0]  }
0xa06: {  	v59 =	vld [tilespmem:$0x1FEE0];
	v35 =	vadd.s32 $0x1, v34  }
0xa07: {  	v42 =	vld.idx.msk [tilespmem:v16+s4+$0x0], $0xffff  }
0xa08: {  	v0 =	vld.idx.msk [tilespmem:v11+s4+$0x0], $0xffff;
	v43 =	vadd.s32 $0x1, v24  }
0xa09: {  	v23 =	vld.idx.msk [tilespmem:v18+s4+$0x0], $0xffff  }
0xa0a: {  	v13 =	vsel vm3, v46, v2;
	v2 =	vld [tilespmem:$0x1FC40]  }
0xa0b: {  	v41 =	vld.idx.msk [tilespmem:v35+s4+$0x0], $0xffff;
	v12 =	vor.u32 $0x8, v14;
	v40 =	vadd.s32 $0x1, v36  }
0xa0c: {  	v45 =	vld.idx.msk [tilespmem:v26+s4+$0x0], $0xffff;
	v27 =	vor.u32 $0x8, v21;
	v12 =	vsel vm2, v12, v14  }
0xa0d: {  	vm15 =	vlt.f32 v22, v6;
	v26 =	vsel vm1, v27, v21;
	v14 =	vor.u32 $0x4, v12;
	[tilespmem:s13+$0xA0] =	vst v0;
	v38 =	vld.idx.msk [tilespmem:v43+s4+$0x0], $0xffff  }
0xa0e: {  	v9 =	vor.u32 $0x8, v51;
	v48 =	vand.u32 $0x5C, v14;
	v44 =	vadd.s32 $0x1, v39;
	v21 =	vld [tilespmem:s14+$0xB0]  }
0xa0f: {  	v48 =	vor.u32 v59, v48;
	v46 =	vld.idx.msk [tilespmem:v28+s4+$0x0], $0xffff;
	v28 =	vor.u32 $0x4, v26;
	v11 =	vsel vm3, v3, v2  }
0xa10: {  	v47 =	vld.idx.msk [tilespmem:v40+s4+$0x0], $0xffff;
	v16 =	vor.u32 $0x8, v13;
	v0 =	vand.u32 $0x5C, v28;
	vm1 =	vlt.f32 v11, v10  }
0xa11: {  	[tilespmem:s29+$0xFFFFFFF0] =	vst v45;
	v45 =	vld [tilespmem:$0x1FF50];
	v11 =	vsel vm15, v9, v51;
	v51 =	vor.u32 v59, v0;
	v0 =	vsel vm0, v33, v32  }
0xa12: {  	vm0 =	vlt.f32 v41, v1;
	v1 =	vld [tilespmem:$0x1FCB0];
	v16 =	vsel vm1, v16, v13;
	v13 =	vor.u32 $0x4, v11  }
0xa13: {  	v25 =	vadd.s32 $0x20, v25;
	v27 =	vor.u32 $0x4, v16;
	v61 =	vand.u32 $0x5C, v13  }
0xa14: {  	s7 =	sadd.s32 $0x4, s7;
	[tilespmem:s29+$0xFFFFFF70] =	vst v42;
	v42 =	vld.idx.msk [tilespmem:v44+s4+$0x0], $0xffff;
	vm1 =	vlt.f32 v38, v30;
	v9 =	vand.u32 $0x5C, v27;
	v49 =	vor.u32 v59, v61  }
0xa15: {  	p0 =	slt.u32 s7, $0x7C;
	vm2 =	vlt.f32 v55, v21;
	v30 =	vsel vm1, v43, v24;
	v50 =	vor.u32 v15, v9  }
.Ltmp3:
0xa16: {  	v22 =	vld.idx.msk [tilespmem:v63+s4+$0x0], $0xffff;
	vm1 =	vlt.f32 v47, v29;
	v61 =	vsel vm2, v52, v45;
	v9 =	vadd.s32 $0x20, v0;
	(pc) =	sbr.rel @p0 .LBB2_5-.Ltmp3, $4  }
0xa17: {  	v33 =	vld.idx.msk [tilespmem:v48+s4+$0x0], $0xffff;
	v0 =	vsel vm0, v35, v34;
	vm0 =	vlt.f32 v37, v62;
	v24 =	vsel vm2, v1, v53  }
0xa18: {  	[tilespmem:s29+$0x70] =	vst v46;
	v29 =	vor.u32 $0x8, v61;
	v37 =	vadd.s32 $0x20, v30;
	v34 =	vld.idx.msk [tilespmem:v51+s4+$0x0], $0xffff;
	vm2 =	vlt.f32 v24, v21  }
0xa19: {  	s17 =	smov.u32 s14;
	s14 =	sadd.s32 $0x200, s14;
	s29 =	smov.u32 s30;
	v24 =	vsel vm1, v40, v36;
	vm1 =	vlt.f32 v42, v31;
	v35 =	vsel vm2, v29, v61;
	v31 =	vld.idx.msk [tilespmem:v49+s4+$0x0], $0xffff  }
0xa1a: {  	[tilespmem:$0x1FA60] =	vst v62;
	s30 =	smov.u32 s2;
	s2 =	smov.u32 s10;
	s10 =	smov.u32 s13;
	v62 =	vmovc v52;
	v0 =	vadd.s32 $0x20, v0;
	v29 =	vsel vm1, v44, v39;
	v36 =	vor.u32 $0x4, v35;
	v15 =	vld.idx.msk [tilespmem:v50+s4+$0x0], $0xffff  }
0xa1b: {  	v3 =	vld [tilespmem:$0x1FF60];
	_ =	sdelay $0x3  }
0xa1c: {  	v30 =	vand.u32 $0x5C, v36  }
0xa1d: {  	v30 =	vor.u32 v3, v30;
	_ =	sdelay $0x2  }
0xa1e: {  	v24 =	vadd.s32 $0x20, v24  }
0xa1f: {  	v29 =	vadd.s32 $0x20, v29  }
0xa20: {  	v30 =	vld.idx.msk [tilespmem:v30+s4+$0x0], $0xffff;
	_ =	sdelay $0x1  }
0xa21: {  	v32 =	vld.idx.msk [tilespmem:v37+s4+$0x0], $0xffff  }
0xa22: {  	v24 =	vld.idx.msk [tilespmem:v24+s4+$0x0], $0xffff  }
0xa23: {  	v29 =	vld.idx.msk [tilespmem:v29+s4+$0x0], $0xffff  }
0xa24: {  	vm1 =	vlt.f32 v30, v21  }
0xa25: {  	v30 =	vsel vm1, v36, v35  }
0xa26: {  	[tilespmem:s13+$0xFFFFFF20] =	vst v32;
	v35 =	vor.u32 $0x2, v30  }
0xa27: {  	v32 =	vld [tilespmem:s17+$0xFFFFFF30];
	[tilespmem:s13+$0xFFFFFFA0] =	vst v24  }
0xa28: {  	[tilespmem:s13+$0x20] =	vst v29;
	v24 =	vld [tilespmem:s17+$0xFFFFFFB0]  }
0xa29: {  	v29 =	vld [tilespmem:s17+$0x30]  }
0xa2a: {  	v2 =	vld [tilespmem:$0x1FCB0]  }
0xa2b: {  	v48 =	vld.idx.msk [tilespmem:v35+s4+$0x0], $0xffff;
	_ =	sdelay $0x1  }
0xa2c: {  	vm12 =	vlt.f32 v55, v32  }
0xa2d: {  	v49 =	vsel vm12, v62, v45  }
0xa2e: {  	v51 =	vor.u32 $0x8, v49;
	v50 =	vsel vm12, v2, v53;
	vm13 =	vlt.f32 v55, v24  }
0xa2f: {  	vm3 =	vlt.f32 v55, v29;
	vm1 =	vlt.f32 v50, v32;
	vm2 =	vlt.f32 v48, v21  }
0xa30: {  	v40 =	vsel vm3, v62, v45;
	v41 =	vsel vm3, v2, v53;
	v30 =	vsel vm2, v35, v30  }
0xa31: {  	vm15 =	vlt.f32 v41, v29;
	v1 =	vor.u32 $0x8, v40;
	v52 =	vadd.s32 $0x1, v30  }
0xa32: {  	v55 =	vsel vm13, v62, v45;
	v38 =	vsel vm13, v2, v53;
	v40 =	vsel vm15, v1, v40  }
0xa33: {  	vm14 =	vlt.f32 v38, v24;
	v43 =	vor.u32 $0x4, v40;
	v35 =	vsel vm1, v51, v49  }
0xa34: {  	v61 =	vor.u32 $0x8, v55;
	v5 =	vand.u32 $0x5C, v43;
	v39 =	vor.u32 $0x4, v35  }
0xa35: {  	v36 =	vsel vm14, v61, v55;
	v45 =	vor.u32 v3, v5;
	v42 =	vand.u32 $0x5C, v39  }
0xa36: {  	v4 =	vor.u32 $0x4, v36;
	v42 =	vor.u32 v3, v42;
	v2 =	vld.idx.msk [tilespmem:v52+s4+$0x0], $0xffff  }
0xa37: {  	v44 =	vand.u32 $0x5C, v4  }
0xa38: {  	v44 =	vor.u32 v3, v44;
	_ =	sdelay $0x1  }
0xa39: {  	v7 =	vld.idx.msk [tilespmem:v45+s4+$0x0], $0xffff  }
0xa3a: {  	v42 =	vld.idx.msk [tilespmem:v42+s4+$0x0], $0xffff;
	vm4 =	vlt.f32 v2, v21  }
0xa3b: {  	v21 =	vsel vm4, v52, v30  }
0xa3c: {  	v30 =	vld.idx.msk [tilespmem:v44+s4+$0x0], $0xffff;
	v21 =	vadd.s32 $0x20, v21;
	_ =	sdelay $0x1  }
0xa3d: {  	vm7 =	vlt.f32 v7, v29  }
0xa3e: {  	v37 =	vsel vm7, v43, v40;
	vm5 =	vlt.f32 v42, v32  }
0xa3f: {  	v40 =	vor.u32 $0x2, v37;
	v35 =	vsel vm5, v39, v35  }
0xa40: {  	v8 =	vor.u32 $0x2, v35;
	vm6 =	vlt.f32 v30, v24;
	v21 =	vld.idx.msk [tilespmem:v21+s4+$0x0], $0xffff  }
0xa41: {  	v30 =	vsel vm6, v4, v36  }
0xa42: {  	v36 =	vor.u32 $0x2, v30;
	_ =	sdelay $0x1  }
0xa43: {  	v46 =	vld.idx.msk [tilespmem:v40+s4+$0x0], $0xffff  }
0xa44: {  	v44 =	vld.idx.msk [tilespmem:v8+s4+$0x0], $0xffff;
	[tilespmem:s13+$0xB0] =	vst v21  }
0xa45: {  	v21 =	vld [tilespmem:s17+$0xC0]  }
0xa46: {  	v45 =	vld.idx.msk [tilespmem:v36+s4+$0x0], $0xffff  }
0xa47: {  	v1 =	vld [tilespmem:$0x1FC70]  }
0xa48: {  	v2 =	vld [tilespmem:$0x1FC20]  }
0xa49: {  	v3 =	vld [tilespmem:$0x1FCC0]  }
0xa4a: {  	v5 =	vld [tilespmem:$0x1FF80]  }
0xa4b: {  	v52 =	vld [tilespmem:$0x1FFE0];
	vm8 =	vlt.f32 v44, v32  }
0xa4c: {  	v35 =	vsel vm8, v8, v35  }
0xa4d: {  	vm12 =	vlt.f32 v46, v29;
	v38 =	vadd.s32 $0x1, v35  }
0xa4e: {  	v37 =	vsel vm12, v40, v37  }
0xa4f: {  	v55 =	vadd.s32 $0x1, v37;
	vm9 =	vlt.f32 v1, v21;
	vm11 =	vlt.f32 v45, v24  }
0xa50: {  	v4 =	vld [tilespmem:$0x1FF90];
	v47 =	vsel vm9, v3, v2;
	v48 =	vsel vm9, v52, v5;
	v30 =	vsel vm11, v36, v30  }
0xa51: {  	vm10 =	vlt.f32 v47, v21;
	v49 =	vor.u32 $0x8, v48;
	v51 =	vadd.s32 $0x1, v30  }
0xa52: {  	v50 =	vsel vm10, v49, v48;
	v53 =	vld.idx.msk [tilespmem:v38+s4+$0x0], $0xffff  }
0xa53: {  	v41 =	vor.u32 $0x4, v50  }
0xa54: {  	v47 =	vld.idx.msk [tilespmem:v55+s4+$0x0], $0xffff;
	v61 =	vand.u32 $0x5C, v41  }
0xa55: {  	v43 =	vor.u32 v4, v61  }
0xa56: {  	v8 =	vld.idx.msk [tilespmem:v51+s4+$0x0], $0xffff  }
0xa57: {  	vm13 =	vlt.f32 v53, v32  }
0xa58: {  	v35 =	vsel vm13, v38, v35  }
0xa59: {  	vm15 =	vlt.f32 v47, v29;
	v35 =	vadd.s32 $0x20, v35  }
0xa5a: {  	v29 =	vsel vm15, v55, v37;
	v48 =	vld.idx.msk [tilespmem:v43+s4+$0x0], $0xffff  }
0xa5b: {  	v29 =	vadd.s32 $0x20, v29;
	vm14 =	vlt.f32 v8, v24  }
0xa5c: {  	v24 =	vsel vm14, v51, v30  }
0xa5d: {  	v24 =	vadd.s32 $0x20, v24  }
0xa5e: {  	v30 =	vld.idx.msk [tilespmem:v35+s4+$0x0], $0xffff  }
0xa5f: {  	vm4 =	vlt.f32 v48, v21  }
0xa60: {  	v29 =	vld.idx.msk [tilespmem:v29+s4+$0x0], $0xffff;
	v49 =	vsel vm4, v41, v50  }
0xa61: {  	v50 =	vor.u32 $0x2, v49  }
0xa62: {  	v51 =	vand.u32 $0x13FF, v50;
	v24 =	vld.idx.msk [tilespmem:v24+s4+$0x0], $0xffff  }
0xa63: {  	[tilespmem:s10+$0xFFFFFF30] =	vst v30  }
0xa64: {  	v30 =	vld [tilespmem:s17+$0xFFFFFF40]  }
0xa65: {  	[tilespmem:s10+$0x30] =	vst v29  }
0xa66: {  	v29 =	vld [tilespmem:s17+$0x40]  }
0xa67: {  	v36 =	vld.idx.msk [tilespmem:v51+s4+$0x0], $0xffff;
	[tilespmem:s10+$0xFFFFFFB0] =	vst v24  }
0xa68: {  	v24 =	vld [tilespmem:s17+$0xFFFFFFC0]  }
0xa69: {  	vm5 =	vlt.f32 v1, v30  }
0xa6a: {  	v53 =	vsel vm5, v52, v5;
	v55 =	vsel vm5, v3, v2  }
0xa6b: {  	vm9 =	vlt.f32 v1, v29;
	vm7 =	vlt.f32 v55, v30;
	v61 =	vor.u32 $0x8, v53  }
0xa6c: {  	vm6 =	vlt.f32 v36, v21;
	v7 =	vsel vm7, v61, v53;
	v53 =	vsel vm9, v52, v5  }
0xa6d: {  	v32 =	vsel vm6, v50, v49;
	v37 =	vor.u32 $0x4, v7;
	vm8 =	vlt.f32 v1, v24  }
0xa6e: {  	v50 =	vsel vm9, v3, v2;
	v55 =	vor.u32 $0x8, v53;
	v8 =	vadd.s32 $0x1, v32  }
0xa6f: {  	v48 =	vsel vm8, v52, v5;
	v49 =	vsel vm8, v3, v2;
	vm11 =	vlt.f32 v50, v29  }
0xa70: {  	vm10 =	vlt.f32 v49, v24;
	v51 =	vor.u32 $0x8, v48;
	v39 =	vsel vm11, v55, v53  }
0xa71: {  	v61 =	vand.u32 $0x5C, v37;
	v38 =	vsel vm10, v51, v48;
	v2 =	vor.u32 $0x4, v39  }
0xa72: {  	v42 =	vor.u32 v4, v61;
	v40 =	vor.u32 $0x4, v38;
	v3 =	vand.u32 $0x5C, v2  }
0xa73: {  	v1 =	vand.u32 $0x5C, v40;
	v44 =	vor.u32 v4, v3  }
0xa74: {  	v41 =	vor.u32 v4, v1  }
0xa75: {  	v5 =	vld.idx.msk [tilespmem:v8+s4+$0x0], $0xffff;
	_ =	sdelay $0x1  }
0xa76: {  	v42 =	vld.idx.msk [tilespmem:v42+s4+$0x0], $0xffff  }
0xa77: {  	v44 =	vld.idx.msk [tilespmem:v44+s4+$0x0], $0xffff  }
0xa78: {  	v41 =	vld.idx.msk [tilespmem:v41+s4+$0x0], $0xffff  }
0xa79: {  	vm12 =	vlt.f32 v5, v21  }
0xa7a: {  	v21 =	vsel vm12, v8, v32  }
0xa7b: {  	vm13 =	vlt.f32 v42, v30;
	v21 =	vadd.s32 $0x20, v21  }
0xa7c: {  	v7 =	vsel vm13, v37, v7;
	vm15 =	vlt.f32 v44, v29  }
0xa7d: {  	v35 =	vor.u32 $0x2, v7;
	vm14 =	vlt.f32 v41, v24;
	v39 =	vsel vm15, v2, v39  }
0xa7e: {  	v46 =	vand.u32 $0x13FF, v35;
	v8 =	vsel vm14, v40, v38;
	v48 =	vor.u32 $0x2, v39  }
0xa7f: {  	v45 =	vor.u32 $0x2, v8;
	v49 =	vand.u32 $0x13FF, v48  }
0xa80: {  	v21 =	vld.idx.msk [tilespmem:v21+s4+$0x0], $0xffff;
	v47 =	vand.u32 $0x13FF, v45;
	_ =	sdelay $0x2  }
0xa81: {  	v38 =	vld.idx.msk [tilespmem:v46+s4+$0x0], $0xffff  }
0xa82: {  	v42 =	vld.idx.msk [tilespmem:v49+s4+$0x0], $0xffff  }
0xa83: {  	[tilespmem:s10+$0xC0] =	vst v21;
	v40 =	vld.idx.msk [tilespmem:v47+s4+$0x0], $0xffff  }
0xa84: {  	v32 =	vld [tilespmem:s17+$0xD0]  }
0xa85: {  	v3 =	vld [tilespmem:$0x1FC80]  }
0xa86: {  	v4 =	vld [tilespmem:$0x1FE30]  }
0xa87: {  	v1 =	vld [tilespmem:$0x1FC30]  }
0xa88: {  	v2 =	vld [tilespmem:$0x1FCD0]  }
0xa89: {  	vm4 =	vlt.f32 v38, v30  }
0xa8a: {  	v50 =	vsel vm4, v35, v7;
	vm6 =	vlt.f32 v42, v29  }
0xa8b: {  	v53 =	vadd.s32 $0x1, v50;
	v55 =	vsel vm6, v48, v39  }
0xa8c: {  	vm5 =	vlt.f32 v40, v24;
	vm7 =	vlt.f32 v3, v32;
	v39 =	vadd.s32 $0x1, v55  }
0xa8d: {  	v51 =	vsel vm5, v45, v8;
	v5 =	vsel vm7, v4, v56;
	v7 =	vsel vm7, v2, v1  }
0xa8e: {  	v37 =	vadd.s32 $0x1, v51;
	vm1 =	vlt.f32 v7, v32;
	v45 =	vor.u32 $0x8, v5  }
0xa8f: {  	v41 =	vsel vm1, v45, v5  }
0xa90: {  	vm8 =	vlt.f32 v34, v19;
	v61 =	vld.idx.msk [tilespmem:v53+s4+$0x0], $0xffff;
	v47 =	vor.u32 $0x4, v41  }
0xa91: {  	v26 =	vsel vm8, v28, v26;
	v28 =	vand.u32 $0x5C, v47;
	v46 =	vld.idx.msk [tilespmem:v39+s4+$0x0], $0xffff  }
0xa92: {  	v28 =	vor.u32 v59, v28  }
0xa93: {  	v8 =	vld.idx.msk [tilespmem:v37+s4+$0x0], $0xffff;
	_ =	sdelay $0x1  }
0xa94: {  	vm9 =	vlt.f32 v61, v30  }
0xa95: {  	v21 =	vsel vm9, v53, v50;
	vm12 =	vlt.f32 v46, v29  }
0xa96: {  	vm11 =	vlt.f32 v33, v20;
	v21 =	vadd.s32 $0x20, v21;
	v28 =	vld.idx.msk [tilespmem:v28+s4+$0x0], $0xffff;
	v49 =	vsel vm12, v39, v55  }
0xa97: {  	v29 =	vsel vm11, v14, v12;
	vm10 =	vlt.f32 v8, v24;
	v14 =	vadd.s32 $0x20, v49  }
0xa98: {  	v24 =	vsel vm10, v37, v51  }
0xa99: {  	v30 =	vor.u32 $0x2, v26;
	v24 =	vadd.s32 $0x20, v24  }
0xa9a: {  	v48 =	vand.u32 $0x17FF, v30;
	v50 =	vor.u32 $0x2, v29  }
0xa9b: {  	v51 =	vand.u32 $0x17FF, v50;
	v21 =	vld.idx.msk [tilespmem:v21+s4+$0x0], $0xffff;
	vm15 =	vlt.f32 v28, v32  }
0xa9c: {  	v61 =	vsel vm15, v47, v41;
	v55 =	vld.idx.msk [tilespmem:v14+s4+$0x0], $0xffff  }
0xa9d: {  	v28 =	vor.u32 $0x2, v61  }
0xa9e: {  	vm14 =	vlt.f32 v31, v6;
	v24 =	vld.idx.msk [tilespmem:v24+s4+$0x0], $0xffff;
	v31 =	vand.u32 $0x17FF, v28  }
0xa9f: {  	v53 =	vld.idx.msk [tilespmem:v48+s4+$0x0], $0xffff  }
0xaa0: {  	v35 =	vld.idx.msk [tilespmem:v51+s4+$0x0], $0xffff;
	[tilespmem:s10+$0xFFFFFF40] =	vst v21  }
0xaa1: {  	v12 =	vld [tilespmem:s17+$0xFFFFFF50];
	[tilespmem:s10+$0x40] =	vst v55  }
0xaa2: {  	vm13 =	vlt.f32 v15, v10;
	v11 =	vsel vm14, v13, v11;
	v13 =	vld [tilespmem:s17+$0x50]  }
0xaa3: {  	v15 =	vsel vm13, v27, v16;
	v27 =	vor.u32 $0x2, v11;
	[tilespmem:s10+$0xFFFFFFC0] =	vst v24;
	v31 =	vld.idx.msk [tilespmem:v31+s4+$0x0], $0xffff  }
0xaa4: {  	v16 =	vor.u32 $0x2, v15;
	v7 =	vand.u32 $0x17FF, v27;
	vm4 =	vlt.f32 v53, v19;
	v14 =	vld [tilespmem:s17+$0xFFFFFFD0]  }
0xaa5: {  	v5 =	vand.u32 $0x1BFF, v16;
	v26 =	vsel vm4, v30, v26;
	vm5 =	vlt.f32 v35, v20  }
0xaa6: {  	v30 =	vadd.s32 $0x1, v26;
	v29 =	vsel vm5, v50, v29;
	vm6 =	vlt.f32 v3, v12  }
0xaa7: {  	v33 =	vadd.s32 $0x1, v29;
	v8 =	vsel vm6, v4, v56;
	v42 =	vsel vm6, v2, v1  }
0xaa8: {  	vm8 =	vlt.f32 v42, v12;
	v43 =	vor.u32 $0x8, v8;
	vm9 =	vlt.f32 v3, v13  }
0xaa9: {  	v35 =	vsel vm8, v43, v8;
	vm11 =	vlt.f32 v31, v32;
	vm7 =	vlt.f32 v3, v14  }
0xaaa: {  	v46 =	vsel vm9, v4, v56;
	v48 =	vsel vm9, v2, v1;
	v49 =	vor.u32 $0x4, v35  }
0xaab: {  	v21 =	vsel vm11, v28, v61;
	v44 =	vsel vm7, v2, v1;
	v45 =	vsel vm7, v4, v56  }
0xaac: {  	vm1 =	vlt.f32 v48, v13;
	v53 =	vor.u32 $0x8, v46;
	v1 =	vadd.s32 $0x1, v21  }
0xaad: {  	v34 =	vld.idx.msk [tilespmem:v7+s4+$0x0], $0xffff;
	vm10 =	vlt.f32 v44, v14;
	v47 =	vor.u32 $0x8, v45;
	v31 =	vsel vm1, v53, v46  }
0xaae: {  	v61 =	vld.idx.msk [tilespmem:v30+s4+$0x0], $0xffff;
	v51 =	vand.u32 $0x5C, v49;
	v38 =	vsel vm10, v47, v45;
	v28 =	vor.u32 $0x4, v31  }
0xaaf: {  	v24 =	vld.idx.msk [tilespmem:v5+s4+$0x0], $0xffff;
	v40 =	vor.u32 v59, v51;
	v50 =	vor.u32 $0x4, v38;
	v2 =	vand.u32 $0x5C, v28  }
0xab0: {  	v3 =	vld.idx.msk [tilespmem:v33+s4+$0x0], $0xffff;
	v55 =	vand.u32 $0x5C, v50;
	v43 =	vor.u32 v59, v2  }
0xab1: {  	v56 =	vor.u32 v59, v55  }
0xab2: {  	v5 =	vld.idx.msk [tilespmem:v1+s4+$0x0], $0xffff  }
0xab3: {  	vm14 =	vlt.f32 v61, v19  }
0xab4: {  	vm13 =	vlt.f32 v34, v6;
	vm12 =	vlt.f32 v24, v10;
	v34 =	vsel vm14, v30, v26;
	v40 =	vld.idx.msk [tilespmem:v40+s4+$0x0], $0xffff  }
0xab5: {  	v15 =	vsel vm12, v16, v15;
	vm15 =	vlt.f32 v3, v20;
	v20 =	vadd.s32 $0x20, v34;
	v7 =	vld.idx.msk [tilespmem:v43+s4+$0x0], $0xffff  }
0xab6: {  	v16 =	vadd.s32 $0x1, v15;
	v4 =	vld.idx.msk [tilespmem:v56+s4+$0x0], $0xffff  }
0xab7: {  	v41 =	vsel vm15, v33, v29;
	vm6 =	vlt.f32 v5, v32  }
0xab8: {  	v43 =	vadd.s32 $0x20, v41;
	v21 =	vsel vm6, v1, v21  }
0xab9: {  	v27 =	vsel vm13, v27, v11;
	vm4 =	vlt.f32 v40, v12;
	v21 =	vadd.s32 $0x20, v21  }
0xaba: {  	v20 =	vld.idx.msk [tilespmem:v20+s4+$0x0], $0xffff;
	v29 =	vsel vm4, v49, v35;
	v49 =	vadd.s32 $0x1, v27;
	vm7 =	vlt.f32 v7, v13  }
0xabb: {  	v48 =	vld.idx.msk [tilespmem:v16+s4+$0x0], $0xffff;
	v30 =	vor.u32 $0x2, v29;
	vm5 =	vlt.f32 v4, v14;
	v28 =	vsel vm7, v28, v31  }
0xabc: {  	v46 =	vand.u32 $0x17FF, v30;
	v44 =	vsel vm5, v50, v38;
	v31 =	vor.u32 $0x2, v28  }
0xabd: {  	v24 =	vld.idx.msk [tilespmem:v43+s4+$0x0], $0xffff;
	v45 =	vor.u32 $0x2, v44;
	v50 =	vand.u32 $0x17FF, v31  }
0xabe: {  	v21 =	vld.idx.msk [tilespmem:v21+s4+$0x0], $0xffff;
	v47 =	vand.u32 $0x17FF, v45  }
0xabf: {  	[tilespmem:s2+$0xFFFFFF50] =	vst v20;
	v51 =	vld.idx.msk [tilespmem:v49+s4+$0x0], $0xffff  }
0xac0: {  	vm8 =	vlt.f32 v48, v10;
	v10 =	vld [tilespmem:s0+$0xFFFFFF60]  }
0xac1: {  	v11 =	vld.idx.msk [tilespmem:v46+s4+$0x0], $0xffff  }
0xac2: {  	[tilespmem:s2+$0xFFFFFFD0] =	vst v24;
	v53 =	vld.idx.msk [tilespmem:v50+s4+$0x0], $0xffff  }
0xac3: {  	[tilespmem:s10+$0xD0] =	vst v21;
	v19 =	vld.idx.msk [tilespmem:v47+s4+$0x0], $0xffff  }
0xac4: {  	v2 =	vld [tilespmem:$0x1FC90]  }
0xac5: {  	vm11 =	vlt.f32 v51, v6;
	v4 =	vld [tilespmem:$0x1FE40]  }
0xac6: {  	v6 =	vsel vm11, v49, v27;
	v8 =	vld [tilespmem:$0x1FFA0]  }
0xac7: {  	v15 =	vsel vm8, v16, v15;
	v1 =	vld [tilespmem:$0x1FC40];
	v59 =	vadd.s32 $0x20, v6  }
0xac8: {  	v15 =	vadd.s32 $0x20, v15;
	v3 =	vld [tilespmem:$0x1FCE0]  }
0xac9: {  	vm9 =	vlt.f32 v11, v12;
	v11 =	vld [tilespmem:s0+$0xFFFFFFE0]  }
0xaca: {  	v6 =	vld [tilespmem:s17+$0xE0];
	v55 =	vsel vm9, v30, v29;
	vm10 =	vlt.f32 v19, v14  }
0xacb: {  	v56 =	vadd.s32 $0x1, v55;
	v19 =	vsel vm10, v45, v44  }
0xacc: {  	vm12 =	vlt.f32 v53, v13;
	vm13 =	vlt.f32 v2, v10;
	v20 =	vld.idx.msk [tilespmem:v59+s4+$0x0], $0xffff;
	v26 =	vadd.s32 $0x1, v19  }
0xacd: {  	v15 =	vld.idx.msk [tilespmem:v15+s4+$0x0], $0xffff;
	v61 =	vsel vm12, v31, v28;
	v40 =	vsel vm13, v4, v8  }
0xace: {  	v28 =	vsel vm13, v3, v1;
	v29 =	vadd.s32 $0x1, v61;
	vm14 =	vlt.f32 v2, v11  }
0xacf: {  	vm15 =	vlt.f32 v2, v6;
	v45 =	vld [tilespmem:$0x1FEF0];
	vm2 =	vlt.f32 v28, v10;
	v28 =	vor.u32 $0x8, v40  }
0xad0: {  	v31 =	vsel vm14, v4, v8;
	v41 =	vsel vm14, v3, v1;
	v46 =	vsel vm15, v3, v1;
	v30 =	vld.idx.msk [tilespmem:v56+s4+$0x0], $0xffff  }
0xad1: {  	v48 =	vsel vm15, v4, v8;
	v27 =	vsel vm2, v28, v40;
	[tilespmem:s2+$0x50] =	vst v20;
	v28 =	vld.idx.msk [tilespmem:v26+s4+$0x0], $0xffff  }
0xad2: {  	[tilespmem:s2+$0xE0] =	vst v15;
	vm1 =	vlt.f32 v41, v11;
	v42 =	vor.u32 $0x8, v31;
	vm4 =	vlt.f32 v46, v6;
	v15 =	vld [tilespmem:s0+$0x60]  }
0xad3: {  	v49 =	vor.u32 $0x8, v48;
	v33 =	vor.u32 $0x4, v27;
	v31 =	vsel vm1, v42, v31  }
0xad4: {  	v24 =	vsel vm4, v49, v48;
	v43 =	vand.u32 $0x5C, v33;
	v34 =	vor.u32 $0x4, v31;
	v47 =	vld.idx.msk [tilespmem:v29+s4+$0x0], $0xffff  }
0xad5: {  	v32 =	vor.u32 v45, v43;
	v20 =	vor.u32 $0x4, v24;
	v46 =	vld [tilespmem:$0x1FCA0];
	vm5 =	vlt.f32 v30, v12  }
0xad6: {  	v50 =	vand.u32 $0x5C, v34;
	v51 =	vand.u32 $0x5C, v20;
	v5 =	vld [tilespmem:$0x1FC50];
	v16 =	vsel vm5, v56, v55  }
0xad7: {  	v7 =	vld [tilespmem:$0x1FCF0];
	v16 =	vadd.s32 $0x20, v16;
	vm6 =	vlt.f32 v28, v14;
	vm10 =	vlt.f32 v2, v15  }
0xad8: {  	v48 =	vld [tilespmem:$0x1FFD0];
	v14 =	vsel vm6, v26, v19;
	v30 =	vsel vm10, v4, v8;
	v40 =	vsel vm10, v3, v1  }
0xad9: {  	v12 =	vld [tilespmem:s0+$0xF0];
	v14 =	vadd.s32 $0x20, v14;
	vm11 =	vlt.f32 v40, v15;
	v42 =	vor.u32 $0x8, v30  }
0xada: {  	v53 =	vor.u32 v45, v51;
	v56 =	vld [tilespmem:$0x1FFF0];
	vm7 =	vlt.f32 v47, v13;
	v30 =	vsel vm11, v42, v30  }
0xadb: {  	v21 =	vsel vm7, v29, v61;
	v61 =	vld.idx.msk [tilespmem:v32+s4+$0x0], $0xffff;
	v19 =	vor.u32 v45, v50;
	v32 =	vor.u32 $0x4, v30  }
0xadc: {  	v21 =	vadd.s32 $0x20, v21;
	v44 =	vand.u32 $0x5C, v32  }
0xadd: {  	v16 =	vld.idx.msk [tilespmem:v16+s4+$0x0], $0xffff;
	v47 =	vor.u32 v45, v44  }
0xade: {  	v14 =	vld.idx.msk [tilespmem:v14+s4+$0x0], $0xffff  }
0xadf: {  	vm8 =	vlt.f32 v46, v12;
	v41 =	vld.idx.msk [tilespmem:v53+s4+$0x0], $0xffff  }
0xae0: {  	v28 =	vsel vm8, v7, v5;
	v29 =	vsel vm8, v56, v48;
	v19 =	vld.idx.msk [tilespmem:v19+s4+$0x0], $0xffff  }
0xae1: {  	vm9 =	vlt.f32 v28, v12;
	v28 =	vor.u32 $0x8, v29;
	v21 =	vld.idx.msk [tilespmem:v21+s4+$0x0], $0xffff  }
0xae2: {  	v28 =	vsel vm9, v28, v29;
	[tilespmem:s10+$0xFFFFFF50] =	vst v16;
	v26 =	vld.idx.msk [tilespmem:v47+s4+$0x0], $0xffff  }
0xae3: {  	v29 =	vor.u32 $0x4, v28;
	[tilespmem:s10+$0xFFFFFFD0] =	vst v14;
	v14 =	vld [tilespmem:s17+$0xFFFFFF60]  }
0xae4: {  	vm12 =	vlt.f32 v61, v10;
	v43 =	vand.u32 $0x5C, v29;
	vm14 =	vlt.f32 v41, v6;
	v53 =	vld [tilespmem:$0x1FFC0]  }
0xae5: {  	v27 =	vsel vm12, v33, v27;
	v20 =	vsel vm14, v20, v24;
	vm13 =	vlt.f32 v19, v11;
	v13 =	vld [tilespmem:s17+$0xFFFFFFE0]  }
0xae6: {  	v19 =	vor.u32 $0x2, v27;
	v31 =	vsel vm13, v34, v31;
	v34 =	vor.u32 $0x2, v20;
	[tilespmem:s10+$0x50] =	vst v21  }
0xae7: {  	v21 =	vand.u32 $0x1BFF, v19;
	v33 =	vor.u32 $0x2, v31;
	v35 =	vand.u32 $0x1BFF, v34;
	v16 =	vld [tilespmem:s17+$0x60]  }
0xae8: {  	v24 =	vand.u32 $0x1BFF, v33;
	vm8 =	vlt.f32 v26, v15;
	vm15 =	vlt.f32 v2, v14  }
0xae9: {  	v30 =	vsel vm8, v32, v30;
	v36 =	vor.u32 v53, v43;
	v49 =	vsel vm15, v3, v1  }
0xaea: {  	vm4 =	vlt.f32 v2, v13;
	v50 =	vsel vm15, v4, v8;
	vm5 =	vlt.f32 v49, v14  }
0xaeb: {  	v51 =	vsel vm4, v3, v1;
	v55 =	vsel vm4, v4, v8;
	v59 =	vor.u32 $0x8, v50  }
0xaec: {  	vm7 =	vlt.f32 v2, v16;
	vm6 =	vlt.f32 v51, v13;
	v61 =	vor.u32 $0x8, v55  }
0xaed: {  	v38 =	vsel vm5, v59, v50;
	v2 =	vsel vm7, v4, v8;
	v4 =	vsel vm7, v3, v1  }
0xaee: {  	v37 =	vsel vm6, v61, v55;
	v8 =	vor.u32 $0x4, v38;
	vm1 =	vlt.f32 v4, v16  }
0xaef: {  	v24 =	vld.idx.msk [tilespmem:v24+s4+$0x0], $0xffff;
	v49 =	vor.u32 $0x8, v2;
	v50 =	vor.u32 $0x4, v37;
	v51 =	vand.u32 $0x5C, v8  }
0xaf0: {  	v39 =	vsel vm1, v49, v2;
	v55 =	vand.u32 $0x5C, v50;
	v43 =	vor.u32 v45, v51  }
0xaf1: {  	v32 =	vor.u32 $0x2, v30;
	v59 =	vor.u32 $0x4, v39;
	v36 =	vld.idx.msk [tilespmem:v36+s4+$0x0], $0xffff;
	v40 =	vor.u32 v45, v55  }
0xaf2: {  	v21 =	vld.idx.msk [tilespmem:v21+s4+$0x0], $0xffff;
	v1 =	vand.u32 $0x1BFF, v32;
	v61 =	vand.u32 $0x5C, v59  }
0xaf3: {  	v35 =	vld.idx.msk [tilespmem:v35+s4+$0x0], $0xffff;
	v26 =	vor.u32 v45, v61  }
0xaf4: {  	vm11 =	vlt.f32 v24, v11  }
0xaf5: {  	v24 =	vsel vm11, v33, v31;
	v43 =	vld.idx.msk [tilespmem:v43+s4+$0x0], $0xffff  }
0xaf6: {  	v31 =	vadd.s32 $0x1, v24;
	vm9 =	vlt.f32 v36, v12;
	v2 =	vld.idx.msk [tilespmem:v40+s4+$0x0], $0xffff  }
0xaf7: {  	vm10 =	vlt.f32 v21, v10;
	v28 =	vsel vm9, v29, v28;
	v29 =	vld.idx.msk [tilespmem:v1+s4+$0x0], $0xffff  }
0xaf8: {  	vm12 =	vlt.f32 v35, v6;
	v19 =	vsel vm10, v19, v27;
	v3 =	vld.idx.msk [tilespmem:v26+s4+$0x0], $0xffff  }
0xaf9: {  	v20 =	vsel vm12, v34, v20;
	v27 =	vadd.s32 $0x1, v19  }
0xafa: {  	v33 =	vadd.s32 $0x1, v20;
	vm13 =	vlt.f32 v43, v14  }
0xafb: {  	v26 =	vor.u32 $0x2, v28;
	v55 =	vld.idx.msk [tilespmem:v31+s4+$0x0], $0xffff;
	v34 =	vsel vm13, v8, v38  }
0xafc: {  	v25 =	vld.idx.msk [tilespmem:v25+s4+$0x0], $0xffff;
	vm14 =	vlt.f32 v2, v13;
	vm4 =	vlt.f32 v29, v15;
	v35 =	vor.u32 $0x2, v34  }
0xafd: {  	v9 =	vld.idx.msk [tilespmem:v9+s4+$0x0], $0xffff;
	vm15 =	vlt.f32 v3, v16;
	v30 =	vsel vm4, v32, v30;
	v4 =	vand.u32 $0x1BFF, v35  }
0xafe: {  	v36 =	vsel vm14, v50, v37;
	v50 =	vld.idx.msk [tilespmem:v27+s4+$0x0], $0xffff;
	v38 =	vsel vm15, v59, v39;
	v59 =	vadd.s32 $0x1, v30  }
0xaff: {  	v61 =	vld.idx.msk [tilespmem:v33+s4+$0x0], $0xffff;
	v37 =	vor.u32 $0x2, v36  }
0xb00: {  	v8 =	vld.idx.msk [tilespmem:v26+s4+$0x0], $0xffff;
	vm7 =	vlt.f32 v55, v11;
	v29 =	vand.u32 $0x1BFF, v37;
	v49 =	vor.u32 $0x2, v38  }
0xb01: {  	v21 =	vld.idx.msk [tilespmem:v0+s4+$0x0], $0xffff;
	v24 =	vsel vm7, v31, v24;
	v51 =	vand.u32 $0x1BFF, v49  }
0xb02: {  	v24 =	vadd.s32 $0x20, v24;
	v4 =	vld.idx.msk [tilespmem:v4+s4+$0x0], $0xffff  }
0xb03: {  	[tilespmem:s30+$0xFFFFFF60] =	vst v25;
	vm6 =	vlt.f32 v50, v10;
	v41 =	vld.idx.msk [tilespmem:v59+s4+$0x0], $0xffff  }
0xb04: {  	v0 =	vld [tilespmem:s31+$0xFFFFFF70];
	vm8 =	vlt.f32 v61, v6;
	v39 =	vsel vm6, v27, v19  }
0xb05: {  	v42 =	vsel vm8, v33, v20;
	vm5 =	vlt.f32 v8, v12;
	v29 =	vld.idx.msk [tilespmem:v29+s4+$0x0], $0xffff;
	v19 =	vadd.s32 $0x20, v39  }
0xb06: {  	v20 =	vadd.s32 $0x20, v42;
	v26 =	vsel vm5, v26, v28;
	v32 =	vld.idx.msk [tilespmem:v51+s4+$0x0], $0xffff  }
0xb07: {  	[tilespmem:s30+$0x60] =	vst v21;
	v28 =	vadd.s32 $0x1, v26;
	v24 =	vld.idx.msk [tilespmem:v24+s4+$0x0], $0xffff;
	vm9 =	vlt.f32 v4, v14  }
0xb08: {  	[tilespmem:s30+$0xFFFFFFE0] =	vst v9;
	v9 =	vld [tilespmem:s31+$0x70];
	vm12 =	vlt.f32 v41, v15;
	v21 =	vsel vm9, v35, v34  }
0xb09: {  	v6 =	vld [tilespmem:s31+$0xFFFFFFF0];
	v43 =	vsel vm12, v59, v30;
	v27 =	vadd.s32 $0x1, v21  }
0xb0a: {  	vm10 =	vlt.f32 v29, v13;
	v44 =	vld.idx.msk [tilespmem:v19+s4+$0x0], $0xffff;
	v10 =	vadd.s32 $0x20, v43  }
0xb0b: {  	v20 =	vld.idx.msk [tilespmem:v20+s4+$0x0], $0xffff;
	v25 =	vsel vm10, v37, v36;
	vm11 =	vlt.f32 v32, v16  }
0xb0c: {  	v29 =	vld.idx.msk [tilespmem:v28+s4+$0x0], $0xffff;
	[tilespmem:s2+$0xFFFFFFE0] =	vst v24;
	v15 =	vadd.s32 $0x1, v25;
	v31 =	vsel vm11, v49, v38  }
0xb0d: {  	vm13 =	vlt.f32 v46, v0;
	vm15 =	vlt.f32 v46, v9;
	v11 =	vld [tilespmem:s0+$0xFFFFFFF0];
	v45 =	vadd.s32 $0x1, v31  }
0xb0e: {  	v47 =	vsel vm13, v56, v48;
	v61 =	vsel vm15, v56, v48;
	v2 =	vsel vm15, v7, v5;
	v30 =	vld.idx.msk [tilespmem:v27+s4+$0x0], $0xffff  }
0xb0f: {  	vm3 =	vlt.f32 v2, v9;
	v40 =	vor.u32 $0x8, v61;
	vm14 =	vlt.f32 v46, v6;
	[tilespmem:s2+$0xFFFFFF60] =	vst v44;
	v3 =	vld.idx.msk [tilespmem:v10+s4+$0x0], $0xffff  }
0xb10: {  	v50 =	vsel vm14, v56, v48;
	v55 =	vsel vm14, v7, v5;
	v49 =	vsel vm13, v7, v5;
	v10 =	vld [tilespmem:s0+$0xFFFFFF70]  }
0xb11: {  	vm2 =	vlt.f32 v55, v6;
	v59 =	vor.u32 $0x8, v47;
	vm1 =	vlt.f32 v49, v0;
	v51 =	vld.idx.msk [tilespmem:v15+s4+$0x0], $0xffff  }
0xb12: {  	v4 =	vor.u32 $0x8, v50;
	v32 =	vsel vm1, v59, v47;
	vm8 =	vlt.f32 v29, v12;
	v1 =	vld.idx.msk [tilespmem:v45+s4+$0x0], $0xffff  }
0xb13: {  	v34 =	vsel vm2, v4, v50;
	[tilespmem:s10+$0xE0] =	vst v20;
	v20 =	vor.u32 $0x4, v32;
	v41 =	vsel vm8, v28, v26  }
0xb14: {  	v42 =	vand.u32 $0x5C, v20;
	v19 =	vadd.s32 $0x20, v41;
	vm10 =	vlt.f32 v46, v11  }
0xb15: {  	v47 =	vsel vm10, v56, v48;
	vm5 =	vlt.f32 v30, v14;
	v30 =	vsel vm3, v40, v61  }
0xb16: {  	vm9 =	vlt.f32 v46, v10;
	v14 =	vsel vm5, v27, v21;
	vm6 =	vlt.f32 v51, v13  }
0xb17: {  	[tilespmem:s2+$0x60] =	vst v3;
	v13 =	vld [tilespmem:s17+$0xF0];
	v14 =	vadd.s32 $0x20, v14;
	v15 =	vsel vm6, v15, v25;
	vm7 =	vlt.f32 v1, v16  }
0xb18: {  	v12 =	vld [tilespmem:s0+$0x70];
	v21 =	vor.u32 $0x4, v34;
	v15 =	vadd.s32 $0x20, v15;
	v16 =	vsel vm7, v45, v31  }
0xb19: {  	v24 =	vor.u32 $0x4, v30;
	vm5 =	vlt.f32 v23, v57;
	v16 =	vadd.s32 $0x20, v16  }
0xb1a: {  	v43 =	vand.u32 $0x5C, v21;
	v44 =	vand.u32 $0x5C, v24;
	v25 =	vor.u32 v53, v42  }
0xb1b: {  	v26 =	vor.u32 v53, v43;
	v31 =	vsel vm9, v56, v48;
	v45 =	vsel vm9, v7, v5  }
0xb1c: {  	v27 =	vor.u32 v53, v44;
	v49 =	vor.u32 $0x8, v31;
	vm1 =	vlt.f32 v45, v10;
	v14 =	vld.idx.msk [tilespmem:v14+s4+$0x0], $0xffff  }
0xb1d: {  	v31 =	vsel vm1, v49, v31;
	vm11 =	vlt.f32 v46, v13;
	vm4 =	vlt.f32 v46, v12;
	v15 =	vld.idx.msk [tilespmem:v15+s4+$0x0], $0xffff  }
0xb1e: {  	v36 =	vor.u32 $0x4, v31;
	v28 =	vsel vm11, v56, v48;
	v29 =	vsel vm11, v7, v5;
	v16 =	vld.idx.msk [tilespmem:v16+s4+$0x0], $0xffff  }
0xb1f: {  	v50 =	vsel vm4, v56, v48;
	v51 =	vsel vm4, v7, v5;
	v61 =	vand.u32 $0x5C, v36  }
0xb20: {  	v25 =	vld.idx.msk [tilespmem:v25+s4+$0x0], $0xffff;
	vm3 =	vlt.f32 v29, v13;
	v29 =	vor.u32 $0x8, v28;
	vm12 =	vlt.f32 v51, v12  }
0xb21: {  	v59 =	vor.u32 $0x8, v50;
	v40 =	vor.u32 v53, v61;
	v27 =	vld.idx.msk [tilespmem:v27+s4+$0x0], $0xffff;
	v28 =	vsel vm3, v29, v28;
	[tilespmem:s10+$0xFFFFFF60] =	vst v14  }
0xb22: {  	v29 =	vsel vm10, v7, v5;
	v35 =	vsel vm12, v59, v50;
	v37 =	vor.u32 $0x4, v28;
	v14 =	vld [tilespmem:s17+$0xFFFFFF70];
	[tilespmem:s10+$0xFFFFFFE0] =	vst v15  }
0xb23: {  	vm2 =	vlt.f32 v29, v11;
	v29 =	vor.u32 $0x8, v47;
	v39 =	vor.u32 $0x4, v35;
	v15 =	vld [tilespmem:s17+$0xFFFFFFF0];
	[tilespmem:s10+$0x60] =	vst v16  }
0xb24: {  	v55 =	vand.u32 $0x5C, v37;
	v29 =	vsel vm2, v29, v47;
	v2 =	vand.u32 $0x5C, v39;
	v16 =	vld [tilespmem:s17+$0x70]  }
0xb25: {  	v33 =	vor.u32 v53, v55;
	v38 =	vor.u32 $0x4, v29;
	vm7 =	vlt.f32 v25, v0  }
0xb26: {  	v42 =	vor.u32 v53, v2;
	v1 =	vand.u32 $0x5C, v38;
	v20 =	vsel vm7, v20, v32  }
0xb27: {  	vm9 =	vlt.f32 v27, v9;
	v41 =	vor.u32 v53, v1;
	vm13 =	vlt.f32 v46, v14  }
0xb28: {  	v27 =	vor.u32 $0x2, v20;
	vm14 =	vlt.f32 v46, v15;
	v3 =	vsel vm13, v56, v48  }
0xb29: {  	v4 =	vsel vm13, v7, v5;
	vm15 =	vlt.f32 v46, v16;
	v8 =	vsel vm14, v56, v48  }
0xb2a: {  	v55 =	vsel vm14, v7, v5;
	v47 =	vor.u32 $0x8, v3;
	vm1 =	vlt.f32 v4, v14  }
0xb2b: {  	v48 =	vsel vm15, v56, v48;
	v49 =	vsel vm15, v7, v5;
	vm2 =	vlt.f32 v55, v15  }
0xb2c: {  	v59 =	vor.u32 $0x8, v8;
	v43 =	vsel vm1, v47, v3;
	v7 =	vsel vm0, v17, v58  }
0xb2d: {  	v33 =	vld.idx.msk [tilespmem:v33+s4+$0x0], $0xffff;
	vm3 =	vlt.f32 v49, v16;
	v61 =	vor.u32 $0x8, v48;
	v44 =	vsel vm2, v59, v8  }
0xb2e: {  	v55 =	vld.idx.msk [tilespmem:v42+s4+$0x0], $0xffff;
	v45 =	vor.u32 $0x4, v43;
	v8 =	vsel vm5, v18, v54;
	v18 =	vadd.s32 $0x1, v7  }
0xb2f: {  	v26 =	vld.idx.msk [tilespmem:v26+s4+$0x0], $0xffff;
	v46 =	vsel vm3, v61, v48;
	v1 =	vor.u32 $0x4, v44;
	v2 =	vand.u32 $0x5C, v45  }
0xb30: {  	v40 =	vld.idx.msk [tilespmem:v40+s4+$0x0], $0xffff;
	v3 =	vor.u32 $0x4, v46;
	v50 =	vand.u32 $0x5C, v1;
	v48 =	vor.u32 v53, v2  }
0xb31: {  	v54 =	vld.idx.msk [tilespmem:v41+s4+$0x0], $0xffff;
	v51 =	vand.u32 $0x5C, v3;
	v50 =	vor.u32 v53, v50  }
0xb32: {  	vm6 =	vlt.f32 v33, v13;
	v61 =	vld.idx.msk [tilespmem:v27+s4+$0x0], $0xffff;
	v53 =	vor.u32 v53, v51  }
0xb33: {  	v25 =	vsel vm6, v37, v28;
	vm12 =	vlt.f32 v55, v12;
	v55 =	vld [tilespmem:$0x1FA60]  }
0xb34: {  	vm8 =	vlt.f32 v26, v6;
	v24 =	vsel vm9, v24, v30;
	v26 =	vor.u32 $0x2, v25;
	v30 =	vld.idx.msk [tilespmem:v18+s4+$0x0], $0xffff  }
0xb35: {  	v21 =	vsel vm8, v21, v34;
	v58 =	vld.idx.msk [tilespmem:v48+s4+$0x0], $0xffff  }
0xb36: {  	vm10 =	vlt.f32 v40, v10;
	v17 =	vor.u32 $0x2, v21;
	v59 =	vld.idx.msk [tilespmem:v50+s4+$0x0], $0xffff  }
0xb37: {  	v31 =	vsel vm10, v36, v31;
	v33 =	vor.u32 $0x2, v24;
	vm11 =	vlt.f32 v54, v11;
	v23 =	vld.idx.msk [tilespmem:v53+s4+$0x0], $0xffff  }
0xb38: {  	v37 =	vor.u32 $0x2, v31;
	v54 =	vld [tilespmem:$0x1FA80];
	v29 =	vsel vm11, v38, v29  }
0xb39: {  	vm4 =	vlt.f32 v22, v60;
	v35 =	vsel vm12, v39, v35;
	v38 =	vld.idx.msk [tilespmem:v26+s4+$0x0], $0xffff;
	v32 =	vor.u32 $0x2, v29  }
0xb3a: {  	v19 =	vld.idx.msk [tilespmem:v19+s4+$0x0], $0xffff;
	v28 =	vadd.s32 $0x1, v8;
	v48 =	vor.u32 $0x2, v35;
	vm13 =	vlt.f32 v58, v14  }
0xb3b: {  	vm7 =	vlt.f32 v61, v0;
	v50 =	vld.idx.msk [tilespmem:v17+s4+$0x0], $0xffff;
	vm14 =	vlt.f32 v59, v15;
	v39 =	vsel vm13, v45, v43  }
0xb3c: {  	v53 =	vld.idx.msk [tilespmem:v33+s4+$0x0], $0xffff;
	vm15 =	vlt.f32 v23, v16;
	v41 =	vsel vm14, v1, v44;
	v51 =	vor.u32 $0x2, v39  }
0xb3d: {  	v4 =	vsel vm4, v63, v54;
	v58 =	vld.idx.msk [tilespmem:v37+s4+$0x0], $0xffff;
	v43 =	vsel vm15, v3, v46;
	v44 =	vor.u32 $0x2, v41  }
0xb3e: {  	vm5 =	vlt.f32 v30, v55;
	vm6 =	vlt.f32 v38, v13;
	v30 =	vld.idx.msk [tilespmem:v32+s4+$0x0], $0xffff;
	v59 =	vor.u32 $0x2, v43  }
0xb3f: {  	v7 =	vsel vm5, v18, v7;
	v18 =	vadd.s32 $0x1, v4;
	v61 =	vld.idx.msk [tilespmem:v48+s4+$0x0], $0xffff;
	v25 =	vsel vm6, v26, v25  }
0xb40: {  	v36 =	vld.idx.msk [tilespmem:v28+s4+$0x0], $0xffff;
	v20 =	vsel vm7, v27, v20;
	vm8 =	vlt.f32 v50, v6;
	v23 =	vadd.s32 $0x1, v25  }
0xb41: {  	vm9 =	vlt.f32 v53, v9;
	v17 =	vsel vm8, v17, v21;
	v21 =	vadd.s32 $0x1, v20;
	v63 =	vld.idx.msk [tilespmem:v51+s4+$0x0], $0xffff  }
0xb42: {  	v24 =	vsel vm9, v33, v24;
	v45 =	vadd.s32 $0x1, v17;
	vm10 =	vlt.f32 v58, v10;
	v38 =	vld.idx.msk [tilespmem:v44+s4+$0x0], $0xffff  }
0xb43: {  	v47 =	vadd.s32 $0x1, v24;
	vm11 =	vlt.f32 v30, v11;
	v31 =	vsel vm10, v37, v31;
	v46 =	vld.idx.msk [tilespmem:v59+s4+$0x0], $0xffff  }
0xb44: {  	v30 =	vld.idx.msk [tilespmem:v18+s4+$0x0], $0xffff;
	vm12 =	vlt.f32 v61, v12;
	v26 =	vsel vm11, v32, v29;
	v29 =	vadd.s32 $0x1, v31  }
0xb45: {  	v7 =	vadd.s32 $0x20, v7;
	v32 =	vsel vm12, v48, v35;
	v48 =	vld.idx.msk [tilespmem:v23+s4+$0x0], $0xffff  }
0xb46: {  	vm4 =	vlt.f32 v36, v57;
	v49 =	vadd.s32 $0x1, v26;
	v50 =	vld.idx.msk [tilespmem:v21+s4+$0x0], $0xffff;
	vm13 =	vlt.f32 v63, v14  }
0xb47: {  	v53 =	vld.idx.msk [tilespmem:v45+s4+$0x0], $0xffff;
	vm14 =	vlt.f32 v38, v15;
	v37 =	vsel vm13, v51, v39;
	v51 =	vadd.s32 $0x1, v32  }
0xb48: {  	v58 =	vld.idx.msk [tilespmem:v47+s4+$0x0], $0xffff;
	vm15 =	vlt.f32 v46, v16;
	v54 =	vsel vm14, v44, v41;
	v55 =	vadd.s32 $0x1, v37  }
0xb49: {  	vm5 =	vlt.f32 v30, v60;
	v61 =	vld.idx.msk [tilespmem:v29+s4+$0x0], $0xffff;
	v5 =	vsel vm15, v59, v43;
	v59 =	vadd.s32 $0x1, v54  }
0xb4a: {  	v7 =	vld.idx.msk [tilespmem:v7+s4+$0x0], $0xffff;
	v60 =	vsel vm4, v28, v8;
	v4 =	vsel vm5, v18, v4;
	v28 =	vadd.s32 $0x1, v5  }
0xb4b: {  	v2 =	vadd.s32 $0x20, v60;
	vm6 =	vlt.f32 v48, v13;
	v63 =	vld.idx.msk [tilespmem:v49+s4+$0x0], $0xffff;
	vm7 =	vlt.f32 v50, v0  }
0xb4c: {  	v22 =	vadd.s32 $0x20, v4;
	v25 =	vsel vm6, v23, v25;
	vm8 =	vlt.f32 v53, v6;
	v35 =	vld.idx.msk [tilespmem:v51+s4+$0x0], $0xffff  }
0xb4d: {  	v42 =	vsel vm7, v21, v20;
	v41 =	vadd.s32 $0x20, v25;
	vm9 =	vlt.f32 v58, v9;
	v43 =	vld.idx.msk [tilespmem:v55+s4+$0x0], $0xffff  }
0xb4e: {  	v44 =	vsel vm8, v45, v17;
	v4 =	vadd.s32 $0x20, v42;
	vm10 =	vlt.f32 v61, v10;
	v45 =	vld.idx.msk [tilespmem:v59+s4+$0x0], $0xffff  }
0xb4f: {  	v46 =	vsel vm9, v47, v24;
	v1 =	vadd.s32 $0x20, v44;
	v48 =	vsel vm10, v29, v31;
	v47 =	vld.idx.msk [tilespmem:v28+s4+$0x0], $0xffff  }
0xb50: {  	v2 =	vld.idx.msk [tilespmem:v2+s4+$0x0], $0xffff;
	vm11 =	vlt.f32 v63, v11;
	v11 =	vadd.s32 $0x20, v48  }
0xb51: {  	v8 =	vadd.s32 $0x20, v46;
	v0 =	vld.idx.msk [tilespmem:v22+s4+$0x0], $0xffff;
	v49 =	vsel vm11, v49, v26;
	vm12 =	vlt.f32 v35, v12  }
0xb52: {  	v3 =	vld.idx.msk [tilespmem:v41+s4+$0x0], $0xffff;
	v12 =	vadd.s32 $0x20, v49;
	vm13 =	vlt.f32 v43, v14;
	v50 =	vsel vm12, v51, v32  }
0xb53: {  	[tilespmem:s2+$0xF0] =	vst v19;
	v4 =	vld.idx.msk [tilespmem:v4+s4+$0x0], $0xffff;
	vm14 =	vlt.f32 v45, v15;
	v51 =	vsel vm13, v55, v37;
	v6 =	vadd.s32 $0x20, v50  }
0xb54: {  	[tilespmem:s29+$0xFFFFFF70] =	vst v7;
	v1 =	vld.idx.msk [tilespmem:v1+s4+$0x0], $0xffff;
	vm15 =	vlt.f32 v47, v16;
	v53 =	vsel vm14, v59, v54;
	v9 =	vadd.s32 $0x20, v51  }
0xb55: {  	[tilespmem:s29+$0xFFFFFFF0] =	vst v2;
	v57 =	vld.idx.msk [tilespmem:v11+s4+$0x0], $0xffff;
	v54 =	vsel vm15, v28, v5;
	v7 =	vadd.s32 $0x20, v53  }
0xb56: {  	[tilespmem:s29+$0x70] =	vst v0;
	v55 =	vld.idx.msk [tilespmem:v8+s4+$0x0], $0xffff;
	v2 =	vadd.s32 $0x20, v54  }
0xb57: {  	[tilespmem:s10+$0xF0] =	vst v3;
	v58 =	vld.idx.msk [tilespmem:v12+s4+$0x0], $0xffff  }
0xb58: {  	[tilespmem:s30+$0xFFFFFF70] =	vst v4;
	v59 =	vld.idx.msk [tilespmem:v6+s4+$0x0], $0xffff  }
0xb59: {  	[tilespmem:s30+$0xFFFFFFF0] =	vst v1;
	v60 =	vld.idx.msk [tilespmem:v9+s4+$0x0], $0xffff  }
0xb5a: {  	[tilespmem:s2+$0xFFFFFF70] =	vst v57;
	v61 =	vld.idx.msk [tilespmem:v7+s4+$0x0], $0xffff  }
0xb5b: {  	[tilespmem:s30+$0x70] =	vst v55;
	v63 =	vld.idx.msk [tilespmem:v2+s4+$0x0], $0xffff  }
0xb5c: {  	[tilespmem:s2+$0xFFFFFFF0] =	vst v58  }
.Ltmp4:
0xb5d: {  	s31 =	sshll.u32 s9, $0xB;
	[tilespmem:s2+$0x70] =	vst v59;
	(pc) =	sbr.rel @p1 .LBB2_8-.Ltmp4, $4  }
0xb5e: {  	s0 =	sor.u32 s5, s31;
	[tilespmem:s10+$0xFFFFFF70] =	vst v60  }
0xb5f: {  	s0 =	sshrl.u32 s0, $0x3;
	[tilespmem:s10+$0xFFFFFFF0] =	vst v61  }
0xb60: {  	s0 =	sadd.s32 s3, s0;
	[tilespmem:s10+$0x70] =	vst v63  }
0xb61: {  	v30 =	vmov v52;
	[hbm4b:s0+s15] =	stream.strided.scatter [tilespmem:s22], [sflag:$0x4], $0x4000, s16, s15, $0x38;
	[tilespmem:$0x12000] =	vst v63  }
0xb62: {  	v6 =	vld [tilespmem:$0x1FF20]  }
0xb63: {  	v46 =	vld [tilespmem:$0x1FFB0]  }
0xb64: {  	v50 =	vld [tilespmem:$0x1FF70]  }
0xb65: {  	v1 =	vld [tilespmem:$0x1FF30]  }
0xb66: {  	v51 =	vld [tilespmem:$0x1FF40]  }
0xb67: {  	v44 =	vld [tilespmem:$0x1FF50]  }
0xb68: {  	v20 =	vld [tilespmem:$0x1FF60]  }
0xb69: {  	v4 =	vld [tilespmem:$0x1FF80]  }
0xb6a: {  	v5 =	vld [tilespmem:$0x1FF90]  }
0xb6b: {  	v56 =	vld [tilespmem:$0x1FD00]  }
0xb6c: {  	v57 =	vld [tilespmem:$0x1FD10]  }
0xb6d: {  	s0 =	sadd.s32 s28, s12;
	v8 =	vld [tilespmem:$0x1FD20]  }
.Ltmp5:
0xb6e: {  	v16 =	vld [tilespmem:$0x1FD30];
	s0 =	sshll.u32 s0, $0xB;
	(pc) =	sbr.rel .LBB2_2-.Ltmp5, $4  }
0xb6f: {  	v17 =	vld [tilespmem:$0x1FD40];
	s0 =	sor.u32 s5, s0  }
0xb70: {  	v58 =	vld [tilespmem:$0x1FD50];
	s0 =	sshrl.u32 s0, $0x3  }
0xb71: {  	s26 =	sadd.s32 $0x1, s26;
	v47 =	vld [tilespmem:$0x1FD60];
	s0 =	sadd.s32 s1, s0  }
0xb72: {  	v19 =	vld [tilespmem:$0x1FD70];
	[tilespmem:s18], [sflag:$0x2] =	stream.strided.gather [hbm4b:s0+s15], $0x4000, s16, s15, $0x38  }
.LBB2_9:
0xb73: {  	_ =	sfence.sel $0x180000  }
0xb74: {  	[bflag:$0x0] =	sbarrier.arrive $0xFFFF  }
0xb75: {  	_ =	strace $0x90000047  }
0xb76: {  	s0 =	stileid.u32;
	[bflag:$0x2] =	sbarrier.arrive $0xFFFF  }
0xb77: {  	p0 =	sne.s32 s0, $0x0;
	s0 =	rddreg [dreg:$0x3]  }
0xb78: {  	s0 =	sadd.s32 @!p0 $0x100000, s0  }
0xb79: {  	[sflag:s0] =	ssyncadd.tile.s32 @!p0 $0x1;
	_ =	shalt  }
.Lfunc_end2:
_tile_overlayer_lowered:
.L_overlay_start_2:
0xb7a: {  	(tag) =	ssettag $0x2  }
0xb7b: {  	s0 =	rddreg [dreg:$0x0];
	s2 =	stileid.u32  }
0xb7c: {  	s1 =	rddreg [dreg:$0x1];
	p0 =	sne.s32 s2, $0x0  }
0xb7d: {  	s3 =	rddreg [dreg:$0x2];
	[bflag:$0x3] =	sbarrier.arrive $0xFFFF;
	s2 =	simm.s32 @!p0 $0x1C05  }
0xb7e: {  	[timem:s3], [sflag:s2] =	dma.local @!p0 [hbm:s0], s1  }
0xb7f: {  	s0 =	simm.s32 @!p0 $0x5  }
0xb80: {  	_ =	swait.ge @!p0 [sflag:s0], s1  }
0xb81: {  	s1 =	ssub.s32 @!p0 $0x0, s1;
	[sflag:s0] =	ssyncset.done @!p0 $0x0  }
0xb82: {  	[sflag:s0] =	ssyncadd.s32 @!p0 s1  }
0xb83: {  	[bflag:$0x3] =	sbarrier.arrive $0xFFFF  }
0xb84: {  	_ =	shalt  }

</sc_bundles>
